<compile_context>
chip_gen: v7x
topology: tpu7x:2x2x1
jax: 0.10.2.dev20260603
libtpu: 0.0.44.dev20260713+nightly
codegen_flags: <defaults>
</compile_context>

<pallas_src>
import functools

import jax
import jax.numpy as jnp
from jax import lax
from jax.experimental import pallas as pl
from jax.experimental.pallas import tpu as pltpu
from jax.experimental.pallas import tpu_sc as plsc

F32 = jnp.float32
I32 = jnp.int32

NC = 2
NS = 16
NW = NC * NS
L = 16
ZR = 64


def _matmuls(x, w_lc, w_rc, w_lh, w_res):
    n, k = x.shape
    hc = w_lc.shape[1]
    oc = w_res.shape[1]
    mb = 1000
    grid = n // mb

    def body(x_ref, wlc_ref, wrc_ref, wlh_ref, wres_ref, xlc_ref, xrc_ref,
             xlh_ref, res_ref):
        xb = x_ref[...]
        xlc_ref[...] = jnp.dot(xb, wlc_ref[...], preferred_element_type=F32)
        xrc_ref[...] = jnp.dot(xb, wrc_ref[...], preferred_element_type=F32)
        xlh_ref[...] = jnp.dot(xb, wlh_ref[...], preferred_element_type=F32)
        res_ref[...] = jnp.dot(xb, wres_ref[...], preferred_element_type=F32)

    return pl.pallas_call(
        body,
        grid=(grid,),
        in_specs=[
            pl.BlockSpec((mb, k), lambda i: (i, 0)),
            pl.BlockSpec((k, hc), lambda i: (0, 0)),
            pl.BlockSpec((k, hc), lambda i: (0, 0)),
            pl.BlockSpec((k, hc), lambda i: (0, 0)),
            pl.BlockSpec((k, oc), lambda i: (0, 0)),
        ],
        out_specs=[
            pl.BlockSpec((mb, hc), lambda i: (i, 0)),
            pl.BlockSpec((mb, hc), lambda i: (i, 0)),
            pl.BlockSpec((mb, hc), lambda i: (i, 0)),
            pl.BlockSpec((mb, oc), lambda i: (i, 0)),
        ],
        out_shape=[
            jax.ShapeDtypeStruct((n, hc), F32),
            jax.ShapeDtypeStruct((n, hc), F32),
            jax.ShapeDtypeStruct((n, hc), F32),
            jax.ShapeDtypeStruct((n, oc), F32),
        ],
    )(x, w_lc, w_rc, w_lh, w_res)


def _zero_shared(zbuf, shared, sub, rows_sub, width):
    zero = jnp.zeros((L,), F32)

    def zrow(i, carry):
        for g in range(width // L):
            zbuf[i, pl.ds(g * L, L)] = zero
        return carry

    lax.fori_loop(0, rows_sub, zrow, 0)
    pltpu.sync_copy(zbuf, shared.at[pl.ds(sub * rows_sub, rows_sub)])


def _pass1(xlc, xrc, src3, dst3, att_t, n, e, h, c, b, chunks):
    np_ = ((n + 8 * NS - 1) // (8 * NS)) * (8 * NS)
    rows_sub = np_ // NS
    mesh = plsc.VectorSubcoreMesh(core_axis_name="c", subcore_axis_name="s")
    epw = e // NW
    hc = h * c
    pairs = (chunks - 1) // 2

    @functools.partial(
        pl.kernel,
        out_type=[
            jax.ShapeDtypeStruct((e, h), F32),
            jax.ShapeDtypeStruct((np_, h), F32),
            jax.ShapeDtypeStruct((np_, h), F32),
        ],
        mesh=mesh,
        compiler_params=pltpu.CompilerParams(use_tc_tiling_on_sc=False),
        scratch_types=[
            pltpu.VMEM((chunks, b), I32),
            pltpu.VMEM((chunks, b), I32),
            pltpu.VMEM((b, hc), F32),
            pltpu.VMEM((b, hc), F32),
            pltpu.VMEM((b, hc), F32),
            pltpu.VMEM((b, hc), F32),
            pltpu.VMEM((b, h), F32),
            pltpu.VMEM((c, h), F32),
            pltpu.VMEM((rows_sub, h), F32),
            pltpu.VMEM_SHARED((np_, h), F32),
            pltpu.SemaphoreType.DMA,
            pltpu.SemaphoreType.DMA,
            pltpu.SemaphoreType.DMA,
            pltpu.SemaphoreType.DMA,
        ],
    )
    def p1(xlc_hbm, xrc_hbm, src_hbm, dst_hbm, att_hbm,
           expv_hbm, den0_hbm, den1_hbm,
           src_sl, dst_sl, xl0, xl1, xr0, xr1, expbuf, attv, zbuf, den_sh,
           sl0, sl1, sr0, sr1):
        core = lax.axis_index("c")
        sub = lax.axis_index("s")
        wid = core * NS + sub

        pltpu.sync_copy(att_hbm, attv)
        pltpu.sync_copy(src_hbm.at[wid], src_sl)
        pltpu.sync_copy(dst_hbm.at[wid], dst_sl)
        _zero_shared(zbuf, den_sh, sub, rows_sub, h)
        plsc.subcore_barrier()

        def issue(k, xlb, xrb, sl, sr):
            pltpu.async_copy(xlc_hbm.at[src_sl.at[k]], xlb, sl)
            pltpu.async_copy(xrc_hbm.at[dst_sl.at[k]], xrb, sr)

        def wait(k, xlb, xrb, sl, sr):
            pltpu.make_async_copy(xlc_hbm.at[src_sl.at[k]], xlb, sl).wait()
            pltpu.make_async_copy(xrc_hbm.at[dst_sl.at[k]], xrb, sr).wait()

        def compute(k, xlb, xrb):
            base = wid * epw + k * b

            def edge(ei, icarry):
                accs = [jnp.zeros((L,), F32) for _ in range(4)]
                for ci in range(c):
                    u = (xlb[ei, pl.ds(ci * L, L)]
                         + xrb[ei, pl.ds(ci * L, L)])
                    u = jnp.maximum(u, 0.2 * u)
                    accs[ci % 4] = accs[ci % 4] + u * attv[ci, :]
                acc = (accs[0] + accs[1]) + (accs[2] + accs[3])
                expbuf[ei, :] = jnp.exp(acc)
                return icarry

            lax.fori_loop(0, b, edge, 0)
            pltpu.sync_copy(expbuf, expv_hbm.at[pl.ds(base, b)])
            pltpu.sync_copy(expbuf, den_sh.at[dst_sl.at[k]], add=True)

        issue(0, xl0, xr0, sl0, sr0)

        def pair(i, carry):
            k0 = 2 * i
            wait(k0, xl0, xr0, sl0, sr0)
            issue(k0 + 1, xl1, xr1, sl1, sr1)
            compute(k0, xl0, xr0)
            wait(k0 + 1, xl1, xr1, sl1, sr1)
            issue(k0 + 2, xl0, xr0, sl0, sr0)
            compute(k0 + 1, xl1, xr1)
            return carry

        lax.fori_loop(0, pairs, pair, 0)
        wait(chunks - 1, xl0, xr0, sl0, sr0)
        compute(chunks - 1, xl0, xr0)
        plsc.subcore_barrier()

        rows = pl.ds(sub * rows_sub, rows_sub)

        @pl.when(core == 0)
        def _():
            pltpu.sync_copy(den_sh.at[rows], den0_hbm.at[rows])

        @pl.when(core == 1)
        def _():
            pltpu.sync_copy(den_sh.at[rows], den1_hbm.at[rows])

    return p1(xlc, xrc, src3, dst3, att_t)


def _pass2(xlh, src3, dst3, expv, den0, den1, n, e, h, c, b, chunks):
    np_ = ((n + 8 * NS - 1) // (8 * NS)) * (8 * NS)
    rows_sub = np_ // NS
    mesh = plsc.VectorSubcoreMesh(core_axis_name="c", subcore_axis_name="s")
    epw = e // NW
    hc = h * c
    pairs = (chunks - 1) // 2

    @functools.partial(
        pl.kernel,
        out_type=[
            jax.ShapeDtypeStruct((e, h), F32),
            jax.ShapeDtypeStruct((np_, c), F32),
            jax.ShapeDtypeStruct((np_, c), F32),
        ],
        mesh=mesh,
        compiler_params=pltpu.CompilerParams(use_tc_tiling_on_sc=False),
        scratch_types=[
            pltpu.VMEM((chunks, b), I32),
            pltpu.VMEM((chunks, b), I32),
            pltpu.VMEM((b, hc), F32),
            pltpu.VMEM((b, hc), F32),
            pltpu.VMEM((b, h), F32),
            pltpu.VMEM((b, h), F32),
            pltpu.VMEM((b, h), F32),
            pltpu.VMEM((b, h), F32),
            pltpu.VMEM((b, h), F32),
            pltpu.VMEM((b, h), F32),
            pltpu.VMEM((b, h), F32),
            pltpu.VMEM((b, c), F32),
            pltpu.VMEM((rows_sub, c), F32),
            pltpu.VMEM_SHARED((np_, c), F32),
            pltpu.SemaphoreType.DMA,
            pltpu.SemaphoreType.DMA,
            pltpu.SemaphoreType.DMA,
            pltpu.SemaphoreType.DMA,
        ],
    )
    def p2(xlh_hbm, src_hbm, dst_hbm, expv_hbm, den0_hbm, den1_hbm,
           alpha_hbm, t0_hbm, t1_hbm,
           src_sl, dst_sl, xl0, xl1, ex0, ex1, d00, d01, d10, d11,
           albuf, msgbuf, zbuf, t_sh, sg0, sg1, ss0, ss1):
        core = lax.axis_index("c")
        sub = lax.axis_index("s")
        wid = core * NS + sub

        pltpu.sync_copy(src_hbm.at[wid], src_sl)
        pltpu.sync_copy(dst_hbm.at[wid], dst_sl)
        _zero_shared(zbuf, t_sh, sub, rows_sub, c)
        plsc.subcore_barrier()

        def issue(k, xlb, exb, d0b, d1b, sg, ss):
            base = wid * epw + k * b
            pltpu.async_copy(xlh_hbm.at[src_sl.at[k]], xlb, sg)
            pltpu.async_copy(expv_hbm.at[pl.ds(base, b)], exb, ss)
            pltpu.async_copy(den0_hbm.at[dst_sl.at[k]], d0b, ss)
            pltpu.async_copy(den1_hbm.at[dst_sl.at[k]], d1b, ss)

        def wait(k, xlb, exb, d0b, d1b, sg, ss):
            base = wid * epw + k * b
            pltpu.make_async_copy(xlh_hbm.at[src_sl.at[k]], xlb, sg).wait()
            pltpu.make_async_copy(expv_hbm.at[pl.ds(base, b)], exb, ss).wait()
            pltpu.make_async_copy(den0_hbm.at[dst_sl.at[k]], d0b, ss).wait()
            pltpu.make_async_copy(den1_hbm.at[dst_sl.at[k]], d1b, ss).wait()

        def compute(k, xlb, exb, d0b, d1b):
            base = wid * epw + k * b

            def edge(ei, icarry):
                den = d0b[ei, :] + d1b[ei, :]
                alpha_v = exb[ei, :] / (den + 1e-16)
                albuf[ei, :] = alpha_v
                for cg in range(c // L):
                    m0 = jnp.zeros((L,), F32)
                    m1 = jnp.zeros((L,), F32)
                    m2 = jnp.zeros((L,), F32)
                    m3 = jnp.zeros((L,), F32)
                    for hi in range(0, h, 4):
                        m0 = m0 + alpha_v[hi] * xlb[ei, pl.ds(hi * c + cg * L, L)]
                        m1 = m1 + alpha_v[hi + 1] * xlb[ei, pl.ds((hi + 1) * c + cg * L, L)]
                        m2 = m2 + alpha_v[hi + 2] * xlb[ei, pl.ds((hi + 2) * c + cg * L, L)]
                        m3 = m3 + alpha_v[hi + 3] * xlb[ei, pl.ds((hi + 3) * c + cg * L, L)]
                    msgbuf[ei, pl.ds(cg * L, L)] = (m0 + m1) + (m2 + m3)
                return icarry

            lax.fori_loop(0, b, edge, 0)
            pltpu.sync_copy(albuf, alpha_hbm.at[pl.ds(base, b)])
            pltpu.sync_copy(msgbuf, t_sh.at[dst_sl.at[k]], add=True)

        issue(0, xl0, ex0, d00, d10, sg0, ss0)

        def pair(i, carry):
            k0 = 2 * i
            wait(k0, xl0, ex0, d00, d10, sg0, ss0)
            issue(k0 + 1, xl1, ex1, d01, d11, sg1, ss1)
            compute(k0, xl0, ex0, d00, d10)
            wait(k0 + 1, xl1, ex1, d01, d11, sg1, ss1)
            issue(k0 + 2, xl0, ex0, d00, d10, sg0, ss0)
            compute(k0 + 1, xl1, ex1, d01, d11)
            return carry

        lax.fori_loop(0, pairs, pair, 0)
        wait(chunks - 1, xl0, ex0, d00, d10, sg0, ss0)
        compute(chunks - 1, xl0, ex0, d00, d10)
        plsc.subcore_barrier()

        rows = pl.ds(sub * rows_sub, rows_sub)

        @pl.when(core == 0)
        def _():
            pltpu.sync_copy(t_sh.at[rows], t0_hbm.at[rows])

        @pl.when(core == 1)
        def _():
            pltpu.sync_copy(t_sh.at[rows], t1_hbm.at[rows])

    return p2(xlh, src3, dst3, expv, den0, den1)


def _finalize(t0, t1, res, bias, h):
    n, oc = res.shape
    mb = 1000
    inv_h = 1.0 / h

    def body(t0_ref, t1_ref, res_ref, bias_ref, out_ref):
        g = (t0_ref[...] + t1_ref[...]) * inv_h + bias_ref[...]
        out_ref[...] = jnp.maximum(g, 0.0) + res_ref[...]

    return pl.pallas_call(
        body,
        grid=(n // mb,),
        in_specs=[
            pl.BlockSpec((mb, oc), lambda i: (i, 0)),
            pl.BlockSpec((mb, oc), lambda i: (i, 0)),
            pl.BlockSpec((mb, oc), lambda i: (i, 0)),
            pl.BlockSpec((1, oc), lambda i: (0, 0)),
        ],
        out_specs=pl.BlockSpec((mb, oc), lambda i: (i, 0)),
        out_shape=jax.ShapeDtypeStruct((n, oc), F32),
    )(t0, t1, res, bias.reshape(1, oc))


def kernel(x, edge_index, edge_attr, batch, W_l, W_r, att, bias, W_res):
    n, in_ch = x.shape
    h, c = att.shape
    e = edge_index.shape[1]
    b = 40
    chunks = e // (NW * b)

    src3 = edge_index[0].astype(I32).reshape(NW, chunks, b)
    dst3 = edge_index[1].astype(I32).reshape(NW, chunks, b)

    w_lc = W_l.reshape(in_ch, h, c).transpose(0, 2, 1).reshape(in_ch, h * c)
    w_rc = W_r.reshape(in_ch, h, c).transpose(0, 2, 1).reshape(in_ch, h * c)
    att_t = att.T.astype(F32)

    xlc, xrc, xlh, res = _matmuls(x, w_lc, w_rc, W_l, W_res)
    expv, den0, den1 = _pass1(xlc, xrc, src3, dst3, att_t, n, e, h, c, b,
                              chunks)
    alpha, t0, t1 = _pass2(xlh, src3, dst3, expv, den0, den1, n, e, h, c, b,
                           chunks)
    x_out = _finalize(t0, t1, res, bias, h)
    return (x_out, edge_index, edge_attr, batch, alpha)

# --- scband reference (transcript-rebuilt; emitter-appended) ---
"""Pipeline reference for scband-gatblock-85779086836240 (READ-ONLY COPY).

The authoritative reference and input builder live on the scoring server;
editing this copy changes nothing except your own understanding.
"""

import jax, jax.numpy as jnp
import numpy as np

N = 10000
E = 160000
IN_CH = 128
OUT_CH = 32
HEADS = 16


def setup_inputs(seed: int = 0) -> dict:
    key = jax.random.key(seed)
    ks = jax.random.split(key, 10)
    x = jax.random.normal(ks[0], (N, IN_CH), dtype=jnp.float32)
    edge_index = jax.random.randint(ks[1], (2, E), 0, N, dtype=jnp.int64)
    edge_attr = jax.random.normal(ks[2], (E, 16), dtype=jnp.float32)
    batch = jnp.zeros((N,), dtype=jnp.int64)
    # GATv2Conv parameters (heads=16, out_channels=32, concat=False)
    s_l = 1.0 / np.sqrt(IN_CH)
    W_l = jax.random.uniform(ks[3], (IN_CH, HEADS * OUT_CH), minval=-s_l, maxval=s_l, dtype=jnp.float32)
    W_r = jax.random.uniform(ks[4], (IN_CH, HEADS * OUT_CH), minval=-s_l, maxval=s_l, dtype=jnp.float32)
    att = jax.random.normal(ks[5], (HEADS, OUT_CH), dtype=jnp.float32) * (1.0 / np.sqrt(OUT_CH))
    bias = jnp.zeros((OUT_CH,), dtype=jnp.float32)
    # SkipConnection projection (in_ch != out_ch -> Linear no bias)
    W_res = jax.random.uniform(ks[6], (IN_CH, OUT_CH), minval=-s_l, maxval=s_l, dtype=jnp.float32)
    return {"x": x, "edge_index": edge_index, "edge_attr": edge_attr, "batch": batch,
            "W_l": W_l, "W_r": W_r, "att": att, "bias": bias, "W_res": W_res}


def reference(x, edge_index, edge_attr, batch, W_l, W_r, att, bias, W_res):
    n = x.shape[0]
    src = edge_index[0]
    dst = edge_index[1]
    xl = (x @ W_l).reshape(n, HEADS, OUT_CH)
    xr = (x @ W_r).reshape(n, HEADS, OUT_CH)
    # GATv2 attention: e_ij = att . leaky_relu(xl[src] + xr[dst])
    e = xl[src] + xr[dst]                      # [E, H, C] gather
    e = jnp.where(e > 0, e, 0.2 * e)           # leaky_relu(0.2)
    logits = (e * att[None, :, :]).sum(axis=-1)  # [E, H]
    # softmax over incoming edges per destination node (segment softmax)
    m = jax.ops.segment_max(logits, dst, num_segments=n)  # [N, H]
    m = jnp.where(jnp.isfinite(m), m, 0.0)
    logits = logits - m[dst]
    expv = jnp.exp(logits)
    denom = jax.ops.segment_sum(expv, dst, num_segments=n)  # [N, H]
    alpha = expv / (denom[dst] + 1e-16)        # [E, H]
    # message passing: out_i = sum_j alpha_ij * xl[j], scatter-add over dst
    msg = alpha[:, :, None] * xl[src]          # [E, H, C]
    out = jax.ops.segment_sum(msg, dst, num_segments=n)  # [N, H, C]
    gat_out = out.mean(axis=1) + bias          # concat=False -> head mean, [N, out_ch]
    x_act = jax.nn.relu(gat_out)
    res = x @ W_res                            # SkipConnection projection (128 -> 32)
    x_out = x_act + res
    return (x_out, edge_index, edge_attr, batch, alpha)

if __name__ == "__main__":
    import jax
    _d = setup_inputs()
    print(jax.jit(kernel)(*tuple(_d.values())))

</pallas_src>

<mosaic_0001>
#map = affine_map<(d0, d1) -> (0, 0)>
#map1 = affine_map<(d0, d1) -> (0, 0, 0)>
module attributes {stable_mosaic.version = 14 : i64} {
  func.func @p2(%arg0: i32, %arg1: i32, %arg2: memref<10000x512xf32, #tpu.memory_space<hbm>>, %arg3: memref<32x125x40xi32, #tpu.memory_space<hbm>>, %arg4: memref<32x125x40xi32, #tpu.memory_space<hbm>>, %arg5: memref<160000x16xf32, #tpu.memory_space<hbm>>, %arg6: memref<10112x16xf32, #tpu.memory_space<hbm>>, %arg7: memref<10112x16xf32, #tpu.memory_space<hbm>>, %arg8: memref<160000x16xf32, #tpu.memory_space<hbm>>, %arg9: memref<10112x32xf32, #tpu.memory_space<hbm>>, %arg10: memref<10112x32xf32, #tpu.memory_space<hbm>>, %arg11: memref<125x40xi32, #tpu.memory_space<vmem>>, %arg12: memref<125x40xi32, #tpu.memory_space<vmem>>, %arg13: memref<40x512xf32, #tpu.memory_space<vmem>>, %arg14: memref<40x512xf32, #tpu.memory_space<vmem>>, %arg15: memref<40x16xf32, #tpu.memory_space<vmem>>, %arg16: memref<40x16xf32, #tpu.memory_space<vmem>>, %arg17: memref<40x16xf32, #tpu.memory_space<vmem>>, %arg18: memref<40x16xf32, #tpu.memory_space<vmem>>, %arg19: memref<40x16xf32, #tpu.memory_space<vmem>>, %arg20: memref<40x16xf32, #tpu.memory_space<vmem>>, %arg21: memref<40x16xf32, #tpu.memory_space<vmem>>, %arg22: memref<40x32xf32, #tpu.memory_space<vmem>>, %arg23: memref<632x32xf32, #tpu.memory_space<vmem>>, %arg24: memref<10112x32xf32, #tpu.memory_space<vmem_shared>>, %arg25: memref<!tpu.dma_semaphore, #tpu.memory_space<semaphore_mem>>, %arg26: memref<!tpu.dma_semaphore, #tpu.memory_space<semaphore_mem>>, %arg27: memref<!tpu.dma_semaphore, #tpu.memory_space<semaphore_mem>>, %arg28: memref<!tpu.dma_semaphore, #tpu.memory_space<semaphore_mem>>) attributes {dimension_semantics = [#tpu.dimension_semantics<core_parallel>, #tpu.dimension_semantics<subcore_parallel>], iteration_bounds = array<i64: 2, 16>, scalar_prefetch = 0 : i64, scratch_operands = 18 : i64, tpu.core_type = #tpu.core_type<sc_vector_subcore>, window_params = [{transform_indices = #map}, {transform_indices = #map1}, {transform_indices = #map1}, {transform_indices = #map}, {transform_indices = #map}, {transform_indices = #map}, {transform_indices = #map}, {transform_indices = #map}, {transform_indices = #map}]} {
    %mul3A = arith.constant 16 : i32
    %mul3A_0 = arith.muli %arg0, %mul3A : i32
    %add3A = arith.addi %mul3A_0, %arg1 : i32
    "tpu.region"() ({
      %run_scoped3A_91 = tpu.sem_alloc : memref<!tpu.dma_semaphore, #tpu.memory_space<semaphore_mem>>
      %dma_start3A_92 = arith.constant 0 : i32
      %dma_start3A_93 = arith.constant 0 : i32
      %dma_start3A_94 = tpu.memref_slice %arg3[%add3A, %dma_start3A_92, %dma_start3A_93] : memref<32x125x40xi32, #tpu.memory_space<hbm>> -> memref<1x125x40xi32, #tpu.memory_space<hbm>>
      %dma_start3A_95 = tpu.memref_squeeze %dma_start3A_94 : memref<1x125x40xi32, #tpu.memory_space<hbm>> -> memref<125x40xi32, #tpu.memory_space<hbm>>
      %dma_start3A_96 = arith.constant 0 : i32
      %dma_start3A_97 = arith.constant 0 : i32
      %dma_start3A_98 = tpu.memref_slice %arg3[%add3A, %dma_start3A_96, %dma_start3A_97] : memref<32x125x40xi32, #tpu.memory_space<hbm>> -> memref<1x125x40xi32, #tpu.memory_space<hbm>>
      %dma_start3A_99 = tpu.memref_squeeze %dma_start3A_98 : memref<1x125x40xi32, #tpu.memory_space<hbm>> -> memref<125x40xi32, #tpu.memory_space<hbm>>
      tpu.enqueue_dma source(%dma_start3A_99 : memref<125x40xi32, #tpu.memory_space<hbm>>) target(%arg11 : memref<125x40xi32, #tpu.memory_space<vmem>>) target_semaphore(%run_scoped3A_91 : memref<!tpu.dma_semaphore, #tpu.memory_space<semaphore_mem>>)
      %dma_wait3A_100 = arith.constant 0 : i32
      %dma_wait3A_101 = arith.constant 0 : i32
      %dma_wait3A_102 = tpu.memref_slice %arg3[%add3A, %dma_wait3A_100, %dma_wait3A_101] : memref<32x125x40xi32, #tpu.memory_space<hbm>> -> memref<1x125x40xi32, #tpu.memory_space<hbm>>
      %dma_wait3A_103 = tpu.memref_squeeze %dma_wait3A_102 : memref<1x125x40xi32, #tpu.memory_space<hbm>> -> memref<125x40xi32, #tpu.memory_space<hbm>>
      %dma_wait3A_104 = arith.constant 0 : i32
      %dma_wait3A_105 = arith.constant 0 : i32
      %dma_wait3A_106 = tpu.memref_slice %arg3[%add3A, %dma_wait3A_104, %dma_wait3A_105] : memref<32x125x40xi32, #tpu.memory_space<hbm>> -> memref<1x125x40xi32, #tpu.memory_space<hbm>>
      %dma_wait3A_107 = tpu.memref_squeeze %dma_wait3A_106 : memref<1x125x40xi32, #tpu.memory_space<hbm>> -> memref<125x40xi32, #tpu.memory_space<hbm>>
      tpu.wait_dma2 semaphore(%run_scoped3A_91 : memref<!tpu.dma_semaphore, #tpu.memory_space<semaphore_mem>>) src(%dma_wait3A_107 : memref<125x40xi32, #tpu.memory_space<hbm>>) dst(%arg11 : memref<125x40xi32, #tpu.memory_space<vmem>>)
      tpu.yield
    }) : () -> ()
    "tpu.region"() ({
      %run_scoped3A_91 = tpu.sem_alloc : memref<!tpu.dma_semaphore, #tpu.memory_space<semaphore_mem>>
      %dma_start3A_92 = arith.constant 0 : i32
      %dma_start3A_93 = arith.constant 0 : i32
      %dma_start3A_94 = tpu.memref_slice %arg4[%add3A, %dma_start3A_92, %dma_start3A_93] : memref<32x125x40xi32, #tpu.memory_space<hbm>> -> memref<1x125x40xi32, #tpu.memory_space<hbm>>
      %dma_start3A_95 = tpu.memref_squeeze %dma_start3A_94 : memref<1x125x40xi32, #tpu.memory_space<hbm>> -> memref<125x40xi32, #tpu.memory_space<hbm>>
      %dma_start3A_96 = arith.constant 0 : i32
      %dma_start3A_97 = arith.constant 0 : i32
      %dma_start3A_98 = tpu.memref_slice %arg4[%add3A, %dma_start3A_96, %dma_start3A_97] : memref<32x125x40xi32, #tpu.memory_space<hbm>> -> memref<1x125x40xi32, #tpu.memory_space<hbm>>
      %dma_start3A_99 = tpu.memref_squeeze %dma_start3A_98 : memref<1x125x40xi32, #tpu.memory_space<hbm>> -> memref<125x40xi32, #tpu.memory_space<hbm>>
      tpu.enqueue_dma source(%dma_start3A_99 : memref<125x40xi32, #tpu.memory_space<hbm>>) target(%arg12 : memref<125x40xi32, #tpu.memory_space<vmem>>) target_semaphore(%run_scoped3A_91 : memref<!tpu.dma_semaphore, #tpu.memory_space<semaphore_mem>>)
      %dma_wait3A_100 = arith.constant 0 : i32
      %dma_wait3A_101 = arith.constant 0 : i32
      %dma_wait3A_102 = tpu.memref_slice %arg4[%add3A, %dma_wait3A_100, %dma_wait3A_101] : memref<32x125x40xi32, #tpu.memory_space<hbm>> -> memref<1x125x40xi32, #tpu.memory_space<hbm>>
      %dma_wait3A_103 = tpu.memref_squeeze %dma_wait3A_102 : memref<1x125x40xi32, #tpu.memory_space<hbm>> -> memref<125x40xi32, #tpu.memory_space<hbm>>
      %dma_wait3A_104 = arith.constant 0 : i32
      %dma_wait3A_105 = arith.constant 0 : i32
      %dma_wait3A_106 = tpu.memref_slice %arg4[%add3A, %dma_wait3A_104, %dma_wait3A_105] : memref<32x125x40xi32, #tpu.memory_space<hbm>> -> memref<1x125x40xi32, #tpu.memory_space<hbm>>
      %dma_wait3A_107 = tpu.memref_squeeze %dma_wait3A_106 : memref<1x125x40xi32, #tpu.memory_space<hbm>> -> memref<125x40xi32, #tpu.memory_space<hbm>>
      tpu.wait_dma2 semaphore(%run_scoped3A_91 : memref<!tpu.dma_semaphore, #tpu.memory_space<semaphore_mem>>) src(%dma_wait3A_107 : memref<125x40xi32, #tpu.memory_space<hbm>>) dst(%arg12 : memref<125x40xi32, #tpu.memory_space<vmem>>)
      tpu.yield
    }) : () -> ()
    %broadcast_in_dim3A = arith.constant 0.000000e+00 : f32
    %broadcast_in_dim3A_1 = vector.broadcast %broadcast_in_dim3A : f32 to vector<16xf32>
    %scan3A = arith.constant 0 : i32
    %scan3A_2 = arith.constant 0 : i32
    %scan3A_3 = arith.constant 632 : i32
    %scan3A_4 = arith.addi %scan3A_2, %scan3A_3 : i32
    %scan3A_5 = arith.constant 1 : i32
    scf.for %scan3A_91 = %scan3A_2 to %scan3A_4 step %scan3A_5  : i32 {
      %swap3A = arith.index_cast %scan3A_91 : i32 to index
      %swap3A_92 = arith.constant 0 : index
      %swap3A_93 = tpu.vector_load %arg23[%swap3A, %swap3A_92] {strides = array<i32>} : memref<632x32xf32, #tpu.memory_space<vmem>>, vector<1x16xf32>,
      %swap3A_94 = vector.shape_cast %swap3A_93 : vector<1x16xf32> to vector<16xf32>
      %swap3A_95 = vector.shape_cast %broadcast_in_dim3A_1 : vector<16xf32> to vector<1x16xf32>
      tpu.vector_store %arg23[%swap3A, %swap3A_92], %swap3A_95 {strides = array<i32>} : memref<632x32xf32, #tpu.memory_space<vmem>>, vector<1x16xf32>,
      %swap3A_96 = arith.index_cast %scan3A_91 : i32 to index
      %swap3A_97 = arith.constant 16 : index
      %swap3A_98 = tpu.vector_load %arg23[%swap3A_96, %swap3A_97] {strides = array<i32>} : memref<632x32xf32, #tpu.memory_space<vmem>>, vector<1x16xf32>,
      %swap3A_99 = vector.shape_cast %swap3A_98 : vector<1x16xf32> to vector<16xf32>
      %swap3A_100 = vector.shape_cast %broadcast_in_dim3A_1 : vector<16xf32> to vector<1x16xf32>
      tpu.vector_store %arg23[%swap3A_96, %swap3A_97], %swap3A_100 {strides = array<i32>} : memref<632x32xf32, #tpu.memory_space<vmem>>, vector<1x16xf32>,
    }
    %scan3A_6 = arith.constant 632 : i32
    %mul3A_7 = arith.constant 632 : i32
    %mul3A_8 = arith.muli %arg1, %mul3A_7 : i32
    "tpu.region"() ({
      %run_scoped3A_91 = tpu.sem_alloc : memref<!tpu.dma_semaphore, #tpu.memory_space<semaphore_mem>>
      %dma_start3A_92 = arith.constant 0 : i32
      %dma_start3A_93 = tpu.memref_slice %arg24[%mul3A_8, %dma_start3A_92] : memref<10112x32xf32, #tpu.memory_space<vmem_shared>> -> memref<632x32xf32, #tpu.memory_space<vmem_shared>>
      %dma_start3A_94 = arith.constant 0 : i32
      %dma_start3A_95 = tpu.memref_slice %arg24[%mul3A_8, %dma_start3A_94] : memref<10112x32xf32, #tpu.memory_space<vmem_shared>> -> memref<632x32xf32, #tpu.memory_space<vmem_shared>>
      tpu.enqueue_dma source(%arg23 : memref<632x32xf32, #tpu.memory_space<vmem>>) target(%dma_start3A_95 : memref<632x32xf32, #tpu.memory_space<vmem_shared>>) target_semaphore(%run_scoped3A_91 : memref<!tpu.dma_semaphore, #tpu.memory_space<semaphore_mem>>)
      %dma_wait3A_96 = arith.constant 0 : i32
      %dma_wait3A_97 = tpu.memref_slice %arg24[%mul3A_8, %dma_wait3A_96] : memref<10112x32xf32, #tpu.memory_space<vmem_shared>> -> memref<632x32xf32, #tpu.memory_space<vmem_shared>>
      %dma_wait3A_98 = arith.constant 0 : i32
      %dma_wait3A_99 = tpu.memref_slice %arg24[%mul3A_8, %dma_wait3A_98] : memref<10112x32xf32, #tpu.memory_space<vmem_shared>> -> memref<632x32xf32, #tpu.memory_space<vmem_shared>>
      tpu.wait_dma2 semaphore(%run_scoped3A_91 : memref<!tpu.dma_semaphore, #tpu.memory_space<semaphore_mem>>) src(%arg23 : memref<632x32xf32, #tpu.memory_space<vmem>>) dst(%dma_wait3A_99 : memref<632x32xf32, #tpu.memory_space<vmem_shared>>)
      tpu.yield
    }) : () -> ()
    %barrier3A = arith.constant 0 : index
    tpu.barrier barrier_id(%barrier3A)
    %mul3A_9 = arith.constant 5000 : i32
    %mul3A_10 = arith.muli %add3A, %mul3A_9 : i32
    %add3A_11 = arith.constant 0 : i32
    %add3A_12 = arith.addi %mul3A_10, %add3A_11 : i32
    %dma_start3A = arith.constant 0 : i32
    %dma_start3A_13 = arith.constant 0 : i32
    %dma_start3A_14 = tpu.memref_slice %arg11[%dma_start3A, %dma_start3A_13] : memref<125x40xi32, #tpu.memory_space<vmem>> -> memref<1x40xi32, #tpu.memory_space<vmem>>
    %dma_start3A_15 = tpu.memref_squeeze %dma_start3A_14 : memref<1x40xi32, #tpu.memory_space<vmem>> -> memref<40xi32, #tpu.memory_space<vmem>>
    %dma_start3A_16 = arith.constant 0 : i32
    %dma_start3A_17 = arith.constant 0 : i32
    %dma_start3A_18 = tpu.memref_slice %arg2[%dma_start3A_16, %dma_start3A_17] : memref<10000x512xf32, #tpu.memory_space<hbm>> -> memref<10000x512xf32, #tpu.memory_space<hbm>>
    tpu.enqueue_indirect_dma source(%dma_start3A_18 : memref<10000x512xf32, #tpu.memory_space<hbm>>) target(%arg13 : memref<40x512xf32, #tpu.memory_space<vmem>>) offsets(%dma_start3A_15 : memref<40xi32, #tpu.memory_space<vmem>>) semaphore(%arg25 : memref<!tpu.dma_semaphore, #tpu.memory_space<semaphore_mem>>)
    %dma_start3A_19 = arith.constant 0 : i32
    %dma_start3A_20 = tpu.memref_slice %arg5[%add3A_12, %dma_start3A_19] : memref<160000x16xf32, #tpu.memory_space<hbm>> -> memref<40x16xf32, #tpu.memory_space<hbm>>
    %dma_start3A_21 = arith.constant 0 : i32
    %dma_start3A_22 = tpu.memref_slice %arg5[%add3A_12, %dma_start3A_21] : memref<160000x16xf32, #tpu.memory_space<hbm>> -> memref<40x16xf32, #tpu.memory_space<hbm>>
    tpu.enqueue_dma source(%dma_start3A_22 : memref<40x16xf32, #tpu.memory_space<hbm>>) target(%arg15 : memref<40x16xf32, #tpu.memory_space<vmem>>) target_semaphore(%arg27 : memref<!tpu.dma_semaphore, #tpu.memory_space<semaphore_mem>>)
    %dma_start3A_23 = arith.constant 0 : i32
    %dma_start3A_24 = arith.constant 0 : i32
    %dma_start3A_25 = tpu.memref_slice %arg12[%dma_start3A_23, %dma_start3A_24] : memref<125x40xi32, #tpu.memory_space<vmem>> -> memref<1x40xi32, #tpu.memory_space<vmem>>
    %dma_start3A_26 = tpu.memref_squeeze %dma_start3A_25 : memref<1x40xi32, #tpu.memory_space<vmem>> -> memref<40xi32, #tpu.memory_space<vmem>>
    %dma_start3A_27 = arith.constant 0 : i32
    %dma_start3A_28 = arith.constant 0 : i32
    %dma_start3A_29 = tpu.memref_slice %arg6[%dma_start3A_27, %dma_start3A_28] : memref<10112x16xf32, #tpu.memory_space<hbm>> -> memref<10112x16xf32, #tpu.memory_space<hbm>>
    tpu.enqueue_indirect_dma source(%dma_start3A_29 : memref<10112x16xf32, #tpu.memory_space<hbm>>) target(%arg17 : memref<40x16xf32, #tpu.memory_space<vmem>>) offsets(%dma_start3A_26 : memref<40xi32, #tpu.memory_space<vmem>>) semaphore(%arg27 : memref<!tpu.dma_semaphore, #tpu.memory_space<semaphore_mem>>)
    %dma_start3A_30 = arith.constant 0 : i32
    %dma_start3A_31 = arith.constant 0 : i32
    %dma_start3A_32 = tpu.memref_slice %arg12[%dma_start3A_30, %dma_start3A_31] : memref<125x40xi32, #tpu.memory_space<vmem>> -> memref<1x40xi32, #tpu.memory_space<vmem>>
    %dma_start3A_33 = tpu.memref_squeeze %dma_start3A_32 : memref<1x40xi32, #tpu.memory_space<vmem>> -> memref<40xi32, #tpu.memory_space<vmem>>
    %dma_start3A_34 = arith.constant 0 : i32
    %dma_start3A_35 = arith.constant 0 : i32
    %dma_start3A_36 = tpu.memref_slice %arg7[%dma_start3A_34, %dma_start3A_35] : memref<10112x16xf32, #tpu.memory_space<hbm>> -> memref<10112x16xf32, #tpu.memory_space<hbm>>
    tpu.enqueue_indirect_dma source(%dma_start3A_36 : memref<10112x16xf32, #tpu.memory_space<hbm>>) target(%arg19 : memref<40x16xf32, #tpu.memory_space<vmem>>) offsets(%dma_start3A_33 : memref<40xi32, #tpu.memory_space<vmem>>) semaphore(%arg27 : memref<!tpu.dma_semaphore, #tpu.memory_space<semaphore_mem>>)
    %scan3A_37 = arith.constant 0 : i32
    %scan3A_38 = arith.constant 0 : i32
    %scan3A_39 = arith.constant 62 : i32
    %scan3A_40 = arith.addi %scan3A_38, %scan3A_39 : i32
    %scan3A_41 = arith.constant 1 : i32
    scf.for %scan3A_91 = %scan3A_38 to %scan3A_40 step %scan3A_41  : i32 {
      %mul3A_92 = arith.constant 2 : i32
      %mul3A_93 = arith.muli %mul3A_92, %scan3A_91 : i32
      %mul3A_94 = arith.constant 5000 : i32
      %mul3A_95 = arith.muli %add3A, %mul3A_94 : i32
      %mul3A_96 = arith.constant 40 : i32
      %mul3A_97 = arith.muli %mul3A_93, %mul3A_96 : i32
      %add3A_98 = arith.addi %mul3A_95, %mul3A_97 : i32
      %dma_wait3A_99 = arith.constant 0 : i32
      %dma_wait3A_100 = tpu.memref_slice %arg11[%mul3A_93, %dma_wait3A_99] : memref<125x40xi32, #tpu.memory_space<vmem>> -> memref<1x40xi32, #tpu.memory_space<vmem>>
      %dma_wait3A_101 = tpu.memref_squeeze %dma_wait3A_100 : memref<1x40xi32, #tpu.memory_space<vmem>> -> memref<40xi32, #tpu.memory_space<vmem>>
      %dma_wait3A_102 = arith.constant 0 : i32
      %dma_wait3A_103 = arith.constant 0 : i32
      %dma_wait3A_104 = tpu.memref_slice %arg2[%dma_wait3A_102, %dma_wait3A_103] : memref<10000x512xf32, #tpu.memory_space<hbm>> -> memref<10000x512xf32, #tpu.memory_space<hbm>>
      tpu.wait_indirect_dma semaphore(%arg25 : memref<!tpu.dma_semaphore, #tpu.memory_space<semaphore_mem>>) src(%dma_wait3A_104 : memref<10000x512xf32, #tpu.memory_space<hbm>>) dst(%arg13 : memref<40x512xf32, #tpu.memory_space<vmem>>)
      %dma_wait3A_105 = arith.constant 0 : i32
      %dma_wait3A_106 = tpu.memref_slice %arg5[%add3A_98, %dma_wait3A_105] : memref<160000x16xf32, #tpu.memory_space<hbm>> -> memref<40x16xf32, #tpu.memory_space<hbm>>
      %dma_wait3A_107 = arith.constant 0 : i32
      %dma_wait3A_108 = tpu.memref_slice %arg5[%add3A_98, %dma_wait3A_107] : memref<160000x16xf32, #tpu.memory_space<hbm>> -> memref<40x16xf32, #tpu.memory_space<hbm>>
      tpu.wait_dma2 semaphore(%arg27 : memref<!tpu.dma_semaphore, #tpu.memory_space<semaphore_mem>>) src(%dma_wait3A_108 : memref<40x16xf32, #tpu.memory_space<hbm>>) dst(%arg15 : memref<40x16xf32, #tpu.memory_space<vmem>>)
      %dma_wait3A_109 = arith.constant 0 : i32
      %dma_wait3A_110 = tpu.memref_slice %arg12[%mul3A_93, %dma_wait3A_109] : memref<125x40xi32, #tpu.memory_space<vmem>> -> memref<1x40xi32, #tpu.memory_space<vmem>>
      %dma_wait3A_111 = tpu.memref_squeeze %dma_wait3A_110 : memref<1x40xi32, #tpu.memory_space<vmem>> -> memref<40xi32, #tpu.memory_space<vmem>>
      %dma_wait3A_112 = arith.constant 0 : i32
      %dma_wait3A_113 = arith.constant 0 : i32
      %dma_wait3A_114 = tpu.memref_slice %arg6[%dma_wait3A_112, %dma_wait3A_113] : memref<10112x16xf32, #tpu.memory_space<hbm>> -> memref<10112x16xf32, #tpu.memory_space<hbm>>
      tpu.wait_indirect_dma semaphore(%arg27 : memref<!tpu.dma_semaphore, #tpu.memory_space<semaphore_mem>>) src(%dma_wait3A_114 : memref<10112x16xf32, #tpu.memory_space<hbm>>) dst(%arg17 : memref<40x16xf32, #tpu.memory_space<vmem>>)
      %dma_wait3A_115 = arith.constant 0 : i32
      %dma_wait3A_116 = tpu.memref_slice %arg12[%mul3A_93, %dma_wait3A_115] : memref<125x40xi32, #tpu.memory_space<vmem>> -> memref<1x40xi32, #tpu.memory_space<vmem>>
      %dma_wait3A_117 = tpu.memref_squeeze %dma_wait3A_116 : memref<1x40xi32, #tpu.memory_space<vmem>> -> memref<40xi32, #tpu.memory_space<vmem>>
      %dma_wait3A_118 = arith.constant 0 : i32
      %dma_wait3A_119 = arith.constant 0 : i32
      %dma_wait3A_120 = tpu.memref_slice %arg7[%dma_wait3A_118, %dma_wait3A_119] : memref<10112x16xf32, #tpu.memory_space<hbm>> -> memref<10112x16xf32, #tpu.memory_space<hbm>>
      tpu.wait_indirect_dma semaphore(%arg27 : memref<!tpu.dma_semaphore, #tpu.memory_space<semaphore_mem>>) src(%dma_wait3A_120 : memref<10112x16xf32, #tpu.memory_space<hbm>>) dst(%arg19 : memref<40x16xf32, #tpu.memory_space<vmem>>)
      %add3A_121 = arith.constant 1 : i32
      %add3A_122 = arith.addi %mul3A_93, %add3A_121 : i32
      %mul3A_123 = arith.constant 5000 : i32
      %mul3A_124 = arith.muli %add3A, %mul3A_123 : i32
      %mul3A_125 = arith.constant 40 : i32
      %mul3A_126 = arith.muli %add3A_122, %mul3A_125 : i32
      %add3A_127 = arith.addi %mul3A_124, %mul3A_126 : i32
      %dma_start3A_128 = arith.constant 0 : i32
      %dma_start3A_129 = tpu.memref_slice %arg11[%add3A_122, %dma_start3A_128] : memref<125x40xi32, #tpu.memory_space<vmem>> -> memref<1x40xi32, #tpu.memory_space<vmem>>
      %dma_start3A_130 = tpu.memref_squeeze %dma_start3A_129 : memref<1x40xi32, #tpu.memory_space<vmem>> -> memref<40xi32, #tpu.memory_space<vmem>>
      %dma_start3A_131 = arith.constant 0 : i32
      %dma_start3A_132 = arith.constant 0 : i32
      %dma_start3A_133 = tpu.memref_slice %arg2[%dma_start3A_131, %dma_start3A_132] : memref<10000x512xf32, #tpu.memory_space<hbm>> -> memref<10000x512xf32, #tpu.memory_space<hbm>>
      tpu.enqueue_indirect_dma source(%dma_start3A_133 : memref<10000x512xf32, #tpu.memory_space<hbm>>) target(%arg14 : memref<40x512xf32, #tpu.memory_space<vmem>>) offsets(%dma_start3A_130 : memref<40xi32, #tpu.memory_space<vmem>>) semaphore(%arg26 : memref<!tpu.dma_semaphore, #tpu.memory_space<semaphore_mem>>)
      %dma_start3A_134 = arith.constant 0 : i32
      %dma_start3A_135 = tpu.memref_slice %arg5[%add3A_127, %dma_start3A_134] : memref<160000x16xf32, #tpu.memory_space<hbm>> -> memref<40x16xf32, #tpu.memory_space<hbm>>
      %dma_start3A_136 = arith.constant 0 : i32
      %dma_start3A_137 = tpu.memref_slice %arg5[%add3A_127, %dma_start3A_136] : memref<160000x16xf32, #tpu.memory_space<hbm>> -> memref<40x16xf32, #tpu.memory_space<hbm>>
      tpu.enqueue_dma source(%dma_start3A_137 : memref<40x16xf32, #tpu.memory_space<hbm>>) target(%arg16 : memref<40x16xf32, #tpu.memory_space<vmem>>) target_semaphore(%arg28 : memref<!tpu.dma_semaphore, #tpu.memory_space<semaphore_mem>>)
      %dma_start3A_138 = arith.constant 0 : i32
      %dma_start3A_139 = tpu.memref_slice %arg12[%add3A_122, %dma_start3A_138] : memref<125x40xi32, #tpu.memory_space<vmem>> -> memref<1x40xi32, #tpu.memory_space<vmem>>
      %dma_start3A_140 = tpu.memref_squeeze %dma_start3A_139 : memref<1x40xi32, #tpu.memory_space<vmem>> -> memref<40xi32, #tpu.memory_space<vmem>>
      %dma_start3A_141 = arith.constant 0 : i32
      %dma_start3A_142 = arith.constant 0 : i32
      %dma_start3A_143 = tpu.memref_slice %arg6[%dma_start3A_141, %dma_start3A_142] : memref<10112x16xf32, #tpu.memory_space<hbm>> -> memref<10112x16xf32, #tpu.memory_space<hbm>>
      tpu.enqueue_indirect_dma source(%dma_start3A_143 : memref<10112x16xf32, #tpu.memory_space<hbm>>) target(%arg18 : memref<40x16xf32, #tpu.memory_space<vmem>>) offsets(%dma_start3A_140 : memref<40xi32, #tpu.memory_space<vmem>>) semaphore(%arg28 : memref<!tpu.dma_semaphore, #tpu.memory_space<semaphore_mem>>)
      %dma_start3A_144 = arith.constant 0 : i32
      %dma_start3A_145 = tpu.memref_slice %arg12[%add3A_122, %dma_start3A_144] : memref<125x40xi32, #tpu.memory_space<vmem>> -> memref<1x40xi32, #tpu.memory_space<vmem>>
      %dma_start3A_146 = tpu.memref_squeeze %dma_start3A_145 : memref<1x40xi32, #tpu.memory_space<vmem>> -> memref<40xi32, #tpu.memory_space<vmem>>
      %dma_start3A_147 = arith.constant 0 : i32
      %dma_start3A_148 = arith.constant 0 : i32
      %dma_start3A_149 = tpu.memref_slice %arg7[%dma_start3A_147, %dma_start3A_148] : memref<10112x16xf32, #tpu.memory_space<hbm>> -> memref<10112x16xf32, #tpu.memory_space<hbm>>
      tpu.enqueue_indirect_dma source(%dma_start3A_149 : memref<10112x16xf32, #tpu.memory_space<hbm>>) target(%arg20 : memref<40x16xf32, #tpu.memory_space<vmem>>) offsets(%dma_start3A_146 : memref<40xi32, #tpu.memory_space<vmem>>) semaphore(%arg28 : memref<!tpu.dma_semaphore, #tpu.memory_space<semaphore_mem>>)
      %mul3A_150 = arith.constant 5000 : i32
      %mul3A_151 = arith.muli %add3A, %mul3A_150 : i32
      %mul3A_152 = arith.constant 40 : i32
      %mul3A_153 = arith.muli %mul3A_93, %mul3A_152 : i32
      %add3A_154 = arith.addi %mul3A_151, %mul3A_153 : i32
      %scan3A_155 = arith.constant 0 : i32
      %scan3A_156 = arith.constant 0 : i32
      %scan3A_157 = arith.constant 40 : i32
      %scan3A_158 = arith.addi %scan3A_156, %scan3A_157 : i32
      %scan3A_159 = arith.constant 1 : i32
      scf.for %scan3A_232 = %scan3A_156 to %scan3A_158 step %scan3A_159  : i32 {
        %get3A = arith.index_cast %scan3A_232 : i32 to index
        %get3A_233 = arith.constant 0 : index
        %get3A_234 = tpu.vector_load %arg17[%get3A, %get3A_233] {strides = array<i32>} : memref<40x16xf32, #tpu.memory_space<vmem>>, vector<1x16xf32>,
        %get3A_235 = vector.shape_cast %get3A_234 : vector<1x16xf32> to vector<16xf32>
        %get3A_236 = arith.index_cast %scan3A_232 : i32 to index
        %get3A_237 = arith.constant 0 : index
        %get3A_238 = tpu.vector_load %arg19[%get3A_236, %get3A_237] {strides = array<i32>} : memref<40x16xf32, #tpu.memory_space<vmem>>, vector<1x16xf32>,
        %get3A_239 = vector.shape_cast %get3A_238 : vector<1x16xf32> to vector<16xf32>
        %add3A_240 = arith.addf %get3A_235, %get3A_239 : vector<16xf32>
        %get3A_241 = arith.index_cast %scan3A_232 : i32 to index
        %get3A_242 = arith.constant 0 : index
        %get3A_243 = tpu.vector_load %arg15[%get3A_241, %get3A_242] {strides = array<i32>} : memref<40x16xf32, #tpu.memory_space<vmem>>, vector<1x16xf32>,
        %get3A_244 = vector.shape_cast %get3A_243 : vector<1x16xf32> to vector<16xf32>
        %add3A_245 = arith.constant 1.000000e-16 : f32
        %add3A_246 = vector.broadcast %add3A_245 : f32 to vector<16xf32>
        %add3A_247 = arith.addf %add3A_240, %add3A_246 : vector<16xf32>
        %div3A = arith.divf %get3A_244, %add3A_247 : vector<16xf32>
        %swap3A = arith.index_cast %scan3A_232 : i32 to index
        %swap3A_248 = arith.constant 0 : index
        %swap3A_249 = tpu.vector_load %arg21[%swap3A, %swap3A_248] {strides = array<i32>} : memref<40x16xf32, #tpu.memory_space<vmem>>, vector<1x16xf32>,
        %swap3A_250 = vector.shape_cast %swap3A_249 : vector<1x16xf32> to vector<16xf32>
        %swap3A_251 = vector.shape_cast %div3A : vector<16xf32> to vector<1x16xf32>
        tpu.vector_store %arg21[%swap3A, %swap3A_248], %swap3A_251 {strides = array<i32>} : memref<40x16xf32, #tpu.memory_space<vmem>>, vector<1x16xf32>,
        %broadcast_in_dim3A_252 = arith.constant 0.000000e+00 : f32
        %broadcast_in_dim3A_253 = vector.broadcast %broadcast_in_dim3A_252 : f32 to vector<16xf32>
        %broadcast_in_dim3A_254 = arith.constant 0.000000e+00 : f32
        %broadcast_in_dim3A_255 = vector.broadcast %broadcast_in_dim3A_254 : f32 to vector<16xf32>
        %broadcast_in_dim3A_256 = arith.constant 0.000000e+00 : f32
        %broadcast_in_dim3A_257 = vector.broadcast %broadcast_in_dim3A_256 : f32 to vector<16xf32>
        %broadcast_in_dim3A_258 = arith.constant 0.000000e+00 : f32
        %broadcast_in_dim3A_259 = vector.broadcast %broadcast_in_dim3A_258 : f32 to vector<16xf32>
        %slice3A = vector.extract_strided_slice %div3A {offsets = [0], sizes = [1], strides = [1]} : vector<16xf32> to vector<1xf32>
        %squeeze3A = vector.extract %slice3A[0] : f32 from vector<1xf32>
        %get3A_260 = arith.index_cast %scan3A_232 : i32 to index
        %get3A_261 = arith.constant 0 : index
        %get3A_262 = tpu.vector_load %arg13[%get3A_260, %get3A_261] {strides = array<i32>} : memref<40x512xf32, #tpu.memory_space<vmem>>, vector<1x16xf32>,
        %get3A_263 = vector.shape_cast %get3A_262 : vector<1x16xf32> to vector<16xf32>
        %mul3A_264 = vector.broadcast %squeeze3A : f32 to vector<16xf32>
        %mul3A_265 = arith.mulf %mul3A_264, %get3A_263 : vector<16xf32>
        %add3A_266 = arith.addf %broadcast_in_dim3A_253, %mul3A_265 : vector<16xf32>
        %slice3A_267 = vector.extract_strided_slice %div3A {offsets = [1], sizes = [1], strides = [1]} : vector<16xf32> to vector<1xf32>
        %squeeze3A_268 = vector.extract %slice3A_267[0] : f32 from vector<1xf32>
        %get3A_269 = arith.index_cast %scan3A_232 : i32 to index
        %get3A_270 = arith.constant 32 : index
        %get3A_271 = tpu.vector_load %arg13[%get3A_269, %get3A_270] {strides = array<i32>} : memref<40x512xf32, #tpu.memory_space<vmem>>, vector<1x16xf32>,
        %get3A_272 = vector.shape_cast %get3A_271 : vector<1x16xf32> to vector<16xf32>
        %mul3A_273 = vector.broadcast %squeeze3A_268 : f32 to vector<16xf32>
        %mul3A_274 = arith.mulf %mul3A_273, %get3A_272 : vector<16xf32>
        %add3A_275 = arith.addf %broadcast_in_dim3A_255, %mul3A_274 : vector<16xf32>
        %slice3A_276 = vector.extract_strided_slice %div3A {offsets = [2], sizes = [1], strides = [1]} : vector<16xf32> to vector<1xf32>
        %squeeze3A_277 = vector.extract %slice3A_276[0] : f32 from vector<1xf32>
        %get3A_278 = arith.index_cast %scan3A_232 : i32 to index
        %get3A_279 = arith.constant 64 : index
        %get3A_280 = tpu.vector_load %arg13[%get3A_278, %get3A_279] {strides = array<i32>} : memref<40x512xf32, #tpu.memory_space<vmem>>, vector<1x16xf32>,
        %get3A_281 = vector.shape_cast %get3A_280 : vector<1x16xf32> to vector<16xf32>
        %mul3A_282 = vector.broadcast %squeeze3A_277 : f32 to vector<16xf32>
        %mul3A_283 = arith.mulf %mul3A_282, %get3A_281 : vector<16xf32>
        %add3A_284 = arith.addf %broadcast_in_dim3A_257, %mul3A_283 : vector<16xf32>
        %slice3A_285 = vector.extract_strided_slice %div3A {offsets = [3], sizes = [1], strides = [1]} : vector<16xf32> to vector<1xf32>
        %squeeze3A_286 = vector.extract %slice3A_285[0] : f32 from vector<1xf32>
        %get3A_287 = arith.index_cast %scan3A_232 : i32 to index
        %get3A_288 = arith.constant 96 : index
        %get3A_289 = tpu.vector_load %arg13[%get3A_287, %get3A_288] {strides = array<i32>} : memref<40x512xf32, #tpu.memory_space<vmem>>, vector<1x16xf32>,
        %get3A_290 = vector.shape_cast %get3A_289 : vector<1x16xf32> to vector<16xf32>
        %mul3A_291 = vector.broadcast %squeeze3A_286 : f32 to vector<16xf32>
        %mul3A_292 = arith.mulf %mul3A_291, %get3A_290 : vector<16xf32>
        %add3A_293 = arith.addf %broadcast_in_dim3A_259, %mul3A_292 : vector<16xf32>
        %slice3A_294 = vector.extract_strided_slice %div3A {offsets = [4], sizes = [1], strides = [1]} : vector<16xf32> to vector<1xf32>
        %squeeze3A_295 = vector.extract %slice3A_294[0] : f32 from vector<1xf32>
        %get3A_296 = arith.index_cast %scan3A_232 : i32 to index
        %get3A_297 = arith.constant 128 : index
        %get3A_298 = tpu.vector_load %arg13[%get3A_296, %get3A_297] {strides = array<i32>} : memref<40x512xf32, #tpu.memory_space<vmem>>, vector<1x16xf32>,
        %get3A_299 = vector.shape_cast %get3A_298 : vector<1x16xf32> to vector<16xf32>
        %mul3A_300 = vector.broadcast %squeeze3A_295 : f32 to vector<16xf32>
        %mul3A_301 = arith.mulf %mul3A_300, %get3A_299 : vector<16xf32>
        %add3A_302 = arith.addf %add3A_266, %mul3A_301 : vector<16xf32>
        %slice3A_303 = vector.extract_strided_slice %div3A {offsets = [5], sizes = [1], strides = [1]} : vector<16xf32> to vector<1xf32>
        %squeeze3A_304 = vector.extract %slice3A_303[0] : f32 from vector<1xf32>
        %get3A_305 = arith.index_cast %scan3A_232 : i32 to index
        %get3A_306 = arith.constant 160 : index
        %get3A_307 = tpu.vector_load %arg13[%get3A_305, %get3A_306] {strides = array<i32>} : memref<40x512xf32, #tpu.memory_space<vmem>>, vector<1x16xf32>,
        %get3A_308 = vector.shape_cast %get3A_307 : vector<1x16xf32> to vector<16xf32>
        %mul3A_309 = vector.broadcast %squeeze3A_304 : f32 to vector<16xf32>
        %mul3A_310 = arith.mulf %mul3A_309, %get3A_308 : vector<16xf32>
        %add3A_311 = arith.addf %add3A_275, %mul3A_310 : vector<16xf32>
        %slice3A_312 = vector.extract_strided_slice %div3A {offsets = [6], sizes = [1], strides = [1]} : vector<16xf32> to vector<1xf32>
        %squeeze3A_313 = vector.extract %slice3A_312[0] : f32 from vector<1xf32>
        %get3A_314 = arith.index_cast %scan3A_232 : i32 to index
        %get3A_315 = arith.constant 192 : index
        %get3A_316 = tpu.vector_load %arg13[%get3A_314, %get3A_315] {strides = array<i32>} : memref<40x512xf32, #tpu.memory_space<vmem>>, vector<1x16xf32>,
        %get3A_317 = vector.shape_cast %get3A_316 : vector<1x16xf32> to vector<16xf32>
        %mul3A_318 = vector.broadcast %squeeze3A_313 : f32 to vector<16xf32>
        %mul3A_319 = arith.mulf %mul3A_318, %get3A_317 : vector<16xf32>
        %add3A_320 = arith.addf %add3A_284, %mul3A_319 : vector<16xf32>
        %slice3A_321 = vector.extract_strided_slice %div3A {offsets = [7], sizes = [1], strides = [1]} : vector<16xf32> to vector<1xf32>
        %squeeze3A_322 = vector.extract %slice3A_321[0] : f32 from vector<1xf32>
        %get3A_323 = arith.index_cast %scan3A_232 : i32 to index
        %get3A_324 = arith.constant 224 : index
        %get3A_325 = tpu.vector_load %arg13[%get3A_323, %get3A_324] {strides = array<i32>} : memref<40x512xf32, #tpu.memory_space<vmem>>, vector<1x16xf32>,
        %get3A_326 = vector.shape_cast %get3A_325 : vector<1x16xf32> to vector<16xf32>
        %mul3A_327 = vector.broadcast %squeeze3A_322 : f32 to vector<16xf32>
        %mul3A_328 = arith.mulf %mul3A_327, %get3A_326 : vector<16xf32>
        %add3A_329 = arith.addf %add3A_293, %mul3A_328 : vector<16xf32>
        %slice3A_330 = vector.extract_strided_slice %div3A {offsets = [8], sizes = [1], strides = [1]} : vector<16xf32> to vector<1xf32>
        %squeeze3A_331 = vector.extract %slice3A_330[0] : f32 from vector<1xf32>
        %get3A_332 = arith.index_cast %scan3A_232 : i32 to index
        %get3A_333 = arith.constant 256 : index
        %get3A_334 = tpu.vector_load %arg13[%get3A_332, %get3A_333] {strides = array<i32>} : memref<40x512xf32, #tpu.memory_space<vmem>>, vector<1x16xf32>,
        %get3A_335 = vector.shape_cast %get3A_334 : vector<1x16xf32> to vector<16xf32>
        %mul3A_336 = vector.broadcast %squeeze3A_331 : f32 to vector<16xf32>
        %mul3A_337 = arith.mulf %mul3A_336, %get3A_335 : vector<16xf32>
        %add3A_338 = arith.addf %add3A_302, %mul3A_337 : vector<16xf32>
        %slice3A_339 = vector.extract_strided_slice %div3A {offsets = [9], sizes = [1], strides = [1]} : vector<16xf32> to vector<1xf32>
        %squeeze3A_340 = vector.extract %slice3A_339[0] : f32 from vector<1xf32>
        %get3A_341 = arith.index_cast %scan3A_232 : i32 to index
        %get3A_342 = arith.constant 288 : index
        %get3A_343 = tpu.vector_load %arg13[%get3A_341, %get3A_342] {strides = array<i32>} : memref<40x512xf32, #tpu.memory_space<vmem>>, vector<1x16xf32>,
        %get3A_344 = vector.shape_cast %get3A_343 : vector<1x16xf32> to vector<16xf32>
        %mul3A_345 = vector.broadcast %squeeze3A_340 : f32 to vector<16xf32>
        %mul3A_346 = arith.mulf %mul3A_345, %get3A_344 : vector<16xf32>
        %add3A_347 = arith.addf %add3A_311, %mul3A_346 : vector<16xf32>
        %slice3A_348 = vector.extract_strided_slice %div3A {offsets = [10], sizes = [1], strides = [1]} : vector<16xf32> to vector<1xf32>
        %squeeze3A_349 = vector.extract %slice3A_348[0] : f32 from vector<1xf32>
        %get3A_350 = arith.index_cast %scan3A_232 : i32 to index
        %get3A_351 = arith.constant 320 : index
        %get3A_352 = tpu.vector_load %arg13[%get3A_350, %get3A_351] {strides = array<i32>} : memref<40x512xf32, #tpu.memory_space<vmem>>, vector<1x16xf32>,
        %get3A_353 = vector.shape_cast %get3A_352 : vector<1x16xf32> to vector<16xf32>
        %mul3A_354 = vector.broadcast %squeeze3A_349 : f32 to vector<16xf32>
        %mul3A_355 = arith.mulf %mul3A_354, %get3A_353 : vector<16xf32>
        %add3A_356 = arith.addf %add3A_320, %mul3A_355 : vector<16xf32>
        %slice3A_357 = vector.extract_strided_slice %div3A {offsets = [11], sizes = [1], strides = [1]} : vector<16xf32> to vector<1xf32>
        %squeeze3A_358 = vector.extract %slice3A_357[0] : f32 from vector<1xf32>
        %get3A_359 = arith.index_cast %scan3A_232 : i32 to index
        %get3A_360 = arith.constant 352 : index
        %get3A_361 = tpu.vector_load %arg13[%get3A_359, %get3A_360] {strides = array<i32>} : memref<40x512xf32, #tpu.memory_space<vmem>>, vector<1x16xf32>,
        %get3A_362 = vector.shape_cast %get3A_361 : vector<1x16xf32> to vector<16xf32>
        %mul3A_363 = vector.broadcast %squeeze3A_358 : f32 to vector<16xf32>
        %mul3A_364 = arith.mulf %mul3A_363, %get3A_362 : vector<16xf32>
        %add3A_365 = arith.addf %add3A_329, %mul3A_364 : vector<16xf32>
        %slice3A_366 = vector.extract_strided_slice %div3A {offsets = [12], sizes = [1], strides = [1]} : vector<16xf32> to vector<1xf32>
        %squeeze3A_367 = vector.extract %slice3A_366[0] : f32 from vector<1xf32>
        %get3A_368 = arith.index_cast %scan3A_232 : i32 to index
        %get3A_369 = arith.constant 384 : index
        %get3A_370 = tpu.vector_load %arg13[%get3A_368, %get3A_369] {strides = array<i32>} : memref<40x512xf32, #tpu.memory_space<vmem>>, vector<1x16xf32>,
        %get3A_371 = vector.shape_cast %get3A_370 : vector<1x16xf32> to vector<16xf32>
        %mul3A_372 = vector.broadcast %squeeze3A_367 : f32 to vector<16xf32>
        %mul3A_373 = arith.mulf %mul3A_372, %get3A_371 : vector<16xf32>
        %add3A_374 = arith.addf %add3A_338, %mul3A_373 : vector<16xf32>
        %slice3A_375 = vector.extract_strided_slice %div3A {offsets = [13], sizes = [1], strides = [1]} : vector<16xf32> to vector<1xf32>
        %squeeze3A_376 = vector.extract %slice3A_375[0] : f32 from vector<1xf32>
        %get3A_377 = arith.index_cast %scan3A_232 : i32 to index
        %get3A_378 = arith.constant 416 : index
        %get3A_379 = tpu.vector_load %arg13[%get3A_377, %get3A_378] {strides = array<i32>} : memref<40x512xf32, #tpu.memory_space<vmem>>, vector<1x16xf32>,
        %get3A_380 = vector.shape_cast %get3A_379 : vector<1x16xf32> to vector<16xf32>
        %mul3A_381 = vector.broadcast %squeeze3A_376 : f32 to vector<16xf32>
        %mul3A_382 = arith.mulf %mul3A_381, %get3A_380 : vector<16xf32>
        %add3A_383 = arith.addf %add3A_347, %mul3A_382 : vector<16xf32>
        %slice3A_384 = vector.extract_strided_slice %div3A {offsets = [14], sizes = [1], strides = [1]} : vector<16xf32> to vector<1xf32>
        %squeeze3A_385 = vector.extract %slice3A_384[0] : f32 from vector<1xf32>
        %get3A_386 = arith.index_cast %scan3A_232 : i32 to index
        %get3A_387 = arith.constant 448 : index
        %get3A_388 = tpu.vector_load %arg13[%get3A_386, %get3A_387] {strides = array<i32>} : memref<40x512xf32, #tpu.memory_space<vmem>>, vector<1x16xf32>,
        %get3A_389 = vector.shape_cast %get3A_388 : vector<1x16xf32> to vector<16xf32>
        %mul3A_390 = vector.broadcast %squeeze3A_385 : f32 to vector<16xf32>
        %mul3A_391 = arith.mulf %mul3A_390, %get3A_389 : vector<16xf32>
        %add3A_392 = arith.addf %add3A_356, %mul3A_391 : vector<16xf32>
        %slice3A_393 = vector.extract_strided_slice %div3A {offsets = [15], sizes = [1], strides = [1]} : vector<16xf32> to vector<1xf32>
        %squeeze3A_394 = vector.extract %slice3A_393[0] : f32 from vector<1xf32>
        %get3A_395 = arith.index_cast %scan3A_232 : i32 to index
        %get3A_396 = arith.constant 480 : index
        %get3A_397 = tpu.vector_load %arg13[%get3A_395, %get3A_396] {strides = array<i32>} : memref<40x512xf32, #tpu.memory_space<vmem>>, vector<1x16xf32>,
        %get3A_398 = vector.shape_cast %get3A_397 : vector<1x16xf32> to vector<16xf32>
        %mul3A_399 = vector.broadcast %squeeze3A_394 : f32 to vector<16xf32>
        %mul3A_400 = arith.mulf %mul3A_399, %get3A_398 : vector<16xf32>
        %add3A_401 = arith.addf %add3A_365, %mul3A_400 : vector<16xf32>
        %add3A_402 = arith.addf %add3A_374, %add3A_383 : vector<16xf32>
        %add3A_403 = arith.addf %add3A_392, %add3A_401 : vector<16xf32>
        %add3A_404 = arith.addf %add3A_402, %add3A_403 : vector<16xf32>
        %swap3A_405 = arith.index_cast %scan3A_232 : i32 to index
        %swap3A_406 = arith.constant 0 : index
        %swap3A_407 = tpu.vector_load %arg22[%swap3A_405, %swap3A_406] {strides = array<i32>} : memref<40x32xf32, #tpu.memory_space<vmem>>, vector<1x16xf32>,
        %swap3A_408 = vector.shape_cast %swap3A_407 : vector<1x16xf32> to vector<16xf32>
        %swap3A_409 = vector.shape_cast %add3A_404 : vector<16xf32> to vector<1x16xf32>
        tpu.vector_store %arg22[%swap3A_405, %swap3A_406], %swap3A_409 {strides = array<i32>} : memref<40x32xf32, #tpu.memory_space<vmem>>, vector<1x16xf32>,
        %broadcast_in_dim3A_410 = arith.constant 0.000000e+00 : f32
        %broadcast_in_dim3A_411 = vector.broadcast %broadcast_in_dim3A_410 : f32 to vector<16xf32>
        %broadcast_in_dim3A_412 = arith.constant 0.000000e+00 : f32
        %broadcast_in_dim3A_413 = vector.broadcast %broadcast_in_dim3A_412 : f32 to vector<16xf32>
        %broadcast_in_dim3A_414 = arith.constant 0.000000e+00 : f32
        %broadcast_in_dim3A_415 = vector.broadcast %broadcast_in_dim3A_414 : f32 to vector<16xf32>
        %broadcast_in_dim3A_416 = arith.constant 0.000000e+00 : f32
        %broadcast_in_dim3A_417 = vector.broadcast %broadcast_in_dim3A_416 : f32 to vector<16xf32>
        %slice3A_418 = vector.extract_strided_slice %div3A {offsets = [0], sizes = [1], strides = [1]} : vector<16xf32> to vector<1xf32>
        %squeeze3A_419 = vector.extract %slice3A_418[0] : f32 from vector<1xf32>
        %get3A_420 = arith.index_cast %scan3A_232 : i32 to index
        %get3A_421 = arith.constant 16 : index
        %get3A_422 = tpu.vector_load %arg13[%get3A_420, %get3A_421] {strides = array<i32>} : memref<40x512xf32, #tpu.memory_space<vmem>>, vector<1x16xf32>,
        %get3A_423 = vector.shape_cast %get3A_422 : vector<1x16xf32> to vector<16xf32>
        %mul3A_424 = vector.broadcast %squeeze3A_419 : f32 to vector<16xf32>
        %mul3A_425 = arith.mulf %mul3A_424, %get3A_423 : vector<16xf32>
        %add3A_426 = arith.addf %broadcast_in_dim3A_411, %mul3A_425 : vector<16xf32>
        %slice3A_427 = vector.extract_strided_slice %div3A {offsets = [1], sizes = [1], strides = [1]} : vector<16xf32> to vector<1xf32>
        %squeeze3A_428 = vector.extract %slice3A_427[0] : f32 from vector<1xf32>
        %get3A_429 = arith.index_cast %scan3A_232 : i32 to index
        %get3A_430 = arith.constant 48 : index
        %get3A_431 = tpu.vector_load %arg13[%get3A_429, %get3A_430] {strides = array<i32>} : memref<40x512xf32, #tpu.memory_space<vmem>>, vector<1x16xf32>,
        %get3A_432 = vector.shape_cast %get3A_431 : vector<1x16xf32> to vector<16xf32>
        %mul3A_433 = vector.broadcast %squeeze3A_428 : f32 to vector<16xf32>
        %mul3A_434 = arith.mulf %mul3A_433, %get3A_432 : vector<16xf32>
        %add3A_435 = arith.addf %broadcast_in_dim3A_413, %mul3A_434 : vector<16xf32>
        %slice3A_436 = vector.extract_strided_slice %div3A {offsets = [2], sizes = [1], strides = [1]} : vector<16xf32> to vector<1xf32>
        %squeeze3A_437 = vector.extract %slice3A_436[0] : f32 from vector<1xf32>
        %get3A_438 = arith.index_cast %scan3A_232 : i32 to index
        %get3A_439 = arith.constant 80 : index
        %get3A_440 = tpu.vector_load %arg13[%get3A_438, %get3A_439] {strides = array<i32>} : memref<40x512xf32, #tpu.memory_space<vmem>>, vector<1x16xf32>,
        %get3A_441 = vector.shape_cast %get3A_440 : vector<1x16xf32> to vector<16xf32>
        %mul3A_442 = vector.broadcast %squeeze3A_437 : f32 to vector<16xf32>
        %mul3A_443 = arith.mulf %mul3A_442, %get3A_441 : vector<16xf32>
        %add3A_444 = arith.addf %broadcast_in_dim3A_415, %mul3A_443 : vector<16xf32>
        %slice3A_445 = vector.extract_strided_slice %div3A {offsets = [3], sizes = [1], strides = [1]} : vector<16xf32> to vector<1xf32>
        %squeeze3A_446 = vector.extract %slice3A_445[0] : f32 from vector<1xf32>
        %get3A_447 = arith.index_cast %scan3A_232 : i32 to index
        %get3A_448 = arith.constant 112 : index
        %get3A_449 = tpu.vector_load %arg13[%get3A_447, %get3A_448] {strides = array<i32>} : memref<40x512xf32, #tpu.memory_space<vmem>>, vector<1x16xf32>,
        %get3A_450 = vector.shape_cast %get3A_449 : vector<1x16xf32> to vector<16xf32>
        %mul3A_451 = vector.broadcast %squeeze3A_446 : f32 to vector<16xf32>
        %mul3A_452 = arith.mulf %mul3A_451, %get3A_450 : vector<16xf32>
        %add3A_453 = arith.addf %broadcast_in_dim3A_417, %mul3A_452 : vector<16xf32>
        %slice3A_454 = vector.extract_strided_slice %div3A {offsets = [4], sizes = [1], strides = [1]} : vector<16xf32> to vector<1xf32>
        %squeeze3A_455 = vector.extract %slice3A_454[0] : f32 from vector<1xf32>
        %get3A_456 = arith.index_cast %scan3A_232 : i32 to index
        %get3A_457 = arith.constant 144 : index
        %get3A_458 = tpu.vector_load %arg13[%get3A_456, %get3A_457] {strides = array<i32>} : memref<40x512xf32, #tpu.memory_space<vmem>>, vector<1x16xf32>,
        %get3A_459 = vector.shape_cast %get3A_458 : vector<1x16xf32> to vector<16xf32>
        %mul3A_460 = vector.broadcast %squeeze3A_455 : f32 to vector<16xf32>
        %mul3A_461 = arith.mulf %mul3A_460, %get3A_459 : vector<16xf32>
        %add3A_462 = arith.addf %add3A_426, %mul3A_461 : vector<16xf32>
        %slice3A_463 = vector.extract_strided_slice %div3A {offsets = [5], sizes = [1], strides = [1]} : vector<16xf32> to vector<1xf32>
        %squeeze3A_464 = vector.extract %slice3A_463[0] : f32 from vector<1xf32>
        %get3A_465 = arith.index_cast %scan3A_232 : i32 to index
        %get3A_466 = arith.constant 176 : index
        %get3A_467 = tpu.vector_load %arg13[%get3A_465, %get3A_466] {strides = array<i32>} : memref<40x512xf32, #tpu.memory_space<vmem>>, vector<1x16xf32>,
        %get3A_468 = vector.shape_cast %get3A_467 : vector<1x16xf32> to vector<16xf32>
        %mul3A_469 = vector.broadcast %squeeze3A_464 : f32 to vector<16xf32>
        %mul3A_470 = arith.mulf %mul3A_469, %get3A_468 : vector<16xf32>
        %add3A_471 = arith.addf %add3A_435, %mul3A_470 : vector<16xf32>
        %slice3A_472 = vector.extract_strided_slice %div3A {offsets = [6], sizes = [1], strides = [1]} : vector<16xf32> to vector<1xf32>
        %squeeze3A_473 = vector.extract %slice3A_472[0] : f32 from vector<1xf32>
        %get3A_474 = arith.index_cast %scan3A_232 : i32 to index
        %get3A_475 = arith.constant 208 : index
        %get3A_476 = tpu.vector_load %arg13[%get3A_474, %get3A_475] {strides = array<i32>} : memref<40x512xf32, #tpu.memory_space<vmem>>, vector<1x16xf32>,
        %get3A_477 = vector.shape_cast %get3A_476 : vector<1x16xf32> to vector<16xf32>
        %mul3A_478 = vector.broadcast %squeeze3A_473 : f32 to vector<16xf32>
        %mul3A_479 = arith.mulf %mul3A_478, %get3A_477 : vector<16xf32>
        %add3A_480 = arith.addf %add3A_444, %mul3A_479 : vector<16xf32>
        %slice3A_481 = vector.extract_strided_slice %div3A {offsets = [7], sizes = [1], strides = [1]} : vector<16xf32> to vector<1xf32>
        %squeeze3A_482 = vector.extract %slice3A_481[0] : f32 from vector<1xf32>
        %get3A_483 = arith.index_cast %scan3A_232 : i32 to index
        %get3A_484 = arith.constant 240 : index
        %get3A_485 = tpu.vector_load %arg13[%get3A_483, %get3A_484] {strides = array<i32>} : memref<40x512xf32, #tpu.memory_space<vmem>>, vector<1x16xf32>,
        %get3A_486 = vector.shape_cast %get3A_485 : vector<1x16xf32> to vector<16xf32>
        %mul3A_487 = vector.broadcast %squeeze3A_482 : f32 to vector<16xf32>
        %mul3A_488 = arith.mulf %mul3A_487, %get3A_486 : vector<16xf32>
        %add3A_489 = arith.addf %add3A_453, %mul3A_488 : vector<16xf32>
        %slice3A_490 = vector.extract_strided_slice %div3A {offsets = [8], sizes = [1], strides = [1]} : vector<16xf32> to vector<1xf32>
        %squeeze3A_491 = vector.extract %slice3A_490[0] : f32 from vector<1xf32>
        %get3A_492 = arith.index_cast %scan3A_232 : i32 to index
        %get3A_493 = arith.constant 272 : index
        %get3A_494 = tpu.vector_load %arg13[%get3A_492, %get3A_493] {strides = array<i32>} : memref<40x512xf32, #tpu.memory_space<vmem>>, vector<1x16xf32>,
        %get3A_495 = vector.shape_cast %get3A_494 : vector<1x16xf32> to vector<16xf32>
        %mul3A_496 = vector.broadcast %squeeze3A_491 : f32 to vector<16xf32>
        %mul3A_497 = arith.mulf %mul3A_496, %get3A_495 : vector<16xf32>
        %add3A_498 = arith.addf %add3A_462, %mul3A_497 : vector<16xf32>
        %slice3A_499 = vector.extract_strided_slice %div3A {offsets = [9], sizes = [1], strides = [1]} : vector<16xf32> to vector<1xf32>
        %squeeze3A_500 = vector.extract %slice3A_499[0] : f32 from vector<1xf32>
        %get3A_501 = arith.index_cast %scan3A_232 : i32 to index
        %get3A_502 = arith.constant 304 : index
        %get3A_503 = tpu.vector_load %arg13[%get3A_501, %get3A_502] {strides = array<i32>} : memref<40x512xf32, #tpu.memory_space<vmem>>, vector<1x16xf32>,
        %get3A_504 = vector.shape_cast %get3A_503 : vector<1x16xf32> to vector<16xf32>
        %mul3A_505 = vector.broadcast %squeeze3A_500 : f32 to vector<16xf32>
        %mul3A_506 = arith.mulf %mul3A_505, %get3A_504 : vector<16xf32>
        %add3A_507 = arith.addf %add3A_471, %mul3A_506 : vector<16xf32>
        %slice3A_508 = vector.extract_strided_slice %div3A {offsets = [10], sizes = [1], strides = [1]} : vector<16xf32> to vector<1xf32>
        %squeeze3A_509 = vector.extract %slice3A_508[0] : f32 from vector<1xf32>
        %get3A_510 = arith.index_cast %scan3A_232 : i32 to index
        %get3A_511 = arith.constant 336 : index
        %get3A_512 = tpu.vector_load %arg13[%get3A_510, %get3A_511] {strides = array<i32>} : memref<40x512xf32, #tpu.memory_space<vmem>>, vector<1x16xf32>,
        %get3A_513 = vector.shape_cast %get3A_512 : vector<1x16xf32> to vector<16xf32>
        %mul3A_514 = vector.broadcast %squeeze3A_509 : f32 to vector<16xf32>
        %mul3A_515 = arith.mulf %mul3A_514, %get3A_513 : vector<16xf32>
        %add3A_516 = arith.addf %add3A_480, %mul3A_515 : vector<16xf32>
        %slice3A_517 = vector.extract_strided_slice %div3A {offsets = [11], sizes = [1], strides = [1]} : vector<16xf32> to vector<1xf32>
        %squeeze3A_518 = vector.extract %slice3A_517[0] : f32 from vector<1xf32>
        %get3A_519 = arith.index_cast %scan3A_232 : i32 to index
        %get3A_520 = arith.constant 368 : index
        %get3A_521 = tpu.vector_load %arg13[%get3A_519, %get3A_520] {strides = array<i32>} : memref<40x512xf32, #tpu.memory_space<vmem>>, vector<1x16xf32>,
        %get3A_522 = vector.shape_cast %get3A_521 : vector<1x16xf32> to vector<16xf32>
        %mul3A_523 = vector.broadcast %squeeze3A_518 : f32 to vector<16xf32>
        %mul3A_524 = arith.mulf %mul3A_523, %get3A_522 : vector<16xf32>
        %add3A_525 = arith.addf %add3A_489, %mul3A_524 : vector<16xf32>
        %slice3A_526 = vector.extract_strided_slice %div3A {offsets = [12], sizes = [1], strides = [1]} : vector<16xf32> to vector<1xf32>
        %squeeze3A_527 = vector.extract %slice3A_526[0] : f32 from vector<1xf32>
        %get3A_528 = arith.index_cast %scan3A_232 : i32 to index
        %get3A_529 = arith.constant 400 : index
        %get3A_530 = tpu.vector_load %arg13[%get3A_528, %get3A_529] {strides = array<i32>} : memref<40x512xf32, #tpu.memory_space<vmem>>, vector<1x16xf32>,
        %get3A_531 = vector.shape_cast %get3A_530 : vector<1x16xf32> to vector<16xf32>
        %mul3A_532 = vector.broadcast %squeeze3A_527 : f32 to vector<16xf32>
        %mul3A_533 = arith.mulf %mul3A_532, %get3A_531 : vector<16xf32>
        %add3A_534 = arith.addf %add3A_498, %mul3A_533 : vector<16xf32>
        %slice3A_535 = vector.extract_strided_slice %div3A {offsets = [13], sizes = [1], strides = [1]} : vector<16xf32> to vector<1xf32>
        %squeeze3A_536 = vector.extract %slice3A_535[0] : f32 from vector<1xf32>
        %get3A_537 = arith.index_cast %scan3A_232 : i32 to index
        %get3A_538 = arith.constant 432 : index
        %get3A_539 = tpu.vector_load %arg13[%get3A_537, %get3A_538] {strides = array<i32>} : memref<40x512xf32, #tpu.memory_space<vmem>>, vector<1x16xf32>,
        %get3A_540 = vector.shape_cast %get3A_539 : vector<1x16xf32> to vector<16xf32>
        %mul3A_541 = vector.broadcast %squeeze3A_536 : f32 to vector<16xf32>
        %mul3A_542 = arith.mulf %mul3A_541, %get3A_540 : vector<16xf32>
        %add3A_543 = arith.addf %add3A_507, %mul3A_542 : vector<16xf32>
        %slice3A_544 = vector.extract_strided_slice %div3A {offsets = [14], sizes = [1], strides = [1]} : vector<16xf32> to vector<1xf32>
        %squeeze3A_545 = vector.extract %slice3A_544[0] : f32 from vector<1xf32>
        %get3A_546 = arith.index_cast %scan3A_232 : i32 to index
        %get3A_547 = arith.constant 464 : index
        %get3A_548 = tpu.vector_load %arg13[%get3A_546, %get3A_547] {strides = array<i32>} : memref<40x512xf32, #tpu.memory_space<vmem>>, vector<1x16xf32>,
        %get3A_549 = vector.shape_cast %get3A_548 : vector<1x16xf32> to vector<16xf32>
        %mul3A_550 = vector.broadcast %squeeze3A_545 : f32 to vector<16xf32>
        %mul3A_551 = arith.mulf %mul3A_550, %get3A_549 : vector<16xf32>
        %add3A_552 = arith.addf %add3A_516, %mul3A_551 : vector<16xf32>
        %slice3A_553 = vector.extract_strided_slice %div3A {offsets = [15], sizes = [1], strides = [1]} : vector<16xf32> to vector<1xf32>
        %squeeze3A_554 = vector.extract %slice3A_553[0] : f32 from vector<1xf32>
        %get3A_555 = arith.index_cast %scan3A_232 : i32 to index
        %get3A_556 = arith.constant 496 : index
        %get3A_557 = tpu.vector_load %arg13[%get3A_555, %get3A_556] {strides = array<i32>} : memref<40x512xf32, #tpu.memory_space<vmem>>, vector<1x16xf32>,
        %get3A_558 = vector.shape_cast %get3A_557 : vector<1x16xf32> to vector<16xf32>
        %mul3A_559 = vector.broadcast %squeeze3A_554 : f32 to vector<16xf32>
        %mul3A_560 = arith.mulf %mul3A_559, %get3A_558 : vector<16xf32>
        %add3A_561 = arith.addf %add3A_525, %mul3A_560 : vector<16xf32>
        %add3A_562 = arith.addf %add3A_534, %add3A_543 : vector<16xf32>
        %add3A_563 = arith.addf %add3A_552, %add3A_561 : vector<16xf32>
        %add3A_564 = arith.addf %add3A_562, %add3A_563 : vector<16xf32>
        %swap3A_565 = arith.index_cast %scan3A_232 : i32 to index
        %swap3A_566 = arith.constant 16 : index
        %swap3A_567 = tpu.vector_load %arg22[%swap3A_565, %swap3A_566] {strides = array<i32>} : memref<40x32xf32, #tpu.memory_space<vmem>>, vector<1x16xf32>,
        %swap3A_568 = vector.shape_cast %swap3A_567 : vector<1x16xf32> to vector<16xf32>
        %swap3A_569 = vector.shape_cast %add3A_564 : vector<16xf32> to vector<1x16xf32>
        tpu.vector_store %arg22[%swap3A_565, %swap3A_566], %swap3A_569 {strides = array<i32>} : memref<40x32xf32, #tpu.memory_space<vmem>>, vector<1x16xf32>,
      }
      %scan3A_160 = arith.constant 40 : i32
      "tpu.region"() ({
        %run_scoped3A_232 = tpu.sem_alloc : memref<!tpu.dma_semaphore, #tpu.memory_space<semaphore_mem>>
        %dma_start3A_233 = arith.constant 0 : i32
        %dma_start3A_234 = tpu.memref_slice %arg8[%add3A_154, %dma_start3A_233] : memref<160000x16xf32, #tpu.memory_space<hbm>> -> memref<40x16xf32, #tpu.memory_space<hbm>>
        %dma_start3A_235 = arith.constant 0 : i32
        %dma_start3A_236 = tpu.memref_slice %arg8[%add3A_154, %dma_start3A_235] : memref<160000x16xf32, #tpu.memory_space<hbm>> -> memref<40x16xf32, #tpu.memory_space<hbm>>
        tpu.enqueue_dma source(%arg21 : memref<40x16xf32, #tpu.memory_space<vmem>>) target(%dma_start3A_236 : memref<40x16xf32, #tpu.memory_space<hbm>>) target_semaphore(%run_scoped3A_232 : memref<!tpu.dma_semaphore, #tpu.memory_space<semaphore_mem>>)
        %dma_wait3A_237 = arith.constant 0 : i32
        %dma_wait3A_238 = tpu.memref_slice %arg8[%add3A_154, %dma_wait3A_237] : memref<160000x16xf32, #tpu.memory_space<hbm>> -> memref<40x16xf32, #tpu.memory_space<hbm>>
        %dma_wait3A_239 = arith.constant 0 : i32
        %dma_wait3A_240 = tpu.memref_slice %arg8[%add3A_154, %dma_wait3A_239] : memref<160000x16xf32, #tpu.memory_space<hbm>> -> memref<40x16xf32, #tpu.memory_space<hbm>>
        tpu.wait_dma2 semaphore(%run_scoped3A_232 : memref<!tpu.dma_semaphore, #tpu.memory_space<semaphore_mem>>) src(%arg21 : memref<40x16xf32, #tpu.memory_space<vmem>>) dst(%dma_wait3A_240 : memref<40x16xf32, #tpu.memory_space<hbm>>)
        tpu.yield
      }) : () -> ()
      "tpu.region"() ({
        %run_scoped3A_232 = tpu.sem_alloc : memref<!tpu.dma_semaphore, #tpu.memory_space<semaphore_mem>>
        %dma_start3A_233 = arith.constant 0 : i32
        %dma_start3A_234 = tpu.memref_slice %arg12[%mul3A_93, %dma_start3A_233] : memref<125x40xi32, #tpu.memory_space<vmem>> -> memref<1x40xi32, #tpu.memory_space<vmem>>
        %dma_start3A_235 = tpu.memref_squeeze %dma_start3A_234 : memref<1x40xi32, #tpu.memory_space<vmem>> -> memref<40xi32, #tpu.memory_space<vmem>>
        %dma_start3A_236 = arith.constant 0 : i32
        %dma_start3A_237 = arith.constant 0 : i32
        %dma_start3A_238 = tpu.memref_slice %arg24[%dma_start3A_236, %dma_start3A_237] : memref<10112x32xf32, #tpu.memory_space<vmem_shared>> -> memref<10112x32xf32, #tpu.memory_space<vmem_shared>>
        tpu.enqueue_indirect_dma source(%arg22 : memref<40x32xf32, #tpu.memory_space<vmem>>) target(%dma_start3A_238 : memref<10112x32xf32, #tpu.memory_space<vmem_shared>>) offsets(%dma_start3A_235 : memref<40xi32, #tpu.memory_space<vmem>>) semaphore(%run_scoped3A_232 : memref<!tpu.dma_semaphore, #tpu.memory_space<semaphore_mem>>) {add = true}
        %dma_wait3A_239 = arith.constant 0 : i32
        %dma_wait3A_240 = tpu.memref_slice %arg12[%mul3A_93, %dma_wait3A_239] : memref<125x40xi32, #tpu.memory_space<vmem>> -> memref<1x40xi32, #tpu.memory_space<vmem>>
        %dma_wait3A_241 = tpu.memref_squeeze %dma_wait3A_240 : memref<1x40xi32, #tpu.memory_space<vmem>> -> memref<40xi32, #tpu.memory_space<vmem>>
        %dma_wait3A_242 = arith.constant 0 : i32
        %dma_wait3A_243 = arith.constant 0 : i32
        %dma_wait3A_244 = tpu.memref_slice %arg24[%dma_wait3A_242, %dma_wait3A_243] : memref<10112x32xf32, #tpu.memory_space<vmem_shared>> -> memref<10112x32xf32, #tpu.memory_space<vmem_shared>>
        tpu.wait_indirect_dma semaphore(%run_scoped3A_232 : memref<!tpu.dma_semaphore, #tpu.memory_space<semaphore_mem>>) src(%arg22 : memref<40x32xf32, #tpu.memory_space<vmem>>) dst(%dma_wait3A_244 : memref<10112x32xf32, #tpu.memory_space<vmem_shared>>)
        tpu.yield
      }) : () -> ()
      %add3A_161 = arith.constant 1 : i32
      %add3A_162 = arith.addi %mul3A_93, %add3A_161 : i32
      %mul3A_163 = arith.constant 5000 : i32
      %mul3A_164 = arith.muli %add3A, %mul3A_163 : i32
      %mul3A_165 = arith.constant 40 : i32
      %mul3A_166 = arith.muli %add3A_162, %mul3A_165 : i32
      %add3A_167 = arith.addi %mul3A_164, %mul3A_166 : i32
      %dma_wait3A_168 = arith.constant 0 : i32
      %dma_wait3A_169 = tpu.memref_slice %arg11[%add3A_162, %dma_wait3A_168] : memref<125x40xi32, #tpu.memory_space<vmem>> -> memref<1x40xi32, #tpu.memory_space<vmem>>
      %dma_wait3A_170 = tpu.memref_squeeze %dma_wait3A_169 : memref<1x40xi32, #tpu.memory_space<vmem>> -> memref<40xi32, #tpu.memory_space<vmem>>
      %dma_wait3A_171 = arith.constant 0 : i32
      %dma_wait3A_172 = arith.constant 0 : i32
      %dma_wait3A_173 = tpu.memref_slice %arg2[%dma_wait3A_171, %dma_wait3A_172] : memref<10000x512xf32, #tpu.memory_space<hbm>> -> memref<10000x512xf32, #tpu.memory_space<hbm>>
      tpu.wait_indirect_dma semaphore(%arg26 : memref<!tpu.dma_semaphore, #tpu.memory_space<semaphore_mem>>) src(%dma_wait3A_173 : memref<10000x512xf32, #tpu.memory_space<hbm>>) dst(%arg14 : memref<40x512xf32, #tpu.memory_space<vmem>>)
      %dma_wait3A_174 = arith.constant 0 : i32
      %dma_wait3A_175 = tpu.memref_slice %arg5[%add3A_167, %dma_wait3A_174] : memref<160000x16xf32, #tpu.memory_space<hbm>> -> memref<40x16xf32, #tpu.memory_space<hbm>>
      %dma_wait3A_176 = arith.constant 0 : i32
      %dma_wait3A_177 = tpu.memref_slice %arg5[%add3A_167, %dma_wait3A_176] : memref<160000x16xf32, #tpu.memory_space<hbm>> -> memref<40x16xf32, #tpu.memory_space<hbm>>
      tpu.wait_dma2 semaphore(%arg28 : memref<!tpu.dma_semaphore, #tpu.memory_space<semaphore_mem>>) src(%dma_wait3A_177 : memref<40x16xf32, #tpu.memory_space<hbm>>) dst(%arg16 : memref<40x16xf32, #tpu.memory_space<vmem>>)
      %dma_wait3A_178 = arith.constant 0 : i32
      %dma_wait3A_179 = tpu.memref_slice %arg12[%add3A_162, %dma_wait3A_178] : memref<125x40xi32, #tpu.memory_space<vmem>> -> memref<1x40xi32, #tpu.memory_space<vmem>>
      %dma_wait3A_180 = tpu.memref_squeeze %dma_wait3A_179 : memref<1x40xi32, #tpu.memory_space<vmem>> -> memref<40xi32, #tpu.memory_space<vmem>>
      %dma_wait3A_181 = arith.constant 0 : i32
      %dma_wait3A_182 = arith.constant 0 : i32
      %dma_wait3A_183 = tpu.memref_slice %arg6[%dma_wait3A_181, %dma_wait3A_182] : memref<10112x16xf32, #tpu.memory_space<hbm>> -> memref<10112x16xf32, #tpu.memory_space<hbm>>
      tpu.wait_indirect_dma semaphore(%arg28 : memref<!tpu.dma_semaphore, #tpu.memory_space<semaphore_mem>>) src(%dma_wait3A_183 : memref<10112x16xf32, #tpu.memory_space<hbm>>) dst(%arg18 : memref<40x16xf32, #tpu.memory_space<vmem>>)
      %dma_wait3A_184 = arith.constant 0 : i32
      %dma_wait3A_185 = tpu.memref_slice %arg12[%add3A_162, %dma_wait3A_184] : memref<125x40xi32, #tpu.memory_space<vmem>> -> memref<1x40xi32, #tpu.memory_space<vmem>>
      %dma_wait3A_186 = tpu.memref_squeeze %dma_wait3A_185 : memref<1x40xi32, #tpu.memory_space<vmem>> -> memref<40xi32, #tpu.memory_space<vmem>>
      %dma_wait3A_187 = arith.constant 0 : i32
      %dma_wait3A_188 = arith.constant 0 : i32
      %dma_wait3A_189 = tpu.memref_slice %arg7[%dma_wait3A_187, %dma_wait3A_188] : memref<10112x16xf32, #tpu.memory_space<hbm>> -> memref<10112x16xf32, #tpu.memory_space<hbm>>
      tpu.wait_indirect_dma semaphore(%arg28 : memref<!tpu.dma_semaphore, #tpu.memory_space<semaphore_mem>>) src(%dma_wait3A_189 : memref<10112x16xf32, #tpu.memory_space<hbm>>) dst(%arg20 : memref<40x16xf32, #tpu.memory_space<vmem>>)
      %add3A_190 = arith.constant 2 : i32
      %add3A_191 = arith.addi %mul3A_93, %add3A_190 : i32
      %mul3A_192 = arith.constant 5000 : i32
      %mul3A_193 = arith.muli %add3A, %mul3A_192 : i32
      %mul3A_194 = arith.constant 40 : i32
      %mul3A_195 = arith.muli %add3A_191, %mul3A_194 : i32
      %add3A_196 = arith.addi %mul3A_193, %mul3A_195 : i32
      %dma_start3A_197 = arith.constant 0 : i32
      %dma_start3A_198 = tpu.memref_slice %arg11[%add3A_191, %dma_start3A_197] : memref<125x40xi32, #tpu.memory_space<vmem>> -> memref<1x40xi32, #tpu.memory_space<vmem>>
      %dma_start3A_199 = tpu.memref_squeeze %dma_start3A_198 : memref<1x40xi32, #tpu.memory_space<vmem>> -> memref<40xi32, #tpu.memory_space<vmem>>
      %dma_start3A_200 = arith.constant 0 : i32
      %dma_start3A_201 = arith.constant 0 : i32
      %dma_start3A_202 = tpu.memref_slice %arg2[%dma_start3A_200, %dma_start3A_201] : memref<10000x512xf32, #tpu.memory_space<hbm>> -> memref<10000x512xf32, #tpu.memory_space<hbm>>
      tpu.enqueue_indirect_dma source(%dma_start3A_202 : memref<10000x512xf32, #tpu.memory_space<hbm>>) target(%arg13 : memref<40x512xf32, #tpu.memory_space<vmem>>) offsets(%dma_start3A_199 : memref<40xi32, #tpu.memory_space<vmem>>) semaphore(%arg25 : memref<!tpu.dma_semaphore, #tpu.memory_space<semaphore_mem>>)
      %dma_start3A_203 = arith.constant 0 : i32
      %dma_start3A_204 = tpu.memref_slice %arg5[%add3A_196, %dma_start3A_203] : memref<160000x16xf32, #tpu.memory_space<hbm>> -> memref<40x16xf32, #tpu.memory_space<hbm>>
      %dma_start3A_205 = arith.constant 0 : i32
      %dma_start3A_206 = tpu.memref_slice %arg5[%add3A_196, %dma_start3A_205] : memref<160000x16xf32, #tpu.memory_space<hbm>> -> memref<40x16xf32, #tpu.memory_space<hbm>>
      tpu.enqueue_dma source(%dma_start3A_206 : memref<40x16xf32, #tpu.memory_space<hbm>>) target(%arg15 : memref<40x16xf32, #tpu.memory_space<vmem>>) target_semaphore(%arg27 : memref<!tpu.dma_semaphore, #tpu.memory_space<semaphore_mem>>)
      %dma_start3A_207 = arith.constant 0 : i32
      %dma_start3A_208 = tpu.memref_slice %arg12[%add3A_191, %dma_start3A_207] : memref<125x40xi32, #tpu.memory_space<vmem>> -> memref<1x40xi32, #tpu.memory_space<vmem>>
      %dma_start3A_209 = tpu.memref_squeeze %dma_start3A_208 : memref<1x40xi32, #tpu.memory_space<vmem>> -> memref<40xi32, #tpu.memory_space<vmem>>
      %dma_start3A_210 = arith.constant 0 : i32
      %dma_start3A_211 = arith.constant 0 : i32
      %dma_start3A_212 = tpu.memref_slice %arg6[%dma_start3A_210, %dma_start3A_211] : memref<10112x16xf32, #tpu.memory_space<hbm>> -> memref<10112x16xf32, #tpu.memory_space<hbm>>
      tpu.enqueue_indirect_dma source(%dma_start3A_212 : memref<10112x16xf32, #tpu.memory_space<hbm>>) target(%arg17 : memref<40x16xf32, #tpu.memory_space<vmem>>) offsets(%dma_start3A_209 : memref<40xi32, #tpu.memory_space<vmem>>) semaphore(%arg27 : memref<!tpu.dma_semaphore, #tpu.memory_space<semaphore_mem>>)
      %dma_start3A_213 = arith.constant 0 : i32
      %dma_start3A_214 = tpu.memref_slice %arg12[%add3A_191, %dma_start3A_213] : memref<125x40xi32, #tpu.memory_space<vmem>> -> memref<1x40xi32, #tpu.memory_space<vmem>>
      %dma_start3A_215 = tpu.memref_squeeze %dma_start3A_214 : memref<1x40xi32, #tpu.memory_space<vmem>> -> memref<40xi32, #tpu.memory_space<vmem>>
      %dma_start3A_216 = arith.constant 0 : i32
      %dma_start3A_217 = arith.constant 0 : i32
      %dma_start3A_218 = tpu.memref_slice %arg7[%dma_start3A_216, %dma_start3A_217] : memref<10112x16xf32, #tpu.memory_space<hbm>> -> memref<10112x16xf32, #tpu.memory_space<hbm>>
      tpu.enqueue_indirect_dma source(%dma_start3A_218 : memref<10112x16xf32, #tpu.memory_space<hbm>>) target(%arg19 : memref<40x16xf32, #tpu.memory_space<vmem>>) offsets(%dma_start3A_215 : memref<40xi32, #tpu.memory_space<vmem>>) semaphore(%arg27 : memref<!tpu.dma_semaphore, #tpu.memory_space<semaphore_mem>>)
      %add3A_219 = arith.constant 1 : i32
      %add3A_220 = arith.addi %mul3A_93, %add3A_219 : i32
      %mul3A_221 = arith.constant 5000 : i32
      %mul3A_222 = arith.muli %add3A, %mul3A_221 : i32
      %mul3A_223 = arith.constant 40 : i32
      %mul3A_224 = arith.muli %add3A_220, %mul3A_223 : i32
      %add3A_225 = arith.addi %mul3A_222, %mul3A_224 : i32
      %scan3A_226 = arith.constant 0 : i32
      %scan3A_227 = arith.constant 0 : i32
      %scan3A_228 = arith.constant 40 : i32
      %scan3A_229 = arith.addi %scan3A_227, %scan3A_228 : i32
      %scan3A_230 = arith.constant 1 : i32
      scf.for %scan3A_232 = %scan3A_227 to %scan3A_229 step %scan3A_230  : i32 {
        %get3A = arith.index_cast %scan3A_232 : i32 to index
        %get3A_233 = arith.constant 0 : index
        %get3A_234 = tpu.vector_load %arg18[%get3A, %get3A_233] {strides = array<i32>} : memref<40x16xf32, #tpu.memory_space<vmem>>, vector<1x16xf32>,
        %get3A_235 = vector.shape_cast %get3A_234 : vector<1x16xf32> to vector<16xf32>
        %get3A_236 = arith.index_cast %scan3A_232 : i32 to index
        %get3A_237 = arith.constant 0 : index
        %get3A_238 = tpu.vector_load %arg20[%get3A_236, %get3A_237] {strides = array<i32>} : memref<40x16xf32, #tpu.memory_space<vmem>>, vector<1x16xf32>,
        %get3A_239 = vector.shape_cast %get3A_238 : vector<1x16xf32> to vector<16xf32>
        %add3A_240 = arith.addf %get3A_235, %get3A_239 : vector<16xf32>
        %get3A_241 = arith.index_cast %scan3A_232 : i32 to index
        %get3A_242 = arith.constant 0 : index
        %get3A_243 = tpu.vector_load %arg16[%get3A_241, %get3A_242] {strides = array<i32>} : memref<40x16xf32, #tpu.memory_space<vmem>>, vector<1x16xf32>,
        %get3A_244 = vector.shape_cast %get3A_243 : vector<1x16xf32> to vector<16xf32>
        %add3A_245 = arith.constant 1.000000e-16 : f32
        %add3A_246 = vector.broadcast %add3A_245 : f32 to vector<16xf32>
        %add3A_247 = arith.addf %add3A_240, %add3A_246 : vector<16xf32>
        %div3A = arith.divf %get3A_244, %add3A_247 : vector<16xf32>
        %swap3A = arith.index_cast %scan3A_232 : i32 to index
        %swap3A_248 = arith.constant 0 : index
        %swap3A_249 = tpu.vector_load %arg21[%swap3A, %swap3A_248] {strides = array<i32>} : memref<40x16xf32, #tpu.memory_space<vmem>>, vector<1x16xf32>,
        %swap3A_250 = vector.shape_cast %swap3A_249 : vector<1x16xf32> to vector<16xf32>
        %swap3A_251 = vector.shape_cast %div3A : vector<16xf32> to vector<1x16xf32>
        tpu.vector_store %arg21[%swap3A, %swap3A_248], %swap3A_251 {strides = array<i32>} : memref<40x16xf32, #tpu.memory_space<vmem>>, vector<1x16xf32>,
        %broadcast_in_dim3A_252 = arith.constant 0.000000e+00 : f32
        %broadcast_in_dim3A_253 = vector.broadcast %broadcast_in_dim3A_252 : f32 to vector<16xf32>
        %broadcast_in_dim3A_254 = arith.constant 0.000000e+00 : f32
        %broadcast_in_dim3A_255 = vector.broadcast %broadcast_in_dim3A_254 : f32 to vector<16xf32>
        %broadcast_in_dim3A_256 = arith.constant 0.000000e+00 : f32
        %broadcast_in_dim3A_257 = vector.broadcast %broadcast_in_dim3A_256 : f32 to vector<16xf32>
        %broadcast_in_dim3A_258 = arith.constant 0.000000e+00 : f32
        %broadcast_in_dim3A_259 = vector.broadcast %broadcast_in_dim3A_258 : f32 to vector<16xf32>
        %slice3A = vector.extract_strided_slice %div3A {offsets = [0], sizes = [1], strides = [1]} : vector<16xf32> to vector<1xf32>
        %squeeze3A = vector.extract %slice3A[0] : f32 from vector<1xf32>
        %get3A_260 = arith.index_cast %scan3A_232 : i32 to index
        %get3A_261 = arith.constant 0 : index
        %get3A_262 = tpu.vector_load %arg14[%get3A_260, %get3A_261] {strides = array<i32>} : memref<40x512xf32, #tpu.memory_space<vmem>>, vector<1x16xf32>,
        %get3A_263 = vector.shape_cast %get3A_262 : vector<1x16xf32> to vector<16xf32>
        %mul3A_264 = vector.broadcast %squeeze3A : f32 to vector<16xf32>
        %mul3A_265 = arith.mulf %mul3A_264, %get3A_263 : vector<16xf32>
        %add3A_266 = arith.addf %broadcast_in_dim3A_253, %mul3A_265 : vector<16xf32>
        %slice3A_267 = vector.extract_strided_slice %div3A {offsets = [1], sizes = [1], strides = [1]} : vector<16xf32> to vector<1xf32>
        %squeeze3A_268 = vector.extract %slice3A_267[0] : f32 from vector<1xf32>
        %get3A_269 = arith.index_cast %scan3A_232 : i32 to index
        %get3A_270 = arith.constant 32 : index
        %get3A_271 = tpu.vector_load %arg14[%get3A_269, %get3A_270] {strides = array<i32>} : memref<40x512xf32, #tpu.memory_space<vmem>>, vector<1x16xf32>,
        %get3A_272 = vector.shape_cast %get3A_271 : vector<1x16xf32> to vector<16xf32>
        %mul3A_273 = vector.broadcast %squeeze3A_268 : f32 to vector<16xf32>
        %mul3A_274 = arith.mulf %mul3A_273, %get3A_272 : vector<16xf32>
        %add3A_275 = arith.addf %broadcast_in_dim3A_255, %mul3A_274 : vector<16xf32>
        %slice3A_276 = vector.extract_strided_slice %div3A {offsets = [2], sizes = [1], strides = [1]} : vector<16xf32> to vector<1xf32>
        %squeeze3A_277 = vector.extract %slice3A_276[0] : f32 from vector<1xf32>
        %get3A_278 = arith.index_cast %scan3A_232 : i32 to index
        %get3A_279 = arith.constant 64 : index
        %get3A_280 = tpu.vector_load %arg14[%get3A_278, %get3A_279] {strides = array<i32>} : memref<40x512xf32, #tpu.memory_space<vmem>>, vector<1x16xf32>,
        %get3A_281 = vector.shape_cast %get3A_280 : vector<1x16xf32> to vector<16xf32>
        %mul3A_282 = vector.broadcast %squeeze3A_277 : f32 to vector<16xf32>
        %mul3A_283 = arith.mulf %mul3A_282, %get3A_281 : vector<16xf32>
        %add3A_284 = arith.addf %broadcast_in_dim3A_257, %mul3A_283 : vector<16xf32>
        %slice3A_285 = vector.extract_strided_slice %div3A {offsets = [3], sizes = [1], strides = [1]} : vector<16xf32> to vector<1xf32>
        %squeeze3A_286 = vector.extract %slice3A_285[0] : f32 from vector<1xf32>
        %get3A_287 = arith.index_cast %scan3A_232 : i32 to index
        %get3A_288 = arith.constant 96 : index
        %get3A_289 = tpu.vector_load %arg14[%get3A_287, %get3A_288] {strides = array<i32>} : memref<40x512xf32, #tpu.memory_space<vmem>>, vector<1x16xf32>,
        %get3A_290 = vector.shape_cast %get3A_289 : vector<1x16xf32> to vector<16xf32>
        %mul3A_291 = vector.broadcast %squeeze3A_286 : f32 to vector<16xf32>
        %mul3A_292 = arith.mulf %mul3A_291, %get3A_290 : vector<16xf32>
        %add3A_293 = arith.addf %broadcast_in_dim3A_259, %mul3A_292 : vector<16xf32>
        %slice3A_294 = vector.extract_strided_slice %div3A {offsets = [4], sizes = [1], strides = [1]} : vector<16xf32> to vector<1xf32>
        %squeeze3A_295 = vector.extract %slice3A_294[0] : f32 from vector<1xf32>
        %get3A_296 = arith.index_cast %scan3A_232 : i32 to index
        %get3A_297 = arith.constant 128 : index
        %get3A_298 = tpu.vector_load %arg14[%get3A_296, %get3A_297] {strides = array<i32>} : memref<40x512xf32, #tpu.memory_space<vmem>>, vector<1x16xf32>,
        %get3A_299 = vector.shape_cast %get3A_298 : vector<1x16xf32> to vector<16xf32>
        %mul3A_300 = vector.broadcast %squeeze3A_295 : f32 to vector<16xf32>
        %mul3A_301 = arith.mulf %mul3A_300, %get3A_299 : vector<16xf32>
        %add3A_302 = arith.addf %add3A_266, %mul3A_301 : vector<16xf32>
        %slice3A_303 = vector.extract_strided_slice %div3A {offsets = [5], sizes = [1], strides = [1]} : vector<16xf32> to vector<1xf32>
        %squeeze3A_304 = vector.extract %slice3A_303[0] : f32 from vector<1xf32>
        %get3A_305 = arith.index_cast %scan3A_232 : i32 to index
        %get3A_306 = arith.constant 160 : index
        %get3A_307 = tpu.vector_load %arg14[%get3A_305, %get3A_306] {strides = array<i32>} : memref<40x512xf32, #tpu.memory_space<vmem>>, vector<1x16xf32>,
        %get3A_308 = vector.shape_cast %get3A_307 : vector<1x16xf32> to vector<16xf32>
        %mul3A_309 = vector.broadcast %squeeze3A_304 : f32 to vector<16xf32>
        %mul3A_310 = arith.mulf %mul3A_309, %get3A_308 : vector<16xf32>
        %add3A_311 = arith.addf %add3A_275, %mul3A_310 : vector<16xf32>
        %slice3A_312 = vector.extract_strided_slice %div3A {offsets = [6], sizes = [1], strides = [1]} : vector<16xf32> to vector<1xf32>
        %squeeze3A_313 = vector.extract %slice3A_312[0] : f32 from vector<1xf32>
        %get3A_314 = arith.index_cast %scan3A_232 : i32 to index
        %get3A_315 = arith.constant 192 : index
        %get3A_316 = tpu.vector_load %arg14[%get3A_314, %get3A_315] {strides = array<i32>} : memref<40x512xf32, #tpu.memory_space<vmem>>, vector<1x16xf32>,
        %get3A_317 = vector.shape_cast %get3A_316 : vector<1x16xf32> to vector<16xf32>
        %mul3A_318 = vector.broadcast %squeeze3A_313 : f32 to vector<16xf32>
        %mul3A_319 = arith.mulf %mul3A_318, %get3A_317 : vector<16xf32>
        %add3A_320 = arith.addf %add3A_284, %mul3A_319 : vector<16xf32>
        %slice3A_321 = vector.extract_strided_slice %div3A {offsets = [7], sizes = [1], strides = [1]} : vector<16xf32> to vector<1xf32>
        %squeeze3A_322 = vector.extract %slice3A_321[0] : f32 from vector<1xf32>
        %get3A_323 = arith.index_cast %scan3A_232 : i32 to index
        %get3A_324 = arith.constant 224 : index
        %get3A_325 = tpu.vector_load %arg14[%get3A_323, %get3A_324] {strides = array<i32>} : memref<40x512xf32, #tpu.memory_space<vmem>>, vector<1x16xf32>,
        %get3A_326 = vector.shape_cast %get3A_325 : vector<1x16xf32> to vector<16xf32>
        %mul3A_327 = vector.broadcast %squeeze3A_322 : f32 to vector<16xf32>
        %mul3A_328 = arith.mulf %mul3A_327, %get3A_326 : vector<16xf32>
        %add3A_329 = arith.addf %add3A_293, %mul3A_328 : vector<16xf32>
        %slice3A_330 = vector.extract_strided_slice %div3A {offsets = [8], sizes = [1], strides = [1]} : vector<16xf32> to vector<1xf32>
        %squeeze3A_331 = vector.extract %slice3A_330[0] : f32 from vector<1xf32>
        %get3A_332 = arith.index_cast %scan3A_232 : i32 to index
        %get3A_333 = arith.constant 256 : index
        %get3A_334 = tpu.vector_load %arg14[%get3A_332, %get3A_333] {strides = array<i32>} : memref<40x512xf32, #tpu.memory_space<vmem>>, vector<1x16xf32>,
        %get3A_335 = vector.shape_cast %get3A_334 : vector<1x16xf32> to vector<16xf32>
        %mul3A_336 = vector.broadcast %squeeze3A_331 : f32 to vector<16xf32>
        %mul3A_337 = arith.mulf %mul3A_336, %get3A_335 : vector<16xf32>
        %add3A_338 = arith.addf %add3A_302, %mul3A_337 : vector<16xf32>
        %slice3A_339 = vector.extract_strided_slice %div3A {offsets = [9], sizes = [1], strides = [1]} : vector<16xf32> to vector<1xf32>
        %squeeze3A_340 = vector.extract %slice3A_339[0] : f32 from vector<1xf32>
        %get3A_341 = arith.index_cast %scan3A_232 : i32 to index
        %get3A_342 = arith.constant 288 : index
        %get3A_343 = tpu.vector_load %arg14[%get3A_341, %get3A_342] {strides = array<i32>} : memref<40x512xf32, #tpu.memory_space<vmem>>, vector<1x16xf32>,
        %get3A_344 = vector.shape_cast %get3A_343 : vector<1x16xf32> to vector<16xf32>
        %mul3A_345 = vector.broadcast %squeeze3A_340 : f32 to vector<16xf32>
        %mul3A_346 = arith.mulf %mul3A_345, %get3A_344 : vector<16xf32>
        %add3A_347 = arith.addf %add3A_311, %mul3A_346 : vector<16xf32>
        %slice3A_348 = vector.extract_strided_slice %div3A {offsets = [10], sizes = [1], strides = [1]} : vector<16xf32> to vector<1xf32>
        %squeeze3A_349 = vector.extract %slice3A_348[0] : f32 from vector<1xf32>
        %get3A_350 = arith.index_cast %scan3A_232 : i32 to index
        %get3A_351 = arith.constant 320 : index
        %get3A_352 = tpu.vector_load %arg14[%get3A_350, %get3A_351] {strides = array<i32>} : memref<40x512xf32, #tpu.memory_space<vmem>>, vector<1x16xf32>,
        %get3A_353 = vector.shape_cast %get3A_352 : vector<1x16xf32> to vector<16xf32>
        %mul3A_354 = vector.broadcast %squeeze3A_349 : f32 to vector<16xf32>
        %mul3A_355 = arith.mulf %mul3A_354, %get3A_353 : vector<16xf32>
        %add3A_356 = arith.addf %add3A_320, %mul3A_355 : vector<16xf32>
        %slice3A_357 = vector.extract_strided_slice %div3A {offsets = [11], sizes = [1], strides = [1]} : vector<16xf32> to vector<1xf32>
        %squeeze3A_358 = vector.extract %slice3A_357[0] : f32 from vector<1xf32>
        %get3A_359 = arith.index_cast %scan3A_232 : i32 to index
        %get3A_360 = arith.constant 352 : index
        %get3A_361 = tpu.vector_load %arg14[%get3A_359, %get3A_360] {strides = array<i32>} : memref<40x512xf32, #tpu.memory_space<vmem>>, vector<1x16xf32>,
        %get3A_362 = vector.shape_cast %get3A_361 : vector<1x16xf32> to vector<16xf32>
        %mul3A_363 = vector.broadcast %squeeze3A_358 : f32 to vector<16xf32>
        %mul3A_364 = arith.mulf %mul3A_363, %get3A_362 : vector<16xf32>
        %add3A_365 = arith.addf %add3A_329, %mul3A_364 : vector<16xf32>
        %slice3A_366 = vector.extract_strided_slice %div3A {offsets = [12], sizes = [1], strides = [1]} : vector<16xf32> to vector<1xf32>
        %squeeze3A_367 = vector.extract %slice3A_366[0] : f32 from vector<1xf32>
        %get3A_368 = arith.index_cast %scan3A_232 : i32 to index
        %get3A_369 = arith.constant 384 : index
        %get3A_370 = tpu.vector_load %arg14[%get3A_368, %get3A_369] {strides = array<i32>} : memref<40x512xf32, #tpu.memory_space<vmem>>, vector<1x16xf32>,
        %get3A_371 = vector.shape_cast %get3A_370 : vector<1x16xf32> to vector<16xf32>
        %mul3A_372 = vector.broadcast %squeeze3A_367 : f32 to vector<16xf32>
        %mul3A_373 = arith.mulf %mul3A_372, %get3A_371 : vector<16xf32>
        %add3A_374 = arith.addf %add3A_338, %mul3A_373 : vector<16xf32>
        %slice3A_375 = vector.extract_strided_slice %div3A {offsets = [13], sizes = [1], strides = [1]} : vector<16xf32> to vector<1xf32>
        %squeeze3A_376 = vector.extract %slice3A_375[0] : f32 from vector<1xf32>
        %get3A_377 = arith.index_cast %scan3A_232 : i32 to index
        %get3A_378 = arith.constant 416 : index
        %get3A_379 = tpu.vector_load %arg14[%get3A_377, %get3A_378] {strides = array<i32>} : memref<40x512xf32, #tpu.memory_space<vmem>>, vector<1x16xf32>,
        %get3A_380 = vector.shape_cast %get3A_379 : vector<1x16xf32> to vector<16xf32>
        %mul3A_381 = vector.broadcast %squeeze3A_376 : f32 to vector<16xf32>
        %mul3A_382 = arith.mulf %mul3A_381, %get3A_380 : vector<16xf32>
        %add3A_383 = arith.addf %add3A_347, %mul3A_382 : vector<16xf32>
        %slice3A_384 = vector.extract_strided_slice %div3A {offsets = [14], sizes = [1], strides = [1]} : vector<16xf32> to vector<1xf32>
        %squeeze3A_385 = vector.extract %slice3A_384[0] : f32 from vector<1xf32>
        %get3A_386 = arith.index_cast %scan3A_232 : i32 to index
        %get3A_387 = arith.constant 448 : index
        %get3A_388 = tpu.vector_load %arg14[%get3A_386, %get3A_387] {strides = array<i32>} : memref<40x512xf32, #tpu.memory_space<vmem>>, vector<1x16xf32>,
        %get3A_389 = vector.shape_cast %get3A_388 : vector<1x16xf32> to vector<16xf32>
        %mul3A_390 = vector.broadcast %squeeze3A_385 : f32 to vector<16xf32>
        %mul3A_391 = arith.mulf %mul3A_390, %get3A_389 : vector<16xf32>
        %add3A_392 = arith.addf %add3A_356, %mul3A_391 : vector<16xf32>
        %slice3A_393 = vector.extract_strided_slice %div3A {offsets = [15], sizes = [1], strides = [1]} : vector<16xf32> to vector<1xf32>
        %squeeze3A_394 = vector.extract %slice3A_393[0] : f32 from vector<1xf32>
        %get3A_395 = arith.index_cast %scan3A_232 : i32 to index
        %get3A_396 = arith.constant 480 : index
        %get3A_397 = tpu.vector_load %arg14[%get3A_395, %get3A_396] {strides = array<i32>} : memref<40x512xf32, #tpu.memory_space<vmem>>, vector<1x16xf32>,
        %get3A_398 = vector.shape_cast %get3A_397 : vector<1x16xf32> to vector<16xf32>
        %mul3A_399 = vector.broadcast %squeeze3A_394 : f32 to vector<16xf32>
        %mul3A_400 = arith.mulf %mul3A_399, %get3A_398 : vector<16xf32>
        %add3A_401 = arith.addf %add3A_365, %mul3A_400 : vector<16xf32>
        %add3A_402 = arith.addf %add3A_374, %add3A_383 : vector<16xf32>
        %add3A_403 = arith.addf %add3A_392, %add3A_401 : vector<16xf32>
        %add3A_404 = arith.addf %add3A_402, %add3A_403 : vector<16xf32>
        %swap3A_405 = arith.index_cast %scan3A_232 : i32 to index
        %swap3A_406 = arith.constant 0 : index
        %swap3A_407 = tpu.vector_load %arg22[%swap3A_405, %swap3A_406] {strides = array<i32>} : memref<40x32xf32, #tpu.memory_space<vmem>>, vector<1x16xf32>,
        %swap3A_408 = vector.shape_cast %swap3A_407 : vector<1x16xf32> to vector<16xf32>
        %swap3A_409 = vector.shape_cast %add3A_404 : vector<16xf32> to vector<1x16xf32>
        tpu.vector_store %arg22[%swap3A_405, %swap3A_406], %swap3A_409 {strides = array<i32>} : memref<40x32xf32, #tpu.memory_space<vmem>>, vector<1x16xf32>,
        %broadcast_in_dim3A_410 = arith.constant 0.000000e+00 : f32
        %broadcast_in_dim3A_411 = vector.broadcast %broadcast_in_dim3A_410 : f32 to vector<16xf32>
        %broadcast_in_dim3A_412 = arith.constant 0.000000e+00 : f32
        %broadcast_in_dim3A_413 = vector.broadcast %broadcast_in_dim3A_412 : f32 to vector<16xf32>
        %broadcast_in_dim3A_414 = arith.constant 0.000000e+00 : f32
        %broadcast_in_dim3A_415 = vector.broadcast %broadcast_in_dim3A_414 : f32 to vector<16xf32>
        %broadcast_in_dim3A_416 = arith.constant 0.000000e+00 : f32
        %broadcast_in_dim3A_417 = vector.broadcast %broadcast_in_dim3A_416 : f32 to vector<16xf32>
        %slice3A_418 = vector.extract_strided_slice %div3A {offsets = [0], sizes = [1], strides = [1]} : vector<16xf32> to vector<1xf32>
        %squeeze3A_419 = vector.extract %slice3A_418[0] : f32 from vector<1xf32>
        %get3A_420 = arith.index_cast %scan3A_232 : i32 to index
        %get3A_421 = arith.constant 16 : index
        %get3A_422 = tpu.vector_load %arg14[%get3A_420, %get3A_421] {strides = array<i32>} : memref<40x512xf32, #tpu.memory_space<vmem>>, vector<1x16xf32>,
        %get3A_423 = vector.shape_cast %get3A_422 : vector<1x16xf32> to vector<16xf32>
        %mul3A_424 = vector.broadcast %squeeze3A_419 : f32 to vector<16xf32>
        %mul3A_425 = arith.mulf %mul3A_424, %get3A_423 : vector<16xf32>
        %add3A_426 = arith.addf %broadcast_in_dim3A_411, %mul3A_425 : vector<16xf32>
        %slice3A_427 = vector.extract_strided_slice %div3A {offsets = [1], sizes = [1], strides = [1]} : vector<16xf32> to vector<1xf32>
        %squeeze3A_428 = vector.extract %slice3A_427[0] : f32 from vector<1xf32>
        %get3A_429 = arith.index_cast %scan3A_232 : i32 to index
        %get3A_430 = arith.constant 48 : index
        %get3A_431 = tpu.vector_load %arg14[%get3A_429, %get3A_430] {strides = array<i32>} : memref<40x512xf32, #tpu.memory_space<vmem>>, vector<1x16xf32>,
        %get3A_432 = vector.shape_cast %get3A_431 : vector<1x16xf32> to vector<16xf32>
        %mul3A_433 = vector.broadcast %squeeze3A_428 : f32 to vector<16xf32>
        %mul3A_434 = arith.mulf %mul3A_433, %get3A_432 : vector<16xf32>
        %add3A_435 = arith.addf %broadcast_in_dim3A_413, %mul3A_434 : vector<16xf32>
        %slice3A_436 = vector.extract_strided_slice %div3A {offsets = [2], sizes = [1], strides = [1]} : vector<16xf32> to vector<1xf32>
        %squeeze3A_437 = vector.extract %slice3A_436[0] : f32 from vector<1xf32>
        %get3A_438 = arith.index_cast %scan3A_232 : i32 to index
        %get3A_439 = arith.constant 80 : index
        %get3A_440 = tpu.vector_load %arg14[%get3A_438, %get3A_439] {strides = array<i32>} : memref<40x512xf32, #tpu.memory_space<vmem>>, vector<1x16xf32>,
        %get3A_441 = vector.shape_cast %get3A_440 : vector<1x16xf32> to vector<16xf32>
        %mul3A_442 = vector.broadcast %squeeze3A_437 : f32 to vector<16xf32>
        %mul3A_443 = arith.mulf %mul3A_442, %get3A_441 : vector<16xf32>
        %add3A_444 = arith.addf %broadcast_in_dim3A_415, %mul3A_443 : vector<16xf32>
        %slice3A_445 = vector.extract_strided_slice %div3A {offsets = [3], sizes = [1], strides = [1]} : vector<16xf32> to vector<1xf32>
        %squeeze3A_446 = vector.extract %slice3A_445[0] : f32 from vector<1xf32>
        %get3A_447 = arith.index_cast %scan3A_232 : i32 to index
        %get3A_448 = arith.constant 112 : index
        %get3A_449 = tpu.vector_load %arg14[%get3A_447, %get3A_448] {strides = array<i32>} : memref<40x512xf32, #tpu.memory_space<vmem>>, vector<1x16xf32>,
        %get3A_450 = vector.shape_cast %get3A_449 : vector<1x16xf32> to vector<16xf32>
        %mul3A_451 = vector.broadcast %squeeze3A_446 : f32 to vector<16xf32>
        %mul3A_452 = arith.mulf %mul3A_451, %get3A_450 : vector<16xf32>
        %add3A_453 = arith.addf %broadcast_in_dim3A_417, %mul3A_452 : vector<16xf32>
        %slice3A_454 = vector.extract_strided_slice %div3A {offsets = [4], sizes = [1], strides = [1]} : vector<16xf32> to vector<1xf32>
        %squeeze3A_455 = vector.extract %slice3A_454[0] : f32 from vector<1xf32>
        %get3A_456 = arith.index_cast %scan3A_232 : i32 to index
        %get3A_457 = arith.constant 144 : index
        %get3A_458 = tpu.vector_load %arg14[%get3A_456, %get3A_457] {strides = array<i32>} : memref<40x512xf32, #tpu.memory_space<vmem>>, vector<1x16xf32>,
        %get3A_459 = vector.shape_cast %get3A_458 : vector<1x16xf32> to vector<16xf32>
        %mul3A_460 = vector.broadcast %squeeze3A_455 : f32 to vector<16xf32>
        %mul3A_461 = arith.mulf %mul3A_460, %get3A_459 : vector<16xf32>
        %add3A_462 = arith.addf %add3A_426, %mul3A_461 : vector<16xf32>
        %slice3A_463 = vector.extract_strided_slice %div3A {offsets = [5], sizes = [1], strides = [1]} : vector<16xf32> to vector<1xf32>
        %squeeze3A_464 = vector.extract %slice3A_463[0] : f32 from vector<1xf32>
        %get3A_465 = arith.index_cast %scan3A_232 : i32 to index
        %get3A_466 = arith.constant 176 : index
        %get3A_467 = tpu.vector_load %arg14[%get3A_465, %get3A_466] {strides = array<i32>} : memref<40x512xf32, #tpu.memory_space<vmem>>, vector<1x16xf32>,
        %get3A_468 = vector.shape_cast %get3A_467 : vector<1x16xf32> to vector<16xf32>
        %mul3A_469 = vector.broadcast %squeeze3A_464 : f32 to vector<16xf32>
        %mul3A_470 = arith.mulf %mul3A_469, %get3A_468 : vector<16xf32>
        %add3A_471 = arith.addf %add3A_435, %mul3A_470 : vector<16xf32>
        %slice3A_472 = vector.extract_strided_slice %div3A {offsets = [6], sizes = [1], strides = [1]} : vector<16xf32> to vector<1xf32>
        %squeeze3A_473 = vector.extract %slice3A_472[0] : f32 from vector<1xf32>
        %get3A_474 = arith.index_cast %scan3A_232 : i32 to index
        %get3A_475 = arith.constant 208 : index
        %get3A_476 = tpu.vector_load %arg14[%get3A_474, %get3A_475] {strides = array<i32>} : memref<40x512xf32, #tpu.memory_space<vmem>>, vector<1x16xf32>,
        %get3A_477 = vector.shape_cast %get3A_476 : vector<1x16xf32> to vector<16xf32>
        %mul3A_478 = vector.broadcast %squeeze3A_473 : f32 to vector<16xf32>
        %mul3A_479 = arith.mulf %mul3A_478, %get3A_477 : vector<16xf32>
        %add3A_480 = arith.addf %add3A_444, %mul3A_479 : vector<16xf32>
        %slice3A_481 = vector.extract_strided_slice %div3A {offsets = [7], sizes = [1], strides = [1]} : vector<16xf32> to vector<1xf32>
        %squeeze3A_482 = vector.extract %slice3A_481[0] : f32 from vector<1xf32>
        %get3A_483 = arith.index_cast %scan3A_232 : i32 to index
        %get3A_484 = arith.constant 240 : index
        %get3A_485 = tpu.vector_load %arg14[%get3A_483, %get3A_484] {strides = array<i32>} : memref<40x512xf32, #tpu.memory_space<vmem>>, vector<1x16xf32>,
        %get3A_486 = vector.shape_cast %get3A_485 : vector<1x16xf32> to vector<16xf32>
        %mul3A_487 = vector.broadcast %squeeze3A_482 : f32 to vector<16xf32>
        %mul3A_488 = arith.mulf %mul3A_487, %get3A_486 : vector<16xf32>
        %add3A_489 = arith.addf %add3A_453, %mul3A_488 : vector<16xf32>
        %slice3A_490 = vector.extract_strided_slice %div3A {offsets = [8], sizes = [1], strides = [1]} : vector<16xf32> to vector<1xf32>
        %squeeze3A_491 = vector.extract %slice3A_490[0] : f32 from vector<1xf32>
        %get3A_492 = arith.index_cast %scan3A_232 : i32 to index
        %get3A_493 = arith.constant 272 : index
        %get3A_494 = tpu.vector_load %arg14[%get3A_492, %get3A_493] {strides = array<i32>} : memref<40x512xf32, #tpu.memory_space<vmem>>, vector<1x16xf32>,
        %get3A_495 = vector.shape_cast %get3A_494 : vector<1x16xf32> to vector<16xf32>
        %mul3A_496 = vector.broadcast %squeeze3A_491 : f32 to vector<16xf32>
        %mul3A_497 = arith.mulf %mul3A_496, %get3A_495 : vector<16xf32>
        %add3A_498 = arith.addf %add3A_462, %mul3A_497 : vector<16xf32>
        %slice3A_499 = vector.extract_strided_slice %div3A {offsets = [9], sizes = [1], strides = [1]} : vector<16xf32> to vector<1xf32>
        %squeeze3A_500 = vector.extract %slice3A_499[0] : f32 from vector<1xf32>
        %get3A_501 = arith.index_cast %scan3A_232 : i32 to index
        %get3A_502 = arith.constant 304 : index
        %get3A_503 = tpu.vector_load %arg14[%get3A_501, %get3A_502] {strides = array<i32>} : memref<40x512xf32, #tpu.memory_space<vmem>>, vector<1x16xf32>,
        %get3A_504 = vector.shape_cast %get3A_503 : vector<1x16xf32> to vector<16xf32>
        %mul3A_505 = vector.broadcast %squeeze3A_500 : f32 to vector<16xf32>
        %mul3A_506 = arith.mulf %mul3A_505, %get3A_504 : vector<16xf32>
        %add3A_507 = arith.addf %add3A_471, %mul3A_506 : vector<16xf32>
        %slice3A_508 = vector.extract_strided_slice %div3A {offsets = [10], sizes = [1], strides = [1]} : vector<16xf32> to vector<1xf32>
        %squeeze3A_509 = vector.extract %slice3A_508[0] : f32 from vector<1xf32>
        %get3A_510 = arith.index_cast %scan3A_232 : i32 to index
        %get3A_511 = arith.constant 336 : index
        %get3A_512 = tpu.vector_load %arg14[%get3A_510, %get3A_511] {strides = array<i32>} : memref<40x512xf32, #tpu.memory_space<vmem>>, vector<1x16xf32>,
        %get3A_513 = vector.shape_cast %get3A_512 : vector<1x16xf32> to vector<16xf32>
        %mul3A_514 = vector.broadcast %squeeze3A_509 : f32 to vector<16xf32>
        %mul3A_515 = arith.mulf %mul3A_514, %get3A_513 : vector<16xf32>
        %add3A_516 = arith.addf %add3A_480, %mul3A_515 : vector<16xf32>
        %slice3A_517 = vector.extract_strided_slice %div3A {offsets = [11], sizes = [1], strides = [1]} : vector<16xf32> to vector<1xf32>
        %squeeze3A_518 = vector.extract %slice3A_517[0] : f32 from vector<1xf32>
        %get3A_519 = arith.index_cast %scan3A_232 : i32 to index
        %get3A_520 = arith.constant 368 : index
        %get3A_521 = tpu.vector_load %arg14[%get3A_519, %get3A_520] {strides = array<i32>} : memref<40x512xf32, #tpu.memory_space<vmem>>, vector<1x16xf32>,
        %get3A_522 = vector.shape_cast %get3A_521 : vector<1x16xf32> to vector<16xf32>
        %mul3A_523 = vector.broadcast %squeeze3A_518 : f32 to vector<16xf32>
        %mul3A_524 = arith.mulf %mul3A_523, %get3A_522 : vector<16xf32>
        %add3A_525 = arith.addf %add3A_489, %mul3A_524 : vector<16xf32>
        %slice3A_526 = vector.extract_strided_slice %div3A {offsets = [12], sizes = [1], strides = [1]} : vector<16xf32> to vector<1xf32>
        %squeeze3A_527 = vector.extract %slice3A_526[0] : f32 from vector<1xf32>
        %get3A_528 = arith.index_cast %scan3A_232 : i32 to index
        %get3A_529 = arith.constant 400 : index
        %get3A_530 = tpu.vector_load %arg14[%get3A_528, %get3A_529] {strides = array<i32>} : memref<40x512xf32, #tpu.memory_space<vmem>>, vector<1x16xf32>,
        %get3A_531 = vector.shape_cast %get3A_530 : vector<1x16xf32> to vector<16xf32>
        %mul3A_532 = vector.broadcast %squeeze3A_527 : f32 to vector<16xf32>
        %mul3A_533 = arith.mulf %mul3A_532, %get3A_531 : vector<16xf32>
        %add3A_534 = arith.addf %add3A_498, %mul3A_533 : vector<16xf32>
        %slice3A_535 = vector.extract_strided_slice %div3A {offsets = [13], sizes = [1], strides = [1]} : vector<16xf32> to vector<1xf32>
        %squeeze3A_536 = vector.extract %slice3A_535[0] : f32 from vector<1xf32>
        %get3A_537 = arith.index_cast %scan3A_232 : i32 to index
        %get3A_538 = arith.constant 432 : index
        %get3A_539 = tpu.vector_load %arg14[%get3A_537, %get3A_538] {strides = array<i32>} : memref<40x512xf32, #tpu.memory_space<vmem>>, vector<1x16xf32>,
        %get3A_540 = vector.shape_cast %get3A_539 : vector<1x16xf32> to vector<16xf32>
        %mul3A_541 = vector.broadcast %squeeze3A_536 : f32 to vector<16xf32>
        %mul3A_542 = arith.mulf %mul3A_541, %get3A_540 : vector<16xf32>
        %add3A_543 = arith.addf %add3A_507, %mul3A_542 : vector<16xf32>
        %slice3A_544 = vector.extract_strided_slice %div3A {offsets = [14], sizes = [1], strides = [1]} : vector<16xf32> to vector<1xf32>
        %squeeze3A_545 = vector.extract %slice3A_544[0] : f32 from vector<1xf32>
        %get3A_546 = arith.index_cast %scan3A_232 : i32 to index
        %get3A_547 = arith.constant 464 : index
        %get3A_548 = tpu.vector_load %arg14[%get3A_546, %get3A_547] {strides = array<i32>} : memref<40x512xf32, #tpu.memory_space<vmem>>, vector<1x16xf32>,
        %get3A_549 = vector.shape_cast %get3A_548 : vector<1x16xf32> to vector<16xf32>
        %mul3A_550 = vector.broadcast %squeeze3A_545 : f32 to vector<16xf32>
        %mul3A_551 = arith.mulf %mul3A_550, %get3A_549 : vector<16xf32>
        %add3A_552 = arith.addf %add3A_516, %mul3A_551 : vector<16xf32>
        %slice3A_553 = vector.extract_strided_slice %div3A {offsets = [15], sizes = [1], strides = [1]} : vector<16xf32> to vector<1xf32>
        %squeeze3A_554 = vector.extract %slice3A_553[0] : f32 from vector<1xf32>
        %get3A_555 = arith.index_cast %scan3A_232 : i32 to index
        %get3A_556 = arith.constant 496 : index
        %get3A_557 = tpu.vector_load %arg14[%get3A_555, %get3A_556] {strides = array<i32>} : memref<40x512xf32, #tpu.memory_space<vmem>>, vector<1x16xf32>,
        %get3A_558 = vector.shape_cast %get3A_557 : vector<1x16xf32> to vector<16xf32>
        %mul3A_559 = vector.broadcast %squeeze3A_554 : f32 to vector<16xf32>
        %mul3A_560 = arith.mulf %mul3A_559, %get3A_558 : vector<16xf32>
        %add3A_561 = arith.addf %add3A_525, %mul3A_560 : vector<16xf32>
        %add3A_562 = arith.addf %add3A_534, %add3A_543 : vector<16xf32>
        %add3A_563 = arith.addf %add3A_552, %add3A_561 : vector<16xf32>
        %add3A_564 = arith.addf %add3A_562, %add3A_563 : vector<16xf32>
        %swap3A_565 = arith.index_cast %scan3A_232 : i32 to index
        %swap3A_566 = arith.constant 16 : index
        %swap3A_567 = tpu.vector_load %arg22[%swap3A_565, %swap3A_566] {strides = array<i32>} : memref<40x32xf32, #tpu.memory_space<vmem>>, vector<1x16xf32>,
        %swap3A_568 = vector.shape_cast %swap3A_567 : vector<1x16xf32> to vector<16xf32>
        %swap3A_569 = vector.shape_cast %add3A_564 : vector<16xf32> to vector<1x16xf32>
        tpu.vector_store %arg22[%swap3A_565, %swap3A_566], %swap3A_569 {strides = array<i32>} : memref<40x32xf32, #tpu.memory_space<vmem>>, vector<1x16xf32>,
      }
      %scan3A_231 = arith.constant 40 : i32
      "tpu.region"() ({
        %run_scoped3A_232 = tpu.sem_alloc : memref<!tpu.dma_semaphore, #tpu.memory_space<semaphore_mem>>
        %dma_start3A_233 = arith.constant 0 : i32
        %dma_start3A_234 = tpu.memref_slice %arg8[%add3A_225, %dma_start3A_233] : memref<160000x16xf32, #tpu.memory_space<hbm>> -> memref<40x16xf32, #tpu.memory_space<hbm>>
        %dma_start3A_235 = arith.constant 0 : i32
        %dma_start3A_236 = tpu.memref_slice %arg8[%add3A_225, %dma_start3A_235] : memref<160000x16xf32, #tpu.memory_space<hbm>> -> memref<40x16xf32, #tpu.memory_space<hbm>>
        tpu.enqueue_dma source(%arg21 : memref<40x16xf32, #tpu.memory_space<vmem>>) target(%dma_start3A_236 : memref<40x16xf32, #tpu.memory_space<hbm>>) target_semaphore(%run_scoped3A_232 : memref<!tpu.dma_semaphore, #tpu.memory_space<semaphore_mem>>)
        %dma_wait3A_237 = arith.constant 0 : i32
        %dma_wait3A_238 = tpu.memref_slice %arg8[%add3A_225, %dma_wait3A_237] : memref<160000x16xf32, #tpu.memory_space<hbm>> -> memref<40x16xf32, #tpu.memory_space<hbm>>
        %dma_wait3A_239 = arith.constant 0 : i32
        %dma_wait3A_240 = tpu.memref_slice %arg8[%add3A_225, %dma_wait3A_239] : memref<160000x16xf32, #tpu.memory_space<hbm>> -> memref<40x16xf32, #tpu.memory_space<hbm>>
        tpu.wait_dma2 semaphore(%run_scoped3A_232 : memref<!tpu.dma_semaphore, #tpu.memory_space<semaphore_mem>>) src(%arg21 : memref<40x16xf32, #tpu.memory_space<vmem>>) dst(%dma_wait3A_240 : memref<40x16xf32, #tpu.memory_space<hbm>>)
        tpu.yield
      }) : () -> ()
      "tpu.region"() ({
        %run_scoped3A_232 = tpu.sem_alloc : memref<!tpu.dma_semaphore, #tpu.memory_space<semaphore_mem>>
        %dma_start3A_233 = arith.constant 0 : i32
        %dma_start3A_234 = tpu.memref_slice %arg12[%add3A_220, %dma_start3A_233] : memref<125x40xi32, #tpu.memory_space<vmem>> -> memref<1x40xi32, #tpu.memory_space<vmem>>
        %dma_start3A_235 = tpu.memref_squeeze %dma_start3A_234 : memref<1x40xi32, #tpu.memory_space<vmem>> -> memref<40xi32, #tpu.memory_space<vmem>>
        %dma_start3A_236 = arith.constant 0 : i32
        %dma_start3A_237 = arith.constant 0 : i32
        %dma_start3A_238 = tpu.memref_slice %arg24[%dma_start3A_236, %dma_start3A_237] : memref<10112x32xf32, #tpu.memory_space<vmem_shared>> -> memref<10112x32xf32, #tpu.memory_space<vmem_shared>>
        tpu.enqueue_indirect_dma source(%arg22 : memref<40x32xf32, #tpu.memory_space<vmem>>) target(%dma_start3A_238 : memref<10112x32xf32, #tpu.memory_space<vmem_shared>>) offsets(%dma_start3A_235 : memref<40xi32, #tpu.memory_space<vmem>>) semaphore(%run_scoped3A_232 : memref<!tpu.dma_semaphore, #tpu.memory_space<semaphore_mem>>) {add = true}
        %dma_wait3A_239 = arith.constant 0 : i32
        %dma_wait3A_240 = tpu.memref_slice %arg12[%add3A_220, %dma_wait3A_239] : memref<125x40xi32, #tpu.memory_space<vmem>> -> memref<1x40xi32, #tpu.memory_space<vmem>>
        %dma_wait3A_241 = tpu.memref_squeeze %dma_wait3A_240 : memref<1x40xi32, #tpu.memory_space<vmem>> -> memref<40xi32, #tpu.memory_space<vmem>>
        %dma_wait3A_242 = arith.constant 0 : i32
        %dma_wait3A_243 = arith.constant 0 : i32
        %dma_wait3A_244 = tpu.memref_slice %arg24[%dma_wait3A_242, %dma_wait3A_243] : memref<10112x32xf32, #tpu.memory_space<vmem_shared>> -> memref<10112x32xf32, #tpu.memory_space<vmem_shared>>
        tpu.wait_indirect_dma semaphore(%run_scoped3A_232 : memref<!tpu.dma_semaphore, #tpu.memory_space<semaphore_mem>>) src(%arg22 : memref<40x32xf32, #tpu.memory_space<vmem>>) dst(%dma_wait3A_244 : memref<10112x32xf32, #tpu.memory_space<vmem_shared>>)
        tpu.yield
      }) : () -> ()
    }
    %scan3A_42 = arith.constant 62 : i32
    %mul3A_43 = arith.constant 5000 : i32
    %mul3A_44 = arith.muli %add3A, %mul3A_43 : i32
    %add3A_45 = arith.constant 4960 : i32
    %add3A_46 = arith.addi %mul3A_44, %add3A_45 : i32
    %dma_wait3A = arith.constant 124 : i32
    %dma_wait3A_47 = arith.constant 0 : i32
    %dma_wait3A_48 = tpu.memref_slice %arg11[%dma_wait3A, %dma_wait3A_47] : memref<125x40xi32, #tpu.memory_space<vmem>> -> memref<1x40xi32, #tpu.memory_space<vmem>>
    %dma_wait3A_49 = tpu.memref_squeeze %dma_wait3A_48 : memref<1x40xi32, #tpu.memory_space<vmem>> -> memref<40xi32, #tpu.memory_space<vmem>>
    %dma_wait3A_50 = arith.constant 0 : i32
    %dma_wait3A_51 = arith.constant 0 : i32
    %dma_wait3A_52 = tpu.memref_slice %arg2[%dma_wait3A_50, %dma_wait3A_51] : memref<10000x512xf32, #tpu.memory_space<hbm>> -> memref<10000x512xf32, #tpu.memory_space<hbm>>
    tpu.wait_indirect_dma semaphore(%arg25 : memref<!tpu.dma_semaphore, #tpu.memory_space<semaphore_mem>>) src(%dma_wait3A_52 : memref<10000x512xf32, #tpu.memory_space<hbm>>) dst(%arg13 : memref<40x512xf32, #tpu.memory_space<vmem>>)
    %dma_wait3A_53 = arith.constant 0 : i32
    %dma_wait3A_54 = tpu.memref_slice %arg5[%add3A_46, %dma_wait3A_53] : memref<160000x16xf32, #tpu.memory_space<hbm>> -> memref<40x16xf32, #tpu.memory_space<hbm>>
    %dma_wait3A_55 = arith.constant 0 : i32
    %dma_wait3A_56 = tpu.memref_slice %arg5[%add3A_46, %dma_wait3A_55] : memref<160000x16xf32, #tpu.memory_space<hbm>> -> memref<40x16xf32, #tpu.memory_space<hbm>>
    tpu.wait_dma2 semaphore(%arg27 : memref<!tpu.dma_semaphore, #tpu.memory_space<semaphore_mem>>) src(%dma_wait3A_56 : memref<40x16xf32, #tpu.memory_space<hbm>>) dst(%arg15 : memref<40x16xf32, #tpu.memory_space<vmem>>)
    %dma_wait3A_57 = arith.constant 124 : i32
    %dma_wait3A_58 = arith.constant 0 : i32
    %dma_wait3A_59 = tpu.memref_slice %arg12[%dma_wait3A_57, %dma_wait3A_58] : memref<125x40xi32, #tpu.memory_space<vmem>> -> memref<1x40xi32, #tpu.memory_space<vmem>>
    %dma_wait3A_60 = tpu.memref_squeeze %dma_wait3A_59 : memref<1x40xi32, #tpu.memory_space<vmem>> -> memref<40xi32, #tpu.memory_space<vmem>>
    %dma_wait3A_61 = arith.constant 0 : i32
    %dma_wait3A_62 = arith.constant 0 : i32
    %dma_wait3A_63 = tpu.memref_slice %arg6[%dma_wait3A_61, %dma_wait3A_62] : memref<10112x16xf32, #tpu.memory_space<hbm>> -> memref<10112x16xf32, #tpu.memory_space<hbm>>
    tpu.wait_indirect_dma semaphore(%arg27 : memref<!tpu.dma_semaphore, #tpu.memory_space<semaphore_mem>>) src(%dma_wait3A_63 : memref<10112x16xf32, #tpu.memory_space<hbm>>) dst(%arg17 : memref<40x16xf32, #tpu.memory_space<vmem>>)
    %dma_wait3A_64 = arith.constant 124 : i32
    %dma_wait3A_65 = arith.constant 0 : i32
    %dma_wait3A_66 = tpu.memref_slice %arg12[%dma_wait3A_64, %dma_wait3A_65] : memref<125x40xi32, #tpu.memory_space<vmem>> -> memref<1x40xi32, #tpu.memory_space<vmem>>
    %dma_wait3A_67 = tpu.memref_squeeze %dma_wait3A_66 : memref<1x40xi32, #tpu.memory_space<vmem>> -> memref<40xi32, #tpu.memory_space<vmem>>
    %dma_wait3A_68 = arith.constant 0 : i32
    %dma_wait3A_69 = arith.constant 0 : i32
    %dma_wait3A_70 = tpu.memref_slice %arg7[%dma_wait3A_68, %dma_wait3A_69] : memref<10112x16xf32, #tpu.memory_space<hbm>> -> memref<10112x16xf32, #tpu.memory_space<hbm>>
    tpu.wait_indirect_dma semaphore(%arg27 : memref<!tpu.dma_semaphore, #tpu.memory_space<semaphore_mem>>) src(%dma_wait3A_70 : memref<10112x16xf32, #tpu.memory_space<hbm>>) dst(%arg19 : memref<40x16xf32, #tpu.memory_space<vmem>>)
    %mul3A_71 = arith.constant 5000 : i32
    %mul3A_72 = arith.muli %add3A, %mul3A_71 : i32
    %add3A_73 = arith.constant 4960 : i32
    %add3A_74 = arith.addi %mul3A_72, %add3A_73 : i32
    %scan3A_75 = arith.constant 0 : i32
    %scan3A_76 = arith.constant 0 : i32
    %scan3A_77 = arith.constant 40 : i32
    %scan3A_78 = arith.addi %scan3A_76, %scan3A_77 : i32
    %scan3A_79 = arith.constant 1 : i32
    scf.for %scan3A_91 = %scan3A_76 to %scan3A_78 step %scan3A_79  : i32 {
      %get3A = arith.index_cast %scan3A_91 : i32 to index
      %get3A_92 = arith.constant 0 : index
      %get3A_93 = tpu.vector_load %arg17[%get3A, %get3A_92] {strides = array<i32>} : memref<40x16xf32, #tpu.memory_space<vmem>>, vector<1x16xf32>,
      %get3A_94 = vector.shape_cast %get3A_93 : vector<1x16xf32> to vector<16xf32>
      %get3A_95 = arith.index_cast %scan3A_91 : i32 to index
      %get3A_96 = arith.constant 0 : index
      %get3A_97 = tpu.vector_load %arg19[%get3A_95, %get3A_96] {strides = array<i32>} : memref<40x16xf32, #tpu.memory_space<vmem>>, vector<1x16xf32>,
      %get3A_98 = vector.shape_cast %get3A_97 : vector<1x16xf32> to vector<16xf32>
      %add3A_99 = arith.addf %get3A_94, %get3A_98 : vector<16xf32>
      %get3A_100 = arith.index_cast %scan3A_91 : i32 to index
      %get3A_101 = arith.constant 0 : index
      %get3A_102 = tpu.vector_load %arg15[%get3A_100, %get3A_101] {strides = array<i32>} : memref<40x16xf32, #tpu.memory_space<vmem>>, vector<1x16xf32>,
      %get3A_103 = vector.shape_cast %get3A_102 : vector<1x16xf32> to vector<16xf32>
      %add3A_104 = arith.constant 1.000000e-16 : f32
      %add3A_105 = vector.broadcast %add3A_104 : f32 to vector<16xf32>
      %add3A_106 = arith.addf %add3A_99, %add3A_105 : vector<16xf32>
      %div3A = arith.divf %get3A_103, %add3A_106 : vector<16xf32>
      %swap3A = arith.index_cast %scan3A_91 : i32 to index
      %swap3A_107 = arith.constant 0 : index
      %swap3A_108 = tpu.vector_load %arg21[%swap3A, %swap3A_107] {strides = array<i32>} : memref<40x16xf32, #tpu.memory_space<vmem>>, vector<1x16xf32>,
      %swap3A_109 = vector.shape_cast %swap3A_108 : vector<1x16xf32> to vector<16xf32>
      %swap3A_110 = vector.shape_cast %div3A : vector<16xf32> to vector<1x16xf32>
      tpu.vector_store %arg21[%swap3A, %swap3A_107], %swap3A_110 {strides = array<i32>} : memref<40x16xf32, #tpu.memory_space<vmem>>, vector<1x16xf32>,
      %broadcast_in_dim3A_111 = arith.constant 0.000000e+00 : f32
      %broadcast_in_dim3A_112 = vector.broadcast %broadcast_in_dim3A_111 : f32 to vector<16xf32>
      %broadcast_in_dim3A_113 = arith.constant 0.000000e+00 : f32
      %broadcast_in_dim3A_114 = vector.broadcast %broadcast_in_dim3A_113 : f32 to vector<16xf32>
      %broadcast_in_dim3A_115 = arith.constant 0.000000e+00 : f32
      %broadcast_in_dim3A_116 = vector.broadcast %broadcast_in_dim3A_115 : f32 to vector<16xf32>
      %broadcast_in_dim3A_117 = arith.constant 0.000000e+00 : f32
      %broadcast_in_dim3A_118 = vector.broadcast %broadcast_in_dim3A_117 : f32 to vector<16xf32>
      %slice3A = vector.extract_strided_slice %div3A {offsets = [0], sizes = [1], strides = [1]} : vector<16xf32> to vector<1xf32>
      %squeeze3A = vector.extract %slice3A[0] : f32 from vector<1xf32>
      %get3A_119 = arith.index_cast %scan3A_91 : i32 to index
      %get3A_120 = arith.constant 0 : index
      %get3A_121 = tpu.vector_load %arg13[%get3A_119, %get3A_120] {strides = array<i32>} : memref<40x512xf32, #tpu.memory_space<vmem>>, vector<1x16xf32>,
      %get3A_122 = vector.shape_cast %get3A_121 : vector<1x16xf32> to vector<16xf32>
      %mul3A_123 = vector.broadcast %squeeze3A : f32 to vector<16xf32>
      %mul3A_124 = arith.mulf %mul3A_123, %get3A_122 : vector<16xf32>
      %add3A_125 = arith.addf %broadcast_in_dim3A_112, %mul3A_124 : vector<16xf32>
      %slice3A_126 = vector.extract_strided_slice %div3A {offsets = [1], sizes = [1], strides = [1]} : vector<16xf32> to vector<1xf32>
      %squeeze3A_127 = vector.extract %slice3A_126[0] : f32 from vector<1xf32>
      %get3A_128 = arith.index_cast %scan3A_91 : i32 to index
      %get3A_129 = arith.constant 32 : index
      %get3A_130 = tpu.vector_load %arg13[%get3A_128, %get3A_129] {strides = array<i32>} : memref<40x512xf32, #tpu.memory_space<vmem>>, vector<1x16xf32>,
      %get3A_131 = vector.shape_cast %get3A_130 : vector<1x16xf32> to vector<16xf32>
      %mul3A_132 = vector.broadcast %squeeze3A_127 : f32 to vector<16xf32>
      %mul3A_133 = arith.mulf %mul3A_132, %get3A_131 : vector<16xf32>
      %add3A_134 = arith.addf %broadcast_in_dim3A_114, %mul3A_133 : vector<16xf32>
      %slice3A_135 = vector.extract_strided_slice %div3A {offsets = [2], sizes = [1], strides = [1]} : vector<16xf32> to vector<1xf32>
      %squeeze3A_136 = vector.extract %slice3A_135[0] : f32 from vector<1xf32>
      %get3A_137 = arith.index_cast %scan3A_91 : i32 to index
      %get3A_138 = arith.constant 64 : index
      %get3A_139 = tpu.vector_load %arg13[%get3A_137, %get3A_138] {strides = array<i32>} : memref<40x512xf32, #tpu.memory_space<vmem>>, vector<1x16xf32>,
      %get3A_140 = vector.shape_cast %get3A_139 : vector<1x16xf32> to vector<16xf32>
      %mul3A_141 = vector.broadcast %squeeze3A_136 : f32 to vector<16xf32>
      %mul3A_142 = arith.mulf %mul3A_141, %get3A_140 : vector<16xf32>
      %add3A_143 = arith.addf %broadcast_in_dim3A_116, %mul3A_142 : vector<16xf32>
      %slice3A_144 = vector.extract_strided_slice %div3A {offsets = [3], sizes = [1], strides = [1]} : vector<16xf32> to vector<1xf32>
      %squeeze3A_145 = vector.extract %slice3A_144[0] : f32 from vector<1xf32>
      %get3A_146 = arith.index_cast %scan3A_91 : i32 to index
      %get3A_147 = arith.constant 96 : index
      %get3A_148 = tpu.vector_load %arg13[%get3A_146, %get3A_147] {strides = array<i32>} : memref<40x512xf32, #tpu.memory_space<vmem>>, vector<1x16xf32>,
      %get3A_149 = vector.shape_cast %get3A_148 : vector<1x16xf32> to vector<16xf32>
      %mul3A_150 = vector.broadcast %squeeze3A_145 : f32 to vector<16xf32>
      %mul3A_151 = arith.mulf %mul3A_150, %get3A_149 : vector<16xf32>
      %add3A_152 = arith.addf %broadcast_in_dim3A_118, %mul3A_151 : vector<16xf32>
      %slice3A_153 = vector.extract_strided_slice %div3A {offsets = [4], sizes = [1], strides = [1]} : vector<16xf32> to vector<1xf32>
      %squeeze3A_154 = vector.extract %slice3A_153[0] : f32 from vector<1xf32>
      %get3A_155 = arith.index_cast %scan3A_91 : i32 to index
      %get3A_156 = arith.constant 128 : index
      %get3A_157 = tpu.vector_load %arg13[%get3A_155, %get3A_156] {strides = array<i32>} : memref<40x512xf32, #tpu.memory_space<vmem>>, vector<1x16xf32>,
      %get3A_158 = vector.shape_cast %get3A_157 : vector<1x16xf32> to vector<16xf32>
      %mul3A_159 = vector.broadcast %squeeze3A_154 : f32 to vector<16xf32>
      %mul3A_160 = arith.mulf %mul3A_159, %get3A_158 : vector<16xf32>
      %add3A_161 = arith.addf %add3A_125, %mul3A_160 : vector<16xf32>
      %slice3A_162 = vector.extract_strided_slice %div3A {offsets = [5], sizes = [1], strides = [1]} : vector<16xf32> to vector<1xf32>
      %squeeze3A_163 = vector.extract %slice3A_162[0] : f32 from vector<1xf32>
      %get3A_164 = arith.index_cast %scan3A_91 : i32 to index
      %get3A_165 = arith.constant 160 : index
      %get3A_166 = tpu.vector_load %arg13[%get3A_164, %get3A_165] {strides = array<i32>} : memref<40x512xf32, #tpu.memory_space<vmem>>, vector<1x16xf32>,
      %get3A_167 = vector.shape_cast %get3A_166 : vector<1x16xf32> to vector<16xf32>
      %mul3A_168 = vector.broadcast %squeeze3A_163 : f32 to vector<16xf32>
      %mul3A_169 = arith.mulf %mul3A_168, %get3A_167 : vector<16xf32>
      %add3A_170 = arith.addf %add3A_134, %mul3A_169 : vector<16xf32>
      %slice3A_171 = vector.extract_strided_slice %div3A {offsets = [6], sizes = [1], strides = [1]} : vector<16xf32> to vector<1xf32>
      %squeeze3A_172 = vector.extract %slice3A_171[0] : f32 from vector<1xf32>
      %get3A_173 = arith.index_cast %scan3A_91 : i32 to index
      %get3A_174 = arith.constant 192 : index
      %get3A_175 = tpu.vector_load %arg13[%get3A_173, %get3A_174] {strides = array<i32>} : memref<40x512xf32, #tpu.memory_space<vmem>>, vector<1x16xf32>,
      %get3A_176 = vector.shape_cast %get3A_175 : vector<1x16xf32> to vector<16xf32>
      %mul3A_177 = vector.broadcast %squeeze3A_172 : f32 to vector<16xf32>
      %mul3A_178 = arith.mulf %mul3A_177, %get3A_176 : vector<16xf32>
      %add3A_179 = arith.addf %add3A_143, %mul3A_178 : vector<16xf32>
      %slice3A_180 = vector.extract_strided_slice %div3A {offsets = [7], sizes = [1], strides = [1]} : vector<16xf32> to vector<1xf32>
      %squeeze3A_181 = vector.extract %slice3A_180[0] : f32 from vector<1xf32>
      %get3A_182 = arith.index_cast %scan3A_91 : i32 to index
      %get3A_183 = arith.constant 224 : index
      %get3A_184 = tpu.vector_load %arg13[%get3A_182, %get3A_183] {strides = array<i32>} : memref<40x512xf32, #tpu.memory_space<vmem>>, vector<1x16xf32>,
      %get3A_185 = vector.shape_cast %get3A_184 : vector<1x16xf32> to vector<16xf32>
      %mul3A_186 = vector.broadcast %squeeze3A_181 : f32 to vector<16xf32>
      %mul3A_187 = arith.mulf %mul3A_186, %get3A_185 : vector<16xf32>
      %add3A_188 = arith.addf %add3A_152, %mul3A_187 : vector<16xf32>
      %slice3A_189 = vector.extract_strided_slice %div3A {offsets = [8], sizes = [1], strides = [1]} : vector<16xf32> to vector<1xf32>
      %squeeze3A_190 = vector.extract %slice3A_189[0] : f32 from vector<1xf32>
      %get3A_191 = arith.index_cast %scan3A_91 : i32 to index
      %get3A_192 = arith.constant 256 : index
      %get3A_193 = tpu.vector_load %arg13[%get3A_191, %get3A_192] {strides = array<i32>} : memref<40x512xf32, #tpu.memory_space<vmem>>, vector<1x16xf32>,
      %get3A_194 = vector.shape_cast %get3A_193 : vector<1x16xf32> to vector<16xf32>
      %mul3A_195 = vector.broadcast %squeeze3A_190 : f32 to vector<16xf32>
      %mul3A_196 = arith.mulf %mul3A_195, %get3A_194 : vector<16xf32>
      %add3A_197 = arith.addf %add3A_161, %mul3A_196 : vector<16xf32>
      %slice3A_198 = vector.extract_strided_slice %div3A {offsets = [9], sizes = [1], strides = [1]} : vector<16xf32> to vector<1xf32>
      %squeeze3A_199 = vector.extract %slice3A_198[0] : f32 from vector<1xf32>
      %get3A_200 = arith.index_cast %scan3A_91 : i32 to index
      %get3A_201 = arith.constant 288 : index
      %get3A_202 = tpu.vector_load %arg13[%get3A_200, %get3A_201] {strides = array<i32>} : memref<40x512xf32, #tpu.memory_space<vmem>>, vector<1x16xf32>,
      %get3A_203 = vector.shape_cast %get3A_202 : vector<1x16xf32> to vector<16xf32>
      %mul3A_204 = vector.broadcast %squeeze3A_199 : f32 to vector<16xf32>
      %mul3A_205 = arith.mulf %mul3A_204, %get3A_203 : vector<16xf32>
      %add3A_206 = arith.addf %add3A_170, %mul3A_205 : vector<16xf32>
      %slice3A_207 = vector.extract_strided_slice %div3A {offsets = [10], sizes = [1], strides = [1]} : vector<16xf32> to vector<1xf32>
      %squeeze3A_208 = vector.extract %slice3A_207[0] : f32 from vector<1xf32>
      %get3A_209 = arith.index_cast %scan3A_91 : i32 to index
      %get3A_210 = arith.constant 320 : index
      %get3A_211 = tpu.vector_load %arg13[%get3A_209, %get3A_210] {strides = array<i32>} : memref<40x512xf32, #tpu.memory_space<vmem>>, vector<1x16xf32>,
      %get3A_212 = vector.shape_cast %get3A_211 : vector<1x16xf32> to vector<16xf32>
      %mul3A_213 = vector.broadcast %squeeze3A_208 : f32 to vector<16xf32>
      %mul3A_214 = arith.mulf %mul3A_213, %get3A_212 : vector<16xf32>
      %add3A_215 = arith.addf %add3A_179, %mul3A_214 : vector<16xf32>
      %slice3A_216 = vector.extract_strided_slice %div3A {offsets = [11], sizes = [1], strides = [1]} : vector<16xf32> to vector<1xf32>
      %squeeze3A_217 = vector.extract %slice3A_216[0] : f32 from vector<1xf32>
      %get3A_218 = arith.index_cast %scan3A_91 : i32 to index
      %get3A_219 = arith.constant 352 : index
      %get3A_220 = tpu.vector_load %arg13[%get3A_218, %get3A_219] {strides = array<i32>} : memref<40x512xf32, #tpu.memory_space<vmem>>, vector<1x16xf32>,
      %get3A_221 = vector.shape_cast %get3A_220 : vector<1x16xf32> to vector<16xf32>
      %mul3A_222 = vector.broadcast %squeeze3A_217 : f32 to vector<16xf32>
      %mul3A_223 = arith.mulf %mul3A_222, %get3A_221 : vector<16xf32>
      %add3A_224 = arith.addf %add3A_188, %mul3A_223 : vector<16xf32>
      %slice3A_225 = vector.extract_strided_slice %div3A {offsets = [12], sizes = [1], strides = [1]} : vector<16xf32> to vector<1xf32>
      %squeeze3A_226 = vector.extract %slice3A_225[0] : f32 from vector<1xf32>
      %get3A_227 = arith.index_cast %scan3A_91 : i32 to index
      %get3A_228 = arith.constant 384 : index
      %get3A_229 = tpu.vector_load %arg13[%get3A_227, %get3A_228] {strides = array<i32>} : memref<40x512xf32, #tpu.memory_space<vmem>>, vector<1x16xf32>,
      %get3A_230 = vector.shape_cast %get3A_229 : vector<1x16xf32> to vector<16xf32>
      %mul3A_231 = vector.broadcast %squeeze3A_226 : f32 to vector<16xf32>
      %mul3A_232 = arith.mulf %mul3A_231, %get3A_230 : vector<16xf32>
      %add3A_233 = arith.addf %add3A_197, %mul3A_232 : vector<16xf32>
      %slice3A_234 = vector.extract_strided_slice %div3A {offsets = [13], sizes = [1], strides = [1]} : vector<16xf32> to vector<1xf32>
      %squeeze3A_235 = vector.extract %slice3A_234[0] : f32 from vector<1xf32>
      %get3A_236 = arith.index_cast %scan3A_91 : i32 to index
      %get3A_237 = arith.constant 416 : index
      %get3A_238 = tpu.vector_load %arg13[%get3A_236, %get3A_237] {strides = array<i32>} : memref<40x512xf32, #tpu.memory_space<vmem>>, vector<1x16xf32>,
      %get3A_239 = vector.shape_cast %get3A_238 : vector<1x16xf32> to vector<16xf32>
      %mul3A_240 = vector.broadcast %squeeze3A_235 : f32 to vector<16xf32>
      %mul3A_241 = arith.mulf %mul3A_240, %get3A_239 : vector<16xf32>
      %add3A_242 = arith.addf %add3A_206, %mul3A_241 : vector<16xf32>
      %slice3A_243 = vector.extract_strided_slice %div3A {offsets = [14], sizes = [1], strides = [1]} : vector<16xf32> to vector<1xf32>
      %squeeze3A_244 = vector.extract %slice3A_243[0] : f32 from vector<1xf32>
      %get3A_245 = arith.index_cast %scan3A_91 : i32 to index
      %get3A_246 = arith.constant 448 : index
      %get3A_247 = tpu.vector_load %arg13[%get3A_245, %get3A_246] {strides = array<i32>} : memref<40x512xf32, #tpu.memory_space<vmem>>, vector<1x16xf32>,
      %get3A_248 = vector.shape_cast %get3A_247 : vector<1x16xf32> to vector<16xf32>
      %mul3A_249 = vector.broadcast %squeeze3A_244 : f32 to vector<16xf32>
      %mul3A_250 = arith.mulf %mul3A_249, %get3A_248 : vector<16xf32>
      %add3A_251 = arith.addf %add3A_215, %mul3A_250 : vector<16xf32>
      %slice3A_252 = vector.extract_strided_slice %div3A {offsets = [15], sizes = [1], strides = [1]} : vector<16xf32> to vector<1xf32>
      %squeeze3A_253 = vector.extract %slice3A_252[0] : f32 from vector<1xf32>
      %get3A_254 = arith.index_cast %scan3A_91 : i32 to index
      %get3A_255 = arith.constant 480 : index
      %get3A_256 = tpu.vector_load %arg13[%get3A_254, %get3A_255] {strides = array<i32>} : memref<40x512xf32, #tpu.memory_space<vmem>>, vector<1x16xf32>,
      %get3A_257 = vector.shape_cast %get3A_256 : vector<1x16xf32> to vector<16xf32>
      %mul3A_258 = vector.broadcast %squeeze3A_253 : f32 to vector<16xf32>
      %mul3A_259 = arith.mulf %mul3A_258, %get3A_257 : vector<16xf32>
      %add3A_260 = arith.addf %add3A_224, %mul3A_259 : vector<16xf32>
      %add3A_261 = arith.addf %add3A_233, %add3A_242 : vector<16xf32>
      %add3A_262 = arith.addf %add3A_251, %add3A_260 : vector<16xf32>
      %add3A_263 = arith.addf %add3A_261, %add3A_262 : vector<16xf32>
      %swap3A_264 = arith.index_cast %scan3A_91 : i32 to index
      %swap3A_265 = arith.constant 0 : index
      %swap3A_266 = tpu.vector_load %arg22[%swap3A_264, %swap3A_265] {strides = array<i32>} : memref<40x32xf32, #tpu.memory_space<vmem>>, vector<1x16xf32>,
      %swap3A_267 = vector.shape_cast %swap3A_266 : vector<1x16xf32> to vector<16xf32>
      %swap3A_268 = vector.shape_cast %add3A_263 : vector<16xf32> to vector<1x16xf32>
      tpu.vector_store %arg22[%swap3A_264, %swap3A_265], %swap3A_268 {strides = array<i32>} : memref<40x32xf32, #tpu.memory_space<vmem>>, vector<1x16xf32>,
      %broadcast_in_dim3A_269 = arith.constant 0.000000e+00 : f32
      %broadcast_in_dim3A_270 = vector.broadcast %broadcast_in_dim3A_269 : f32 to vector<16xf32>
      %broadcast_in_dim3A_271 = arith.constant 0.000000e+00 : f32
      %broadcast_in_dim3A_272 = vector.broadcast %broadcast_in_dim3A_271 : f32 to vector<16xf32>
      %broadcast_in_dim3A_273 = arith.constant 0.000000e+00 : f32
      %broadcast_in_dim3A_274 = vector.broadcast %broadcast_in_dim3A_273 : f32 to vector<16xf32>
      %broadcast_in_dim3A_275 = arith.constant 0.000000e+00 : f32
      %broadcast_in_dim3A_276 = vector.broadcast %broadcast_in_dim3A_275 : f32 to vector<16xf32>
      %slice3A_277 = vector.extract_strided_slice %div3A {offsets = [0], sizes = [1], strides = [1]} : vector<16xf32> to vector<1xf32>
      %squeeze3A_278 = vector.extract %slice3A_277[0] : f32 from vector<1xf32>
      %get3A_279 = arith.index_cast %scan3A_91 : i32 to index
      %get3A_280 = arith.constant 16 : index
      %get3A_281 = tpu.vector_load %arg13[%get3A_279, %get3A_280] {strides = array<i32>} : memref<40x512xf32, #tpu.memory_space<vmem>>, vector<1x16xf32>,
      %get3A_282 = vector.shape_cast %get3A_281 : vector<1x16xf32> to vector<16xf32>
      %mul3A_283 = vector.broadcast %squeeze3A_278 : f32 to vector<16xf32>
      %mul3A_284 = arith.mulf %mul3A_283, %get3A_282 : vector<16xf32>
      %add3A_285 = arith.addf %broadcast_in_dim3A_270, %mul3A_284 : vector<16xf32>
      %slice3A_286 = vector.extract_strided_slice %div3A {offsets = [1], sizes = [1], strides = [1]} : vector<16xf32> to vector<1xf32>
      %squeeze3A_287 = vector.extract %slice3A_286[0] : f32 from vector<1xf32>
      %get3A_288 = arith.index_cast %scan3A_91 : i32 to index
      %get3A_289 = arith.constant 48 : index
      %get3A_290 = tpu.vector_load %arg13[%get3A_288, %get3A_289] {strides = array<i32>} : memref<40x512xf32, #tpu.memory_space<vmem>>, vector<1x16xf32>,
      %get3A_291 = vector.shape_cast %get3A_290 : vector<1x16xf32> to vector<16xf32>
      %mul3A_292 = vector.broadcast %squeeze3A_287 : f32 to vector<16xf32>
      %mul3A_293 = arith.mulf %mul3A_292, %get3A_291 : vector<16xf32>
      %add3A_294 = arith.addf %broadcast_in_dim3A_272, %mul3A_293 : vector<16xf32>
      %slice3A_295 = vector.extract_strided_slice %div3A {offsets = [2], sizes = [1], strides = [1]} : vector<16xf32> to vector<1xf32>
      %squeeze3A_296 = vector.extract %slice3A_295[0] : f32 from vector<1xf32>
      %get3A_297 = arith.index_cast %scan3A_91 : i32 to index
      %get3A_298 = arith.constant 80 : index
      %get3A_299 = tpu.vector_load %arg13[%get3A_297, %get3A_298] {strides = array<i32>} : memref<40x512xf32, #tpu.memory_space<vmem>>, vector<1x16xf32>,
      %get3A_300 = vector.shape_cast %get3A_299 : vector<1x16xf32> to vector<16xf32>
      %mul3A_301 = vector.broadcast %squeeze3A_296 : f32 to vector<16xf32>
      %mul3A_302 = arith.mulf %mul3A_301, %get3A_300 : vector<16xf32>
      %add3A_303 = arith.addf %broadcast_in_dim3A_274, %mul3A_302 : vector<16xf32>
      %slice3A_304 = vector.extract_strided_slice %div3A {offsets = [3], sizes = [1], strides = [1]} : vector<16xf32> to vector<1xf32>
      %squeeze3A_305 = vector.extract %slice3A_304[0] : f32 from vector<1xf32>
      %get3A_306 = arith.index_cast %scan3A_91 : i32 to index
      %get3A_307 = arith.constant 112 : index
      %get3A_308 = tpu.vector_load %arg13[%get3A_306, %get3A_307] {strides = array<i32>} : memref<40x512xf32, #tpu.memory_space<vmem>>, vector<1x16xf32>,
      %get3A_309 = vector.shape_cast %get3A_308 : vector<1x16xf32> to vector<16xf32>
      %mul3A_310 = vector.broadcast %squeeze3A_305 : f32 to vector<16xf32>
      %mul3A_311 = arith.mulf %mul3A_310, %get3A_309 : vector<16xf32>
      %add3A_312 = arith.addf %broadcast_in_dim3A_276, %mul3A_311 : vector<16xf32>
      %slice3A_313 = vector.extract_strided_slice %div3A {offsets = [4], sizes = [1], strides = [1]} : vector<16xf32> to vector<1xf32>
      %squeeze3A_314 = vector.extract %slice3A_313[0] : f32 from vector<1xf32>
      %get3A_315 = arith.index_cast %scan3A_91 : i32 to index
      %get3A_316 = arith.constant 144 : index
      %get3A_317 = tpu.vector_load %arg13[%get3A_315, %get3A_316] {strides = array<i32>} : memref<40x512xf32, #tpu.memory_space<vmem>>, vector<1x16xf32>,
      %get3A_318 = vector.shape_cast %get3A_317 : vector<1x16xf32> to vector<16xf32>
      %mul3A_319 = vector.broadcast %squeeze3A_314 : f32 to vector<16xf32>
      %mul3A_320 = arith.mulf %mul3A_319, %get3A_318 : vector<16xf32>
      %add3A_321 = arith.addf %add3A_285, %mul3A_320 : vector<16xf32>
      %slice3A_322 = vector.extract_strided_slice %div3A {offsets = [5], sizes = [1], strides = [1]} : vector<16xf32> to vector<1xf32>
      %squeeze3A_323 = vector.extract %slice3A_322[0] : f32 from vector<1xf32>
      %get3A_324 = arith.index_cast %scan3A_91 : i32 to index
      %get3A_325 = arith.constant 176 : index
      %get3A_326 = tpu.vector_load %arg13[%get3A_324, %get3A_325] {strides = array<i32>} : memref<40x512xf32, #tpu.memory_space<vmem>>, vector<1x16xf32>,
      %get3A_327 = vector.shape_cast %get3A_326 : vector<1x16xf32> to vector<16xf32>
      %mul3A_328 = vector.broadcast %squeeze3A_323 : f32 to vector<16xf32>
      %mul3A_329 = arith.mulf %mul3A_328, %get3A_327 : vector<16xf32>
      %add3A_330 = arith.addf %add3A_294, %mul3A_329 : vector<16xf32>
      %slice3A_331 = vector.extract_strided_slice %div3A {offsets = [6], sizes = [1], strides = [1]} : vector<16xf32> to vector<1xf32>
      %squeeze3A_332 = vector.extract %slice3A_331[0] : f32 from vector<1xf32>
      %get3A_333 = arith.index_cast %scan3A_91 : i32 to index
      %get3A_334 = arith.constant 208 : index
      %get3A_335 = tpu.vector_load %arg13[%get3A_333, %get3A_334] {strides = array<i32>} : memref<40x512xf32, #tpu.memory_space<vmem>>, vector<1x16xf32>,
      %get3A_336 = vector.shape_cast %get3A_335 : vector<1x16xf32> to vector<16xf32>
      %mul3A_337 = vector.broadcast %squeeze3A_332 : f32 to vector<16xf32>
      %mul3A_338 = arith.mulf %mul3A_337, %get3A_336 : vector<16xf32>
      %add3A_339 = arith.addf %add3A_303, %mul3A_338 : vector<16xf32>
      %slice3A_340 = vector.extract_strided_slice %div3A {offsets = [7], sizes = [1], strides = [1]} : vector<16xf32> to vector<1xf32>
      %squeeze3A_341 = vector.extract %slice3A_340[0] : f32 from vector<1xf32>
      %get3A_342 = arith.index_cast %scan3A_91 : i32 to index
      %get3A_343 = arith.constant 240 : index
      %get3A_344 = tpu.vector_load %arg13[%get3A_342, %get3A_343] {strides = array<i32>} : memref<40x512xf32, #tpu.memory_space<vmem>>, vector<1x16xf32>,
      %get3A_345 = vector.shape_cast %get3A_344 : vector<1x16xf32> to vector<16xf32>
      %mul3A_346 = vector.broadcast %squeeze3A_341 : f32 to vector<16xf32>
      %mul3A_347 = arith.mulf %mul3A_346, %get3A_345 : vector<16xf32>
      %add3A_348 = arith.addf %add3A_312, %mul3A_347 : vector<16xf32>
      %slice3A_349 = vector.extract_strided_slice %div3A {offsets = [8], sizes = [1], strides = [1]} : vector<16xf32> to vector<1xf32>
      %squeeze3A_350 = vector.extract %slice3A_349[0] : f32 from vector<1xf32>
      %get3A_351 = arith.index_cast %scan3A_91 : i32 to index
      %get3A_352 = arith.constant 272 : index
      %get3A_353 = tpu.vector_load %arg13[%get3A_351, %get3A_352] {strides = array<i32>} : memref<40x512xf32, #tpu.memory_space<vmem>>, vector<1x16xf32>,
      %get3A_354 = vector.shape_cast %get3A_353 : vector<1x16xf32> to vector<16xf32>
      %mul3A_355 = vector.broadcast %squeeze3A_350 : f32 to vector<16xf32>
      %mul3A_356 = arith.mulf %mul3A_355, %get3A_354 : vector<16xf32>
      %add3A_357 = arith.addf %add3A_321, %mul3A_356 : vector<16xf32>
      %slice3A_358 = vector.extract_strided_slice %div3A {offsets = [9], sizes = [1], strides = [1]} : vector<16xf32> to vector<1xf32>
      %squeeze3A_359 = vector.extract %slice3A_358[0] : f32 from vector<1xf32>
      %get3A_360 = arith.index_cast %scan3A_91 : i32 to index
      %get3A_361 = arith.constant 304 : index
      %get3A_362 = tpu.vector_load %arg13[%get3A_360, %get3A_361] {strides = array<i32>} : memref<40x512xf32, #tpu.memory_space<vmem>>, vector<1x16xf32>,
      %get3A_363 = vector.shape_cast %get3A_362 : vector<1x16xf32> to vector<16xf32>
      %mul3A_364 = vector.broadcast %squeeze3A_359 : f32 to vector<16xf32>
      %mul3A_365 = arith.mulf %mul3A_364, %get3A_363 : vector<16xf32>
      %add3A_366 = arith.addf %add3A_330, %mul3A_365 : vector<16xf32>
      %slice3A_367 = vector.extract_strided_slice %div3A {offsets = [10], sizes = [1], strides = [1]} : vector<16xf32> to vector<1xf32>
      %squeeze3A_368 = vector.extract %slice3A_367[0] : f32 from vector<1xf32>
      %get3A_369 = arith.index_cast %scan3A_91 : i32 to index
      %get3A_370 = arith.constant 336 : index
      %get3A_371 = tpu.vector_load %arg13[%get3A_369, %get3A_370] {strides = array<i32>} : memref<40x512xf32, #tpu.memory_space<vmem>>, vector<1x16xf32>,
      %get3A_372 = vector.shape_cast %get3A_371 : vector<1x16xf32> to vector<16xf32>
      %mul3A_373 = vector.broadcast %squeeze3A_368 : f32 to vector<16xf32>
      %mul3A_374 = arith.mulf %mul3A_373, %get3A_372 : vector<16xf32>
      %add3A_375 = arith.addf %add3A_339, %mul3A_374 : vector<16xf32>
      %slice3A_376 = vector.extract_strided_slice %div3A {offsets = [11], sizes = [1], strides = [1]} : vector<16xf32> to vector<1xf32>
      %squeeze3A_377 = vector.extract %slice3A_376[0] : f32 from vector<1xf32>
      %get3A_378 = arith.index_cast %scan3A_91 : i32 to index
      %get3A_379 = arith.constant 368 : index
      %get3A_380 = tpu.vector_load %arg13[%get3A_378, %get3A_379] {strides = array<i32>} : memref<40x512xf32, #tpu.memory_space<vmem>>, vector<1x16xf32>,
      %get3A_381 = vector.shape_cast %get3A_380 : vector<1x16xf32> to vector<16xf32>
      %mul3A_382 = vector.broadcast %squeeze3A_377 : f32 to vector<16xf32>
      %mul3A_383 = arith.mulf %mul3A_382, %get3A_381 : vector<16xf32>
      %add3A_384 = arith.addf %add3A_348, %mul3A_383 : vector<16xf32>
      %slice3A_385 = vector.extract_strided_slice %div3A {offsets = [12], sizes = [1], strides = [1]} : vector<16xf32> to vector<1xf32>
      %squeeze3A_386 = vector.extract %slice3A_385[0] : f32 from vector<1xf32>
      %get3A_387 = arith.index_cast %scan3A_91 : i32 to index
      %get3A_388 = arith.constant 400 : index
      %get3A_389 = tpu.vector_load %arg13[%get3A_387, %get3A_388] {strides = array<i32>} : memref<40x512xf32, #tpu.memory_space<vmem>>, vector<1x16xf32>,
      %get3A_390 = vector.shape_cast %get3A_389 : vector<1x16xf32> to vector<16xf32>
      %mul3A_391 = vector.broadcast %squeeze3A_386 : f32 to vector<16xf32>
      %mul3A_392 = arith.mulf %mul3A_391, %get3A_390 : vector<16xf32>
      %add3A_393 = arith.addf %add3A_357, %mul3A_392 : vector<16xf32>
      %slice3A_394 = vector.extract_strided_slice %div3A {offsets = [13], sizes = [1], strides = [1]} : vector<16xf32> to vector<1xf32>
      %squeeze3A_395 = vector.extract %slice3A_394[0] : f32 from vector<1xf32>
      %get3A_396 = arith.index_cast %scan3A_91 : i32 to index
      %get3A_397 = arith.constant 432 : index
      %get3A_398 = tpu.vector_load %arg13[%get3A_396, %get3A_397] {strides = array<i32>} : memref<40x512xf32, #tpu.memory_space<vmem>>, vector<1x16xf32>,
      %get3A_399 = vector.shape_cast %get3A_398 : vector<1x16xf32> to vector<16xf32>
      %mul3A_400 = vector.broadcast %squeeze3A_395 : f32 to vector<16xf32>
      %mul3A_401 = arith.mulf %mul3A_400, %get3A_399 : vector<16xf32>
      %add3A_402 = arith.addf %add3A_366, %mul3A_401 : vector<16xf32>
      %slice3A_403 = vector.extract_strided_slice %div3A {offsets = [14], sizes = [1], strides = [1]} : vector<16xf32> to vector<1xf32>
      %squeeze3A_404 = vector.extract %slice3A_403[0] : f32 from vector<1xf32>
      %get3A_405 = arith.index_cast %scan3A_91 : i32 to index
      %get3A_406 = arith.constant 464 : index
      %get3A_407 = tpu.vector_load %arg13[%get3A_405, %get3A_406] {strides = array<i32>} : memref<40x512xf32, #tpu.memory_space<vmem>>, vector<1x16xf32>,
      %get3A_408 = vector.shape_cast %get3A_407 : vector<1x16xf32> to vector<16xf32>
      %mul3A_409 = vector.broadcast %squeeze3A_404 : f32 to vector<16xf32>
      %mul3A_410 = arith.mulf %mul3A_409, %get3A_408 : vector<16xf32>
      %add3A_411 = arith.addf %add3A_375, %mul3A_410 : vector<16xf32>
      %slice3A_412 = vector.extract_strided_slice %div3A {offsets = [15], sizes = [1], strides = [1]} : vector<16xf32> to vector<1xf32>
      %squeeze3A_413 = vector.extract %slice3A_412[0] : f32 from vector<1xf32>
      %get3A_414 = arith.index_cast %scan3A_91 : i32 to index
      %get3A_415 = arith.constant 496 : index
      %get3A_416 = tpu.vector_load %arg13[%get3A_414, %get3A_415] {strides = array<i32>} : memref<40x512xf32, #tpu.memory_space<vmem>>, vector<1x16xf32>,
      %get3A_417 = vector.shape_cast %get3A_416 : vector<1x16xf32> to vector<16xf32>
      %mul3A_418 = vector.broadcast %squeeze3A_413 : f32 to vector<16xf32>
      %mul3A_419 = arith.mulf %mul3A_418, %get3A_417 : vector<16xf32>
      %add3A_420 = arith.addf %add3A_384, %mul3A_419 : vector<16xf32>
      %add3A_421 = arith.addf %add3A_393, %add3A_402 : vector<16xf32>
      %add3A_422 = arith.addf %add3A_411, %add3A_420 : vector<16xf32>
      %add3A_423 = arith.addf %add3A_421, %add3A_422 : vector<16xf32>
      %swap3A_424 = arith.index_cast %scan3A_91 : i32 to index
      %swap3A_425 = arith.constant 16 : index
      %swap3A_426 = tpu.vector_load %arg22[%swap3A_424, %swap3A_425] {strides = array<i32>} : memref<40x32xf32, #tpu.memory_space<vmem>>, vector<1x16xf32>,
      %swap3A_427 = vector.shape_cast %swap3A_426 : vector<1x16xf32> to vector<16xf32>
      %swap3A_428 = vector.shape_cast %add3A_423 : vector<16xf32> to vector<1x16xf32>
      tpu.vector_store %arg22[%swap3A_424, %swap3A_425], %swap3A_428 {strides = array<i32>} : memref<40x32xf32, #tpu.memory_space<vmem>>, vector<1x16xf32>,
    }
    %scan3A_80 = arith.constant 40 : i32
    "tpu.region"() ({
      %run_scoped3A_91 = tpu.sem_alloc : memref<!tpu.dma_semaphore, #tpu.memory_space<semaphore_mem>>
      %dma_start3A_92 = arith.constant 0 : i32
      %dma_start3A_93 = tpu.memref_slice %arg8[%add3A_74, %dma_start3A_92] : memref<160000x16xf32, #tpu.memory_space<hbm>> -> memref<40x16xf32, #tpu.memory_space<hbm>>
      %dma_start3A_94 = arith.constant 0 : i32
      %dma_start3A_95 = tpu.memref_slice %arg8[%add3A_74, %dma_start3A_94] : memref<160000x16xf32, #tpu.memory_space<hbm>> -> memref<40x16xf32, #tpu.memory_space<hbm>>
      tpu.enqueue_dma source(%arg21 : memref<40x16xf32, #tpu.memory_space<vmem>>) target(%dma_start3A_95 : memref<40x16xf32, #tpu.memory_space<hbm>>) target_semaphore(%run_scoped3A_91 : memref<!tpu.dma_semaphore, #tpu.memory_space<semaphore_mem>>)
      %dma_wait3A_96 = arith.constant 0 : i32
      %dma_wait3A_97 = tpu.memref_slice %arg8[%add3A_74, %dma_wait3A_96] : memref<160000x16xf32, #tpu.memory_space<hbm>> -> memref<40x16xf32, #tpu.memory_space<hbm>>
      %dma_wait3A_98 = arith.constant 0 : i32
      %dma_wait3A_99 = tpu.memref_slice %arg8[%add3A_74, %dma_wait3A_98] : memref<160000x16xf32, #tpu.memory_space<hbm>> -> memref<40x16xf32, #tpu.memory_space<hbm>>
      tpu.wait_dma2 semaphore(%run_scoped3A_91 : memref<!tpu.dma_semaphore, #tpu.memory_space<semaphore_mem>>) src(%arg21 : memref<40x16xf32, #tpu.memory_space<vmem>>) dst(%dma_wait3A_99 : memref<40x16xf32, #tpu.memory_space<hbm>>)
      tpu.yield
    }) : () -> ()
    %run_scoped3A = arith.constant 124 : i32
    "tpu.region"() ({
      %run_scoped3A_91 = tpu.sem_alloc : memref<!tpu.dma_semaphore, #tpu.memory_space<semaphore_mem>>
      %dma_start3A_92 = arith.constant 0 : i32
      %dma_start3A_93 = tpu.memref_slice %arg12[%run_scoped3A, %dma_start3A_92] : memref<125x40xi32, #tpu.memory_space<vmem>> -> memref<1x40xi32, #tpu.memory_space<vmem>>
      %dma_start3A_94 = tpu.memref_squeeze %dma_start3A_93 : memref<1x40xi32, #tpu.memory_space<vmem>> -> memref<40xi32, #tpu.memory_space<vmem>>
      %dma_start3A_95 = arith.constant 0 : i32
      %dma_start3A_96 = arith.constant 0 : i32
      %dma_start3A_97 = tpu.memref_slice %arg24[%dma_start3A_95, %dma_start3A_96] : memref<10112x32xf32, #tpu.memory_space<vmem_shared>> -> memref<10112x32xf32, #tpu.memory_space<vmem_shared>>
      tpu.enqueue_indirect_dma source(%arg22 : memref<40x32xf32, #tpu.memory_space<vmem>>) target(%dma_start3A_97 : memref<10112x32xf32, #tpu.memory_space<vmem_shared>>) offsets(%dma_start3A_94 : memref<40xi32, #tpu.memory_space<vmem>>) semaphore(%run_scoped3A_91 : memref<!tpu.dma_semaphore, #tpu.memory_space<semaphore_mem>>) {add = true}
      %dma_wait3A_98 = arith.constant 0 : i32
      %dma_wait3A_99 = tpu.memref_slice %arg12[%run_scoped3A, %dma_wait3A_98] : memref<125x40xi32, #tpu.memory_space<vmem>> -> memref<1x40xi32, #tpu.memory_space<vmem>>
      %dma_wait3A_100 = tpu.memref_squeeze %dma_wait3A_99 : memref<1x40xi32, #tpu.memory_space<vmem>> -> memref<40xi32, #tpu.memory_space<vmem>>
      %dma_wait3A_101 = arith.constant 0 : i32
      %dma_wait3A_102 = arith.constant 0 : i32
      %dma_wait3A_103 = tpu.memref_slice %arg24[%dma_wait3A_101, %dma_wait3A_102] : memref<10112x32xf32, #tpu.memory_space<vmem_shared>> -> memref<10112x32xf32, #tpu.memory_space<vmem_shared>>
      tpu.wait_indirect_dma semaphore(%run_scoped3A_91 : memref<!tpu.dma_semaphore, #tpu.memory_space<semaphore_mem>>) src(%arg22 : memref<40x32xf32, #tpu.memory_space<vmem>>) dst(%dma_wait3A_103 : memref<10112x32xf32, #tpu.memory_space<vmem_shared>>)
      tpu.yield
    }) : () -> ()
    %barrier3A_81 = arith.constant 0 : index
    tpu.barrier barrier_id(%barrier3A_81)
    %mul3A_82 = arith.constant 632 : i32
    %mul3A_83 = arith.muli %arg1, %mul3A_82 : i32
    %eq3A = arith.constant 0 : i32
    %eq3A_84 = arith.cmpi eq, %arg0, %eq3A : i32
    %convert_element_type3A = arith.extui %eq3A_84 : i1 to i32
    %cond3A = arith.constant 0 : i32
    %cond3A_85 = arith.cmpi ne, %convert_element_type3A, %cond3A : i32
    scf.if %cond3A_85 {
      "tpu.region"() ({
        %run_scoped3A_91 = tpu.sem_alloc : memref<!tpu.dma_semaphore, #tpu.memory_space<semaphore_mem>>
        %dma_start3A_92 = arith.constant 0 : i32
        %dma_start3A_93 = tpu.memref_slice %arg9[%mul3A_83, %dma_start3A_92] : memref<10112x32xf32, #tpu.memory_space<hbm>> -> memref<632x32xf32, #tpu.memory_space<hbm>>
        %dma_start3A_94 = arith.constant 0 : i32
        %dma_start3A_95 = tpu.memref_slice %arg24[%mul3A_83, %dma_start3A_94] : memref<10112x32xf32, #tpu.memory_space<vmem_shared>> -> memref<632x32xf32, #tpu.memory_space<vmem_shared>>
        tpu.enqueue_dma source(%dma_start3A_95 : memref<632x32xf32, #tpu.memory_space<vmem_shared>>) target(%dma_start3A_93 : memref<632x32xf32, #tpu.memory_space<hbm>>) target_semaphore(%run_scoped3A_91 : memref<!tpu.dma_semaphore, #tpu.memory_space<semaphore_mem>>)
        %dma_wait3A_96 = arith.constant 0 : i32
        %dma_wait3A_97 = tpu.memref_slice %arg9[%mul3A_83, %dma_wait3A_96] : memref<10112x32xf32, #tpu.memory_space<hbm>> -> memref<632x32xf32, #tpu.memory_space<hbm>>
        %dma_wait3A_98 = arith.constant 0 : i32
        %dma_wait3A_99 = tpu.memref_slice %arg24[%mul3A_83, %dma_wait3A_98] : memref<10112x32xf32, #tpu.memory_space<vmem_shared>> -> memref<632x32xf32, #tpu.memory_space<vmem_shared>>
        tpu.wait_dma2 semaphore(%run_scoped3A_91 : memref<!tpu.dma_semaphore, #tpu.memory_space<semaphore_mem>>) src(%dma_wait3A_99 : memref<632x32xf32, #tpu.memory_space<vmem_shared>>) dst(%dma_wait3A_97 : memref<632x32xf32, #tpu.memory_space<hbm>>)
        tpu.yield
      }) : () -> ()
    } else {
    }
    %eq3A_86 = arith.constant 1 : i32
    %eq3A_87 = arith.cmpi eq, %arg0, %eq3A_86 : i32
    %convert_element_type3A_88 = arith.extui %eq3A_87 : i1 to i32
    %cond3A_89 = arith.constant 0 : i32
    %cond3A_90 = arith.cmpi ne, %convert_element_type3A_88, %cond3A_89 : i32
    scf.if %cond3A_90 {
      "tpu.region"() ({
        %run_scoped3A_91 = tpu.sem_alloc : memref<!tpu.dma_semaphore, #tpu.memory_space<semaphore_mem>>
        %dma_start3A_92 = arith.constant 0 : i32
        %dma_start3A_93 = tpu.memref_slice %arg10[%mul3A_83, %dma_start3A_92] : memref<10112x32xf32, #tpu.memory_space<hbm>> -> memref<632x32xf32, #tpu.memory_space<hbm>>
        %dma_start3A_94 = arith.constant 0 : i32
        %dma_start3A_95 = tpu.memref_slice %arg24[%mul3A_83, %dma_start3A_94] : memref<10112x32xf32, #tpu.memory_space<vmem_shared>> -> memref<632x32xf32, #tpu.memory_space<vmem_shared>>
        tpu.enqueue_dma source(%dma_start3A_95 : memref<632x32xf32, #tpu.memory_space<vmem_shared>>) target(%dma_start3A_93 : memref<632x32xf32, #tpu.memory_space<hbm>>) target_semaphore(%run_scoped3A_91 : memref<!tpu.dma_semaphore, #tpu.memory_space<semaphore_mem>>)
        %dma_wait3A_96 = arith.constant 0 : i32
        %dma_wait3A_97 = tpu.memref_slice %arg10[%mul3A_83, %dma_wait3A_96] : memref<10112x32xf32, #tpu.memory_space<hbm>> -> memref<632x32xf32, #tpu.memory_space<hbm>>
        %dma_wait3A_98 = arith.constant 0 : i32
        %dma_wait3A_99 = tpu.memref_slice %arg24[%mul3A_83, %dma_wait3A_98] : memref<10112x32xf32, #tpu.memory_space<vmem_shared>> -> memref<632x32xf32, #tpu.memory_space<vmem_shared>>
        tpu.wait_dma2 semaphore(%run_scoped3A_91 : memref<!tpu.dma_semaphore, #tpu.memory_space<semaphore_mem>>) src(%dma_wait3A_99 : memref<632x32xf32, #tpu.memory_space<vmem_shared>>) dst(%dma_wait3A_97 : memref<632x32xf32, #tpu.memory_space<hbm>>)
        tpu.yield
      }) : () -> ()
    } else {
    }
    return
  }
}

#map = affine_map<(d0, d1) -> (0, 0)>
#map1 = affine_map<(d0, d1) -> (0, 0, 0)>
module attributes {stable_mosaic.version = 14 : i64} {
  func.func @p1(%arg0: i32, %arg1: i32, %arg2: memref<10000x512xf32, #tpu.memory_space<hbm>>, %arg3: memref<10000x512xf32, #tpu.memory_space<hbm>>, %arg4: memref<32x125x40xi32, #tpu.memory_space<hbm>>, %arg5: memref<32x125x40xi32, #tpu.memory_space<hbm>>, %arg6: memref<32x16xf32, #tpu.memory_space<hbm>>, %arg7: memref<160000x16xf32, #tpu.memory_space<hbm>>, %arg8: memref<10112x16xf32, #tpu.memory_space<hbm>>, %arg9: memref<10112x16xf32, #tpu.memory_space<hbm>>, %arg10: memref<125x40xi32, #tpu.memory_space<vmem>>, %arg11: memref<125x40xi32, #tpu.memory_space<vmem>>, %arg12: memref<40x512xf32, #tpu.memory_space<vmem>>, %arg13: memref<40x512xf32, #tpu.memory_space<vmem>>, %arg14: memref<40x512xf32, #tpu.memory_space<vmem>>, %arg15: memref<40x512xf32, #tpu.memory_space<vmem>>, %arg16: memref<40x16xf32, #tpu.memory_space<vmem>>, %arg17: memref<32x16xf32, #tpu.memory_space<vmem>>, %arg18: memref<632x16xf32, #tpu.memory_space<vmem>>, %arg19: memref<10112x16xf32, #tpu.memory_space<vmem_shared>>, %arg20: memref<!tpu.dma_semaphore, #tpu.memory_space<semaphore_mem>>, %arg21: memref<!tpu.dma_semaphore, #tpu.memory_space<semaphore_mem>>, %arg22: memref<!tpu.dma_semaphore, #tpu.memory_space<semaphore_mem>>, %arg23: memref<!tpu.dma_semaphore, #tpu.memory_space<semaphore_mem>>) attributes {dimension_semantics = [#tpu.dimension_semantics<core_parallel>, #tpu.dimension_semantics<subcore_parallel>], iteration_bounds = array<i64: 2, 16>, scalar_prefetch = 0 : i64, scratch_operands = 14 : i64, tpu.core_type = #tpu.core_type<sc_vector_subcore>, window_params = [{transform_indices = #map}, {transform_indices = #map}, {transform_indices = #map1}, {transform_indices = #map1}, {transform_indices = #map}, {transform_indices = #map}, {transform_indices = #map}, {transform_indices = #map}]} {
    %mul3A = arith.constant 16 : i32
    %mul3A_0 = arith.muli %arg0, %mul3A : i32
    %add3A = arith.addi %mul3A_0, %arg1 : i32
    "tpu.region"() ({
      %run_scoped3A_61 = tpu.sem_alloc : memref<!tpu.dma_semaphore, #tpu.memory_space<semaphore_mem>>
      tpu.enqueue_dma source(%arg6 : memref<32x16xf32, #tpu.memory_space<hbm>>) target(%arg17 : memref<32x16xf32, #tpu.memory_space<vmem>>) target_semaphore(%run_scoped3A_61 : memref<!tpu.dma_semaphore, #tpu.memory_space<semaphore_mem>>)
      tpu.wait_dma2 semaphore(%run_scoped3A_61 : memref<!tpu.dma_semaphore, #tpu.memory_space<semaphore_mem>>) src(%arg6 : memref<32x16xf32, #tpu.memory_space<hbm>>) dst(%arg17 : memref<32x16xf32, #tpu.memory_space<vmem>>)
      tpu.yield
    }) : () -> ()
    "tpu.region"() ({
      %run_scoped3A_61 = tpu.sem_alloc : memref<!tpu.dma_semaphore, #tpu.memory_space<semaphore_mem>>
      %dma_start3A_62 = arith.constant 0 : i32
      %dma_start3A_63 = arith.constant 0 : i32
      %dma_start3A_64 = tpu.memref_slice %arg4[%add3A, %dma_start3A_62, %dma_start3A_63] : memref<32x125x40xi32, #tpu.memory_space<hbm>> -> memref<1x125x40xi32, #tpu.memory_space<hbm>>
      %dma_start3A_65 = tpu.memref_squeeze %dma_start3A_64 : memref<1x125x40xi32, #tpu.memory_space<hbm>> -> memref<125x40xi32, #tpu.memory_space<hbm>>
      %dma_start3A_66 = arith.constant 0 : i32
      %dma_start3A_67 = arith.constant 0 : i32
      %dma_start3A_68 = tpu.memref_slice %arg4[%add3A, %dma_start3A_66, %dma_start3A_67] : memref<32x125x40xi32, #tpu.memory_space<hbm>> -> memref<1x125x40xi32, #tpu.memory_space<hbm>>
      %dma_start3A_69 = tpu.memref_squeeze %dma_start3A_68 : memref<1x125x40xi32, #tpu.memory_space<hbm>> -> memref<125x40xi32, #tpu.memory_space<hbm>>
      tpu.enqueue_dma source(%dma_start3A_69 : memref<125x40xi32, #tpu.memory_space<hbm>>) target(%arg10 : memref<125x40xi32, #tpu.memory_space<vmem>>) target_semaphore(%run_scoped3A_61 : memref<!tpu.dma_semaphore, #tpu.memory_space<semaphore_mem>>)
      %dma_wait3A_70 = arith.constant 0 : i32
      %dma_wait3A_71 = arith.constant 0 : i32
      %dma_wait3A_72 = tpu.memref_slice %arg4[%add3A, %dma_wait3A_70, %dma_wait3A_71] : memref<32x125x40xi32, #tpu.memory_space<hbm>> -> memref<1x125x40xi32, #tpu.memory_space<hbm>>
      %dma_wait3A_73 = tpu.memref_squeeze %dma_wait3A_72 : memref<1x125x40xi32, #tpu.memory_space<hbm>> -> memref<125x40xi32, #tpu.memory_space<hbm>>
      %dma_wait3A_74 = arith.constant 0 : i32
      %dma_wait3A_75 = arith.constant 0 : i32
      %dma_wait3A_76 = tpu.memref_slice %arg4[%add3A, %dma_wait3A_74, %dma_wait3A_75] : memref<32x125x40xi32, #tpu.memory_space<hbm>> -> memref<1x125x40xi32, #tpu.memory_space<hbm>>
      %dma_wait3A_77 = tpu.memref_squeeze %dma_wait3A_76 : memref<1x125x40xi32, #tpu.memory_space<hbm>> -> memref<125x40xi32, #tpu.memory_space<hbm>>
      tpu.wait_dma2 semaphore(%run_scoped3A_61 : memref<!tpu.dma_semaphore, #tpu.memory_space<semaphore_mem>>) src(%dma_wait3A_77 : memref<125x40xi32, #tpu.memory_space<hbm>>) dst(%arg10 : memref<125x40xi32, #tpu.memory_space<vmem>>)
      tpu.yield
    }) : () -> ()
    "tpu.region"() ({
      %run_scoped3A_61 = tpu.sem_alloc : memref<!tpu.dma_semaphore, #tpu.memory_space<semaphore_mem>>
      %dma_start3A_62 = arith.constant 0 : i32
      %dma_start3A_63 = arith.constant 0 : i32
      %dma_start3A_64 = tpu.memref_slice %arg5[%add3A, %dma_start3A_62, %dma_start3A_63] : memref<32x125x40xi32, #tpu.memory_space<hbm>> -> memref<1x125x40xi32, #tpu.memory_space<hbm>>
      %dma_start3A_65 = tpu.memref_squeeze %dma_start3A_64 : memref<1x125x40xi32, #tpu.memory_space<hbm>> -> memref<125x40xi32, #tpu.memory_space<hbm>>
      %dma_start3A_66 = arith.constant 0 : i32
      %dma_start3A_67 = arith.constant 0 : i32
      %dma_start3A_68 = tpu.memref_slice %arg5[%add3A, %dma_start3A_66, %dma_start3A_67] : memref<32x125x40xi32, #tpu.memory_space<hbm>> -> memref<1x125x40xi32, #tpu.memory_space<hbm>>
      %dma_start3A_69 = tpu.memref_squeeze %dma_start3A_68 : memref<1x125x40xi32, #tpu.memory_space<hbm>> -> memref<125x40xi32, #tpu.memory_space<hbm>>
      tpu.enqueue_dma source(%dma_start3A_69 : memref<125x40xi32, #tpu.memory_space<hbm>>) target(%arg11 : memref<125x40xi32, #tpu.memory_space<vmem>>) target_semaphore(%run_scoped3A_61 : memref<!tpu.dma_semaphore, #tpu.memory_space<semaphore_mem>>)
      %dma_wait3A_70 = arith.constant 0 : i32
      %dma_wait3A_71 = arith.constant 0 : i32
      %dma_wait3A_72 = tpu.memref_slice %arg5[%add3A, %dma_wait3A_70, %dma_wait3A_71] : memref<32x125x40xi32, #tpu.memory_space<hbm>> -> memref<1x125x40xi32, #tpu.memory_space<hbm>>
      %dma_wait3A_73 = tpu.memref_squeeze %dma_wait3A_72 : memref<1x125x40xi32, #tpu.memory_space<hbm>> -> memref<125x40xi32, #tpu.memory_space<hbm>>
      %dma_wait3A_74 = arith.constant 0 : i32
      %dma_wait3A_75 = arith.constant 0 : i32
      %dma_wait3A_76 = tpu.memref_slice %arg5[%add3A, %dma_wait3A_74, %dma_wait3A_75] : memref<32x125x40xi32, #tpu.memory_space<hbm>> -> memref<1x125x40xi32, #tpu.memory_space<hbm>>
      %dma_wait3A_77 = tpu.memref_squeeze %dma_wait3A_76 : memref<1x125x40xi32, #tpu.memory_space<hbm>> -> memref<125x40xi32, #tpu.memory_space<hbm>>
      tpu.wait_dma2 semaphore(%run_scoped3A_61 : memref<!tpu.dma_semaphore, #tpu.memory_space<semaphore_mem>>) src(%dma_wait3A_77 : memref<125x40xi32, #tpu.memory_space<hbm>>) dst(%arg11 : memref<125x40xi32, #tpu.memory_space<vmem>>)
      tpu.yield
    }) : () -> ()
    %broadcast_in_dim3A = arith.constant 0.000000e+00 : f32
    %broadcast_in_dim3A_1 = vector.broadcast %broadcast_in_dim3A : f32 to vector<16xf32>
    %scan3A = arith.constant 0 : i32
    %scan3A_2 = arith.constant 0 : i32
    %scan3A_3 = arith.constant 632 : i32
    %scan3A_4 = arith.addi %scan3A_2, %scan3A_3 : i32
    %scan3A_5 = arith.constant 1 : i32
    scf.for %scan3A_61 = %scan3A_2 to %scan3A_4 step %scan3A_5  : i32 {
      %swap3A = arith.index_cast %scan3A_61 : i32 to index
      %swap3A_62 = arith.constant 0 : index
      %swap3A_63 = tpu.vector_load %arg18[%swap3A, %swap3A_62] {strides = array<i32>} : memref<632x16xf32, #tpu.memory_space<vmem>>, vector<1x16xf32>,
      %swap3A_64 = vector.shape_cast %swap3A_63 : vector<1x16xf32> to vector<16xf32>
      %swap3A_65 = vector.shape_cast %broadcast_in_dim3A_1 : vector<16xf32> to vector<1x16xf32>
      tpu.vector_store %arg18[%swap3A, %swap3A_62], %swap3A_65 {strides = array<i32>} : memref<632x16xf32, #tpu.memory_space<vmem>>, vector<1x16xf32>,
    }
    %scan3A_6 = arith.constant 632 : i32
    %mul3A_7 = arith.constant 632 : i32
    %mul3A_8 = arith.muli %arg1, %mul3A_7 : i32
    "tpu.region"() ({
      %run_scoped3A_61 = tpu.sem_alloc : memref<!tpu.dma_semaphore, #tpu.memory_space<semaphore_mem>>
      %dma_start3A_62 = arith.constant 0 : i32
      %dma_start3A_63 = tpu.memref_slice %arg19[%mul3A_8, %dma_start3A_62] : memref<10112x16xf32, #tpu.memory_space<vmem_shared>> -> memref<632x16xf32, #tpu.memory_space<vmem_shared>>
      %dma_start3A_64 = arith.constant 0 : i32
      %dma_start3A_65 = tpu.memref_slice %arg19[%mul3A_8, %dma_start3A_64] : memref<10112x16xf32, #tpu.memory_space<vmem_shared>> -> memref<632x16xf32, #tpu.memory_space<vmem_shared>>
      tpu.enqueue_dma source(%arg18 : memref<632x16xf32, #tpu.memory_space<vmem>>) target(%dma_start3A_65 : memref<632x16xf32, #tpu.memory_space<vmem_shared>>) target_semaphore(%run_scoped3A_61 : memref<!tpu.dma_semaphore, #tpu.memory_space<semaphore_mem>>)
      %dma_wait3A_66 = arith.constant 0 : i32
      %dma_wait3A_67 = tpu.memref_slice %arg19[%mul3A_8, %dma_wait3A_66] : memref<10112x16xf32, #tpu.memory_space<vmem_shared>> -> memref<632x16xf32, #tpu.memory_space<vmem_shared>>
      %dma_wait3A_68 = arith.constant 0 : i32
      %dma_wait3A_69 = tpu.memref_slice %arg19[%mul3A_8, %dma_wait3A_68] : memref<10112x16xf32, #tpu.memory_space<vmem_shared>> -> memref<632x16xf32, #tpu.memory_space<vmem_shared>>
      tpu.wait_dma2 semaphore(%run_scoped3A_61 : memref<!tpu.dma_semaphore, #tpu.memory_space<semaphore_mem>>) src(%arg18 : memref<632x16xf32, #tpu.memory_space<vmem>>) dst(%dma_wait3A_69 : memref<632x16xf32, #tpu.memory_space<vmem_shared>>)
      tpu.yield
    }) : () -> ()
    %barrier3A = arith.constant 0 : index
    tpu.barrier barrier_id(%barrier3A)
    %dma_start3A = arith.constant 0 : i32
    %dma_start3A_9 = arith.constant 0 : i32
    %dma_start3A_10 = tpu.memref_slice %arg10[%dma_start3A, %dma_start3A_9] : memref<125x40xi32, #tpu.memory_space<vmem>> -> memref<1x40xi32, #tpu.memory_space<vmem>>
    %dma_start3A_11 = tpu.memref_squeeze %dma_start3A_10 : memref<1x40xi32, #tpu.memory_space<vmem>> -> memref<40xi32, #tpu.memory_space<vmem>>
    %dma_start3A_12 = arith.constant 0 : i32
    %dma_start3A_13 = arith.constant 0 : i32
    %dma_start3A_14 = tpu.memref_slice %arg2[%dma_start3A_12, %dma_start3A_13] : memref<10000x512xf32, #tpu.memory_space<hbm>> -> memref<10000x512xf32, #tpu.memory_space<hbm>>
    tpu.enqueue_indirect_dma source(%dma_start3A_14 : memref<10000x512xf32, #tpu.memory_space<hbm>>) target(%arg12 : memref<40x512xf32, #tpu.memory_space<vmem>>) offsets(%dma_start3A_11 : memref<40xi32, #tpu.memory_space<vmem>>) semaphore(%arg20 : memref<!tpu.dma_semaphore, #tpu.memory_space<semaphore_mem>>)
    %dma_start3A_15 = arith.constant 0 : i32
    %dma_start3A_16 = arith.constant 0 : i32
    %dma_start3A_17 = tpu.memref_slice %arg11[%dma_start3A_15, %dma_start3A_16] : memref<125x40xi32, #tpu.memory_space<vmem>> -> memref<1x40xi32, #tpu.memory_space<vmem>>
    %dma_start3A_18 = tpu.memref_squeeze %dma_start3A_17 : memref<1x40xi32, #tpu.memory_space<vmem>> -> memref<40xi32, #tpu.memory_space<vmem>>
    %dma_start3A_19 = arith.constant 0 : i32
    %dma_start3A_20 = arith.constant 0 : i32
    %dma_start3A_21 = tpu.memref_slice %arg3[%dma_start3A_19, %dma_start3A_20] : memref<10000x512xf32, #tpu.memory_space<hbm>> -> memref<10000x512xf32, #tpu.memory_space<hbm>>
    tpu.enqueue_indirect_dma source(%dma_start3A_21 : memref<10000x512xf32, #tpu.memory_space<hbm>>) target(%arg14 : memref<40x512xf32, #tpu.memory_space<vmem>>) offsets(%dma_start3A_18 : memref<40xi32, #tpu.memory_space<vmem>>) semaphore(%arg22 : memref<!tpu.dma_semaphore, #tpu.memory_space<semaphore_mem>>)
    %scan3A_22 = arith.constant 0 : i32
    %scan3A_23 = arith.constant 0 : i32
    %scan3A_24 = arith.constant 62 : i32
    %scan3A_25 = arith.addi %scan3A_23, %scan3A_24 : i32
    %scan3A_26 = arith.constant 1 : i32
    scf.for %scan3A_61 = %scan3A_23 to %scan3A_25 step %scan3A_26  : i32 {
      %mul3A_62 = arith.constant 2 : i32
      %mul3A_63 = arith.muli %mul3A_62, %scan3A_61 : i32
      %dma_wait3A_64 = arith.constant 0 : i32
      %dma_wait3A_65 = tpu.memref_slice %arg10[%mul3A_63, %dma_wait3A_64] : memref<125x40xi32, #tpu.memory_space<vmem>> -> memref<1x40xi32, #tpu.memory_space<vmem>>
      %dma_wait3A_66 = tpu.memref_squeeze %dma_wait3A_65 : memref<1x40xi32, #tpu.memory_space<vmem>> -> memref<40xi32, #tpu.memory_space<vmem>>
      %dma_wait3A_67 = arith.constant 0 : i32
      %dma_wait3A_68 = arith.constant 0 : i32
      %dma_wait3A_69 = tpu.memref_slice %arg2[%dma_wait3A_67, %dma_wait3A_68] : memref<10000x512xf32, #tpu.memory_space<hbm>> -> memref<10000x512xf32, #tpu.memory_space<hbm>>
      tpu.wait_indirect_dma semaphore(%arg20 : memref<!tpu.dma_semaphore, #tpu.memory_space<semaphore_mem>>) src(%dma_wait3A_69 : memref<10000x512xf32, #tpu.memory_space<hbm>>) dst(%arg12 : memref<40x512xf32, #tpu.memory_space<vmem>>)
      %dma_wait3A_70 = arith.constant 0 : i32
      %dma_wait3A_71 = tpu.memref_slice %arg11[%mul3A_63, %dma_wait3A_70] : memref<125x40xi32, #tpu.memory_space<vmem>> -> memref<1x40xi32, #tpu.memory_space<vmem>>
      %dma_wait3A_72 = tpu.memref_squeeze %dma_wait3A_71 : memref<1x40xi32, #tpu.memory_space<vmem>> -> memref<40xi32, #tpu.memory_space<vmem>>
      %dma_wait3A_73 = arith.constant 0 : i32
      %dma_wait3A_74 = arith.constant 0 : i32
      %dma_wait3A_75 = tpu.memref_slice %arg3[%dma_wait3A_73, %dma_wait3A_74] : memref<10000x512xf32, #tpu.memory_space<hbm>> -> memref<10000x512xf32, #tpu.memory_space<hbm>>
      tpu.wait_indirect_dma semaphore(%arg22 : memref<!tpu.dma_semaphore, #tpu.memory_space<semaphore_mem>>) src(%dma_wait3A_75 : memref<10000x512xf32, #tpu.memory_space<hbm>>) dst(%arg14 : memref<40x512xf32, #tpu.memory_space<vmem>>)
      %add3A_76 = arith.constant 1 : i32
      %add3A_77 = arith.addi %mul3A_63, %add3A_76 : i32
      %dma_start3A_78 = arith.constant 0 : i32
      %dma_start3A_79 = tpu.memref_slice %arg10[%add3A_77, %dma_start3A_78] : memref<125x40xi32, #tpu.memory_space<vmem>> -> memref<1x40xi32, #tpu.memory_space<vmem>>
      %dma_start3A_80 = tpu.memref_squeeze %dma_start3A_79 : memref<1x40xi32, #tpu.memory_space<vmem>> -> memref<40xi32, #tpu.memory_space<vmem>>
      %dma_start3A_81 = arith.constant 0 : i32
      %dma_start3A_82 = arith.constant 0 : i32
      %dma_start3A_83 = tpu.memref_slice %arg2[%dma_start3A_81, %dma_start3A_82] : memref<10000x512xf32, #tpu.memory_space<hbm>> -> memref<10000x512xf32, #tpu.memory_space<hbm>>
      tpu.enqueue_indirect_dma source(%dma_start3A_83 : memref<10000x512xf32, #tpu.memory_space<hbm>>) target(%arg13 : memref<40x512xf32, #tpu.memory_space<vmem>>) offsets(%dma_start3A_80 : memref<40xi32, #tpu.memory_space<vmem>>) semaphore(%arg21 : memref<!tpu.dma_semaphore, #tpu.memory_space<semaphore_mem>>)
      %dma_start3A_84 = arith.constant 0 : i32
      %dma_start3A_85 = tpu.memref_slice %arg11[%add3A_77, %dma_start3A_84] : memref<125x40xi32, #tpu.memory_space<vmem>> -> memref<1x40xi32, #tpu.memory_space<vmem>>
      %dma_start3A_86 = tpu.memref_squeeze %dma_start3A_85 : memref<1x40xi32, #tpu.memory_space<vmem>> -> memref<40xi32, #tpu.memory_space<vmem>>
      %dma_start3A_87 = arith.constant 0 : i32
      %dma_start3A_88 = arith.constant 0 : i32
      %dma_start3A_89 = tpu.memref_slice %arg3[%dma_start3A_87, %dma_start3A_88] : memref<10000x512xf32, #tpu.memory_space<hbm>> -> memref<10000x512xf32, #tpu.memory_space<hbm>>
      tpu.enqueue_indirect_dma source(%dma_start3A_89 : memref<10000x512xf32, #tpu.memory_space<hbm>>) target(%arg15 : memref<40x512xf32, #tpu.memory_space<vmem>>) offsets(%dma_start3A_86 : memref<40xi32, #tpu.memory_space<vmem>>) semaphore(%arg23 : memref<!tpu.dma_semaphore, #tpu.memory_space<semaphore_mem>>)
      %mul3A_90 = arith.constant 5000 : i32
      %mul3A_91 = arith.muli %add3A, %mul3A_90 : i32
      %mul3A_92 = arith.constant 40 : i32
      %mul3A_93 = arith.muli %mul3A_63, %mul3A_92 : i32
      %add3A_94 = arith.addi %mul3A_91, %mul3A_93 : i32
      %scan3A_95 = arith.constant 0 : i32
      %scan3A_96 = arith.constant 0 : i32
      %scan3A_97 = arith.constant 40 : i32
      %scan3A_98 = arith.addi %scan3A_96, %scan3A_97 : i32
      %scan3A_99 = arith.constant 1 : i32
      scf.for %scan3A_142 = %scan3A_96 to %scan3A_98 step %scan3A_99  : i32 {
        %broadcast_in_dim3A_143 = arith.constant 0.000000e+00 : f32
        %broadcast_in_dim3A_144 = vector.broadcast %broadcast_in_dim3A_143 : f32 to vector<16xf32>
        %broadcast_in_dim3A_145 = arith.constant 0.000000e+00 : f32
        %broadcast_in_dim3A_146 = vector.broadcast %broadcast_in_dim3A_145 : f32 to vector<16xf32>
        %broadcast_in_dim3A_147 = arith.constant 0.000000e+00 : f32
        %broadcast_in_dim3A_148 = vector.broadcast %broadcast_in_dim3A_147 : f32 to vector<16xf32>
        %broadcast_in_dim3A_149 = arith.constant 0.000000e+00 : f32
        %broadcast_in_dim3A_150 = vector.broadcast %broadcast_in_dim3A_149 : f32 to vector<16xf32>
        %get3A = arith.index_cast %scan3A_142 : i32 to index
        %get3A_151 = arith.constant 0 : index
        %get3A_152 = tpu.vector_load %arg12[%get3A, %get3A_151] {strides = array<i32>} : memref<40x512xf32, #tpu.memory_space<vmem>>, vector<1x16xf32>,
        %get3A_153 = vector.shape_cast %get3A_152 : vector<1x16xf32> to vector<16xf32>
        %get3A_154 = arith.index_cast %scan3A_142 : i32 to index
        %get3A_155 = arith.constant 0 : index
        %get3A_156 = tpu.vector_load %arg14[%get3A_154, %get3A_155] {strides = array<i32>} : memref<40x512xf32, #tpu.memory_space<vmem>>, vector<1x16xf32>,
        %get3A_157 = vector.shape_cast %get3A_156 : vector<1x16xf32> to vector<16xf32>
        %add3A_158 = arith.addf %get3A_153, %get3A_157 : vector<16xf32>
        %mul3A_159 = arith.constant 2.000000e-01 : f32
        %mul3A_160 = vector.broadcast %mul3A_159 : f32 to vector<16xf32>
        %mul3A_161 = arith.mulf %mul3A_160, %add3A_158 : vector<16xf32>
        %max3A = arith.maximumf %add3A_158, %mul3A_161 : vector<16xf32>
        %get3A_162 = arith.constant 0 : i32
        %get3A_163 = arith.index_cast %get3A_162 : i32 to index
        %get3A_164 = arith.constant 0 : index
        %get3A_165 = tpu.vector_load %arg17[%get3A_163, %get3A_164] {strides = array<i32>} : memref<32x16xf32, #tpu.memory_space<vmem>>, vector<1x16xf32>,
        %get3A_166 = vector.shape_cast %get3A_165 : vector<1x16xf32> to vector<16xf32>
        %mul3A_167 = arith.mulf %max3A, %get3A_166 : vector<16xf32>
        %add3A_168 = arith.addf %broadcast_in_dim3A_144, %mul3A_167 : vector<16xf32>
        %get3A_169 = arith.index_cast %scan3A_142 : i32 to index
        %get3A_170 = arith.constant 16 : index
        %get3A_171 = tpu.vector_load %arg12[%get3A_169, %get3A_170] {strides = array<i32>} : memref<40x512xf32, #tpu.memory_space<vmem>>, vector<1x16xf32>,
        %get3A_172 = vector.shape_cast %get3A_171 : vector<1x16xf32> to vector<16xf32>
        %get3A_173 = arith.index_cast %scan3A_142 : i32 to index
        %get3A_174 = arith.constant 16 : index
        %get3A_175 = tpu.vector_load %arg14[%get3A_173, %get3A_174] {strides = array<i32>} : memref<40x512xf32, #tpu.memory_space<vmem>>, vector<1x16xf32>,
        %get3A_176 = vector.shape_cast %get3A_175 : vector<1x16xf32> to vector<16xf32>
        %add3A_177 = arith.addf %get3A_172, %get3A_176 : vector<16xf32>
        %mul3A_178 = arith.constant 2.000000e-01 : f32
        %mul3A_179 = vector.broadcast %mul3A_178 : f32 to vector<16xf32>
        %mul3A_180 = arith.mulf %mul3A_179, %add3A_177 : vector<16xf32>
        %max3A_181 = arith.maximumf %add3A_177, %mul3A_180 : vector<16xf32>
        %get3A_182 = arith.constant 1 : i32
        %get3A_183 = arith.index_cast %get3A_182 : i32 to index
        %get3A_184 = arith.constant 0 : index
        %get3A_185 = tpu.vector_load %arg17[%get3A_183, %get3A_184] {strides = array<i32>} : memref<32x16xf32, #tpu.memory_space<vmem>>, vector<1x16xf32>,
        %get3A_186 = vector.shape_cast %get3A_185 : vector<1x16xf32> to vector<16xf32>
        %mul3A_187 = arith.mulf %max3A_181, %get3A_186 : vector<16xf32>
        %add3A_188 = arith.addf %broadcast_in_dim3A_146, %mul3A_187 : vector<16xf32>
        %get3A_189 = arith.index_cast %scan3A_142 : i32 to index
        %get3A_190 = arith.constant 32 : index
        %get3A_191 = tpu.vector_load %arg12[%get3A_189, %get3A_190] {strides = array<i32>} : memref<40x512xf32, #tpu.memory_space<vmem>>, vector<1x16xf32>,
        %get3A_192 = vector.shape_cast %get3A_191 : vector<1x16xf32> to vector<16xf32>
        %get3A_193 = arith.index_cast %scan3A_142 : i32 to index
        %get3A_194 = arith.constant 32 : index
        %get3A_195 = tpu.vector_load %arg14[%get3A_193, %get3A_194] {strides = array<i32>} : memref<40x512xf32, #tpu.memory_space<vmem>>, vector<1x16xf32>,
        %get3A_196 = vector.shape_cast %get3A_195 : vector<1x16xf32> to vector<16xf32>
        %add3A_197 = arith.addf %get3A_192, %get3A_196 : vector<16xf32>
        %mul3A_198 = arith.constant 2.000000e-01 : f32
        %mul3A_199 = vector.broadcast %mul3A_198 : f32 to vector<16xf32>
        %mul3A_200 = arith.mulf %mul3A_199, %add3A_197 : vector<16xf32>
        %max3A_201 = arith.maximumf %add3A_197, %mul3A_200 : vector<16xf32>
        %get3A_202 = arith.constant 2 : i32
        %get3A_203 = arith.index_cast %get3A_202 : i32 to index
        %get3A_204 = arith.constant 0 : index
        %get3A_205 = tpu.vector_load %arg17[%get3A_203, %get3A_204] {strides = array<i32>} : memref<32x16xf32, #tpu.memory_space<vmem>>, vector<1x16xf32>,
        %get3A_206 = vector.shape_cast %get3A_205 : vector<1x16xf32> to vector<16xf32>
        %mul3A_207 = arith.mulf %max3A_201, %get3A_206 : vector<16xf32>
        %add3A_208 = arith.addf %broadcast_in_dim3A_148, %mul3A_207 : vector<16xf32>
        %get3A_209 = arith.index_cast %scan3A_142 : i32 to index
        %get3A_210 = arith.constant 48 : index
        %get3A_211 = tpu.vector_load %arg12[%get3A_209, %get3A_210] {strides = array<i32>} : memref<40x512xf32, #tpu.memory_space<vmem>>, vector<1x16xf32>,
        %get3A_212 = vector.shape_cast %get3A_211 : vector<1x16xf32> to vector<16xf32>
        %get3A_213 = arith.index_cast %scan3A_142 : i32 to index
        %get3A_214 = arith.constant 48 : index
        %get3A_215 = tpu.vector_load %arg14[%get3A_213, %get3A_214] {strides = array<i32>} : memref<40x512xf32, #tpu.memory_space<vmem>>, vector<1x16xf32>,
        %get3A_216 = vector.shape_cast %get3A_215 : vector<1x16xf32> to vector<16xf32>
        %add3A_217 = arith.addf %get3A_212, %get3A_216 : vector<16xf32>
        %mul3A_218 = arith.constant 2.000000e-01 : f32
        %mul3A_219 = vector.broadcast %mul3A_218 : f32 to vector<16xf32>
        %mul3A_220 = arith.mulf %mul3A_219, %add3A_217 : vector<16xf32>
        %max3A_221 = arith.maximumf %add3A_217, %mul3A_220 : vector<16xf32>
        %get3A_222 = arith.constant 3 : i32
        %get3A_223 = arith.index_cast %get3A_222 : i32 to index
        %get3A_224 = arith.constant 0 : index
        %get3A_225 = tpu.vector_load %arg17[%get3A_223, %get3A_224] {strides = array<i32>} : memref<32x16xf32, #tpu.memory_space<vmem>>, vector<1x16xf32>,
        %get3A_226 = vector.shape_cast %get3A_225 : vector<1x16xf32> to vector<16xf32>
        %mul3A_227 = arith.mulf %max3A_221, %get3A_226 : vector<16xf32>
        %add3A_228 = arith.addf %broadcast_in_dim3A_150, %mul3A_227 : vector<16xf32>
        %get3A_229 = arith.index_cast %scan3A_142 : i32 to index
        %get3A_230 = arith.constant 64 : index
        %get3A_231 = tpu.vector_load %arg12[%get3A_229, %get3A_230] {strides = array<i32>} : memref<40x512xf32, #tpu.memory_space<vmem>>, vector<1x16xf32>,
        %get3A_232 = vector.shape_cast %get3A_231 : vector<1x16xf32> to vector<16xf32>
        %get3A_233 = arith.index_cast %scan3A_142 : i32 to index
        %get3A_234 = arith.constant 64 : index
        %get3A_235 = tpu.vector_load %arg14[%get3A_233, %get3A_234] {strides = array<i32>} : memref<40x512xf32, #tpu.memory_space<vmem>>, vector<1x16xf32>,
        %get3A_236 = vector.shape_cast %get3A_235 : vector<1x16xf32> to vector<16xf32>
        %add3A_237 = arith.addf %get3A_232, %get3A_236 : vector<16xf32>
        %mul3A_238 = arith.constant 2.000000e-01 : f32
        %mul3A_239 = vector.broadcast %mul3A_238 : f32 to vector<16xf32>
        %mul3A_240 = arith.mulf %mul3A_239, %add3A_237 : vector<16xf32>
        %max3A_241 = arith.maximumf %add3A_237, %mul3A_240 : vector<16xf32>
        %get3A_242 = arith.constant 4 : i32
        %get3A_243 = arith.index_cast %get3A_242 : i32 to index
        %get3A_244 = arith.constant 0 : index
        %get3A_245 = tpu.vector_load %arg17[%get3A_243, %get3A_244] {strides = array<i32>} : memref<32x16xf32, #tpu.memory_space<vmem>>, vector<1x16xf32>,
        %get3A_246 = vector.shape_cast %get3A_245 : vector<1x16xf32> to vector<16xf32>
        %mul3A_247 = arith.mulf %max3A_241, %get3A_246 : vector<16xf32>
        %add3A_248 = arith.addf %add3A_168, %mul3A_247 : vector<16xf32>
        %get3A_249 = arith.index_cast %scan3A_142 : i32 to index
        %get3A_250 = arith.constant 80 : index
        %get3A_251 = tpu.vector_load %arg12[%get3A_249, %get3A_250] {strides = array<i32>} : memref<40x512xf32, #tpu.memory_space<vmem>>, vector<1x16xf32>,
        %get3A_252 = vector.shape_cast %get3A_251 : vector<1x16xf32> to vector<16xf32>
        %get3A_253 = arith.index_cast %scan3A_142 : i32 to index
        %get3A_254 = arith.constant 80 : index
        %get3A_255 = tpu.vector_load %arg14[%get3A_253, %get3A_254] {strides = array<i32>} : memref<40x512xf32, #tpu.memory_space<vmem>>, vector<1x16xf32>,
        %get3A_256 = vector.shape_cast %get3A_255 : vector<1x16xf32> to vector<16xf32>
        %add3A_257 = arith.addf %get3A_252, %get3A_256 : vector<16xf32>
        %mul3A_258 = arith.constant 2.000000e-01 : f32
        %mul3A_259 = vector.broadcast %mul3A_258 : f32 to vector<16xf32>
        %mul3A_260 = arith.mulf %mul3A_259, %add3A_257 : vector<16xf32>
        %max3A_261 = arith.maximumf %add3A_257, %mul3A_260 : vector<16xf32>
        %get3A_262 = arith.constant 5 : i32
        %get3A_263 = arith.index_cast %get3A_262 : i32 to index
        %get3A_264 = arith.constant 0 : index
        %get3A_265 = tpu.vector_load %arg17[%get3A_263, %get3A_264] {strides = array<i32>} : memref<32x16xf32, #tpu.memory_space<vmem>>, vector<1x16xf32>,
        %get3A_266 = vector.shape_cast %get3A_265 : vector<1x16xf32> to vector<16xf32>
        %mul3A_267 = arith.mulf %max3A_261, %get3A_266 : vector<16xf32>
        %add3A_268 = arith.addf %add3A_188, %mul3A_267 : vector<16xf32>
        %get3A_269 = arith.index_cast %scan3A_142 : i32 to index
        %get3A_270 = arith.constant 96 : index
        %get3A_271 = tpu.vector_load %arg12[%get3A_269, %get3A_270] {strides = array<i32>} : memref<40x512xf32, #tpu.memory_space<vmem>>, vector<1x16xf32>,
        %get3A_272 = vector.shape_cast %get3A_271 : vector<1x16xf32> to vector<16xf32>
        %get3A_273 = arith.index_cast %scan3A_142 : i32 to index
        %get3A_274 = arith.constant 96 : index
        %get3A_275 = tpu.vector_load %arg14[%get3A_273, %get3A_274] {strides = array<i32>} : memref<40x512xf32, #tpu.memory_space<vmem>>, vector<1x16xf32>,
        %get3A_276 = vector.shape_cast %get3A_275 : vector<1x16xf32> to vector<16xf32>
        %add3A_277 = arith.addf %get3A_272, %get3A_276 : vector<16xf32>
        %mul3A_278 = arith.constant 2.000000e-01 : f32
        %mul3A_279 = vector.broadcast %mul3A_278 : f32 to vector<16xf32>
        %mul3A_280 = arith.mulf %mul3A_279, %add3A_277 : vector<16xf32>
        %max3A_281 = arith.maximumf %add3A_277, %mul3A_280 : vector<16xf32>
        %get3A_282 = arith.constant 6 : i32
        %get3A_283 = arith.index_cast %get3A_282 : i32 to index
        %get3A_284 = arith.constant 0 : index
        %get3A_285 = tpu.vector_load %arg17[%get3A_283, %get3A_284] {strides = array<i32>} : memref<32x16xf32, #tpu.memory_space<vmem>>, vector<1x16xf32>,
        %get3A_286 = vector.shape_cast %get3A_285 : vector<1x16xf32> to vector<16xf32>
        %mul3A_287 = arith.mulf %max3A_281, %get3A_286 : vector<16xf32>
        %add3A_288 = arith.addf %add3A_208, %mul3A_287 : vector<16xf32>
        %get3A_289 = arith.index_cast %scan3A_142 : i32 to index
        %get3A_290 = arith.constant 112 : index
        %get3A_291 = tpu.vector_load %arg12[%get3A_289, %get3A_290] {strides = array<i32>} : memref<40x512xf32, #tpu.memory_space<vmem>>, vector<1x16xf32>,
        %get3A_292 = vector.shape_cast %get3A_291 : vector<1x16xf32> to vector<16xf32>
        %get3A_293 = arith.index_cast %scan3A_142 : i32 to index
        %get3A_294 = arith.constant 112 : index
        %get3A_295 = tpu.vector_load %arg14[%get3A_293, %get3A_294] {strides = array<i32>} : memref<40x512xf32, #tpu.memory_space<vmem>>, vector<1x16xf32>,
        %get3A_296 = vector.shape_cast %get3A_295 : vector<1x16xf32> to vector<16xf32>
        %add3A_297 = arith.addf %get3A_292, %get3A_296 : vector<16xf32>
        %mul3A_298 = arith.constant 2.000000e-01 : f32
        %mul3A_299 = vector.broadcast %mul3A_298 : f32 to vector<16xf32>
        %mul3A_300 = arith.mulf %mul3A_299, %add3A_297 : vector<16xf32>
        %max3A_301 = arith.maximumf %add3A_297, %mul3A_300 : vector<16xf32>
        %get3A_302 = arith.constant 7 : i32
        %get3A_303 = arith.index_cast %get3A_302 : i32 to index
        %get3A_304 = arith.constant 0 : index
        %get3A_305 = tpu.vector_load %arg17[%get3A_303, %get3A_304] {strides = array<i32>} : memref<32x16xf32, #tpu.memory_space<vmem>>, vector<1x16xf32>,
        %get3A_306 = vector.shape_cast %get3A_305 : vector<1x16xf32> to vector<16xf32>
        %mul3A_307 = arith.mulf %max3A_301, %get3A_306 : vector<16xf32>
        %add3A_308 = arith.addf %add3A_228, %mul3A_307 : vector<16xf32>
        %get3A_309 = arith.index_cast %scan3A_142 : i32 to index
        %get3A_310 = arith.constant 128 : index
        %get3A_311 = tpu.vector_load %arg12[%get3A_309, %get3A_310] {strides = array<i32>} : memref<40x512xf32, #tpu.memory_space<vmem>>, vector<1x16xf32>,
        %get3A_312 = vector.shape_cast %get3A_311 : vector<1x16xf32> to vector<16xf32>
        %get3A_313 = arith.index_cast %scan3A_142 : i32 to index
        %get3A_314 = arith.constant 128 : index
        %get3A_315 = tpu.vector_load %arg14[%get3A_313, %get3A_314] {strides = array<i32>} : memref<40x512xf32, #tpu.memory_space<vmem>>, vector<1x16xf32>,
        %get3A_316 = vector.shape_cast %get3A_315 : vector<1x16xf32> to vector<16xf32>
        %add3A_317 = arith.addf %get3A_312, %get3A_316 : vector<16xf32>
        %mul3A_318 = arith.constant 2.000000e-01 : f32
        %mul3A_319 = vector.broadcast %mul3A_318 : f32 to vector<16xf32>
        %mul3A_320 = arith.mulf %mul3A_319, %add3A_317 : vector<16xf32>
        %max3A_321 = arith.maximumf %add3A_317, %mul3A_320 : vector<16xf32>
        %get3A_322 = arith.constant 8 : i32
        %get3A_323 = arith.index_cast %get3A_322 : i32 to index
        %get3A_324 = arith.constant 0 : index
        %get3A_325 = tpu.vector_load %arg17[%get3A_323, %get3A_324] {strides = array<i32>} : memref<32x16xf32, #tpu.memory_space<vmem>>, vector<1x16xf32>,
        %get3A_326 = vector.shape_cast %get3A_325 : vector<1x16xf32> to vector<16xf32>
        %mul3A_327 = arith.mulf %max3A_321, %get3A_326 : vector<16xf32>
        %add3A_328 = arith.addf %add3A_248, %mul3A_327 : vector<16xf32>
        %get3A_329 = arith.index_cast %scan3A_142 : i32 to index
        %get3A_330 = arith.constant 144 : index
        %get3A_331 = tpu.vector_load %arg12[%get3A_329, %get3A_330] {strides = array<i32>} : memref<40x512xf32, #tpu.memory_space<vmem>>, vector<1x16xf32>,
        %get3A_332 = vector.shape_cast %get3A_331 : vector<1x16xf32> to vector<16xf32>
        %get3A_333 = arith.index_cast %scan3A_142 : i32 to index
        %get3A_334 = arith.constant 144 : index
        %get3A_335 = tpu.vector_load %arg14[%get3A_333, %get3A_334] {strides = array<i32>} : memref<40x512xf32, #tpu.memory_space<vmem>>, vector<1x16xf32>,
        %get3A_336 = vector.shape_cast %get3A_335 : vector<1x16xf32> to vector<16xf32>
        %add3A_337 = arith.addf %get3A_332, %get3A_336 : vector<16xf32>
        %mul3A_338 = arith.constant 2.000000e-01 : f32
        %mul3A_339 = vector.broadcast %mul3A_338 : f32 to vector<16xf32>
        %mul3A_340 = arith.mulf %mul3A_339, %add3A_337 : vector<16xf32>
        %max3A_341 = arith.maximumf %add3A_337, %mul3A_340 : vector<16xf32>
        %get3A_342 = arith.constant 9 : i32
        %get3A_343 = arith.index_cast %get3A_342 : i32 to index
        %get3A_344 = arith.constant 0 : index
        %get3A_345 = tpu.vector_load %arg17[%get3A_343, %get3A_344] {strides = array<i32>} : memref<32x16xf32, #tpu.memory_space<vmem>>, vector<1x16xf32>,
        %get3A_346 = vector.shape_cast %get3A_345 : vector<1x16xf32> to vector<16xf32>
        %mul3A_347 = arith.mulf %max3A_341, %get3A_346 : vector<16xf32>
        %add3A_348 = arith.addf %add3A_268, %mul3A_347 : vector<16xf32>
        %get3A_349 = arith.index_cast %scan3A_142 : i32 to index
        %get3A_350 = arith.constant 160 : index
        %get3A_351 = tpu.vector_load %arg12[%get3A_349, %get3A_350] {strides = array<i32>} : memref<40x512xf32, #tpu.memory_space<vmem>>, vector<1x16xf32>,
        %get3A_352 = vector.shape_cast %get3A_351 : vector<1x16xf32> to vector<16xf32>
        %get3A_353 = arith.index_cast %scan3A_142 : i32 to index
        %get3A_354 = arith.constant 160 : index
        %get3A_355 = tpu.vector_load %arg14[%get3A_353, %get3A_354] {strides = array<i32>} : memref<40x512xf32, #tpu.memory_space<vmem>>, vector<1x16xf32>,
        %get3A_356 = vector.shape_cast %get3A_355 : vector<1x16xf32> to vector<16xf32>
        %add3A_357 = arith.addf %get3A_352, %get3A_356 : vector<16xf32>
        %mul3A_358 = arith.constant 2.000000e-01 : f32
        %mul3A_359 = vector.broadcast %mul3A_358 : f32 to vector<16xf32>
        %mul3A_360 = arith.mulf %mul3A_359, %add3A_357 : vector<16xf32>
        %max3A_361 = arith.maximumf %add3A_357, %mul3A_360 : vector<16xf32>
        %get3A_362 = arith.constant 10 : i32
        %get3A_363 = arith.index_cast %get3A_362 : i32 to index
        %get3A_364 = arith.constant 0 : index
        %get3A_365 = tpu.vector_load %arg17[%get3A_363, %get3A_364] {strides = array<i32>} : memref<32x16xf32, #tpu.memory_space<vmem>>, vector<1x16xf32>,
        %get3A_366 = vector.shape_cast %get3A_365 : vector<1x16xf32> to vector<16xf32>
        %mul3A_367 = arith.mulf %max3A_361, %get3A_366 : vector<16xf32>
        %add3A_368 = arith.addf %add3A_288, %mul3A_367 : vector<16xf32>
        %get3A_369 = arith.index_cast %scan3A_142 : i32 to index
        %get3A_370 = arith.constant 176 : index
        %get3A_371 = tpu.vector_load %arg12[%get3A_369, %get3A_370] {strides = array<i32>} : memref<40x512xf32, #tpu.memory_space<vmem>>, vector<1x16xf32>,
        %get3A_372 = vector.shape_cast %get3A_371 : vector<1x16xf32> to vector<16xf32>
        %get3A_373 = arith.index_cast %scan3A_142 : i32 to index
        %get3A_374 = arith.constant 176 : index
        %get3A_375 = tpu.vector_load %arg14[%get3A_373, %get3A_374] {strides = array<i32>} : memref<40x512xf32, #tpu.memory_space<vmem>>, vector<1x16xf32>,
        %get3A_376 = vector.shape_cast %get3A_375 : vector<1x16xf32> to vector<16xf32>
        %add3A_377 = arith.addf %get3A_372, %get3A_376 : vector<16xf32>
        %mul3A_378 = arith.constant 2.000000e-01 : f32
        %mul3A_379 = vector.broadcast %mul3A_378 : f32 to vector<16xf32>
        %mul3A_380 = arith.mulf %mul3A_379, %add3A_377 : vector<16xf32>
        %max3A_381 = arith.maximumf %add3A_377, %mul3A_380 : vector<16xf32>
        %get3A_382 = arith.constant 11 : i32
        %get3A_383 = arith.index_cast %get3A_382 : i32 to index
        %get3A_384 = arith.constant 0 : index
        %get3A_385 = tpu.vector_load %arg17[%get3A_383, %get3A_384] {strides = array<i32>} : memref<32x16xf32, #tpu.memory_space<vmem>>, vector<1x16xf32>,
        %get3A_386 = vector.shape_cast %get3A_385 : vector<1x16xf32> to vector<16xf32>
        %mul3A_387 = arith.mulf %max3A_381, %get3A_386 : vector<16xf32>
        %add3A_388 = arith.addf %add3A_308, %mul3A_387 : vector<16xf32>
        %get3A_389 = arith.index_cast %scan3A_142 : i32 to index
        %get3A_390 = arith.constant 192 : index
        %get3A_391 = tpu.vector_load %arg12[%get3A_389, %get3A_390] {strides = array<i32>} : memref<40x512xf32, #tpu.memory_space<vmem>>, vector<1x16xf32>,
        %get3A_392 = vector.shape_cast %get3A_391 : vector<1x16xf32> to vector<16xf32>
        %get3A_393 = arith.index_cast %scan3A_142 : i32 to index
        %get3A_394 = arith.constant 192 : index
        %get3A_395 = tpu.vector_load %arg14[%get3A_393, %get3A_394] {strides = array<i32>} : memref<40x512xf32, #tpu.memory_space<vmem>>, vector<1x16xf32>,
        %get3A_396 = vector.shape_cast %get3A_395 : vector<1x16xf32> to vector<16xf32>
        %add3A_397 = arith.addf %get3A_392, %get3A_396 : vector<16xf32>
        %mul3A_398 = arith.constant 2.000000e-01 : f32
        %mul3A_399 = vector.broadcast %mul3A_398 : f32 to vector<16xf32>
        %mul3A_400 = arith.mulf %mul3A_399, %add3A_397 : vector<16xf32>
        %max3A_401 = arith.maximumf %add3A_397, %mul3A_400 : vector<16xf32>
        %get3A_402 = arith.constant 12 : i32
        %get3A_403 = arith.index_cast %get3A_402 : i32 to index
        %get3A_404 = arith.constant 0 : index
        %get3A_405 = tpu.vector_load %arg17[%get3A_403, %get3A_404] {strides = array<i32>} : memref<32x16xf32, #tpu.memory_space<vmem>>, vector<1x16xf32>,
        %get3A_406 = vector.shape_cast %get3A_405 : vector<1x16xf32> to vector<16xf32>
        %mul3A_407 = arith.mulf %max3A_401, %get3A_406 : vector<16xf32>
        %add3A_408 = arith.addf %add3A_328, %mul3A_407 : vector<16xf32>
        %get3A_409 = arith.index_cast %scan3A_142 : i32 to index
        %get3A_410 = arith.constant 208 : index
        %get3A_411 = tpu.vector_load %arg12[%get3A_409, %get3A_410] {strides = array<i32>} : memref<40x512xf32, #tpu.memory_space<vmem>>, vector<1x16xf32>,
        %get3A_412 = vector.shape_cast %get3A_411 : vector<1x16xf32> to vector<16xf32>
        %get3A_413 = arith.index_cast %scan3A_142 : i32 to index
        %get3A_414 = arith.constant 208 : index
        %get3A_415 = tpu.vector_load %arg14[%get3A_413, %get3A_414] {strides = array<i32>} : memref<40x512xf32, #tpu.memory_space<vmem>>, vector<1x16xf32>,
        %get3A_416 = vector.shape_cast %get3A_415 : vector<1x16xf32> to vector<16xf32>
        %add3A_417 = arith.addf %get3A_412, %get3A_416 : vector<16xf32>
        %mul3A_418 = arith.constant 2.000000e-01 : f32
        %mul3A_419 = vector.broadcast %mul3A_418 : f32 to vector<16xf32>
        %mul3A_420 = arith.mulf %mul3A_419, %add3A_417 : vector<16xf32>
        %max3A_421 = arith.maximumf %add3A_417, %mul3A_420 : vector<16xf32>
        %get3A_422 = arith.constant 13 : i32
        %get3A_423 = arith.index_cast %get3A_422 : i32 to index
        %get3A_424 = arith.constant 0 : index
        %get3A_425 = tpu.vector_load %arg17[%get3A_423, %get3A_424] {strides = array<i32>} : memref<32x16xf32, #tpu.memory_space<vmem>>, vector<1x16xf32>,
        %get3A_426 = vector.shape_cast %get3A_425 : vector<1x16xf32> to vector<16xf32>
        %mul3A_427 = arith.mulf %max3A_421, %get3A_426 : vector<16xf32>
        %add3A_428 = arith.addf %add3A_348, %mul3A_427 : vector<16xf32>
        %get3A_429 = arith.index_cast %scan3A_142 : i32 to index
        %get3A_430 = arith.constant 224 : index
        %get3A_431 = tpu.vector_load %arg12[%get3A_429, %get3A_430] {strides = array<i32>} : memref<40x512xf32, #tpu.memory_space<vmem>>, vector<1x16xf32>,
        %get3A_432 = vector.shape_cast %get3A_431 : vector<1x16xf32> to vector<16xf32>
        %get3A_433 = arith.index_cast %scan3A_142 : i32 to index
        %get3A_434 = arith.constant 224 : index
        %get3A_435 = tpu.vector_load %arg14[%get3A_433, %get3A_434] {strides = array<i32>} : memref<40x512xf32, #tpu.memory_space<vmem>>, vector<1x16xf32>,
        %get3A_436 = vector.shape_cast %get3A_435 : vector<1x16xf32> to vector<16xf32>
        %add3A_437 = arith.addf %get3A_432, %get3A_436 : vector<16xf32>
        %mul3A_438 = arith.constant 2.000000e-01 : f32
        %mul3A_439 = vector.broadcast %mul3A_438 : f32 to vector<16xf32>
        %mul3A_440 = arith.mulf %mul3A_439, %add3A_437 : vector<16xf32>
        %max3A_441 = arith.maximumf %add3A_437, %mul3A_440 : vector<16xf32>
        %get3A_442 = arith.constant 14 : i32
        %get3A_443 = arith.index_cast %get3A_442 : i32 to index
        %get3A_444 = arith.constant 0 : index
        %get3A_445 = tpu.vector_load %arg17[%get3A_443, %get3A_444] {strides = array<i32>} : memref<32x16xf32, #tpu.memory_space<vmem>>, vector<1x16xf32>,
        %get3A_446 = vector.shape_cast %get3A_445 : vector<1x16xf32> to vector<16xf32>
        %mul3A_447 = arith.mulf %max3A_441, %get3A_446 : vector<16xf32>
        %add3A_448 = arith.addf %add3A_368, %mul3A_447 : vector<16xf32>
        %get3A_449 = arith.index_cast %scan3A_142 : i32 to index
        %get3A_450 = arith.constant 240 : index
        %get3A_451 = tpu.vector_load %arg12[%get3A_449, %get3A_450] {strides = array<i32>} : memref<40x512xf32, #tpu.memory_space<vmem>>, vector<1x16xf32>,
        %get3A_452 = vector.shape_cast %get3A_451 : vector<1x16xf32> to vector<16xf32>
        %get3A_453 = arith.index_cast %scan3A_142 : i32 to index
        %get3A_454 = arith.constant 240 : index
        %get3A_455 = tpu.vector_load %arg14[%get3A_453, %get3A_454] {strides = array<i32>} : memref<40x512xf32, #tpu.memory_space<vmem>>, vector<1x16xf32>,
        %get3A_456 = vector.shape_cast %get3A_455 : vector<1x16xf32> to vector<16xf32>
        %add3A_457 = arith.addf %get3A_452, %get3A_456 : vector<16xf32>
        %mul3A_458 = arith.constant 2.000000e-01 : f32
        %mul3A_459 = vector.broadcast %mul3A_458 : f32 to vector<16xf32>
        %mul3A_460 = arith.mulf %mul3A_459, %add3A_457 : vector<16xf32>
        %max3A_461 = arith.maximumf %add3A_457, %mul3A_460 : vector<16xf32>
        %get3A_462 = arith.constant 15 : i32
        %get3A_463 = arith.index_cast %get3A_462 : i32 to index
        %get3A_464 = arith.constant 0 : index
        %get3A_465 = tpu.vector_load %arg17[%get3A_463, %get3A_464] {strides = array<i32>} : memref<32x16xf32, #tpu.memory_space<vmem>>, vector<1x16xf32>,
        %get3A_466 = vector.shape_cast %get3A_465 : vector<1x16xf32> to vector<16xf32>
        %mul3A_467 = arith.mulf %max3A_461, %get3A_466 : vector<16xf32>
        %add3A_468 = arith.addf %add3A_388, %mul3A_467 : vector<16xf32>
        %get3A_469 = arith.index_cast %scan3A_142 : i32 to index
        %get3A_470 = arith.constant 256 : index
        %get3A_471 = tpu.vector_load %arg12[%get3A_469, %get3A_470] {strides = array<i32>} : memref<40x512xf32, #tpu.memory_space<vmem>>, vector<1x16xf32>,
        %get3A_472 = vector.shape_cast %get3A_471 : vector<1x16xf32> to vector<16xf32>
        %get3A_473 = arith.index_cast %scan3A_142 : i32 to index
        %get3A_474 = arith.constant 256 : index
        %get3A_475 = tpu.vector_load %arg14[%get3A_473, %get3A_474] {strides = array<i32>} : memref<40x512xf32, #tpu.memory_space<vmem>>, vector<1x16xf32>,
        %get3A_476 = vector.shape_cast %get3A_475 : vector<1x16xf32> to vector<16xf32>
        %add3A_477 = arith.addf %get3A_472, %get3A_476 : vector<16xf32>
        %mul3A_478 = arith.constant 2.000000e-01 : f32
        %mul3A_479 = vector.broadcast %mul3A_478 : f32 to vector<16xf32>
        %mul3A_480 = arith.mulf %mul3A_479, %add3A_477 : vector<16xf32>
        %max3A_481 = arith.maximumf %add3A_477, %mul3A_480 : vector<16xf32>
        %get3A_482 = arith.constant 16 : i32
        %get3A_483 = arith.index_cast %get3A_482 : i32 to index
        %get3A_484 = arith.constant 0 : index
        %get3A_485 = tpu.vector_load %arg17[%get3A_483, %get3A_484] {strides = array<i32>} : memref<32x16xf32, #tpu.memory_space<vmem>>, vector<1x16xf32>,
        %get3A_486 = vector.shape_cast %get3A_485 : vector<1x16xf32> to vector<16xf32>
        %mul3A_487 = arith.mulf %max3A_481, %get3A_486 : vector<16xf32>
        %add3A_488 = arith.addf %add3A_408, %mul3A_487 : vector<16xf32>
        %get3A_489 = arith.index_cast %scan3A_142 : i32 to index
        %get3A_490 = arith.constant 272 : index
        %get3A_491 = tpu.vector_load %arg12[%get3A_489, %get3A_490] {strides = array<i32>} : memref<40x512xf32, #tpu.memory_space<vmem>>, vector<1x16xf32>,
        %get3A_492 = vector.shape_cast %get3A_491 : vector<1x16xf32> to vector<16xf32>
        %get3A_493 = arith.index_cast %scan3A_142 : i32 to index
        %get3A_494 = arith.constant 272 : index
        %get3A_495 = tpu.vector_load %arg14[%get3A_493, %get3A_494] {strides = array<i32>} : memref<40x512xf32, #tpu.memory_space<vmem>>, vector<1x16xf32>,
        %get3A_496 = vector.shape_cast %get3A_495 : vector<1x16xf32> to vector<16xf32>
        %add3A_497 = arith.addf %get3A_492, %get3A_496 : vector<16xf32>
        %mul3A_498 = arith.constant 2.000000e-01 : f32
        %mul3A_499 = vector.broadcast %mul3A_498 : f32 to vector<16xf32>
        %mul3A_500 = arith.mulf %mul3A_499, %add3A_497 : vector<16xf32>
        %max3A_501 = arith.maximumf %add3A_497, %mul3A_500 : vector<16xf32>
        %get3A_502 = arith.constant 17 : i32
        %get3A_503 = arith.index_cast %get3A_502 : i32 to index
        %get3A_504 = arith.constant 0 : index
        %get3A_505 = tpu.vector_load %arg17[%get3A_503, %get3A_504] {strides = array<i32>} : memref<32x16xf32, #tpu.memory_space<vmem>>, vector<1x16xf32>,
        %get3A_506 = vector.shape_cast %get3A_505 : vector<1x16xf32> to vector<16xf32>
        %mul3A_507 = arith.mulf %max3A_501, %get3A_506 : vector<16xf32>
        %add3A_508 = arith.addf %add3A_428, %mul3A_507 : vector<16xf32>
        %get3A_509 = arith.index_cast %scan3A_142 : i32 to index
        %get3A_510 = arith.constant 288 : index
        %get3A_511 = tpu.vector_load %arg12[%get3A_509, %get3A_510] {strides = array<i32>} : memref<40x512xf32, #tpu.memory_space<vmem>>, vector<1x16xf32>,
        %get3A_512 = vector.shape_cast %get3A_511 : vector<1x16xf32> to vector<16xf32>
        %get3A_513 = arith.index_cast %scan3A_142 : i32 to index
        %get3A_514 = arith.constant 288 : index
        %get3A_515 = tpu.vector_load %arg14[%get3A_513, %get3A_514] {strides = array<i32>} : memref<40x512xf32, #tpu.memory_space<vmem>>, vector<1x16xf32>,
        %get3A_516 = vector.shape_cast %get3A_515 : vector<1x16xf32> to vector<16xf32>
        %add3A_517 = arith.addf %get3A_512, %get3A_516 : vector<16xf32>
        %mul3A_518 = arith.constant 2.000000e-01 : f32
        %mul3A_519 = vector.broadcast %mul3A_518 : f32 to vector<16xf32>
        %mul3A_520 = arith.mulf %mul3A_519, %add3A_517 : vector<16xf32>
        %max3A_521 = arith.maximumf %add3A_517, %mul3A_520 : vector<16xf32>
        %get3A_522 = arith.constant 18 : i32
        %get3A_523 = arith.index_cast %get3A_522 : i32 to index
        %get3A_524 = arith.constant 0 : index
        %get3A_525 = tpu.vector_load %arg17[%get3A_523, %get3A_524] {strides = array<i32>} : memref<32x16xf32, #tpu.memory_space<vmem>>, vector<1x16xf32>,
        %get3A_526 = vector.shape_cast %get3A_525 : vector<1x16xf32> to vector<16xf32>
        %mul3A_527 = arith.mulf %max3A_521, %get3A_526 : vector<16xf32>
        %add3A_528 = arith.addf %add3A_448, %mul3A_527 : vector<16xf32>
        %get3A_529 = arith.index_cast %scan3A_142 : i32 to index
        %get3A_530 = arith.constant 304 : index
        %get3A_531 = tpu.vector_load %arg12[%get3A_529, %get3A_530] {strides = array<i32>} : memref<40x512xf32, #tpu.memory_space<vmem>>, vector<1x16xf32>,
        %get3A_532 = vector.shape_cast %get3A_531 : vector<1x16xf32> to vector<16xf32>
        %get3A_533 = arith.index_cast %scan3A_142 : i32 to index
        %get3A_534 = arith.constant 304 : index
        %get3A_535 = tpu.vector_load %arg14[%get3A_533, %get3A_534] {strides = array<i32>} : memref<40x512xf32, #tpu.memory_space<vmem>>, vector<1x16xf32>,
        %get3A_536 = vector.shape_cast %get3A_535 : vector<1x16xf32> to vector<16xf32>
        %add3A_537 = arith.addf %get3A_532, %get3A_536 : vector<16xf32>
        %mul3A_538 = arith.constant 2.000000e-01 : f32
        %mul3A_539 = vector.broadcast %mul3A_538 : f32 to vector<16xf32>
        %mul3A_540 = arith.mulf %mul3A_539, %add3A_537 : vector<16xf32>
        %max3A_541 = arith.maximumf %add3A_537, %mul3A_540 : vector<16xf32>
        %get3A_542 = arith.constant 19 : i32
        %get3A_543 = arith.index_cast %get3A_542 : i32 to index
        %get3A_544 = arith.constant 0 : index
        %get3A_545 = tpu.vector_load %arg17[%get3A_543, %get3A_544] {strides = array<i32>} : memref<32x16xf32, #tpu.memory_space<vmem>>, vector<1x16xf32>,
        %get3A_546 = vector.shape_cast %get3A_545 : vector<1x16xf32> to vector<16xf32>
        %mul3A_547 = arith.mulf %max3A_541, %get3A_546 : vector<16xf32>
        %add3A_548 = arith.addf %add3A_468, %mul3A_547 : vector<16xf32>
        %get3A_549 = arith.index_cast %scan3A_142 : i32 to index
        %get3A_550 = arith.constant 320 : index
        %get3A_551 = tpu.vector_load %arg12[%get3A_549, %get3A_550] {strides = array<i32>} : memref<40x512xf32, #tpu.memory_space<vmem>>, vector<1x16xf32>,
        %get3A_552 = vector.shape_cast %get3A_551 : vector<1x16xf32> to vector<16xf32>
        %get3A_553 = arith.index_cast %scan3A_142 : i32 to index
        %get3A_554 = arith.constant 320 : index
        %get3A_555 = tpu.vector_load %arg14[%get3A_553, %get3A_554] {strides = array<i32>} : memref<40x512xf32, #tpu.memory_space<vmem>>, vector<1x16xf32>,
        %get3A_556 = vector.shape_cast %get3A_555 : vector<1x16xf32> to vector<16xf32>
        %add3A_557 = arith.addf %get3A_552, %get3A_556 : vector<16xf32>
        %mul3A_558 = arith.constant 2.000000e-01 : f32
        %mul3A_559 = vector.broadcast %mul3A_558 : f32 to vector<16xf32>
        %mul3A_560 = arith.mulf %mul3A_559, %add3A_557 : vector<16xf32>
        %max3A_561 = arith.maximumf %add3A_557, %mul3A_560 : vector<16xf32>
        %get3A_562 = arith.constant 20 : i32
        %get3A_563 = arith.index_cast %get3A_562 : i32 to index
        %get3A_564 = arith.constant 0 : index
        %get3A_565 = tpu.vector_load %arg17[%get3A_563, %get3A_564] {strides = array<i32>} : memref<32x16xf32, #tpu.memory_space<vmem>>, vector<1x16xf32>,
        %get3A_566 = vector.shape_cast %get3A_565 : vector<1x16xf32> to vector<16xf32>
        %mul3A_567 = arith.mulf %max3A_561, %get3A_566 : vector<16xf32>
        %add3A_568 = arith.addf %add3A_488, %mul3A_567 : vector<16xf32>
        %get3A_569 = arith.index_cast %scan3A_142 : i32 to index
        %get3A_570 = arith.constant 336 : index
        %get3A_571 = tpu.vector_load %arg12[%get3A_569, %get3A_570] {strides = array<i32>} : memref<40x512xf32, #tpu.memory_space<vmem>>, vector<1x16xf32>,
        %get3A_572 = vector.shape_cast %get3A_571 : vector<1x16xf32> to vector<16xf32>
        %get3A_573 = arith.index_cast %scan3A_142 : i32 to index
        %get3A_574 = arith.constant 336 : index
        %get3A_575 = tpu.vector_load %arg14[%get3A_573, %get3A_574] {strides = array<i32>} : memref<40x512xf32, #tpu.memory_space<vmem>>, vector<1x16xf32>,
        %get3A_576 = vector.shape_cast %get3A_575 : vector<1x16xf32> to vector<16xf32>
        %add3A_577 = arith.addf %get3A_572, %get3A_576 : vector<16xf32>
        %mul3A_578 = arith.constant 2.000000e-01 : f32
        %mul3A_579 = vector.broadcast %mul3A_578 : f32 to vector<16xf32>
        %mul3A_580 = arith.mulf %mul3A_579, %add3A_577 : vector<16xf32>
        %max3A_581 = arith.maximumf %add3A_577, %mul3A_580 : vector<16xf32>
        %get3A_582 = arith.constant 21 : i32
        %get3A_583 = arith.index_cast %get3A_582 : i32 to index
        %get3A_584 = arith.constant 0 : index
        %get3A_585 = tpu.vector_load %arg17[%get3A_583, %get3A_584] {strides = array<i32>} : memref<32x16xf32, #tpu.memory_space<vmem>>, vector<1x16xf32>,
        %get3A_586 = vector.shape_cast %get3A_585 : vector<1x16xf32> to vector<16xf32>
        %mul3A_587 = arith.mulf %max3A_581, %get3A_586 : vector<16xf32>
        %add3A_588 = arith.addf %add3A_508, %mul3A_587 : vector<16xf32>
        %get3A_589 = arith.index_cast %scan3A_142 : i32 to index
        %get3A_590 = arith.constant 352 : index
        %get3A_591 = tpu.vector_load %arg12[%get3A_589, %get3A_590] {strides = array<i32>} : memref<40x512xf32, #tpu.memory_space<vmem>>, vector<1x16xf32>,
        %get3A_592 = vector.shape_cast %get3A_591 : vector<1x16xf32> to vector<16xf32>
        %get3A_593 = arith.index_cast %scan3A_142 : i32 to index
        %get3A_594 = arith.constant 352 : index
        %get3A_595 = tpu.vector_load %arg14[%get3A_593, %get3A_594] {strides = array<i32>} : memref<40x512xf32, #tpu.memory_space<vmem>>, vector<1x16xf32>,
        %get3A_596 = vector.shape_cast %get3A_595 : vector<1x16xf32> to vector<16xf32>
        %add3A_597 = arith.addf %get3A_592, %get3A_596 : vector<16xf32>
        %mul3A_598 = arith.constant 2.000000e-01 : f32
        %mul3A_599 = vector.broadcast %mul3A_598 : f32 to vector<16xf32>
        %mul3A_600 = arith.mulf %mul3A_599, %add3A_597 : vector<16xf32>
        %max3A_601 = arith.maximumf %add3A_597, %mul3A_600 : vector<16xf32>
        %get3A_602 = arith.constant 22 : i32
        %get3A_603 = arith.index_cast %get3A_602 : i32 to index
        %get3A_604 = arith.constant 0 : index
        %get3A_605 = tpu.vector_load %arg17[%get3A_603, %get3A_604] {strides = array<i32>} : memref<32x16xf32, #tpu.memory_space<vmem>>, vector<1x16xf32>,
        %get3A_606 = vector.shape_cast %get3A_605 : vector<1x16xf32> to vector<16xf32>
        %mul3A_607 = arith.mulf %max3A_601, %get3A_606 : vector<16xf32>
        %add3A_608 = arith.addf %add3A_528, %mul3A_607 : vector<16xf32>
        %get3A_609 = arith.index_cast %scan3A_142 : i32 to index
        %get3A_610 = arith.constant 368 : index
        %get3A_611 = tpu.vector_load %arg12[%get3A_609, %get3A_610] {strides = array<i32>} : memref<40x512xf32, #tpu.memory_space<vmem>>, vector<1x16xf32>,
        %get3A_612 = vector.shape_cast %get3A_611 : vector<1x16xf32> to vector<16xf32>
        %get3A_613 = arith.index_cast %scan3A_142 : i32 to index
        %get3A_614 = arith.constant 368 : index
        %get3A_615 = tpu.vector_load %arg14[%get3A_613, %get3A_614] {strides = array<i32>} : memref<40x512xf32, #tpu.memory_space<vmem>>, vector<1x16xf32>,
        %get3A_616 = vector.shape_cast %get3A_615 : vector<1x16xf32> to vector<16xf32>
        %add3A_617 = arith.addf %get3A_612, %get3A_616 : vector<16xf32>
        %mul3A_618 = arith.constant 2.000000e-01 : f32
        %mul3A_619 = vector.broadcast %mul3A_618 : f32 to vector<16xf32>
        %mul3A_620 = arith.mulf %mul3A_619, %add3A_617 : vector<16xf32>
        %max3A_621 = arith.maximumf %add3A_617, %mul3A_620 : vector<16xf32>
        %get3A_622 = arith.constant 23 : i32
        %get3A_623 = arith.index_cast %get3A_622 : i32 to index
        %get3A_624 = arith.constant 0 : index
        %get3A_625 = tpu.vector_load %arg17[%get3A_623, %get3A_624] {strides = array<i32>} : memref<32x16xf32, #tpu.memory_space<vmem>>, vector<1x16xf32>,
        %get3A_626 = vector.shape_cast %get3A_625 : vector<1x16xf32> to vector<16xf32>
        %mul3A_627 = arith.mulf %max3A_621, %get3A_626 : vector<16xf32>
        %add3A_628 = arith.addf %add3A_548, %mul3A_627 : vector<16xf32>
        %get3A_629 = arith.index_cast %scan3A_142 : i32 to index
        %get3A_630 = arith.constant 384 : index
        %get3A_631 = tpu.vector_load %arg12[%get3A_629, %get3A_630] {strides = array<i32>} : memref<40x512xf32, #tpu.memory_space<vmem>>, vector<1x16xf32>,
        %get3A_632 = vector.shape_cast %get3A_631 : vector<1x16xf32> to vector<16xf32>
        %get3A_633 = arith.index_cast %scan3A_142 : i32 to index
        %get3A_634 = arith.constant 384 : index
        %get3A_635 = tpu.vector_load %arg14[%get3A_633, %get3A_634] {strides = array<i32>} : memref<40x512xf32, #tpu.memory_space<vmem>>, vector<1x16xf32>,
        %get3A_636 = vector.shape_cast %get3A_635 : vector<1x16xf32> to vector<16xf32>
        %add3A_637 = arith.addf %get3A_632, %get3A_636 : vector<16xf32>
        %mul3A_638 = arith.constant 2.000000e-01 : f32
        %mul3A_639 = vector.broadcast %mul3A_638 : f32 to vector<16xf32>
        %mul3A_640 = arith.mulf %mul3A_639, %add3A_637 : vector<16xf32>
        %max3A_641 = arith.maximumf %add3A_637, %mul3A_640 : vector<16xf32>
        %get3A_642 = arith.constant 24 : i32
        %get3A_643 = arith.index_cast %get3A_642 : i32 to index
        %get3A_644 = arith.constant 0 : index
        %get3A_645 = tpu.vector_load %arg17[%get3A_643, %get3A_644] {strides = array<i32>} : memref<32x16xf32, #tpu.memory_space<vmem>>, vector<1x16xf32>,
        %get3A_646 = vector.shape_cast %get3A_645 : vector<1x16xf32> to vector<16xf32>
        %mul3A_647 = arith.mulf %max3A_641, %get3A_646 : vector<16xf32>
        %add3A_648 = arith.addf %add3A_568, %mul3A_647 : vector<16xf32>
        %get3A_649 = arith.index_cast %scan3A_142 : i32 to index
        %get3A_650 = arith.constant 400 : index
        %get3A_651 = tpu.vector_load %arg12[%get3A_649, %get3A_650] {strides = array<i32>} : memref<40x512xf32, #tpu.memory_space<vmem>>, vector<1x16xf32>,
        %get3A_652 = vector.shape_cast %get3A_651 : vector<1x16xf32> to vector<16xf32>
        %get3A_653 = arith.index_cast %scan3A_142 : i32 to index
        %get3A_654 = arith.constant 400 : index
        %get3A_655 = tpu.vector_load %arg14[%get3A_653, %get3A_654] {strides = array<i32>} : memref<40x512xf32, #tpu.memory_space<vmem>>, vector<1x16xf32>,
        %get3A_656 = vector.shape_cast %get3A_655 : vector<1x16xf32> to vector<16xf32>
        %add3A_657 = arith.addf %get3A_652, %get3A_656 : vector<16xf32>
        %mul3A_658 = arith.constant 2.000000e-01 : f32
        %mul3A_659 = vector.broadcast %mul3A_658 : f32 to vector<16xf32>
        %mul3A_660 = arith.mulf %mul3A_659, %add3A_657 : vector<16xf32>
        %max3A_661 = arith.maximumf %add3A_657, %mul3A_660 : vector<16xf32>
        %get3A_662 = arith.constant 25 : i32
        %get3A_663 = arith.index_cast %get3A_662 : i32 to index
        %get3A_664 = arith.constant 0 : index
        %get3A_665 = tpu.vector_load %arg17[%get3A_663, %get3A_664] {strides = array<i32>} : memref<32x16xf32, #tpu.memory_space<vmem>>, vector<1x16xf32>,
        %get3A_666 = vector.shape_cast %get3A_665 : vector<1x16xf32> to vector<16xf32>
        %mul3A_667 = arith.mulf %max3A_661, %get3A_666 : vector<16xf32>
        %add3A_668 = arith.addf %add3A_588, %mul3A_667 : vector<16xf32>
        %get3A_669 = arith.index_cast %scan3A_142 : i32 to index
        %get3A_670 = arith.constant 416 : index
        %get3A_671 = tpu.vector_load %arg12[%get3A_669, %get3A_670] {strides = array<i32>} : memref<40x512xf32, #tpu.memory_space<vmem>>, vector<1x16xf32>,
        %get3A_672 = vector.shape_cast %get3A_671 : vector<1x16xf32> to vector<16xf32>
        %get3A_673 = arith.index_cast %scan3A_142 : i32 to index
        %get3A_674 = arith.constant 416 : index
        %get3A_675 = tpu.vector_load %arg14[%get3A_673, %get3A_674] {strides = array<i32>} : memref<40x512xf32, #tpu.memory_space<vmem>>, vector<1x16xf32>,
        %get3A_676 = vector.shape_cast %get3A_675 : vector<1x16xf32> to vector<16xf32>
        %add3A_677 = arith.addf %get3A_672, %get3A_676 : vector<16xf32>
        %mul3A_678 = arith.constant 2.000000e-01 : f32
        %mul3A_679 = vector.broadcast %mul3A_678 : f32 to vector<16xf32>
        %mul3A_680 = arith.mulf %mul3A_679, %add3A_677 : vector<16xf32>
        %max3A_681 = arith.maximumf %add3A_677, %mul3A_680 : vector<16xf32>
        %get3A_682 = arith.constant 26 : i32
        %get3A_683 = arith.index_cast %get3A_682 : i32 to index
        %get3A_684 = arith.constant 0 : index
        %get3A_685 = tpu.vector_load %arg17[%get3A_683, %get3A_684] {strides = array<i32>} : memref<32x16xf32, #tpu.memory_space<vmem>>, vector<1x16xf32>,
        %get3A_686 = vector.shape_cast %get3A_685 : vector<1x16xf32> to vector<16xf32>
        %mul3A_687 = arith.mulf %max3A_681, %get3A_686 : vector<16xf32>
        %add3A_688 = arith.addf %add3A_608, %mul3A_687 : vector<16xf32>
        %get3A_689 = arith.index_cast %scan3A_142 : i32 to index
        %get3A_690 = arith.constant 432 : index
        %get3A_691 = tpu.vector_load %arg12[%get3A_689, %get3A_690] {strides = array<i32>} : memref<40x512xf32, #tpu.memory_space<vmem>>, vector<1x16xf32>,
        %get3A_692 = vector.shape_cast %get3A_691 : vector<1x16xf32> to vector<16xf32>
        %get3A_693 = arith.index_cast %scan3A_142 : i32 to index
        %get3A_694 = arith.constant 432 : index
        %get3A_695 = tpu.vector_load %arg14[%get3A_693, %get3A_694] {strides = array<i32>} : memref<40x512xf32, #tpu.memory_space<vmem>>, vector<1x16xf32>,
        %get3A_696 = vector.shape_cast %get3A_695 : vector<1x16xf32> to vector<16xf32>
        %add3A_697 = arith.addf %get3A_692, %get3A_696 : vector<16xf32>
        %mul3A_698 = arith.constant 2.000000e-01 : f32
        %mul3A_699 = vector.broadcast %mul3A_698 : f32 to vector<16xf32>
        %mul3A_700 = arith.mulf %mul3A_699, %add3A_697 : vector<16xf32>
        %max3A_701 = arith.maximumf %add3A_697, %mul3A_700 : vector<16xf32>
        %get3A_702 = arith.constant 27 : i32
        %get3A_703 = arith.index_cast %get3A_702 : i32 to index
        %get3A_704 = arith.constant 0 : index
        %get3A_705 = tpu.vector_load %arg17[%get3A_703, %get3A_704] {strides = array<i32>} : memref<32x16xf32, #tpu.memory_space<vmem>>, vector<1x16xf32>,
        %get3A_706 = vector.shape_cast %get3A_705 : vector<1x16xf32> to vector<16xf32>
        %mul3A_707 = arith.mulf %max3A_701, %get3A_706 : vector<16xf32>
        %add3A_708 = arith.addf %add3A_628, %mul3A_707 : vector<16xf32>
        %get3A_709 = arith.index_cast %scan3A_142 : i32 to index
        %get3A_710 = arith.constant 448 : index
        %get3A_711 = tpu.vector_load %arg12[%get3A_709, %get3A_710] {strides = array<i32>} : memref<40x512xf32, #tpu.memory_space<vmem>>, vector<1x16xf32>,
        %get3A_712 = vector.shape_cast %get3A_711 : vector<1x16xf32> to vector<16xf32>
        %get3A_713 = arith.index_cast %scan3A_142 : i32 to index
        %get3A_714 = arith.constant 448 : index
        %get3A_715 = tpu.vector_load %arg14[%get3A_713, %get3A_714] {strides = array<i32>} : memref<40x512xf32, #tpu.memory_space<vmem>>, vector<1x16xf32>,
        %get3A_716 = vector.shape_cast %get3A_715 : vector<1x16xf32> to vector<16xf32>
        %add3A_717 = arith.addf %get3A_712, %get3A_716 : vector<16xf32>
        %mul3A_718 = arith.constant 2.000000e-01 : f32
        %mul3A_719 = vector.broadcast %mul3A_718 : f32 to vector<16xf32>
        %mul3A_720 = arith.mulf %mul3A_719, %add3A_717 : vector<16xf32>
        %max3A_721 = arith.maximumf %add3A_717, %mul3A_720 : vector<16xf32>
        %get3A_722 = arith.constant 28 : i32
        %get3A_723 = arith.index_cast %get3A_722 : i32 to index
        %get3A_724 = arith.constant 0 : index
        %get3A_725 = tpu.vector_load %arg17[%get3A_723, %get3A_724] {strides = array<i32>} : memref<32x16xf32, #tpu.memory_space<vmem>>, vector<1x16xf32>,
        %get3A_726 = vector.shape_cast %get3A_725 : vector<1x16xf32> to vector<16xf32>
        %mul3A_727 = arith.mulf %max3A_721, %get3A_726 : vector<16xf32>
        %add3A_728 = arith.addf %add3A_648, %mul3A_727 : vector<16xf32>
        %get3A_729 = arith.index_cast %scan3A_142 : i32 to index
        %get3A_730 = arith.constant 464 : index
        %get3A_731 = tpu.vector_load %arg12[%get3A_729, %get3A_730] {strides = array<i32>} : memref<40x512xf32, #tpu.memory_space<vmem>>, vector<1x16xf32>,
        %get3A_732 = vector.shape_cast %get3A_731 : vector<1x16xf32> to vector<16xf32>
        %get3A_733 = arith.index_cast %scan3A_142 : i32 to index
        %get3A_734 = arith.constant 464 : index
        %get3A_735 = tpu.vector_load %arg14[%get3A_733, %get3A_734] {strides = array<i32>} : memref<40x512xf32, #tpu.memory_space<vmem>>, vector<1x16xf32>,
        %get3A_736 = vector.shape_cast %get3A_735 : vector<1x16xf32> to vector<16xf32>
        %add3A_737 = arith.addf %get3A_732, %get3A_736 : vector<16xf32>
        %mul3A_738 = arith.constant 2.000000e-01 : f32
        %mul3A_739 = vector.broadcast %mul3A_738 : f32 to vector<16xf32>
        %mul3A_740 = arith.mulf %mul3A_739, %add3A_737 : vector<16xf32>
        %max3A_741 = arith.maximumf %add3A_737, %mul3A_740 : vector<16xf32>
        %get3A_742 = arith.constant 29 : i32
        %get3A_743 = arith.index_cast %get3A_742 : i32 to index
        %get3A_744 = arith.constant 0 : index
        %get3A_745 = tpu.vector_load %arg17[%get3A_743, %get3A_744] {strides = array<i32>} : memref<32x16xf32, #tpu.memory_space<vmem>>, vector<1x16xf32>,
        %get3A_746 = vector.shape_cast %get3A_745 : vector<1x16xf32> to vector<16xf32>
        %mul3A_747 = arith.mulf %max3A_741, %get3A_746 : vector<16xf32>
        %add3A_748 = arith.addf %add3A_668, %mul3A_747 : vector<16xf32>
        %get3A_749 = arith.index_cast %scan3A_142 : i32 to index
        %get3A_750 = arith.constant 480 : index
        %get3A_751 = tpu.vector_load %arg12[%get3A_749, %get3A_750] {strides = array<i32>} : memref<40x512xf32, #tpu.memory_space<vmem>>, vector<1x16xf32>,
        %get3A_752 = vector.shape_cast %get3A_751 : vector<1x16xf32> to vector<16xf32>
        %get3A_753 = arith.index_cast %scan3A_142 : i32 to index
        %get3A_754 = arith.constant 480 : index
        %get3A_755 = tpu.vector_load %arg14[%get3A_753, %get3A_754] {strides = array<i32>} : memref<40x512xf32, #tpu.memory_space<vmem>>, vector<1x16xf32>,
        %get3A_756 = vector.shape_cast %get3A_755 : vector<1x16xf32> to vector<16xf32>
        %add3A_757 = arith.addf %get3A_752, %get3A_756 : vector<16xf32>
        %mul3A_758 = arith.constant 2.000000e-01 : f32
        %mul3A_759 = vector.broadcast %mul3A_758 : f32 to vector<16xf32>
        %mul3A_760 = arith.mulf %mul3A_759, %add3A_757 : vector<16xf32>
        %max3A_761 = arith.maximumf %add3A_757, %mul3A_760 : vector<16xf32>
        %get3A_762 = arith.constant 30 : i32
        %get3A_763 = arith.index_cast %get3A_762 : i32 to index
        %get3A_764 = arith.constant 0 : index
        %get3A_765 = tpu.vector_load %arg17[%get3A_763, %get3A_764] {strides = array<i32>} : memref<32x16xf32, #tpu.memory_space<vmem>>, vector<1x16xf32>,
        %get3A_766 = vector.shape_cast %get3A_765 : vector<1x16xf32> to vector<16xf32>
        %mul3A_767 = arith.mulf %max3A_761, %get3A_766 : vector<16xf32>
        %add3A_768 = arith.addf %add3A_688, %mul3A_767 : vector<16xf32>
        %get3A_769 = arith.index_cast %scan3A_142 : i32 to index
        %get3A_770 = arith.constant 496 : index
        %get3A_771 = tpu.vector_load %arg12[%get3A_769, %get3A_770] {strides = array<i32>} : memref<40x512xf32, #tpu.memory_space<vmem>>, vector<1x16xf32>,
        %get3A_772 = vector.shape_cast %get3A_771 : vector<1x16xf32> to vector<16xf32>
        %get3A_773 = arith.index_cast %scan3A_142 : i32 to index
        %get3A_774 = arith.constant 496 : index
        %get3A_775 = tpu.vector_load %arg14[%get3A_773, %get3A_774] {strides = array<i32>} : memref<40x512xf32, #tpu.memory_space<vmem>>, vector<1x16xf32>,
        %get3A_776 = vector.shape_cast %get3A_775 : vector<1x16xf32> to vector<16xf32>
        %add3A_777 = arith.addf %get3A_772, %get3A_776 : vector<16xf32>
        %mul3A_778 = arith.constant 2.000000e-01 : f32
        %mul3A_779 = vector.broadcast %mul3A_778 : f32 to vector<16xf32>
        %mul3A_780 = arith.mulf %mul3A_779, %add3A_777 : vector<16xf32>
        %max3A_781 = arith.maximumf %add3A_777, %mul3A_780 : vector<16xf32>
        %get3A_782 = arith.constant 31 : i32
        %get3A_783 = arith.index_cast %get3A_782 : i32 to index
        %get3A_784 = arith.constant 0 : index
        %get3A_785 = tpu.vector_load %arg17[%get3A_783, %get3A_784] {strides = array<i32>} : memref<32x16xf32, #tpu.memory_space<vmem>>, vector<1x16xf32>,
        %get3A_786 = vector.shape_cast %get3A_785 : vector<1x16xf32> to vector<16xf32>
        %mul3A_787 = arith.mulf %max3A_781, %get3A_786 : vector<16xf32>
        %add3A_788 = arith.addf %add3A_708, %mul3A_787 : vector<16xf32>
        %add3A_789 = arith.addf %add3A_728, %add3A_748 : vector<16xf32>
        %add3A_790 = arith.addf %add3A_768, %add3A_788 : vector<16xf32>
        %add3A_791 = arith.addf %add3A_789, %add3A_790 : vector<16xf32>
        %exp3A = math.exp %add3A_791 : vector<16xf32>
        %swap3A = arith.index_cast %scan3A_142 : i32 to index
        %swap3A_792 = arith.constant 0 : index
        %swap3A_793 = tpu.vector_load %arg16[%swap3A, %swap3A_792] {strides = array<i32>} : memref<40x16xf32, #tpu.memory_space<vmem>>, vector<1x16xf32>,
        %swap3A_794 = vector.shape_cast %swap3A_793 : vector<1x16xf32> to vector<16xf32>
        %swap3A_795 = vector.shape_cast %exp3A : vector<16xf32> to vector<1x16xf32>
        tpu.vector_store %arg16[%swap3A, %swap3A_792], %swap3A_795 {strides = array<i32>} : memref<40x16xf32, #tpu.memory_space<vmem>>, vector<1x16xf32>,
      }
      %scan3A_100 = arith.constant 40 : i32
      "tpu.region"() ({
        %run_scoped3A_142 = tpu.sem_alloc : memref<!tpu.dma_semaphore, #tpu.memory_space<semaphore_mem>>
        %dma_start3A_143 = arith.constant 0 : i32
        %dma_start3A_144 = tpu.memref_slice %arg7[%add3A_94, %dma_start3A_143] : memref<160000x16xf32, #tpu.memory_space<hbm>> -> memref<40x16xf32, #tpu.memory_space<hbm>>
        %dma_start3A_145 = arith.constant 0 : i32
        %dma_start3A_146 = tpu.memref_slice %arg7[%add3A_94, %dma_start3A_145] : memref<160000x16xf32, #tpu.memory_space<hbm>> -> memref<40x16xf32, #tpu.memory_space<hbm>>
        tpu.enqueue_dma source(%arg16 : memref<40x16xf32, #tpu.memory_space<vmem>>) target(%dma_start3A_146 : memref<40x16xf32, #tpu.memory_space<hbm>>) target_semaphore(%run_scoped3A_142 : memref<!tpu.dma_semaphore, #tpu.memory_space<semaphore_mem>>)
        %dma_wait3A_147 = arith.constant 0 : i32
        %dma_wait3A_148 = tpu.memref_slice %arg7[%add3A_94, %dma_wait3A_147] : memref<160000x16xf32, #tpu.memory_space<hbm>> -> memref<40x16xf32, #tpu.memory_space<hbm>>
        %dma_wait3A_149 = arith.constant 0 : i32
        %dma_wait3A_150 = tpu.memref_slice %arg7[%add3A_94, %dma_wait3A_149] : memref<160000x16xf32, #tpu.memory_space<hbm>> -> memref<40x16xf32, #tpu.memory_space<hbm>>
        tpu.wait_dma2 semaphore(%run_scoped3A_142 : memref<!tpu.dma_semaphore, #tpu.memory_space<semaphore_mem>>) src(%arg16 : memref<40x16xf32, #tpu.memory_space<vmem>>) dst(%dma_wait3A_150 : memref<40x16xf32, #tpu.memory_space<hbm>>)
        tpu.yield
      }) : () -> ()
      "tpu.region"() ({
        %run_scoped3A_142 = tpu.sem_alloc : memref<!tpu.dma_semaphore, #tpu.memory_space<semaphore_mem>>
        %dma_start3A_143 = arith.constant 0 : i32
        %dma_start3A_144 = tpu.memref_slice %arg11[%mul3A_63, %dma_start3A_143] : memref<125x40xi32, #tpu.memory_space<vmem>> -> memref<1x40xi32, #tpu.memory_space<vmem>>
        %dma_start3A_145 = tpu.memref_squeeze %dma_start3A_144 : memref<1x40xi32, #tpu.memory_space<vmem>> -> memref<40xi32, #tpu.memory_space<vmem>>
        %dma_start3A_146 = arith.constant 0 : i32
        %dma_start3A_147 = arith.constant 0 : i32
        %dma_start3A_148 = tpu.memref_slice %arg19[%dma_start3A_146, %dma_start3A_147] : memref<10112x16xf32, #tpu.memory_space<vmem_shared>> -> memref<10112x16xf32, #tpu.memory_space<vmem_shared>>
        tpu.enqueue_indirect_dma source(%arg16 : memref<40x16xf32, #tpu.memory_space<vmem>>) target(%dma_start3A_148 : memref<10112x16xf32, #tpu.memory_space<vmem_shared>>) offsets(%dma_start3A_145 : memref<40xi32, #tpu.memory_space<vmem>>) semaphore(%run_scoped3A_142 : memref<!tpu.dma_semaphore, #tpu.memory_space<semaphore_mem>>) {add = true}
        %dma_wait3A_149 = arith.constant 0 : i32
        %dma_wait3A_150 = tpu.memref_slice %arg11[%mul3A_63, %dma_wait3A_149] : memref<125x40xi32, #tpu.memory_space<vmem>> -> memref<1x40xi32, #tpu.memory_space<vmem>>
        %dma_wait3A_151 = tpu.memref_squeeze %dma_wait3A_150 : memref<1x40xi32, #tpu.memory_space<vmem>> -> memref<40xi32, #tpu.memory_space<vmem>>
        %dma_wait3A_152 = arith.constant 0 : i32
        %dma_wait3A_153 = arith.constant 0 : i32
        %dma_wait3A_154 = tpu.memref_slice %arg19[%dma_wait3A_152, %dma_wait3A_153] : memref<10112x16xf32, #tpu.memory_space<vmem_shared>> -> memref<10112x16xf32, #tpu.memory_space<vmem_shared>>
        tpu.wait_indirect_dma semaphore(%run_scoped3A_142 : memref<!tpu.dma_semaphore, #tpu.memory_space<semaphore_mem>>) src(%arg16 : memref<40x16xf32, #tpu.memory_space<vmem>>) dst(%dma_wait3A_154 : memref<10112x16xf32, #tpu.memory_space<vmem_shared>>)
        tpu.yield
      }) : () -> ()
      %add3A_101 = arith.constant 1 : i32
      %add3A_102 = arith.addi %mul3A_63, %add3A_101 : i32
      %dma_wait3A_103 = arith.constant 0 : i32
      %dma_wait3A_104 = tpu.memref_slice %arg10[%add3A_102, %dma_wait3A_103] : memref<125x40xi32, #tpu.memory_space<vmem>> -> memref<1x40xi32, #tpu.memory_space<vmem>>
      %dma_wait3A_105 = tpu.memref_squeeze %dma_wait3A_104 : memref<1x40xi32, #tpu.memory_space<vmem>> -> memref<40xi32, #tpu.memory_space<vmem>>
      %dma_wait3A_106 = arith.constant 0 : i32
      %dma_wait3A_107 = arith.constant 0 : i32
      %dma_wait3A_108 = tpu.memref_slice %arg2[%dma_wait3A_106, %dma_wait3A_107] : memref<10000x512xf32, #tpu.memory_space<hbm>> -> memref<10000x512xf32, #tpu.memory_space<hbm>>
      tpu.wait_indirect_dma semaphore(%arg21 : memref<!tpu.dma_semaphore, #tpu.memory_space<semaphore_mem>>) src(%dma_wait3A_108 : memref<10000x512xf32, #tpu.memory_space<hbm>>) dst(%arg13 : memref<40x512xf32, #tpu.memory_space<vmem>>)
      %dma_wait3A_109 = arith.constant 0 : i32
      %dma_wait3A_110 = tpu.memref_slice %arg11[%add3A_102, %dma_wait3A_109] : memref<125x40xi32, #tpu.memory_space<vmem>> -> memref<1x40xi32, #tpu.memory_space<vmem>>
      %dma_wait3A_111 = tpu.memref_squeeze %dma_wait3A_110 : memref<1x40xi32, #tpu.memory_space<vmem>> -> memref<40xi32, #tpu.memory_space<vmem>>
      %dma_wait3A_112 = arith.constant 0 : i32
      %dma_wait3A_113 = arith.constant 0 : i32
      %dma_wait3A_114 = tpu.memref_slice %arg3[%dma_wait3A_112, %dma_wait3A_113] : memref<10000x512xf32, #tpu.memory_space<hbm>> -> memref<10000x512xf32, #tpu.memory_space<hbm>>
      tpu.wait_indirect_dma semaphore(%arg23 : memref<!tpu.dma_semaphore, #tpu.memory_space<semaphore_mem>>) src(%dma_wait3A_114 : memref<10000x512xf32, #tpu.memory_space<hbm>>) dst(%arg15 : memref<40x512xf32, #tpu.memory_space<vmem>>)
      %add3A_115 = arith.constant 2 : i32
      %add3A_116 = arith.addi %mul3A_63, %add3A_115 : i32
      %dma_start3A_117 = arith.constant 0 : i32
      %dma_start3A_118 = tpu.memref_slice %arg10[%add3A_116, %dma_start3A_117] : memref<125x40xi32, #tpu.memory_space<vmem>> -> memref<1x40xi32, #tpu.memory_space<vmem>>
      %dma_start3A_119 = tpu.memref_squeeze %dma_start3A_118 : memref<1x40xi32, #tpu.memory_space<vmem>> -> memref<40xi32, #tpu.memory_space<vmem>>
      %dma_start3A_120 = arith.constant 0 : i32
      %dma_start3A_121 = arith.constant 0 : i32
      %dma_start3A_122 = tpu.memref_slice %arg2[%dma_start3A_120, %dma_start3A_121] : memref<10000x512xf32, #tpu.memory_space<hbm>> -> memref<10000x512xf32, #tpu.memory_space<hbm>>
      tpu.enqueue_indirect_dma source(%dma_start3A_122 : memref<10000x512xf32, #tpu.memory_space<hbm>>) target(%arg12 : memref<40x512xf32, #tpu.memory_space<vmem>>) offsets(%dma_start3A_119 : memref<40xi32, #tpu.memory_space<vmem>>) semaphore(%arg20 : memref<!tpu.dma_semaphore, #tpu.memory_space<semaphore_mem>>)
      %dma_start3A_123 = arith.constant 0 : i32
      %dma_start3A_124 = tpu.memref_slice %arg11[%add3A_116, %dma_start3A_123] : memref<125x40xi32, #tpu.memory_space<vmem>> -> memref<1x40xi32, #tpu.memory_space<vmem>>
      %dma_start3A_125 = tpu.memref_squeeze %dma_start3A_124 : memref<1x40xi32, #tpu.memory_space<vmem>> -> memref<40xi32, #tpu.memory_space<vmem>>
      %dma_start3A_126 = arith.constant 0 : i32
      %dma_start3A_127 = arith.constant 0 : i32
      %dma_start3A_128 = tpu.memref_slice %arg3[%dma_start3A_126, %dma_start3A_127] : memref<10000x512xf32, #tpu.memory_space<hbm>> -> memref<10000x512xf32, #tpu.memory_space<hbm>>
      tpu.enqueue_indirect_dma source(%dma_start3A_128 : memref<10000x512xf32, #tpu.memory_space<hbm>>) target(%arg14 : memref<40x512xf32, #tpu.memory_space<vmem>>) offsets(%dma_start3A_125 : memref<40xi32, #tpu.memory_space<vmem>>) semaphore(%arg22 : memref<!tpu.dma_semaphore, #tpu.memory_space<semaphore_mem>>)
      %add3A_129 = arith.constant 1 : i32
      %add3A_130 = arith.addi %mul3A_63, %add3A_129 : i32
      %mul3A_131 = arith.constant 5000 : i32
      %mul3A_132 = arith.muli %add3A, %mul3A_131 : i32
      %mul3A_133 = arith.constant 40 : i32
      %mul3A_134 = arith.muli %add3A_130, %mul3A_133 : i32
      %add3A_135 = arith.addi %mul3A_132, %mul3A_134 : i32
      %scan3A_136 = arith.constant 0 : i32
      %scan3A_137 = arith.constant 0 : i32
      %scan3A_138 = arith.constant 40 : i32
      %scan3A_139 = arith.addi %scan3A_137, %scan3A_138 : i32
      %scan3A_140 = arith.constant 1 : i32
      scf.for %scan3A_142 = %scan3A_137 to %scan3A_139 step %scan3A_140  : i32 {
        %broadcast_in_dim3A_143 = arith.constant 0.000000e+00 : f32
        %broadcast_in_dim3A_144 = vector.broadcast %broadcast_in_dim3A_143 : f32 to vector<16xf32>
        %broadcast_in_dim3A_145 = arith.constant 0.000000e+00 : f32
        %broadcast_in_dim3A_146 = vector.broadcast %broadcast_in_dim3A_145 : f32 to vector<16xf32>
        %broadcast_in_dim3A_147 = arith.constant 0.000000e+00 : f32
        %broadcast_in_dim3A_148 = vector.broadcast %broadcast_in_dim3A_147 : f32 to vector<16xf32>
        %broadcast_in_dim3A_149 = arith.constant 0.000000e+00 : f32
        %broadcast_in_dim3A_150 = vector.broadcast %broadcast_in_dim3A_149 : f32 to vector<16xf32>
        %get3A = arith.index_cast %scan3A_142 : i32 to index
        %get3A_151 = arith.constant 0 : index
        %get3A_152 = tpu.vector_load %arg13[%get3A, %get3A_151] {strides = array<i32>} : memref<40x512xf32, #tpu.memory_space<vmem>>, vector<1x16xf32>,
        %get3A_153 = vector.shape_cast %get3A_152 : vector<1x16xf32> to vector<16xf32>
        %get3A_154 = arith.index_cast %scan3A_142 : i32 to index
        %get3A_155 = arith.constant 0 : index
        %get3A_156 = tpu.vector_load %arg15[%get3A_154, %get3A_155] {strides = array<i32>} : memref<40x512xf32, #tpu.memory_space<vmem>>, vector<1x16xf32>,
        %get3A_157 = vector.shape_cast %get3A_156 : vector<1x16xf32> to vector<16xf32>
        %add3A_158 = arith.addf %get3A_153, %get3A_157 : vector<16xf32>
        %mul3A_159 = arith.constant 2.000000e-01 : f32
        %mul3A_160 = vector.broadcast %mul3A_159 : f32 to vector<16xf32>
        %mul3A_161 = arith.mulf %mul3A_160, %add3A_158 : vector<16xf32>
        %max3A = arith.maximumf %add3A_158, %mul3A_161 : vector<16xf32>
        %get3A_162 = arith.constant 0 : i32
        %get3A_163 = arith.index_cast %get3A_162 : i32 to index
        %get3A_164 = arith.constant 0 : index
        %get3A_165 = tpu.vector_load %arg17[%get3A_163, %get3A_164] {strides = array<i32>} : memref<32x16xf32, #tpu.memory_space<vmem>>, vector<1x16xf32>,
        %get3A_166 = vector.shape_cast %get3A_165 : vector<1x16xf32> to vector<16xf32>
        %mul3A_167 = arith.mulf %max3A, %get3A_166 : vector<16xf32>
        %add3A_168 = arith.addf %broadcast_in_dim3A_144, %mul3A_167 : vector<16xf32>
        %get3A_169 = arith.index_cast %scan3A_142 : i32 to index
        %get3A_170 = arith.constant 16 : index
        %get3A_171 = tpu.vector_load %arg13[%get3A_169, %get3A_170] {strides = array<i32>} : memref<40x512xf32, #tpu.memory_space<vmem>>, vector<1x16xf32>,
        %get3A_172 = vector.shape_cast %get3A_171 : vector<1x16xf32> to vector<16xf32>
        %get3A_173 = arith.index_cast %scan3A_142 : i32 to index
        %get3A_174 = arith.constant 16 : index
        %get3A_175 = tpu.vector_load %arg15[%get3A_173, %get3A_174] {strides = array<i32>} : memref<40x512xf32, #tpu.memory_space<vmem>>, vector<1x16xf32>,
        %get3A_176 = vector.shape_cast %get3A_175 : vector<1x16xf32> to vector<16xf32>
        %add3A_177 = arith.addf %get3A_172, %get3A_176 : vector<16xf32>
        %mul3A_178 = arith.constant 2.000000e-01 : f32
        %mul3A_179 = vector.broadcast %mul3A_178 : f32 to vector<16xf32>
        %mul3A_180 = arith.mulf %mul3A_179, %add3A_177 : vector<16xf32>
        %max3A_181 = arith.maximumf %add3A_177, %mul3A_180 : vector<16xf32>
        %get3A_182 = arith.constant 1 : i32
        %get3A_183 = arith.index_cast %get3A_182 : i32 to index
        %get3A_184 = arith.constant 0 : index
        %get3A_185 = tpu.vector_load %arg17[%get3A_183, %get3A_184] {strides = array<i32>} : memref<32x16xf32, #tpu.memory_space<vmem>>, vector<1x16xf32>,
        %get3A_186 = vector.shape_cast %get3A_185 : vector<1x16xf32> to vector<16xf32>
        %mul3A_187 = arith.mulf %max3A_181, %get3A_186 : vector<16xf32>
        %add3A_188 = arith.addf %broadcast_in_dim3A_146, %mul3A_187 : vector<16xf32>
        %get3A_189 = arith.index_cast %scan3A_142 : i32 to index
        %get3A_190 = arith.constant 32 : index
        %get3A_191 = tpu.vector_load %arg13[%get3A_189, %get3A_190] {strides = array<i32>} : memref<40x512xf32, #tpu.memory_space<vmem>>, vector<1x16xf32>,
        %get3A_192 = vector.shape_cast %get3A_191 : vector<1x16xf32> to vector<16xf32>
        %get3A_193 = arith.index_cast %scan3A_142 : i32 to index
        %get3A_194 = arith.constant 32 : index
        %get3A_195 = tpu.vector_load %arg15[%get3A_193, %get3A_194] {strides = array<i32>} : memref<40x512xf32, #tpu.memory_space<vmem>>, vector<1x16xf32>,
        %get3A_196 = vector.shape_cast %get3A_195 : vector<1x16xf32> to vector<16xf32>
        %add3A_197 = arith.addf %get3A_192, %get3A_196 : vector<16xf32>
        %mul3A_198 = arith.constant 2.000000e-01 : f32
        %mul3A_199 = vector.broadcast %mul3A_198 : f32 to vector<16xf32>
        %mul3A_200 = arith.mulf %mul3A_199, %add3A_197 : vector<16xf32>
        %max3A_201 = arith.maximumf %add3A_197, %mul3A_200 : vector<16xf32>
        %get3A_202 = arith.constant 2 : i32
        %get3A_203 = arith.index_cast %get3A_202 : i32 to index
        %get3A_204 = arith.constant 0 : index
        %get3A_205 = tpu.vector_load %arg17[%get3A_203, %get3A_204] {strides = array<i32>} : memref<32x16xf32, #tpu.memory_space<vmem>>, vector<1x16xf32>,
        %get3A_206 = vector.shape_cast %get3A_205 : vector<1x16xf32> to vector<16xf32>
        %mul3A_207 = arith.mulf %max3A_201, %get3A_206 : vector<16xf32>
        %add3A_208 = arith.addf %broadcast_in_dim3A_148, %mul3A_207 : vector<16xf32>
        %get3A_209 = arith.index_cast %scan3A_142 : i32 to index
        %get3A_210 = arith.constant 48 : index
        %get3A_211 = tpu.vector_load %arg13[%get3A_209, %get3A_210] {strides = array<i32>} : memref<40x512xf32, #tpu.memory_space<vmem>>, vector<1x16xf32>,
        %get3A_212 = vector.shape_cast %get3A_211 : vector<1x16xf32> to vector<16xf32>
        %get3A_213 = arith.index_cast %scan3A_142 : i32 to index
        %get3A_214 = arith.constant 48 : index
        %get3A_215 = tpu.vector_load %arg15[%get3A_213, %get3A_214] {strides = array<i32>} : memref<40x512xf32, #tpu.memory_space<vmem>>, vector<1x16xf32>,
        %get3A_216 = vector.shape_cast %get3A_215 : vector<1x16xf32> to vector<16xf32>
        %add3A_217 = arith.addf %get3A_212, %get3A_216 : vector<16xf32>
        %mul3A_218 = arith.constant 2.000000e-01 : f32
        %mul3A_219 = vector.broadcast %mul3A_218 : f32 to vector<16xf32>
        %mul3A_220 = arith.mulf %mul3A_219, %add3A_217 : vector<16xf32>
        %max3A_221 = arith.maximumf %add3A_217, %mul3A_220 : vector<16xf32>
        %get3A_222 = arith.constant 3 : i32
        %get3A_223 = arith.index_cast %get3A_222 : i32 to index
        %get3A_224 = arith.constant 0 : index
        %get3A_225 = tpu.vector_load %arg17[%get3A_223, %get3A_224] {strides = array<i32>} : memref<32x16xf32, #tpu.memory_space<vmem>>, vector<1x16xf32>,
        %get3A_226 = vector.shape_cast %get3A_225 : vector<1x16xf32> to vector<16xf32>
        %mul3A_227 = arith.mulf %max3A_221, %get3A_226 : vector<16xf32>
        %add3A_228 = arith.addf %broadcast_in_dim3A_150, %mul3A_227 : vector<16xf32>
        %get3A_229 = arith.index_cast %scan3A_142 : i32 to index
        %get3A_230 = arith.constant 64 : index
        %get3A_231 = tpu.vector_load %arg13[%get3A_229, %get3A_230] {strides = array<i32>} : memref<40x512xf32, #tpu.memory_space<vmem>>, vector<1x16xf32>,
        %get3A_232 = vector.shape_cast %get3A_231 : vector<1x16xf32> to vector<16xf32>
        %get3A_233 = arith.index_cast %scan3A_142 : i32 to index
        %get3A_234 = arith.constant 64 : index
        %get3A_235 = tpu.vector_load %arg15[%get3A_233, %get3A_234] {strides = array<i32>} : memref<40x512xf32, #tpu.memory_space<vmem>>, vector<1x16xf32>,
        %get3A_236 = vector.shape_cast %get3A_235 : vector<1x16xf32> to vector<16xf32>
        %add3A_237 = arith.addf %get3A_232, %get3A_236 : vector<16xf32>
        %mul3A_238 = arith.constant 2.000000e-01 : f32
        %mul3A_239 = vector.broadcast %mul3A_238 : f32 to vector<16xf32>
        %mul3A_240 = arith.mulf %mul3A_239, %add3A_237 : vector<16xf32>
        %max3A_241 = arith.maximumf %add3A_237, %mul3A_240 : vector<16xf32>
        %get3A_242 = arith.constant 4 : i32
        %get3A_243 = arith.index_cast %get3A_242 : i32 to index
        %get3A_244 = arith.constant 0 : index
        %get3A_245 = tpu.vector_load %arg17[%get3A_243, %get3A_244] {strides = array<i32>} : memref<32x16xf32, #tpu.memory_space<vmem>>, vector<1x16xf32>,
        %get3A_246 = vector.shape_cast %get3A_245 : vector<1x16xf32> to vector<16xf32>
        %mul3A_247 = arith.mulf %max3A_241, %get3A_246 : vector<16xf32>
        %add3A_248 = arith.addf %add3A_168, %mul3A_247 : vector<16xf32>
        %get3A_249 = arith.index_cast %scan3A_142 : i32 to index
        %get3A_250 = arith.constant 80 : index
        %get3A_251 = tpu.vector_load %arg13[%get3A_249, %get3A_250] {strides = array<i32>} : memref<40x512xf32, #tpu.memory_space<vmem>>, vector<1x16xf32>,
        %get3A_252 = vector.shape_cast %get3A_251 : vector<1x16xf32> to vector<16xf32>
        %get3A_253 = arith.index_cast %scan3A_142 : i32 to index
        %get3A_254 = arith.constant 80 : index
        %get3A_255 = tpu.vector_load %arg15[%get3A_253, %get3A_254] {strides = array<i32>} : memref<40x512xf32, #tpu.memory_space<vmem>>, vector<1x16xf32>,
        %get3A_256 = vector.shape_cast %get3A_255 : vector<1x16xf32> to vector<16xf32>
        %add3A_257 = arith.addf %get3A_252, %get3A_256 : vector<16xf32>
        %mul3A_258 = arith.constant 2.000000e-01 : f32
        %mul3A_259 = vector.broadcast %mul3A_258 : f32 to vector<16xf32>
        %mul3A_260 = arith.mulf %mul3A_259, %add3A_257 : vector<16xf32>
        %max3A_261 = arith.maximumf %add3A_257, %mul3A_260 : vector<16xf32>
        %get3A_262 = arith.constant 5 : i32
        %get3A_263 = arith.index_cast %get3A_262 : i32 to index
        %get3A_264 = arith.constant 0 : index
        %get3A_265 = tpu.vector_load %arg17[%get3A_263, %get3A_264] {strides = array<i32>} : memref<32x16xf32, #tpu.memory_space<vmem>>, vector<1x16xf32>,
        %get3A_266 = vector.shape_cast %get3A_265 : vector<1x16xf32> to vector<16xf32>
        %mul3A_267 = arith.mulf %max3A_261, %get3A_266 : vector<16xf32>
        %add3A_268 = arith.addf %add3A_188, %mul3A_267 : vector<16xf32>
        %get3A_269 = arith.index_cast %scan3A_142 : i32 to index
        %get3A_270 = arith.constant 96 : index
        %get3A_271 = tpu.vector_load %arg13[%get3A_269, %get3A_270] {strides = array<i32>} : memref<40x512xf32, #tpu.memory_space<vmem>>, vector<1x16xf32>,
        %get3A_272 = vector.shape_cast %get3A_271 : vector<1x16xf32> to vector<16xf32>
        %get3A_273 = arith.index_cast %scan3A_142 : i32 to index
        %get3A_274 = arith.constant 96 : index
        %get3A_275 = tpu.vector_load %arg15[%get3A_273, %get3A_274] {strides = array<i32>} : memref<40x512xf32, #tpu.memory_space<vmem>>, vector<1x16xf32>,
        %get3A_276 = vector.shape_cast %get3A_275 : vector<1x16xf32> to vector<16xf32>
        %add3A_277 = arith.addf %get3A_272, %get3A_276 : vector<16xf32>
        %mul3A_278 = arith.constant 2.000000e-01 : f32
        %mul3A_279 = vector.broadcast %mul3A_278 : f32 to vector<16xf32>
        %mul3A_280 = arith.mulf %mul3A_279, %add3A_277 : vector<16xf32>
        %max3A_281 = arith.maximumf %add3A_277, %mul3A_280 : vector<16xf32>
        %get3A_282 = arith.constant 6 : i32
        %get3A_283 = arith.index_cast %get3A_282 : i32 to index
        %get3A_284 = arith.constant 0 : index
        %get3A_285 = tpu.vector_load %arg17[%get3A_283, %get3A_284] {strides = array<i32>} : memref<32x16xf32, #tpu.memory_space<vmem>>, vector<1x16xf32>,
        %get3A_286 = vector.shape_cast %get3A_285 : vector<1x16xf32> to vector<16xf32>
        %mul3A_287 = arith.mulf %max3A_281, %get3A_286 : vector<16xf32>
        %add3A_288 = arith.addf %add3A_208, %mul3A_287 : vector<16xf32>
        %get3A_289 = arith.index_cast %scan3A_142 : i32 to index
        %get3A_290 = arith.constant 112 : index
        %get3A_291 = tpu.vector_load %arg13[%get3A_289, %get3A_290] {strides = array<i32>} : memref<40x512xf32, #tpu.memory_space<vmem>>, vector<1x16xf32>,
        %get3A_292 = vector.shape_cast %get3A_291 : vector<1x16xf32> to vector<16xf32>
        %get3A_293 = arith.index_cast %scan3A_142 : i32 to index
        %get3A_294 = arith.constant 112 : index
        %get3A_295 = tpu.vector_load %arg15[%get3A_293, %get3A_294] {strides = array<i32>} : memref<40x512xf32, #tpu.memory_space<vmem>>, vector<1x16xf32>,
        %get3A_296 = vector.shape_cast %get3A_295 : vector<1x16xf32> to vector<16xf32>
        %add3A_297 = arith.addf %get3A_292, %get3A_296 : vector<16xf32>
        %mul3A_298 = arith.constant 2.000000e-01 : f32
        %mul3A_299 = vector.broadcast %mul3A_298 : f32 to vector<16xf32>
        %mul3A_300 = arith.mulf %mul3A_299, %add3A_297 : vector<16xf32>
        %max3A_301 = arith.maximumf %add3A_297, %mul3A_300 : vector<16xf32>
        %get3A_302 = arith.constant 7 : i32
        %get3A_303 = arith.index_cast %get3A_302 : i32 to index
        %get3A_304 = arith.constant 0 : index
        %get3A_305 = tpu.vector_load %arg17[%get3A_303, %get3A_304] {strides = array<i32>} : memref<32x16xf32, #tpu.memory_space<vmem>>, vector<1x16xf32>,
        %get3A_306 = vector.shape_cast %get3A_305 : vector<1x16xf32> to vector<16xf32>
        %mul3A_307 = arith.mulf %max3A_301, %get3A_306 : vector<16xf32>
        %add3A_308 = arith.addf %add3A_228, %mul3A_307 : vector<16xf32>
        %get3A_309 = arith.index_cast %scan3A_142 : i32 to index
        %get3A_310 = arith.constant 128 : index
        %get3A_311 = tpu.vector_load %arg13[%get3A_309, %get3A_310] {strides = array<i32>} : memref<40x512xf32, #tpu.memory_space<vmem>>, vector<1x16xf32>,
        %get3A_312 = vector.shape_cast %get3A_311 : vector<1x16xf32> to vector<16xf32>
        %get3A_313 = arith.index_cast %scan3A_142 : i32 to index
        %get3A_314 = arith.constant 128 : index
        %get3A_315 = tpu.vector_load %arg15[%get3A_313, %get3A_314] {strides = array<i32>} : memref<40x512xf32, #tpu.memory_space<vmem>>, vector<1x16xf32>,
        %get3A_316 = vector.shape_cast %get3A_315 : vector<1x16xf32> to vector<16xf32>
        %add3A_317 = arith.addf %get3A_312, %get3A_316 : vector<16xf32>
        %mul3A_318 = arith.constant 2.000000e-01 : f32
        %mul3A_319 = vector.broadcast %mul3A_318 : f32 to vector<16xf32>
        %mul3A_320 = arith.mulf %mul3A_319, %add3A_317 : vector<16xf32>
        %max3A_321 = arith.maximumf %add3A_317, %mul3A_320 : vector<16xf32>
        %get3A_322 = arith.constant 8 : i32
        %get3A_323 = arith.index_cast %get3A_322 : i32 to index
        %get3A_324 = arith.constant 0 : index
        %get3A_325 = tpu.vector_load %arg17[%get3A_323, %get3A_324] {strides = array<i32>} : memref<32x16xf32, #tpu.memory_space<vmem>>, vector<1x16xf32>,
        %get3A_326 = vector.shape_cast %get3A_325 : vector<1x16xf32> to vector<16xf32>
        %mul3A_327 = arith.mulf %max3A_321, %get3A_326 : vector<16xf32>
        %add3A_328 = arith.addf %add3A_248, %mul3A_327 : vector<16xf32>
        %get3A_329 = arith.index_cast %scan3A_142 : i32 to index
        %get3A_330 = arith.constant 144 : index
        %get3A_331 = tpu.vector_load %arg13[%get3A_329, %get3A_330] {strides = array<i32>} : memref<40x512xf32, #tpu.memory_space<vmem>>, vector<1x16xf32>,
        %get3A_332 = vector.shape_cast %get3A_331 : vector<1x16xf32> to vector<16xf32>
        %get3A_333 = arith.index_cast %scan3A_142 : i32 to index
        %get3A_334 = arith.constant 144 : index
        %get3A_335 = tpu.vector_load %arg15[%get3A_333, %get3A_334] {strides = array<i32>} : memref<40x512xf32, #tpu.memory_space<vmem>>, vector<1x16xf32>,
        %get3A_336 = vector.shape_cast %get3A_335 : vector<1x16xf32> to vector<16xf32>
        %add3A_337 = arith.addf %get3A_332, %get3A_336 : vector<16xf32>
        %mul3A_338 = arith.constant 2.000000e-01 : f32
        %mul3A_339 = vector.broadcast %mul3A_338 : f32 to vector<16xf32>
        %mul3A_340 = arith.mulf %mul3A_339, %add3A_337 : vector<16xf32>
        %max3A_341 = arith.maximumf %add3A_337, %mul3A_340 : vector<16xf32>
        %get3A_342 = arith.constant 9 : i32
        %get3A_343 = arith.index_cast %get3A_342 : i32 to index
        %get3A_344 = arith.constant 0 : index
        %get3A_345 = tpu.vector_load %arg17[%get3A_343, %get3A_344] {strides = array<i32>} : memref<32x16xf32, #tpu.memory_space<vmem>>, vector<1x16xf32>,
        %get3A_346 = vector.shape_cast %get3A_345 : vector<1x16xf32> to vector<16xf32>
        %mul3A_347 = arith.mulf %max3A_341, %get3A_346 : vector<16xf32>
        %add3A_348 = arith.addf %add3A_268, %mul3A_347 : vector<16xf32>
        %get3A_349 = arith.index_cast %scan3A_142 : i32 to index
        %get3A_350 = arith.constant 160 : index
        %get3A_351 = tpu.vector_load %arg13[%get3A_349, %get3A_350] {strides = array<i32>} : memref<40x512xf32, #tpu.memory_space<vmem>>, vector<1x16xf32>,
        %get3A_352 = vector.shape_cast %get3A_351 : vector<1x16xf32> to vector<16xf32>
        %get3A_353 = arith.index_cast %scan3A_142 : i32 to index
        %get3A_354 = arith.constant 160 : index
        %get3A_355 = tpu.vector_load %arg15[%get3A_353, %get3A_354] {strides = array<i32>} : memref<40x512xf32, #tpu.memory_space<vmem>>, vector<1x16xf32>,
        %get3A_356 = vector.shape_cast %get3A_355 : vector<1x16xf32> to vector<16xf32>
        %add3A_357 = arith.addf %get3A_352, %get3A_356 : vector<16xf32>
        %mul3A_358 = arith.constant 2.000000e-01 : f32
        %mul3A_359 = vector.broadcast %mul3A_358 : f32 to vector<16xf32>
        %mul3A_360 = arith.mulf %mul3A_359, %add3A_357 : vector<16xf32>
        %max3A_361 = arith.maximumf %add3A_357, %mul3A_360 : vector<16xf32>
        %get3A_362 = arith.constant 10 : i32
        %get3A_363 = arith.index_cast %get3A_362 : i32 to index
        %get3A_364 = arith.constant 0 : index
        %get3A_365 = tpu.vector_load %arg17[%get3A_363, %get3A_364] {strides = array<i32>} : memref<32x16xf32, #tpu.memory_space<vmem>>, vector<1x16xf32>,
        %get3A_366 = vector.shape_cast %get3A_365 : vector<1x16xf32> to vector<16xf32>
        %mul3A_367 = arith.mulf %max3A_361, %get3A_366 : vector<16xf32>
        %add3A_368 = arith.addf %add3A_288, %mul3A_367 : vector<16xf32>
        %get3A_369 = arith.index_cast %scan3A_142 : i32 to index
        %get3A_370 = arith.constant 176 : index
        %get3A_371 = tpu.vector_load %arg13[%get3A_369, %get3A_370] {strides = array<i32>} : memref<40x512xf32, #tpu.memory_space<vmem>>, vector<1x16xf32>,
        %get3A_372 = vector.shape_cast %get3A_371 : vector<1x16xf32> to vector<16xf32>
        %get3A_373 = arith.index_cast %scan3A_142 : i32 to index
        %get3A_374 = arith.constant 176 : index
        %get3A_375 = tpu.vector_load %arg15[%get3A_373, %get3A_374] {strides = array<i32>} : memref<40x512xf32, #tpu.memory_space<vmem>>, vector<1x16xf32>,
        %get3A_376 = vector.shape_cast %get3A_375 : vector<1x16xf32> to vector<16xf32>
        %add3A_377 = arith.addf %get3A_372, %get3A_376 : vector<16xf32>
        %mul3A_378 = arith.constant 2.000000e-01 : f32
        %mul3A_379 = vector.broadcast %mul3A_378 : f32 to vector<16xf32>
        %mul3A_380 = arith.mulf %mul3A_379, %add3A_377 : vector<16xf32>
        %max3A_381 = arith.maximumf %add3A_377, %mul3A_380 : vector<16xf32>
        %get3A_382 = arith.constant 11 : i32
        %get3A_383 = arith.index_cast %get3A_382 : i32 to index
        %get3A_384 = arith.constant 0 : index
        %get3A_385 = tpu.vector_load %arg17[%get3A_383, %get3A_384] {strides = array<i32>} : memref<32x16xf32, #tpu.memory_space<vmem>>, vector<1x16xf32>,
        %get3A_386 = vector.shape_cast %get3A_385 : vector<1x16xf32> to vector<16xf32>
        %mul3A_387 = arith.mulf %max3A_381, %get3A_386 : vector<16xf32>
        %add3A_388 = arith.addf %add3A_308, %mul3A_387 : vector<16xf32>
        %get3A_389 = arith.index_cast %scan3A_142 : i32 to index
        %get3A_390 = arith.constant 192 : index
        %get3A_391 = tpu.vector_load %arg13[%get3A_389, %get3A_390] {strides = array<i32>} : memref<40x512xf32, #tpu.memory_space<vmem>>, vector<1x16xf32>,
        %get3A_392 = vector.shape_cast %get3A_391 : vector<1x16xf32> to vector<16xf32>
        %get3A_393 = arith.index_cast %scan3A_142 : i32 to index
        %get3A_394 = arith.constant 192 : index
        %get3A_395 = tpu.vector_load %arg15[%get3A_393, %get3A_394] {strides = array<i32>} : memref<40x512xf32, #tpu.memory_space<vmem>>, vector<1x16xf32>,
        %get3A_396 = vector.shape_cast %get3A_395 : vector<1x16xf32> to vector<16xf32>
        %add3A_397 = arith.addf %get3A_392, %get3A_396 : vector<16xf32>
        %mul3A_398 = arith.constant 2.000000e-01 : f32
        %mul3A_399 = vector.broadcast %mul3A_398 : f32 to vector<16xf32>
        %mul3A_400 = arith.mulf %mul3A_399, %add3A_397 : vector<16xf32>
        %max3A_401 = arith.maximumf %add3A_397, %mul3A_400 : vector<16xf32>
        %get3A_402 = arith.constant 12 : i32
        %get3A_403 = arith.index_cast %get3A_402 : i32 to index
        %get3A_404 = arith.constant 0 : index
        %get3A_405 = tpu.vector_load %arg17[%get3A_403, %get3A_404] {strides = array<i32>} : memref<32x16xf32, #tpu.memory_space<vmem>>, vector<1x16xf32>,
        %get3A_406 = vector.shape_cast %get3A_405 : vector<1x16xf32> to vector<16xf32>
        %mul3A_407 = arith.mulf %max3A_401, %get3A_406 : vector<16xf32>
        %add3A_408 = arith.addf %add3A_328, %mul3A_407 : vector<16xf32>
        %get3A_409 = arith.index_cast %scan3A_142 : i32 to index
        %get3A_410 = arith.constant 208 : index
        %get3A_411 = tpu.vector_load %arg13[%get3A_409, %get3A_410] {strides = array<i32>} : memref<40x512xf32, #tpu.memory_space<vmem>>, vector<1x16xf32>,
        %get3A_412 = vector.shape_cast %get3A_411 : vector<1x16xf32> to vector<16xf32>
        %get3A_413 = arith.index_cast %scan3A_142 : i32 to index
        %get3A_414 = arith.constant 208 : index
        %get3A_415 = tpu.vector_load %arg15[%get3A_413, %get3A_414] {strides = array<i32>} : memref<40x512xf32, #tpu.memory_space<vmem>>, vector<1x16xf32>,
        %get3A_416 = vector.shape_cast %get3A_415 : vector<1x16xf32> to vector<16xf32>
        %add3A_417 = arith.addf %get3A_412, %get3A_416 : vector<16xf32>
        %mul3A_418 = arith.constant 2.000000e-01 : f32
        %mul3A_419 = vector.broadcast %mul3A_418 : f32 to vector<16xf32>
        %mul3A_420 = arith.mulf %mul3A_419, %add3A_417 : vector<16xf32>
        %max3A_421 = arith.maximumf %add3A_417, %mul3A_420 : vector<16xf32>
        %get3A_422 = arith.constant 13 : i32
        %get3A_423 = arith.index_cast %get3A_422 : i32 to index
        %get3A_424 = arith.constant 0 : index
        %get3A_425 = tpu.vector_load %arg17[%get3A_423, %get3A_424] {strides = array<i32>} : memref<32x16xf32, #tpu.memory_space<vmem>>, vector<1x16xf32>,
        %get3A_426 = vector.shape_cast %get3A_425 : vector<1x16xf32> to vector<16xf32>
        %mul3A_427 = arith.mulf %max3A_421, %get3A_426 : vector<16xf32>
        %add3A_428 = arith.addf %add3A_348, %mul3A_427 : vector<16xf32>
        %get3A_429 = arith.index_cast %scan3A_142 : i32 to index
        %get3A_430 = arith.constant 224 : index
        %get3A_431 = tpu.vector_load %arg13[%get3A_429, %get3A_430] {strides = array<i32>} : memref<40x512xf32, #tpu.memory_space<vmem>>, vector<1x16xf32>,
        %get3A_432 = vector.shape_cast %get3A_431 : vector<1x16xf32> to vector<16xf32>
        %get3A_433 = arith.index_cast %scan3A_142 : i32 to index
        %get3A_434 = arith.constant 224 : index
        %get3A_435 = tpu.vector_load %arg15[%get3A_433, %get3A_434] {strides = array<i32>} : memref<40x512xf32, #tpu.memory_space<vmem>>, vector<1x16xf32>,
        %get3A_436 = vector.shape_cast %get3A_435 : vector<1x16xf32> to vector<16xf32>
        %add3A_437 = arith.addf %get3A_432, %get3A_436 : vector<16xf32>
        %mul3A_438 = arith.constant 2.000000e-01 : f32
        %mul3A_439 = vector.broadcast %mul3A_438 : f32 to vector<16xf32>
        %mul3A_440 = arith.mulf %mul3A_439, %add3A_437 : vector<16xf32>
        %max3A_441 = arith.maximumf %add3A_437, %mul3A_440 : vector<16xf32>
        %get3A_442 = arith.constant 14 : i32
        %get3A_443 = arith.index_cast %get3A_442 : i32 to index
        %get3A_444 = arith.constant 0 : index
        %get3A_445 = tpu.vector_load %arg17[%get3A_443, %get3A_444] {strides = array<i32>} : memref<32x16xf32, #tpu.memory_space<vmem>>, vector<1x16xf32>,
        %get3A_446 = vector.shape_cast %get3A_445 : vector<1x16xf32> to vector<16xf32>
        %mul3A_447 = arith.mulf %max3A_441, %get3A_446 : vector<16xf32>
        %add3A_448 = arith.addf %add3A_368, %mul3A_447 : vector<16xf32>
        %get3A_449 = arith.index_cast %scan3A_142 : i32 to index
        %get3A_450 = arith.constant 240 : index
        %get3A_451 = tpu.vector_load %arg13[%get3A_449, %get3A_450] {strides = array<i32>} : memref<40x512xf32, #tpu.memory_space<vmem>>, vector<1x16xf32>,
        %get3A_452 = vector.shape_cast %get3A_451 : vector<1x16xf32> to vector<16xf32>
        %get3A_453 = arith.index_cast %scan3A_142 : i32 to index
        %get3A_454 = arith.constant 240 : index
        %get3A_455 = tpu.vector_load %arg15[%get3A_453, %get3A_454] {strides = array<i32>} : memref<40x512xf32, #tpu.memory_space<vmem>>, vector<1x16xf32>,
        %get3A_456 = vector.shape_cast %get3A_455 : vector<1x16xf32> to vector<16xf32>
        %add3A_457 = arith.addf %get3A_452, %get3A_456 : vector<16xf32>
        %mul3A_458 = arith.constant 2.000000e-01 : f32
        %mul3A_459 = vector.broadcast %mul3A_458 : f32 to vector<16xf32>
        %mul3A_460 = arith.mulf %mul3A_459, %add3A_457 : vector<16xf32>
        %max3A_461 = arith.maximumf %add3A_457, %mul3A_460 : vector<16xf32>
        %get3A_462 = arith.constant 15 : i32
        %get3A_463 = arith.index_cast %get3A_462 : i32 to index
        %get3A_464 = arith.constant 0 : index
        %get3A_465 = tpu.vector_load %arg17[%get3A_463, %get3A_464] {strides = array<i32>} : memref<32x16xf32, #tpu.memory_space<vmem>>, vector<1x16xf32>,
        %get3A_466 = vector.shape_cast %get3A_465 : vector<1x16xf32> to vector<16xf32>
        %mul3A_467 = arith.mulf %max3A_461, %get3A_466 : vector<16xf32>
        %add3A_468 = arith.addf %add3A_388, %mul3A_467 : vector<16xf32>
        %get3A_469 = arith.index_cast %scan3A_142 : i32 to index
        %get3A_470 = arith.constant 256 : index
        %get3A_471 = tpu.vector_load %arg13[%get3A_469, %get3A_470] {strides = array<i32>} : memref<40x512xf32, #tpu.memory_space<vmem>>, vector<1x16xf32>,
        %get3A_472 = vector.shape_cast %get3A_471 : vector<1x16xf32> to vector<16xf32>
        %get3A_473 = arith.index_cast %scan3A_142 : i32 to index
        %get3A_474 = arith.constant 256 : index
        %get3A_475 = tpu.vector_load %arg15[%get3A_473, %get3A_474] {strides = array<i32>} : memref<40x512xf32, #tpu.memory_space<vmem>>, vector<1x16xf32>,
        %get3A_476 = vector.shape_cast %get3A_475 : vector<1x16xf32> to vector<16xf32>
        %add3A_477 = arith.addf %get3A_472, %get3A_476 : vector<16xf32>
        %mul3A_478 = arith.constant 2.000000e-01 : f32
        %mul3A_479 = vector.broadcast %mul3A_478 : f32 to vector<16xf32>
        %mul3A_480 = arith.mulf %mul3A_479, %add3A_477 : vector<16xf32>
        %max3A_481 = arith.maximumf %add3A_477, %mul3A_480 : vector<16xf32>
        %get3A_482 = arith.constant 16 : i32
        %get3A_483 = arith.index_cast %get3A_482 : i32 to index
        %get3A_484 = arith.constant 0 : index
        %get3A_485 = tpu.vector_load %arg17[%get3A_483, %get3A_484] {strides = array<i32>} : memref<32x16xf32, #tpu.memory_space<vmem>>, vector<1x16xf32>,
        %get3A_486 = vector.shape_cast %get3A_485 : vector<1x16xf32> to vector<16xf32>
        %mul3A_487 = arith.mulf %max3A_481, %get3A_486 : vector<16xf32>
        %add3A_488 = arith.addf %add3A_408, %mul3A_487 : vector<16xf32>
        %get3A_489 = arith.index_cast %scan3A_142 : i32 to index
        %get3A_490 = arith.constant 272 : index
        %get3A_491 = tpu.vector_load %arg13[%get3A_489, %get3A_490] {strides = array<i32>} : memref<40x512xf32, #tpu.memory_space<vmem>>, vector<1x16xf32>,
        %get3A_492 = vector.shape_cast %get3A_491 : vector<1x16xf32> to vector<16xf32>
        %get3A_493 = arith.index_cast %scan3A_142 : i32 to index
        %get3A_494 = arith.constant 272 : index
        %get3A_495 = tpu.vector_load %arg15[%get3A_493, %get3A_494] {strides = array<i32>} : memref<40x512xf32, #tpu.memory_space<vmem>>, vector<1x16xf32>,
        %get3A_496 = vector.shape_cast %get3A_495 : vector<1x16xf32> to vector<16xf32>
        %add3A_497 = arith.addf %get3A_492, %get3A_496 : vector<16xf32>
        %mul3A_498 = arith.constant 2.000000e-01 : f32
        %mul3A_499 = vector.broadcast %mul3A_498 : f32 to vector<16xf32>
        %mul3A_500 = arith.mulf %mul3A_499, %add3A_497 : vector<16xf32>
        %max3A_501 = arith.maximumf %add3A_497, %mul3A_500 : vector<16xf32>
        %get3A_502 = arith.constant 17 : i32
        %get3A_503 = arith.index_cast %get3A_502 : i32 to index
        %get3A_504 = arith.constant 0 : index
        %get3A_505 = tpu.vector_load %arg17[%get3A_503, %get3A_504] {strides = array<i32>} : memref<32x16xf32, #tpu.memory_space<vmem>>, vector<1x16xf32>,
        %get3A_506 = vector.shape_cast %get3A_505 : vector<1x16xf32> to vector<16xf32>
        %mul3A_507 = arith.mulf %max3A_501, %get3A_506 : vector<16xf32>
        %add3A_508 = arith.addf %add3A_428, %mul3A_507 : vector<16xf32>
        %get3A_509 = arith.index_cast %scan3A_142 : i32 to index
        %get3A_510 = arith.constant 288 : index
        %get3A_511 = tpu.vector_load %arg13[%get3A_509, %get3A_510] {strides = array<i32>} : memref<40x512xf32, #tpu.memory_space<vmem>>, vector<1x16xf32>,
        %get3A_512 = vector.shape_cast %get3A_511 : vector<1x16xf32> to vector<16xf32>
        %get3A_513 = arith.index_cast %scan3A_142 : i32 to index
        %get3A_514 = arith.constant 288 : index
        %get3A_515 = tpu.vector_load %arg15[%get3A_513, %get3A_514] {strides = array<i32>} : memref<40x512xf32, #tpu.memory_space<vmem>>, vector<1x16xf32>,
        %get3A_516 = vector.shape_cast %get3A_515 : vector<1x16xf32> to vector<16xf32>
        %add3A_517 = arith.addf %get3A_512, %get3A_516 : vector<16xf32>
        %mul3A_518 = arith.constant 2.000000e-01 : f32
        %mul3A_519 = vector.broadcast %mul3A_518 : f32 to vector<16xf32>
        %mul3A_520 = arith.mulf %mul3A_519, %add3A_517 : vector<16xf32>
        %max3A_521 = arith.maximumf %add3A_517, %mul3A_520 : vector<16xf32>
        %get3A_522 = arith.constant 18 : i32
        %get3A_523 = arith.index_cast %get3A_522 : i32 to index
        %get3A_524 = arith.constant 0 : index
        %get3A_525 = tpu.vector_load %arg17[%get3A_523, %get3A_524] {strides = array<i32>} : memref<32x16xf32, #tpu.memory_space<vmem>>, vector<1x16xf32>,
        %get3A_526 = vector.shape_cast %get3A_525 : vector<1x16xf32> to vector<16xf32>
        %mul3A_527 = arith.mulf %max3A_521, %get3A_526 : vector<16xf32>
        %add3A_528 = arith.addf %add3A_448, %mul3A_527 : vector<16xf32>
        %get3A_529 = arith.index_cast %scan3A_142 : i32 to index
        %get3A_530 = arith.constant 304 : index
        %get3A_531 = tpu.vector_load %arg13[%get3A_529, %get3A_530] {strides = array<i32>} : memref<40x512xf32, #tpu.memory_space<vmem>>, vector<1x16xf32>,
        %get3A_532 = vector.shape_cast %get3A_531 : vector<1x16xf32> to vector<16xf32>
        %get3A_533 = arith.index_cast %scan3A_142 : i32 to index
        %get3A_534 = arith.constant 304 : index
        %get3A_535 = tpu.vector_load %arg15[%get3A_533, %get3A_534] {strides = array<i32>} : memref<40x512xf32, #tpu.memory_space<vmem>>, vector<1x16xf32>,
        %get3A_536 = vector.shape_cast %get3A_535 : vector<1x16xf32> to vector<16xf32>
        %add3A_537 = arith.addf %get3A_532, %get3A_536 : vector<16xf32>
        %mul3A_538 = arith.constant 2.000000e-01 : f32
        %mul3A_539 = vector.broadcast %mul3A_538 : f32 to vector<16xf32>
        %mul3A_540 = arith.mulf %mul3A_539, %add3A_537 : vector<16xf32>
        %max3A_541 = arith.maximumf %add3A_537, %mul3A_540 : vector<16xf32>
        %get3A_542 = arith.constant 19 : i32
        %get3A_543 = arith.index_cast %get3A_542 : i32 to index
        %get3A_544 = arith.constant 0 : index
        %get3A_545 = tpu.vector_load %arg17[%get3A_543, %get3A_544] {strides = array<i32>} : memref<32x16xf32, #tpu.memory_space<vmem>>, vector<1x16xf32>,
        %get3A_546 = vector.shape_cast %get3A_545 : vector<1x16xf32> to vector<16xf32>
        %mul3A_547 = arith.mulf %max3A_541, %get3A_546 : vector<16xf32>
        %add3A_548 = arith.addf %add3A_468, %mul3A_547 : vector<16xf32>
        %get3A_549 = arith.index_cast %scan3A_142 : i32 to index
        %get3A_550 = arith.constant 320 : index
        %get3A_551 = tpu.vector_load %arg13[%get3A_549, %get3A_550] {strides = array<i32>} : memref<40x512xf32, #tpu.memory_space<vmem>>, vector<1x16xf32>,
        %get3A_552 = vector.shape_cast %get3A_551 : vector<1x16xf32> to vector<16xf32>
        %get3A_553 = arith.index_cast %scan3A_142 : i32 to index
        %get3A_554 = arith.constant 320 : index
        %get3A_555 = tpu.vector_load %arg15[%get3A_553, %get3A_554] {strides = array<i32>} : memref<40x512xf32, #tpu.memory_space<vmem>>, vector<1x16xf32>,
        %get3A_556 = vector.shape_cast %get3A_555 : vector<1x16xf32> to vector<16xf32>
        %add3A_557 = arith.addf %get3A_552, %get3A_556 : vector<16xf32>
        %mul3A_558 = arith.constant 2.000000e-01 : f32
        %mul3A_559 = vector.broadcast %mul3A_558 : f32 to vector<16xf32>
        %mul3A_560 = arith.mulf %mul3A_559, %add3A_557 : vector<16xf32>
        %max3A_561 = arith.maximumf %add3A_557, %mul3A_560 : vector<16xf32>
        %get3A_562 = arith.constant 20 : i32
        %get3A_563 = arith.index_cast %get3A_562 : i32 to index
        %get3A_564 = arith.constant 0 : index
        %get3A_565 = tpu.vector_load %arg17[%get3A_563, %get3A_564] {strides = array<i32>} : memref<32x16xf32, #tpu.memory_space<vmem>>, vector<1x16xf32>,
        %get3A_566 = vector.shape_cast %get3A_565 : vector<1x16xf32> to vector<16xf32>
        %mul3A_567 = arith.mulf %max3A_561, %get3A_566 : vector<16xf32>
        %add3A_568 = arith.addf %add3A_488, %mul3A_567 : vector<16xf32>
        %get3A_569 = arith.index_cast %scan3A_142 : i32 to index
        %get3A_570 = arith.constant 336 : index
        %get3A_571 = tpu.vector_load %arg13[%get3A_569, %get3A_570] {strides = array<i32>} : memref<40x512xf32, #tpu.memory_space<vmem>>, vector<1x16xf32>,
        %get3A_572 = vector.shape_cast %get3A_571 : vector<1x16xf32> to vector<16xf32>
        %get3A_573 = arith.index_cast %scan3A_142 : i32 to index
        %get3A_574 = arith.constant 336 : index
        %get3A_575 = tpu.vector_load %arg15[%get3A_573, %get3A_574] {strides = array<i32>} : memref<40x512xf32, #tpu.memory_space<vmem>>, vector<1x16xf32>,
        %get3A_576 = vector.shape_cast %get3A_575 : vector<1x16xf32> to vector<16xf32>
        %add3A_577 = arith.addf %get3A_572, %get3A_576 : vector<16xf32>
        %mul3A_578 = arith.constant 2.000000e-01 : f32
        %mul3A_579 = vector.broadcast %mul3A_578 : f32 to vector<16xf32>
        %mul3A_580 = arith.mulf %mul3A_579, %add3A_577 : vector<16xf32>
        %max3A_581 = arith.maximumf %add3A_577, %mul3A_580 : vector<16xf32>
        %get3A_582 = arith.constant 21 : i32
        %get3A_583 = arith.index_cast %get3A_582 : i32 to index
        %get3A_584 = arith.constant 0 : index
        %get3A_585 = tpu.vector_load %arg17[%get3A_583, %get3A_584] {strides = array<i32>} : memref<32x16xf32, #tpu.memory_space<vmem>>, vector<1x16xf32>,
        %get3A_586 = vector.shape_cast %get3A_585 : vector<1x16xf32> to vector<16xf32>
        %mul3A_587 = arith.mulf %max3A_581, %get3A_586 : vector<16xf32>
        %add3A_588 = arith.addf %add3A_508, %mul3A_587 : vector<16xf32>
        %get3A_589 = arith.index_cast %scan3A_142 : i32 to index
        %get3A_590 = arith.constant 352 : index
        %get3A_591 = tpu.vector_load %arg13[%get3A_589, %get3A_590] {strides = array<i32>} : memref<40x512xf32, #tpu.memory_space<vmem>>, vector<1x16xf32>,
        %get3A_592 = vector.shape_cast %get3A_591 : vector<1x16xf32> to vector<16xf32>
        %get3A_593 = arith.index_cast %scan3A_142 : i32 to index
        %get3A_594 = arith.constant 352 : index
        %get3A_595 = tpu.vector_load %arg15[%get3A_593, %get3A_594] {strides = array<i32>} : memref<40x512xf32, #tpu.memory_space<vmem>>, vector<1x16xf32>,
        %get3A_596 = vector.shape_cast %get3A_595 : vector<1x16xf32> to vector<16xf32>
        %add3A_597 = arith.addf %get3A_592, %get3A_596 : vector<16xf32>
        %mul3A_598 = arith.constant 2.000000e-01 : f32
        %mul3A_599 = vector.broadcast %mul3A_598 : f32 to vector<16xf32>
        %mul3A_600 = arith.mulf %mul3A_599, %add3A_597 : vector<16xf32>
        %max3A_601 = arith.maximumf %add3A_597, %mul3A_600 : vector<16xf32>
        %get3A_602 = arith.constant 22 : i32
        %get3A_603 = arith.index_cast %get3A_602 : i32 to index
        %get3A_604 = arith.constant 0 : index
        %get3A_605 = tpu.vector_load %arg17[%get3A_603, %get3A_604] {strides = array<i32>} : memref<32x16xf32, #tpu.memory_space<vmem>>, vector<1x16xf32>,
        %get3A_606 = vector.shape_cast %get3A_605 : vector<1x16xf32> to vector<16xf32>
        %mul3A_607 = arith.mulf %max3A_601, %get3A_606 : vector<16xf32>
        %add3A_608 = arith.addf %add3A_528, %mul3A_607 : vector<16xf32>
        %get3A_609 = arith.index_cast %scan3A_142 : i32 to index
        %get3A_610 = arith.constant 368 : index
        %get3A_611 = tpu.vector_load %arg13[%get3A_609, %get3A_610] {strides = array<i32>} : memref<40x512xf32, #tpu.memory_space<vmem>>, vector<1x16xf32>,
        %get3A_612 = vector.shape_cast %get3A_611 : vector<1x16xf32> to vector<16xf32>
        %get3A_613 = arith.index_cast %scan3A_142 : i32 to index
        %get3A_614 = arith.constant 368 : index
        %get3A_615 = tpu.vector_load %arg15[%get3A_613, %get3A_614] {strides = array<i32>} : memref<40x512xf32, #tpu.memory_space<vmem>>, vector<1x16xf32>,
        %get3A_616 = vector.shape_cast %get3A_615 : vector<1x16xf32> to vector<16xf32>
        %add3A_617 = arith.addf %get3A_612, %get3A_616 : vector<16xf32>
        %mul3A_618 = arith.constant 2.000000e-01 : f32
        %mul3A_619 = vector.broadcast %mul3A_618 : f32 to vector<16xf32>
        %mul3A_620 = arith.mulf %mul3A_619, %add3A_617 : vector<16xf32>
        %max3A_621 = arith.maximumf %add3A_617, %mul3A_620 : vector<16xf32>
        %get3A_622 = arith.constant 23 : i32
        %get3A_623 = arith.index_cast %get3A_622 : i32 to index
        %get3A_624 = arith.constant 0 : index
        %get3A_625 = tpu.vector_load %arg17[%get3A_623, %get3A_624] {strides = array<i32>} : memref<32x16xf32, #tpu.memory_space<vmem>>, vector<1x16xf32>,
        %get3A_626 = vector.shape_cast %get3A_625 : vector<1x16xf32> to vector<16xf32>
        %mul3A_627 = arith.mulf %max3A_621, %get3A_626 : vector<16xf32>
        %add3A_628 = arith.addf %add3A_548, %mul3A_627 : vector<16xf32>
        %get3A_629 = arith.index_cast %scan3A_142 : i32 to index
        %get3A_630 = arith.constant 384 : index
        %get3A_631 = tpu.vector_load %arg13[%get3A_629, %get3A_630] {strides = array<i32>} : memref<40x512xf32, #tpu.memory_space<vmem>>, vector<1x16xf32>,
        %get3A_632 = vector.shape_cast %get3A_631 : vector<1x16xf32> to vector<16xf32>
        %get3A_633 = arith.index_cast %scan3A_142 : i32 to index
        %get3A_634 = arith.constant 384 : index
        %get3A_635 = tpu.vector_load %arg15[%get3A_633, %get3A_634] {strides = array<i32>} : memref<40x512xf32, #tpu.memory_space<vmem>>, vector<1x16xf32>,
        %get3A_636 = vector.shape_cast %get3A_635 : vector<1x16xf32> to vector<16xf32>
        %add3A_637 = arith.addf %get3A_632, %get3A_636 : vector<16xf32>
        %mul3A_638 = arith.constant 2.000000e-01 : f32
        %mul3A_639 = vector.broadcast %mul3A_638 : f32 to vector<16xf32>
        %mul3A_640 = arith.mulf %mul3A_639, %add3A_637 : vector<16xf32>
        %max3A_641 = arith.maximumf %add3A_637, %mul3A_640 : vector<16xf32>
        %get3A_642 = arith.constant 24 : i32
        %get3A_643 = arith.index_cast %get3A_642 : i32 to index
        %get3A_644 = arith.constant 0 : index
        %get3A_645 = tpu.vector_load %arg17[%get3A_643, %get3A_644] {strides = array<i32>} : memref<32x16xf32, #tpu.memory_space<vmem>>, vector<1x16xf32>,
        %get3A_646 = vector.shape_cast %get3A_645 : vector<1x16xf32> to vector<16xf32>
        %mul3A_647 = arith.mulf %max3A_641, %get3A_646 : vector<16xf32>
        %add3A_648 = arith.addf %add3A_568, %mul3A_647 : vector<16xf32>
        %get3A_649 = arith.index_cast %scan3A_142 : i32 to index
        %get3A_650 = arith.constant 400 : index
        %get3A_651 = tpu.vector_load %arg13[%get3A_649, %get3A_650] {strides = array<i32>} : memref<40x512xf32, #tpu.memory_space<vmem>>, vector<1x16xf32>,
        %get3A_652 = vector.shape_cast %get3A_651 : vector<1x16xf32> to vector<16xf32>
        %get3A_653 = arith.index_cast %scan3A_142 : i32 to index
        %get3A_654 = arith.constant 400 : index
        %get3A_655 = tpu.vector_load %arg15[%get3A_653, %get3A_654] {strides = array<i32>} : memref<40x512xf32, #tpu.memory_space<vmem>>, vector<1x16xf32>,
        %get3A_656 = vector.shape_cast %get3A_655 : vector<1x16xf32> to vector<16xf32>
        %add3A_657 = arith.addf %get3A_652, %get3A_656 : vector<16xf32>
        %mul3A_658 = arith.constant 2.000000e-01 : f32
        %mul3A_659 = vector.broadcast %mul3A_658 : f32 to vector<16xf32>
        %mul3A_660 = arith.mulf %mul3A_659, %add3A_657 : vector<16xf32>
        %max3A_661 = arith.maximumf %add3A_657, %mul3A_660 : vector<16xf32>
        %get3A_662 = arith.constant 25 : i32
        %get3A_663 = arith.index_cast %get3A_662 : i32 to index
        %get3A_664 = arith.constant 0 : index
        %get3A_665 = tpu.vector_load %arg17[%get3A_663, %get3A_664] {strides = array<i32>} : memref<32x16xf32, #tpu.memory_space<vmem>>, vector<1x16xf32>,
        %get3A_666 = vector.shape_cast %get3A_665 : vector<1x16xf32> to vector<16xf32>
        %mul3A_667 = arith.mulf %max3A_661, %get3A_666 : vector<16xf32>
        %add3A_668 = arith.addf %add3A_588, %mul3A_667 : vector<16xf32>
        %get3A_669 = arith.index_cast %scan3A_142 : i32 to index
        %get3A_670 = arith.constant 416 : index
        %get3A_671 = tpu.vector_load %arg13[%get3A_669, %get3A_670] {strides = array<i32>} : memref<40x512xf32, #tpu.memory_space<vmem>>, vector<1x16xf32>,
        %get3A_672 = vector.shape_cast %get3A_671 : vector<1x16xf32> to vector<16xf32>
        %get3A_673 = arith.index_cast %scan3A_142 : i32 to index
        %get3A_674 = arith.constant 416 : index
        %get3A_675 = tpu.vector_load %arg15[%get3A_673, %get3A_674] {strides = array<i32>} : memref<40x512xf32, #tpu.memory_space<vmem>>, vector<1x16xf32>,
        %get3A_676 = vector.shape_cast %get3A_675 : vector<1x16xf32> to vector<16xf32>
        %add3A_677 = arith.addf %get3A_672, %get3A_676 : vector<16xf32>
        %mul3A_678 = arith.constant 2.000000e-01 : f32
        %mul3A_679 = vector.broadcast %mul3A_678 : f32 to vector<16xf32>
        %mul3A_680 = arith.mulf %mul3A_679, %add3A_677 : vector<16xf32>
        %max3A_681 = arith.maximumf %add3A_677, %mul3A_680 : vector<16xf32>
        %get3A_682 = arith.constant 26 : i32
        %get3A_683 = arith.index_cast %get3A_682 : i32 to index
        %get3A_684 = arith.constant 0 : index
        %get3A_685 = tpu.vector_load %arg17[%get3A_683, %get3A_684] {strides = array<i32>} : memref<32x16xf32, #tpu.memory_space<vmem>>, vector<1x16xf32>,
        %get3A_686 = vector.shape_cast %get3A_685 : vector<1x16xf32> to vector<16xf32>
        %mul3A_687 = arith.mulf %max3A_681, %get3A_686 : vector<16xf32>
        %add3A_688 = arith.addf %add3A_608, %mul3A_687 : vector<16xf32>
        %get3A_689 = arith.index_cast %scan3A_142 : i32 to index
        %get3A_690 = arith.constant 432 : index
        %get3A_691 = tpu.vector_load %arg13[%get3A_689, %get3A_690] {strides = array<i32>} : memref<40x512xf32, #tpu.memory_space<vmem>>, vector<1x16xf32>,
        %get3A_692 = vector.shape_cast %get3A_691 : vector<1x16xf32> to vector<16xf32>
        %get3A_693 = arith.index_cast %scan3A_142 : i32 to index
        %get3A_694 = arith.constant 432 : index
        %get3A_695 = tpu.vector_load %arg15[%get3A_693, %get3A_694] {strides = array<i32>} : memref<40x512xf32, #tpu.memory_space<vmem>>, vector<1x16xf32>,
        %get3A_696 = vector.shape_cast %get3A_695 : vector<1x16xf32> to vector<16xf32>
        %add3A_697 = arith.addf %get3A_692, %get3A_696 : vector<16xf32>
        %mul3A_698 = arith.constant 2.000000e-01 : f32
        %mul3A_699 = vector.broadcast %mul3A_698 : f32 to vector<16xf32>
        %mul3A_700 = arith.mulf %mul3A_699, %add3A_697 : vector<16xf32>
        %max3A_701 = arith.maximumf %add3A_697, %mul3A_700 : vector<16xf32>
        %get3A_702 = arith.constant 27 : i32
        %get3A_703 = arith.index_cast %get3A_702 : i32 to index
        %get3A_704 = arith.constant 0 : index
        %get3A_705 = tpu.vector_load %arg17[%get3A_703, %get3A_704] {strides = array<i32>} : memref<32x16xf32, #tpu.memory_space<vmem>>, vector<1x16xf32>,
        %get3A_706 = vector.shape_cast %get3A_705 : vector<1x16xf32> to vector<16xf32>
        %mul3A_707 = arith.mulf %max3A_701, %get3A_706 : vector<16xf32>
        %add3A_708 = arith.addf %add3A_628, %mul3A_707 : vector<16xf32>
        %get3A_709 = arith.index_cast %scan3A_142 : i32 to index
        %get3A_710 = arith.constant 448 : index
        %get3A_711 = tpu.vector_load %arg13[%get3A_709, %get3A_710] {strides = array<i32>} : memref<40x512xf32, #tpu.memory_space<vmem>>, vector<1x16xf32>,
        %get3A_712 = vector.shape_cast %get3A_711 : vector<1x16xf32> to vector<16xf32>
        %get3A_713 = arith.index_cast %scan3A_142 : i32 to index
        %get3A_714 = arith.constant 448 : index
        %get3A_715 = tpu.vector_load %arg15[%get3A_713, %get3A_714] {strides = array<i32>} : memref<40x512xf32, #tpu.memory_space<vmem>>, vector<1x16xf32>,
        %get3A_716 = vector.shape_cast %get3A_715 : vector<1x16xf32> to vector<16xf32>
        %add3A_717 = arith.addf %get3A_712, %get3A_716 : vector<16xf32>
        %mul3A_718 = arith.constant 2.000000e-01 : f32
        %mul3A_719 = vector.broadcast %mul3A_718 : f32 to vector<16xf32>
        %mul3A_720 = arith.mulf %mul3A_719, %add3A_717 : vector<16xf32>
        %max3A_721 = arith.maximumf %add3A_717, %mul3A_720 : vector<16xf32>
        %get3A_722 = arith.constant 28 : i32
        %get3A_723 = arith.index_cast %get3A_722 : i32 to index
        %get3A_724 = arith.constant 0 : index
        %get3A_725 = tpu.vector_load %arg17[%get3A_723, %get3A_724] {strides = array<i32>} : memref<32x16xf32, #tpu.memory_space<vmem>>, vector<1x16xf32>,
        %get3A_726 = vector.shape_cast %get3A_725 : vector<1x16xf32> to vector<16xf32>
        %mul3A_727 = arith.mulf %max3A_721, %get3A_726 : vector<16xf32>
        %add3A_728 = arith.addf %add3A_648, %mul3A_727 : vector<16xf32>
        %get3A_729 = arith.index_cast %scan3A_142 : i32 to index
        %get3A_730 = arith.constant 464 : index
        %get3A_731 = tpu.vector_load %arg13[%get3A_729, %get3A_730] {strides = array<i32>} : memref<40x512xf32, #tpu.memory_space<vmem>>, vector<1x16xf32>,
        %get3A_732 = vector.shape_cast %get3A_731 : vector<1x16xf32> to vector<16xf32>
        %get3A_733 = arith.index_cast %scan3A_142 : i32 to index
        %get3A_734 = arith.constant 464 : index
        %get3A_735 = tpu.vector_load %arg15[%get3A_733, %get3A_734] {strides = array<i32>} : memref<40x512xf32, #tpu.memory_space<vmem>>, vector<1x16xf32>,
        %get3A_736 = vector.shape_cast %get3A_735 : vector<1x16xf32> to vector<16xf32>
        %add3A_737 = arith.addf %get3A_732, %get3A_736 : vector<16xf32>
        %mul3A_738 = arith.constant 2.000000e-01 : f32
        %mul3A_739 = vector.broadcast %mul3A_738 : f32 to vector<16xf32>
        %mul3A_740 = arith.mulf %mul3A_739, %add3A_737 : vector<16xf32>
        %max3A_741 = arith.maximumf %add3A_737, %mul3A_740 : vector<16xf32>
        %get3A_742 = arith.constant 29 : i32
        %get3A_743 = arith.index_cast %get3A_742 : i32 to index
        %get3A_744 = arith.constant 0 : index
        %get3A_745 = tpu.vector_load %arg17[%get3A_743, %get3A_744] {strides = array<i32>} : memref<32x16xf32, #tpu.memory_space<vmem>>, vector<1x16xf32>,
        %get3A_746 = vector.shape_cast %get3A_745 : vector<1x16xf32> to vector<16xf32>
        %mul3A_747 = arith.mulf %max3A_741, %get3A_746 : vector<16xf32>
        %add3A_748 = arith.addf %add3A_668, %mul3A_747 : vector<16xf32>
        %get3A_749 = arith.index_cast %scan3A_142 : i32 to index
        %get3A_750 = arith.constant 480 : index
        %get3A_751 = tpu.vector_load %arg13[%get3A_749, %get3A_750] {strides = array<i32>} : memref<40x512xf32, #tpu.memory_space<vmem>>, vector<1x16xf32>,
        %get3A_752 = vector.shape_cast %get3A_751 : vector<1x16xf32> to vector<16xf32>
        %get3A_753 = arith.index_cast %scan3A_142 : i32 to index
        %get3A_754 = arith.constant 480 : index
        %get3A_755 = tpu.vector_load %arg15[%get3A_753, %get3A_754] {strides = array<i32>} : memref<40x512xf32, #tpu.memory_space<vmem>>, vector<1x16xf32>,
        %get3A_756 = vector.shape_cast %get3A_755 : vector<1x16xf32> to vector<16xf32>
        %add3A_757 = arith.addf %get3A_752, %get3A_756 : vector<16xf32>
        %mul3A_758 = arith.constant 2.000000e-01 : f32
        %mul3A_759 = vector.broadcast %mul3A_758 : f32 to vector<16xf32>
        %mul3A_760 = arith.mulf %mul3A_759, %add3A_757 : vector<16xf32>
        %max3A_761 = arith.maximumf %add3A_757, %mul3A_760 : vector<16xf32>
        %get3A_762 = arith.constant 30 : i32
        %get3A_763 = arith.index_cast %get3A_762 : i32 to index
        %get3A_764 = arith.constant 0 : index
        %get3A_765 = tpu.vector_load %arg17[%get3A_763, %get3A_764] {strides = array<i32>} : memref<32x16xf32, #tpu.memory_space<vmem>>, vector<1x16xf32>,
        %get3A_766 = vector.shape_cast %get3A_765 : vector<1x16xf32> to vector<16xf32>
        %mul3A_767 = arith.mulf %max3A_761, %get3A_766 : vector<16xf32>
        %add3A_768 = arith.addf %add3A_688, %mul3A_767 : vector<16xf32>
        %get3A_769 = arith.index_cast %scan3A_142 : i32 to index
        %get3A_770 = arith.constant 496 : index
        %get3A_771 = tpu.vector_load %arg13[%get3A_769, %get3A_770] {strides = array<i32>} : memref<40x512xf32, #tpu.memory_space<vmem>>, vector<1x16xf32>,
        %get3A_772 = vector.shape_cast %get3A_771 : vector<1x16xf32> to vector<16xf32>
        %get3A_773 = arith.index_cast %scan3A_142 : i32 to index
        %get3A_774 = arith.constant 496 : index
        %get3A_775 = tpu.vector_load %arg15[%get3A_773, %get3A_774] {strides = array<i32>} : memref<40x512xf32, #tpu.memory_space<vmem>>, vector<1x16xf32>,
        %get3A_776 = vector.shape_cast %get3A_775 : vector<1x16xf32> to vector<16xf32>
        %add3A_777 = arith.addf %get3A_772, %get3A_776 : vector<16xf32>
        %mul3A_778 = arith.constant 2.000000e-01 : f32
        %mul3A_779 = vector.broadcast %mul3A_778 : f32 to vector<16xf32>
        %mul3A_780 = arith.mulf %mul3A_779, %add3A_777 : vector<16xf32>
        %max3A_781 = arith.maximumf %add3A_777, %mul3A_780 : vector<16xf32>
        %get3A_782 = arith.constant 31 : i32
        %get3A_783 = arith.index_cast %get3A_782 : i32 to index
        %get3A_784 = arith.constant 0 : index
        %get3A_785 = tpu.vector_load %arg17[%get3A_783, %get3A_784] {strides = array<i32>} : memref<32x16xf32, #tpu.memory_space<vmem>>, vector<1x16xf32>,
        %get3A_786 = vector.shape_cast %get3A_785 : vector<1x16xf32> to vector<16xf32>
        %mul3A_787 = arith.mulf %max3A_781, %get3A_786 : vector<16xf32>
        %add3A_788 = arith.addf %add3A_708, %mul3A_787 : vector<16xf32>
        %add3A_789 = arith.addf %add3A_728, %add3A_748 : vector<16xf32>
        %add3A_790 = arith.addf %add3A_768, %add3A_788 : vector<16xf32>
        %add3A_791 = arith.addf %add3A_789, %add3A_790 : vector<16xf32>
        %exp3A = math.exp %add3A_791 : vector<16xf32>
        %swap3A = arith.index_cast %scan3A_142 : i32 to index
        %swap3A_792 = arith.constant 0 : index
        %swap3A_793 = tpu.vector_load %arg16[%swap3A, %swap3A_792] {strides = array<i32>} : memref<40x16xf32, #tpu.memory_space<vmem>>, vector<1x16xf32>,
        %swap3A_794 = vector.shape_cast %swap3A_793 : vector<1x16xf32> to vector<16xf32>
        %swap3A_795 = vector.shape_cast %exp3A : vector<16xf32> to vector<1x16xf32>
        tpu.vector_store %arg16[%swap3A, %swap3A_792], %swap3A_795 {strides = array<i32>} : memref<40x16xf32, #tpu.memory_space<vmem>>, vector<1x16xf32>,
      }
      %scan3A_141 = arith.constant 40 : i32
      "tpu.region"() ({
        %run_scoped3A_142 = tpu.sem_alloc : memref<!tpu.dma_semaphore, #tpu.memory_space<semaphore_mem>>
        %dma_start3A_143 = arith.constant 0 : i32
        %dma_start3A_144 = tpu.memref_slice %arg7[%add3A_135, %dma_start3A_143] : memref<160000x16xf32, #tpu.memory_space<hbm>> -> memref<40x16xf32, #tpu.memory_space<hbm>>
        %dma_start3A_145 = arith.constant 0 : i32
        %dma_start3A_146 = tpu.memref_slice %arg7[%add3A_135, %dma_start3A_145] : memref<160000x16xf32, #tpu.memory_space<hbm>> -> memref<40x16xf32, #tpu.memory_space<hbm>>
        tpu.enqueue_dma source(%arg16 : memref<40x16xf32, #tpu.memory_space<vmem>>) target(%dma_start3A_146 : memref<40x16xf32, #tpu.memory_space<hbm>>) target_semaphore(%run_scoped3A_142 : memref<!tpu.dma_semaphore, #tpu.memory_space<semaphore_mem>>)
        %dma_wait3A_147 = arith.constant 0 : i32
        %dma_wait3A_148 = tpu.memref_slice %arg7[%add3A_135, %dma_wait3A_147] : memref<160000x16xf32, #tpu.memory_space<hbm>> -> memref<40x16xf32, #tpu.memory_space<hbm>>
        %dma_wait3A_149 = arith.constant 0 : i32
        %dma_wait3A_150 = tpu.memref_slice %arg7[%add3A_135, %dma_wait3A_149] : memref<160000x16xf32, #tpu.memory_space<hbm>> -> memref<40x16xf32, #tpu.memory_space<hbm>>
        tpu.wait_dma2 semaphore(%run_scoped3A_142 : memref<!tpu.dma_semaphore, #tpu.memory_space<semaphore_mem>>) src(%arg16 : memref<40x16xf32, #tpu.memory_space<vmem>>) dst(%dma_wait3A_150 : memref<40x16xf32, #tpu.memory_space<hbm>>)
        tpu.yield
      }) : () -> ()
      "tpu.region"() ({
        %run_scoped3A_142 = tpu.sem_alloc : memref<!tpu.dma_semaphore, #tpu.memory_space<semaphore_mem>>
        %dma_start3A_143 = arith.constant 0 : i32
        %dma_start3A_144 = tpu.memref_slice %arg11[%add3A_130, %dma_start3A_143] : memref<125x40xi32, #tpu.memory_space<vmem>> -> memref<1x40xi32, #tpu.memory_space<vmem>>
        %dma_start3A_145 = tpu.memref_squeeze %dma_start3A_144 : memref<1x40xi32, #tpu.memory_space<vmem>> -> memref<40xi32, #tpu.memory_space<vmem>>
        %dma_start3A_146 = arith.constant 0 : i32
        %dma_start3A_147 = arith.constant 0 : i32
        %dma_start3A_148 = tpu.memref_slice %arg19[%dma_start3A_146, %dma_start3A_147] : memref<10112x16xf32, #tpu.memory_space<vmem_shared>> -> memref<10112x16xf32, #tpu.memory_space<vmem_shared>>
        tpu.enqueue_indirect_dma source(%arg16 : memref<40x16xf32, #tpu.memory_space<vmem>>) target(%dma_start3A_148 : memref<10112x16xf32, #tpu.memory_space<vmem_shared>>) offsets(%dma_start3A_145 : memref<40xi32, #tpu.memory_space<vmem>>) semaphore(%run_scoped3A_142 : memref<!tpu.dma_semaphore, #tpu.memory_space<semaphore_mem>>) {add = true}
        %dma_wait3A_149 = arith.constant 0 : i32
        %dma_wait3A_150 = tpu.memref_slice %arg11[%add3A_130, %dma_wait3A_149] : memref<125x40xi32, #tpu.memory_space<vmem>> -> memref<1x40xi32, #tpu.memory_space<vmem>>
        %dma_wait3A_151 = tpu.memref_squeeze %dma_wait3A_150 : memref<1x40xi32, #tpu.memory_space<vmem>> -> memref<40xi32, #tpu.memory_space<vmem>>
        %dma_wait3A_152 = arith.constant 0 : i32
        %dma_wait3A_153 = arith.constant 0 : i32
        %dma_wait3A_154 = tpu.memref_slice %arg19[%dma_wait3A_152, %dma_wait3A_153] : memref<10112x16xf32, #tpu.memory_space<vmem_shared>> -> memref<10112x16xf32, #tpu.memory_space<vmem_shared>>
        tpu.wait_indirect_dma semaphore(%run_scoped3A_142 : memref<!tpu.dma_semaphore, #tpu.memory_space<semaphore_mem>>) src(%arg16 : memref<40x16xf32, #tpu.memory_space<vmem>>) dst(%dma_wait3A_154 : memref<10112x16xf32, #tpu.memory_space<vmem_shared>>)
        tpu.yield
      }) : () -> ()
    }
    %scan3A_27 = arith.constant 62 : i32
    %dma_wait3A = arith.constant 124 : i32
    %dma_wait3A_28 = arith.constant 0 : i32
    %dma_wait3A_29 = tpu.memref_slice %arg10[%dma_wait3A, %dma_wait3A_28] : memref<125x40xi32, #tpu.memory_space<vmem>> -> memref<1x40xi32, #tpu.memory_space<vmem>>
    %dma_wait3A_30 = tpu.memref_squeeze %dma_wait3A_29 : memref<1x40xi32, #tpu.memory_space<vmem>> -> memref<40xi32, #tpu.memory_space<vmem>>
    %dma_wait3A_31 = arith.constant 0 : i32
    %dma_wait3A_32 = arith.constant 0 : i32
    %dma_wait3A_33 = tpu.memref_slice %arg2[%dma_wait3A_31, %dma_wait3A_32] : memref<10000x512xf32, #tpu.memory_space<hbm>> -> memref<10000x512xf32, #tpu.memory_space<hbm>>
    tpu.wait_indirect_dma semaphore(%arg20 : memref<!tpu.dma_semaphore, #tpu.memory_space<semaphore_mem>>) src(%dma_wait3A_33 : memref<10000x512xf32, #tpu.memory_space<hbm>>) dst(%arg12 : memref<40x512xf32, #tpu.memory_space<vmem>>)
    %dma_wait3A_34 = arith.constant 124 : i32
    %dma_wait3A_35 = arith.constant 0 : i32
    %dma_wait3A_36 = tpu.memref_slice %arg11[%dma_wait3A_34, %dma_wait3A_35] : memref<125x40xi32, #tpu.memory_space<vmem>> -> memref<1x40xi32, #tpu.memory_space<vmem>>
    %dma_wait3A_37 = tpu.memref_squeeze %dma_wait3A_36 : memref<1x40xi32, #tpu.memory_space<vmem>> -> memref<40xi32, #tpu.memory_space<vmem>>
    %dma_wait3A_38 = arith.constant 0 : i32
    %dma_wait3A_39 = arith.constant 0 : i32
    %dma_wait3A_40 = tpu.memref_slice %arg3[%dma_wait3A_38, %dma_wait3A_39] : memref<10000x512xf32, #tpu.memory_space<hbm>> -> memref<10000x512xf32, #tpu.memory_space<hbm>>
    tpu.wait_indirect_dma semaphore(%arg22 : memref<!tpu.dma_semaphore, #tpu.memory_space<semaphore_mem>>) src(%dma_wait3A_40 : memref<10000x512xf32, #tpu.memory_space<hbm>>) dst(%arg14 : memref<40x512xf32, #tpu.memory_space<vmem>>)
    %mul3A_41 = arith.constant 5000 : i32
    %mul3A_42 = arith.muli %add3A, %mul3A_41 : i32
    %add3A_43 = arith.constant 4960 : i32
    %add3A_44 = arith.addi %mul3A_42, %add3A_43 : i32
    %scan3A_45 = arith.constant 0 : i32
    %scan3A_46 = arith.constant 0 : i32
    %scan3A_47 = arith.constant 40 : i32
    %scan3A_48 = arith.addi %scan3A_46, %scan3A_47 : i32
    %scan3A_49 = arith.constant 1 : i32
    scf.for %scan3A_61 = %scan3A_46 to %scan3A_48 step %scan3A_49  : i32 {
      %broadcast_in_dim3A_62 = arith.constant 0.000000e+00 : f32
      %broadcast_in_dim3A_63 = vector.broadcast %broadcast_in_dim3A_62 : f32 to vector<16xf32>
      %broadcast_in_dim3A_64 = arith.constant 0.000000e+00 : f32
      %broadcast_in_dim3A_65 = vector.broadcast %broadcast_in_dim3A_64 : f32 to vector<16xf32>
      %broadcast_in_dim3A_66 = arith.constant 0.000000e+00 : f32
      %broadcast_in_dim3A_67 = vector.broadcast %broadcast_in_dim3A_66 : f32 to vector<16xf32>
      %broadcast_in_dim3A_68 = arith.constant 0.000000e+00 : f32
      %broadcast_in_dim3A_69 = vector.broadcast %broadcast_in_dim3A_68 : f32 to vector<16xf32>
      %get3A = arith.index_cast %scan3A_61 : i32 to index
      %get3A_70 = arith.constant 0 : index
      %get3A_71 = tpu.vector_load %arg12[%get3A, %get3A_70] {strides = array<i32>} : memref<40x512xf32, #tpu.memory_space<vmem>>, vector<1x16xf32>,
      %get3A_72 = vector.shape_cast %get3A_71 : vector<1x16xf32> to vector<16xf32>
      %get3A_73 = arith.index_cast %scan3A_61 : i32 to index
      %get3A_74 = arith.constant 0 : index
      %get3A_75 = tpu.vector_load %arg14[%get3A_73, %get3A_74] {strides = array<i32>} : memref<40x512xf32, #tpu.memory_space<vmem>>, vector<1x16xf32>,
      %get3A_76 = vector.shape_cast %get3A_75 : vector<1x16xf32> to vector<16xf32>
      %add3A_77 = arith.addf %get3A_72, %get3A_76 : vector<16xf32>
      %mul3A_78 = arith.constant 2.000000e-01 : f32
      %mul3A_79 = vector.broadcast %mul3A_78 : f32 to vector<16xf32>
      %mul3A_80 = arith.mulf %mul3A_79, %add3A_77 : vector<16xf32>
      %max3A = arith.maximumf %add3A_77, %mul3A_80 : vector<16xf32>
      %get3A_81 = arith.constant 0 : i32
      %get3A_82 = arith.index_cast %get3A_81 : i32 to index
      %get3A_83 = arith.constant 0 : index
      %get3A_84 = tpu.vector_load %arg17[%get3A_82, %get3A_83] {strides = array<i32>} : memref<32x16xf32, #tpu.memory_space<vmem>>, vector<1x16xf32>,
      %get3A_85 = vector.shape_cast %get3A_84 : vector<1x16xf32> to vector<16xf32>
      %mul3A_86 = arith.mulf %max3A, %get3A_85 : vector<16xf32>
      %add3A_87 = arith.addf %broadcast_in_dim3A_63, %mul3A_86 : vector<16xf32>
      %get3A_88 = arith.index_cast %scan3A_61 : i32 to index
      %get3A_89 = arith.constant 16 : index
      %get3A_90 = tpu.vector_load %arg12[%get3A_88, %get3A_89] {strides = array<i32>} : memref<40x512xf32, #tpu.memory_space<vmem>>, vector<1x16xf32>,
      %get3A_91 = vector.shape_cast %get3A_90 : vector<1x16xf32> to vector<16xf32>
      %get3A_92 = arith.index_cast %scan3A_61 : i32 to index
      %get3A_93 = arith.constant 16 : index
      %get3A_94 = tpu.vector_load %arg14[%get3A_92, %get3A_93] {strides = array<i32>} : memref<40x512xf32, #tpu.memory_space<vmem>>, vector<1x16xf32>,
      %get3A_95 = vector.shape_cast %get3A_94 : vector<1x16xf32> to vector<16xf32>
      %add3A_96 = arith.addf %get3A_91, %get3A_95 : vector<16xf32>
      %mul3A_97 = arith.constant 2.000000e-01 : f32
      %mul3A_98 = vector.broadcast %mul3A_97 : f32 to vector<16xf32>
      %mul3A_99 = arith.mulf %mul3A_98, %add3A_96 : vector<16xf32>
      %max3A_100 = arith.maximumf %add3A_96, %mul3A_99 : vector<16xf32>
      %get3A_101 = arith.constant 1 : i32
      %get3A_102 = arith.index_cast %get3A_101 : i32 to index
      %get3A_103 = arith.constant 0 : index
      %get3A_104 = tpu.vector_load %arg17[%get3A_102, %get3A_103] {strides = array<i32>} : memref<32x16xf32, #tpu.memory_space<vmem>>, vector<1x16xf32>,
      %get3A_105 = vector.shape_cast %get3A_104 : vector<1x16xf32> to vector<16xf32>
      %mul3A_106 = arith.mulf %max3A_100, %get3A_105 : vector<16xf32>
      %add3A_107 = arith.addf %broadcast_in_dim3A_65, %mul3A_106 : vector<16xf32>
      %get3A_108 = arith.index_cast %scan3A_61 : i32 to index
      %get3A_109 = arith.constant 32 : index
      %get3A_110 = tpu.vector_load %arg12[%get3A_108, %get3A_109] {strides = array<i32>} : memref<40x512xf32, #tpu.memory_space<vmem>>, vector<1x16xf32>,
      %get3A_111 = vector.shape_cast %get3A_110 : vector<1x16xf32> to vector<16xf32>
      %get3A_112 = arith.index_cast %scan3A_61 : i32 to index
      %get3A_113 = arith.constant 32 : index
      %get3A_114 = tpu.vector_load %arg14[%get3A_112, %get3A_113] {strides = array<i32>} : memref<40x512xf32, #tpu.memory_space<vmem>>, vector<1x16xf32>,
      %get3A_115 = vector.shape_cast %get3A_114 : vector<1x16xf32> to vector<16xf32>
      %add3A_116 = arith.addf %get3A_111, %get3A_115 : vector<16xf32>
      %mul3A_117 = arith.constant 2.000000e-01 : f32
      %mul3A_118 = vector.broadcast %mul3A_117 : f32 to vector<16xf32>
      %mul3A_119 = arith.mulf %mul3A_118, %add3A_116 : vector<16xf32>
      %max3A_120 = arith.maximumf %add3A_116, %mul3A_119 : vector<16xf32>
      %get3A_121 = arith.constant 2 : i32
      %get3A_122 = arith.index_cast %get3A_121 : i32 to index
      %get3A_123 = arith.constant 0 : index
      %get3A_124 = tpu.vector_load %arg17[%get3A_122, %get3A_123] {strides = array<i32>} : memref<32x16xf32, #tpu.memory_space<vmem>>, vector<1x16xf32>,
      %get3A_125 = vector.shape_cast %get3A_124 : vector<1x16xf32> to vector<16xf32>
      %mul3A_126 = arith.mulf %max3A_120, %get3A_125 : vector<16xf32>
      %add3A_127 = arith.addf %broadcast_in_dim3A_67, %mul3A_126 : vector<16xf32>
      %get3A_128 = arith.index_cast %scan3A_61 : i32 to index
      %get3A_129 = arith.constant 48 : index
      %get3A_130 = tpu.vector_load %arg12[%get3A_128, %get3A_129] {strides = array<i32>} : memref<40x512xf32, #tpu.memory_space<vmem>>, vector<1x16xf32>,
      %get3A_131 = vector.shape_cast %get3A_130 : vector<1x16xf32> to vector<16xf32>
      %get3A_132 = arith.index_cast %scan3A_61 : i32 to index
      %get3A_133 = arith.constant 48 : index
      %get3A_134 = tpu.vector_load %arg14[%get3A_132, %get3A_133] {strides = array<i32>} : memref<40x512xf32, #tpu.memory_space<vmem>>, vector<1x16xf32>,
      %get3A_135 = vector.shape_cast %get3A_134 : vector<1x16xf32> to vector<16xf32>
      %add3A_136 = arith.addf %get3A_131, %get3A_135 : vector<16xf32>
      %mul3A_137 = arith.constant 2.000000e-01 : f32
      %mul3A_138 = vector.broadcast %mul3A_137 : f32 to vector<16xf32>
      %mul3A_139 = arith.mulf %mul3A_138, %add3A_136 : vector<16xf32>
      %max3A_140 = arith.maximumf %add3A_136, %mul3A_139 : vector<16xf32>
      %get3A_141 = arith.constant 3 : i32
      %get3A_142 = arith.index_cast %get3A_141 : i32 to index
      %get3A_143 = arith.constant 0 : index
      %get3A_144 = tpu.vector_load %arg17[%get3A_142, %get3A_143] {strides = array<i32>} : memref<32x16xf32, #tpu.memory_space<vmem>>, vector<1x16xf32>,
      %get3A_145 = vector.shape_cast %get3A_144 : vector<1x16xf32> to vector<16xf32>
      %mul3A_146 = arith.mulf %max3A_140, %get3A_145 : vector<16xf32>
      %add3A_147 = arith.addf %broadcast_in_dim3A_69, %mul3A_146 : vector<16xf32>
      %get3A_148 = arith.index_cast %scan3A_61 : i32 to index
      %get3A_149 = arith.constant 64 : index
      %get3A_150 = tpu.vector_load %arg12[%get3A_148, %get3A_149] {strides = array<i32>} : memref<40x512xf32, #tpu.memory_space<vmem>>, vector<1x16xf32>,
      %get3A_151 = vector.shape_cast %get3A_150 : vector<1x16xf32> to vector<16xf32>
      %get3A_152 = arith.index_cast %scan3A_61 : i32 to index
      %get3A_153 = arith.constant 64 : index
      %get3A_154 = tpu.vector_load %arg14[%get3A_152, %get3A_153] {strides = array<i32>} : memref<40x512xf32, #tpu.memory_space<vmem>>, vector<1x16xf32>,
      %get3A_155 = vector.shape_cast %get3A_154 : vector<1x16xf32> to vector<16xf32>
      %add3A_156 = arith.addf %get3A_151, %get3A_155 : vector<16xf32>
      %mul3A_157 = arith.constant 2.000000e-01 : f32
      %mul3A_158 = vector.broadcast %mul3A_157 : f32 to vector<16xf32>
      %mul3A_159 = arith.mulf %mul3A_158, %add3A_156 : vector<16xf32>
      %max3A_160 = arith.maximumf %add3A_156, %mul3A_159 : vector<16xf32>
      %get3A_161 = arith.constant 4 : i32
      %get3A_162 = arith.index_cast %get3A_161 : i32 to index
      %get3A_163 = arith.constant 0 : index
      %get3A_164 = tpu.vector_load %arg17[%get3A_162, %get3A_163] {strides = array<i32>} : memref<32x16xf32, #tpu.memory_space<vmem>>, vector<1x16xf32>,
      %get3A_165 = vector.shape_cast %get3A_164 : vector<1x16xf32> to vector<16xf32>
      %mul3A_166 = arith.mulf %max3A_160, %get3A_165 : vector<16xf32>
      %add3A_167 = arith.addf %add3A_87, %mul3A_166 : vector<16xf32>
      %get3A_168 = arith.index_cast %scan3A_61 : i32 to index
      %get3A_169 = arith.constant 80 : index
      %get3A_170 = tpu.vector_load %arg12[%get3A_168, %get3A_169] {strides = array<i32>} : memref<40x512xf32, #tpu.memory_space<vmem>>, vector<1x16xf32>,
      %get3A_171 = vector.shape_cast %get3A_170 : vector<1x16xf32> to vector<16xf32>
      %get3A_172 = arith.index_cast %scan3A_61 : i32 to index
      %get3A_173 = arith.constant 80 : index
      %get3A_174 = tpu.vector_load %arg14[%get3A_172, %get3A_173] {strides = array<i32>} : memref<40x512xf32, #tpu.memory_space<vmem>>, vector<1x16xf32>,
      %get3A_175 = vector.shape_cast %get3A_174 : vector<1x16xf32> to vector<16xf32>
      %add3A_176 = arith.addf %get3A_171, %get3A_175 : vector<16xf32>
      %mul3A_177 = arith.constant 2.000000e-01 : f32
      %mul3A_178 = vector.broadcast %mul3A_177 : f32 to vector<16xf32>
      %mul3A_179 = arith.mulf %mul3A_178, %add3A_176 : vector<16xf32>
      %max3A_180 = arith.maximumf %add3A_176, %mul3A_179 : vector<16xf32>
      %get3A_181 = arith.constant 5 : i32
      %get3A_182 = arith.index_cast %get3A_181 : i32 to index
      %get3A_183 = arith.constant 0 : index
      %get3A_184 = tpu.vector_load %arg17[%get3A_182, %get3A_183] {strides = array<i32>} : memref<32x16xf32, #tpu.memory_space<vmem>>, vector<1x16xf32>,
      %get3A_185 = vector.shape_cast %get3A_184 : vector<1x16xf32> to vector<16xf32>
      %mul3A_186 = arith.mulf %max3A_180, %get3A_185 : vector<16xf32>
      %add3A_187 = arith.addf %add3A_107, %mul3A_186 : vector<16xf32>
      %get3A_188 = arith.index_cast %scan3A_61 : i32 to index
      %get3A_189 = arith.constant 96 : index
      %get3A_190 = tpu.vector_load %arg12[%get3A_188, %get3A_189] {strides = array<i32>} : memref<40x512xf32, #tpu.memory_space<vmem>>, vector<1x16xf32>,
      %get3A_191 = vector.shape_cast %get3A_190 : vector<1x16xf32> to vector<16xf32>
      %get3A_192 = arith.index_cast %scan3A_61 : i32 to index
      %get3A_193 = arith.constant 96 : index
      %get3A_194 = tpu.vector_load %arg14[%get3A_192, %get3A_193] {strides = array<i32>} : memref<40x512xf32, #tpu.memory_space<vmem>>, vector<1x16xf32>,
      %get3A_195 = vector.shape_cast %get3A_194 : vector<1x16xf32> to vector<16xf32>
      %add3A_196 = arith.addf %get3A_191, %get3A_195 : vector<16xf32>
      %mul3A_197 = arith.constant 2.000000e-01 : f32
      %mul3A_198 = vector.broadcast %mul3A_197 : f32 to vector<16xf32>
      %mul3A_199 = arith.mulf %mul3A_198, %add3A_196 : vector<16xf32>
      %max3A_200 = arith.maximumf %add3A_196, %mul3A_199 : vector<16xf32>
      %get3A_201 = arith.constant 6 : i32
      %get3A_202 = arith.index_cast %get3A_201 : i32 to index
      %get3A_203 = arith.constant 0 : index
      %get3A_204 = tpu.vector_load %arg17[%get3A_202, %get3A_203] {strides = array<i32>} : memref<32x16xf32, #tpu.memory_space<vmem>>, vector<1x16xf32>,
      %get3A_205 = vector.shape_cast %get3A_204 : vector<1x16xf32> to vector<16xf32>
      %mul3A_206 = arith.mulf %max3A_200, %get3A_205 : vector<16xf32>
      %add3A_207 = arith.addf %add3A_127, %mul3A_206 : vector<16xf32>
      %get3A_208 = arith.index_cast %scan3A_61 : i32 to index
      %get3A_209 = arith.constant 112 : index
      %get3A_210 = tpu.vector_load %arg12[%get3A_208, %get3A_209] {strides = array<i32>} : memref<40x512xf32, #tpu.memory_space<vmem>>, vector<1x16xf32>,
      %get3A_211 = vector.shape_cast %get3A_210 : vector<1x16xf32> to vector<16xf32>
      %get3A_212 = arith.index_cast %scan3A_61 : i32 to index
      %get3A_213 = arith.constant 112 : index
      %get3A_214 = tpu.vector_load %arg14[%get3A_212, %get3A_213] {strides = array<i32>} : memref<40x512xf32, #tpu.memory_space<vmem>>, vector<1x16xf32>,
      %get3A_215 = vector.shape_cast %get3A_214 : vector<1x16xf32> to vector<16xf32>
      %add3A_216 = arith.addf %get3A_211, %get3A_215 : vector<16xf32>
      %mul3A_217 = arith.constant 2.000000e-01 : f32
      %mul3A_218 = vector.broadcast %mul3A_217 : f32 to vector<16xf32>
      %mul3A_219 = arith.mulf %mul3A_218, %add3A_216 : vector<16xf32>
      %max3A_220 = arith.maximumf %add3A_216, %mul3A_219 : vector<16xf32>
      %get3A_221 = arith.constant 7 : i32
      %get3A_222 = arith.index_cast %get3A_221 : i32 to index
      %get3A_223 = arith.constant 0 : index
      %get3A_224 = tpu.vector_load %arg17[%get3A_222, %get3A_223] {strides = array<i32>} : memref<32x16xf32, #tpu.memory_space<vmem>>, vector<1x16xf32>,
      %get3A_225 = vector.shape_cast %get3A_224 : vector<1x16xf32> to vector<16xf32>
      %mul3A_226 = arith.mulf %max3A_220, %get3A_225 : vector<16xf32>
      %add3A_227 = arith.addf %add3A_147, %mul3A_226 : vector<16xf32>
      %get3A_228 = arith.index_cast %scan3A_61 : i32 to index
      %get3A_229 = arith.constant 128 : index
      %get3A_230 = tpu.vector_load %arg12[%get3A_228, %get3A_229] {strides = array<i32>} : memref<40x512xf32, #tpu.memory_space<vmem>>, vector<1x16xf32>,
      %get3A_231 = vector.shape_cast %get3A_230 : vector<1x16xf32> to vector<16xf32>
      %get3A_232 = arith.index_cast %scan3A_61 : i32 to index
      %get3A_233 = arith.constant 128 : index
      %get3A_234 = tpu.vector_load %arg14[%get3A_232, %get3A_233] {strides = array<i32>} : memref<40x512xf32, #tpu.memory_space<vmem>>, vector<1x16xf32>,
      %get3A_235 = vector.shape_cast %get3A_234 : vector<1x16xf32> to vector<16xf32>
      %add3A_236 = arith.addf %get3A_231, %get3A_235 : vector<16xf32>
      %mul3A_237 = arith.constant 2.000000e-01 : f32
      %mul3A_238 = vector.broadcast %mul3A_237 : f32 to vector<16xf32>
      %mul3A_239 = arith.mulf %mul3A_238, %add3A_236 : vector<16xf32>
      %max3A_240 = arith.maximumf %add3A_236, %mul3A_239 : vector<16xf32>
      %get3A_241 = arith.constant 8 : i32
      %get3A_242 = arith.index_cast %get3A_241 : i32 to index
      %get3A_243 = arith.constant 0 : index
      %get3A_244 = tpu.vector_load %arg17[%get3A_242, %get3A_243] {strides = array<i32>} : memref<32x16xf32, #tpu.memory_space<vmem>>, vector<1x16xf32>,
      %get3A_245 = vector.shape_cast %get3A_244 : vector<1x16xf32> to vector<16xf32>
      %mul3A_246 = arith.mulf %max3A_240, %get3A_245 : vector<16xf32>
      %add3A_247 = arith.addf %add3A_167, %mul3A_246 : vector<16xf32>
      %get3A_248 = arith.index_cast %scan3A_61 : i32 to index
      %get3A_249 = arith.constant 144 : index
      %get3A_250 = tpu.vector_load %arg12[%get3A_248, %get3A_249] {strides = array<i32>} : memref<40x512xf32, #tpu.memory_space<vmem>>, vector<1x16xf32>,
      %get3A_251 = vector.shape_cast %get3A_250 : vector<1x16xf32> to vector<16xf32>
      %get3A_252 = arith.index_cast %scan3A_61 : i32 to index
      %get3A_253 = arith.constant 144 : index
      %get3A_254 = tpu.vector_load %arg14[%get3A_252, %get3A_253] {strides = array<i32>} : memref<40x512xf32, #tpu.memory_space<vmem>>, vector<1x16xf32>,
      %get3A_255 = vector.shape_cast %get3A_254 : vector<1x16xf32> to vector<16xf32>
      %add3A_256 = arith.addf %get3A_251, %get3A_255 : vector<16xf32>
      %mul3A_257 = arith.constant 2.000000e-01 : f32
      %mul3A_258 = vector.broadcast %mul3A_257 : f32 to vector<16xf32>
      %mul3A_259 = arith.mulf %mul3A_258, %add3A_256 : vector<16xf32>
      %max3A_260 = arith.maximumf %add3A_256, %mul3A_259 : vector<16xf32>
      %get3A_261 = arith.constant 9 : i32
      %get3A_262 = arith.index_cast %get3A_261 : i32 to index
      %get3A_263 = arith.constant 0 : index
      %get3A_264 = tpu.vector_load %arg17[%get3A_262, %get3A_263] {strides = array<i32>} : memref<32x16xf32, #tpu.memory_space<vmem>>, vector<1x16xf32>,
      %get3A_265 = vector.shape_cast %get3A_264 : vector<1x16xf32> to vector<16xf32>
      %mul3A_266 = arith.mulf %max3A_260, %get3A_265 : vector<16xf32>
      %add3A_267 = arith.addf %add3A_187, %mul3A_266 : vector<16xf32>
      %get3A_268 = arith.index_cast %scan3A_61 : i32 to index
      %get3A_269 = arith.constant 160 : index
      %get3A_270 = tpu.vector_load %arg12[%get3A_268, %get3A_269] {strides = array<i32>} : memref<40x512xf32, #tpu.memory_space<vmem>>, vector<1x16xf32>,
      %get3A_271 = vector.shape_cast %get3A_270 : vector<1x16xf32> to vector<16xf32>
      %get3A_272 = arith.index_cast %scan3A_61 : i32 to index
      %get3A_273 = arith.constant 160 : index
      %get3A_274 = tpu.vector_load %arg14[%get3A_272, %get3A_273] {strides = array<i32>} : memref<40x512xf32, #tpu.memory_space<vmem>>, vector<1x16xf32>,
      %get3A_275 = vector.shape_cast %get3A_274 : vector<1x16xf32> to vector<16xf32>
      %add3A_276 = arith.addf %get3A_271, %get3A_275 : vector<16xf32>
      %mul3A_277 = arith.constant 2.000000e-01 : f32
      %mul3A_278 = vector.broadcast %mul3A_277 : f32 to vector<16xf32>
      %mul3A_279 = arith.mulf %mul3A_278, %add3A_276 : vector<16xf32>
      %max3A_280 = arith.maximumf %add3A_276, %mul3A_279 : vector<16xf32>
      %get3A_281 = arith.constant 10 : i32
      %get3A_282 = arith.index_cast %get3A_281 : i32 to index
      %get3A_283 = arith.constant 0 : index
      %get3A_284 = tpu.vector_load %arg17[%get3A_282, %get3A_283] {strides = array<i32>} : memref<32x16xf32, #tpu.memory_space<vmem>>, vector<1x16xf32>,
      %get3A_285 = vector.shape_cast %get3A_284 : vector<1x16xf32> to vector<16xf32>
      %mul3A_286 = arith.mulf %max3A_280, %get3A_285 : vector<16xf32>
      %add3A_287 = arith.addf %add3A_207, %mul3A_286 : vector<16xf32>
      %get3A_288 = arith.index_cast %scan3A_61 : i32 to index
      %get3A_289 = arith.constant 176 : index
      %get3A_290 = tpu.vector_load %arg12[%get3A_288, %get3A_289] {strides = array<i32>} : memref<40x512xf32, #tpu.memory_space<vmem>>, vector<1x16xf32>,
      %get3A_291 = vector.shape_cast %get3A_290 : vector<1x16xf32> to vector<16xf32>
      %get3A_292 = arith.index_cast %scan3A_61 : i32 to index
      %get3A_293 = arith.constant 176 : index
      %get3A_294 = tpu.vector_load %arg14[%get3A_292, %get3A_293] {strides = array<i32>} : memref<40x512xf32, #tpu.memory_space<vmem>>, vector<1x16xf32>,
      %get3A_295 = vector.shape_cast %get3A_294 : vector<1x16xf32> to vector<16xf32>
      %add3A_296 = arith.addf %get3A_291, %get3A_295 : vector<16xf32>
      %mul3A_297 = arith.constant 2.000000e-01 : f32
      %mul3A_298 = vector.broadcast %mul3A_297 : f32 to vector<16xf32>
      %mul3A_299 = arith.mulf %mul3A_298, %add3A_296 : vector<16xf32>
      %max3A_300 = arith.maximumf %add3A_296, %mul3A_299 : vector<16xf32>
      %get3A_301 = arith.constant 11 : i32
      %get3A_302 = arith.index_cast %get3A_301 : i32 to index
      %get3A_303 = arith.constant 0 : index
      %get3A_304 = tpu.vector_load %arg17[%get3A_302, %get3A_303] {strides = array<i32>} : memref<32x16xf32, #tpu.memory_space<vmem>>, vector<1x16xf32>,
      %get3A_305 = vector.shape_cast %get3A_304 : vector<1x16xf32> to vector<16xf32>
      %mul3A_306 = arith.mulf %max3A_300, %get3A_305 : vector<16xf32>
      %add3A_307 = arith.addf %add3A_227, %mul3A_306 : vector<16xf32>
      %get3A_308 = arith.index_cast %scan3A_61 : i32 to index
      %get3A_309 = arith.constant 192 : index
      %get3A_310 = tpu.vector_load %arg12[%get3A_308, %get3A_309] {strides = array<i32>} : memref<40x512xf32, #tpu.memory_space<vmem>>, vector<1x16xf32>,
      %get3A_311 = vector.shape_cast %get3A_310 : vector<1x16xf32> to vector<16xf32>
      %get3A_312 = arith.index_cast %scan3A_61 : i32 to index
      %get3A_313 = arith.constant 192 : index
      %get3A_314 = tpu.vector_load %arg14[%get3A_312, %get3A_313] {strides = array<i32>} : memref<40x512xf32, #tpu.memory_space<vmem>>, vector<1x16xf32>,
      %get3A_315 = vector.shape_cast %get3A_314 : vector<1x16xf32> to vector<16xf32>
      %add3A_316 = arith.addf %get3A_311, %get3A_315 : vector<16xf32>
      %mul3A_317 = arith.constant 2.000000e-01 : f32
      %mul3A_318 = vector.broadcast %mul3A_317 : f32 to vector<16xf32>
      %mul3A_319 = arith.mulf %mul3A_318, %add3A_316 : vector<16xf32>
      %max3A_320 = arith.maximumf %add3A_316, %mul3A_319 : vector<16xf32>
      %get3A_321 = arith.constant 12 : i32
      %get3A_322 = arith.index_cast %get3A_321 : i32 to index
      %get3A_323 = arith.constant 0 : index
      %get3A_324 = tpu.vector_load %arg17[%get3A_322, %get3A_323] {strides = array<i32>} : memref<32x16xf32, #tpu.memory_space<vmem>>, vector<1x16xf32>,
      %get3A_325 = vector.shape_cast %get3A_324 : vector<1x16xf32> to vector<16xf32>
      %mul3A_326 = arith.mulf %max3A_320, %get3A_325 : vector<16xf32>
      %add3A_327 = arith.addf %add3A_247, %mul3A_326 : vector<16xf32>
      %get3A_328 = arith.index_cast %scan3A_61 : i32 to index
      %get3A_329 = arith.constant 208 : index
      %get3A_330 = tpu.vector_load %arg12[%get3A_328, %get3A_329] {strides = array<i32>} : memref<40x512xf32, #tpu.memory_space<vmem>>, vector<1x16xf32>,
      %get3A_331 = vector.shape_cast %get3A_330 : vector<1x16xf32> to vector<16xf32>
      %get3A_332 = arith.index_cast %scan3A_61 : i32 to index
      %get3A_333 = arith.constant 208 : index
      %get3A_334 = tpu.vector_load %arg14[%get3A_332, %get3A_333] {strides = array<i32>} : memref<40x512xf32, #tpu.memory_space<vmem>>, vector<1x16xf32>,
      %get3A_335 = vector.shape_cast %get3A_334 : vector<1x16xf32> to vector<16xf32>
      %add3A_336 = arith.addf %get3A_331, %get3A_335 : vector<16xf32>
      %mul3A_337 = arith.constant 2.000000e-01 : f32
      %mul3A_338 = vector.broadcast %mul3A_337 : f32 to vector<16xf32>
      %mul3A_339 = arith.mulf %mul3A_338, %add3A_336 : vector<16xf32>
      %max3A_340 = arith.maximumf %add3A_336, %mul3A_339 : vector<16xf32>
      %get3A_341 = arith.constant 13 : i32
      %get3A_342 = arith.index_cast %get3A_341 : i32 to index
      %get3A_343 = arith.constant 0 : index
      %get3A_344 = tpu.vector_load %arg17[%get3A_342, %get3A_343] {strides = array<i32>} : memref<32x16xf32, #tpu.memory_space<vmem>>, vector<1x16xf32>,
      %get3A_345 = vector.shape_cast %get3A_344 : vector<1x16xf32> to vector<16xf32>
      %mul3A_346 = arith.mulf %max3A_340, %get3A_345 : vector<16xf32>
      %add3A_347 = arith.addf %add3A_267, %mul3A_346 : vector<16xf32>
      %get3A_348 = arith.index_cast %scan3A_61 : i32 to index
      %get3A_349 = arith.constant 224 : index
      %get3A_350 = tpu.vector_load %arg12[%get3A_348, %get3A_349] {strides = array<i32>} : memref<40x512xf32, #tpu.memory_space<vmem>>, vector<1x16xf32>,
      %get3A_351 = vector.shape_cast %get3A_350 : vector<1x16xf32> to vector<16xf32>
      %get3A_352 = arith.index_cast %scan3A_61 : i32 to index
      %get3A_353 = arith.constant 224 : index
      %get3A_354 = tpu.vector_load %arg14[%get3A_352, %get3A_353] {strides = array<i32>} : memref<40x512xf32, #tpu.memory_space<vmem>>, vector<1x16xf32>,
      %get3A_355 = vector.shape_cast %get3A_354 : vector<1x16xf32> to vector<16xf32>
      %add3A_356 = arith.addf %get3A_351, %get3A_355 : vector<16xf32>
      %mul3A_357 = arith.constant 2.000000e-01 : f32
      %mul3A_358 = vector.broadcast %mul3A_357 : f32 to vector<16xf32>
      %mul3A_359 = arith.mulf %mul3A_358, %add3A_356 : vector<16xf32>
      %max3A_360 = arith.maximumf %add3A_356, %mul3A_359 : vector<16xf32>
      %get3A_361 = arith.constant 14 : i32
      %get3A_362 = arith.index_cast %get3A_361 : i32 to index
      %get3A_363 = arith.constant 0 : index
      %get3A_364 = tpu.vector_load %arg17[%get3A_362, %get3A_363] {strides = array<i32>} : memref<32x16xf32, #tpu.memory_space<vmem>>, vector<1x16xf32>,
      %get3A_365 = vector.shape_cast %get3A_364 : vector<1x16xf32> to vector<16xf32>
      %mul3A_366 = arith.mulf %max3A_360, %get3A_365 : vector<16xf32>
      %add3A_367 = arith.addf %add3A_287, %mul3A_366 : vector<16xf32>
      %get3A_368 = arith.index_cast %scan3A_61 : i32 to index
      %get3A_369 = arith.constant 240 : index
      %get3A_370 = tpu.vector_load %arg12[%get3A_368, %get3A_369] {strides = array<i32>} : memref<40x512xf32, #tpu.memory_space<vmem>>, vector<1x16xf32>,
      %get3A_371 = vector.shape_cast %get3A_370 : vector<1x16xf32> to vector<16xf32>
      %get3A_372 = arith.index_cast %scan3A_61 : i32 to index
      %get3A_373 = arith.constant 240 : index
      %get3A_374 = tpu.vector_load %arg14[%get3A_372, %get3A_373] {strides = array<i32>} : memref<40x512xf32, #tpu.memory_space<vmem>>, vector<1x16xf32>,
      %get3A_375 = vector.shape_cast %get3A_374 : vector<1x16xf32> to vector<16xf32>
      %add3A_376 = arith.addf %get3A_371, %get3A_375 : vector<16xf32>
      %mul3A_377 = arith.constant 2.000000e-01 : f32
      %mul3A_378 = vector.broadcast %mul3A_377 : f32 to vector<16xf32>
      %mul3A_379 = arith.mulf %mul3A_378, %add3A_376 : vector<16xf32>
      %max3A_380 = arith.maximumf %add3A_376, %mul3A_379 : vector<16xf32>
      %get3A_381 = arith.constant 15 : i32
      %get3A_382 = arith.index_cast %get3A_381 : i32 to index
      %get3A_383 = arith.constant 0 : index
      %get3A_384 = tpu.vector_load %arg17[%get3A_382, %get3A_383] {strides = array<i32>} : memref<32x16xf32, #tpu.memory_space<vmem>>, vector<1x16xf32>,
      %get3A_385 = vector.shape_cast %get3A_384 : vector<1x16xf32> to vector<16xf32>
      %mul3A_386 = arith.mulf %max3A_380, %get3A_385 : vector<16xf32>
      %add3A_387 = arith.addf %add3A_307, %mul3A_386 : vector<16xf32>
      %get3A_388 = arith.index_cast %scan3A_61 : i32 to index
      %get3A_389 = arith.constant 256 : index
      %get3A_390 = tpu.vector_load %arg12[%get3A_388, %get3A_389] {strides = array<i32>} : memref<40x512xf32, #tpu.memory_space<vmem>>, vector<1x16xf32>,
      %get3A_391 = vector.shape_cast %get3A_390 : vector<1x16xf32> to vector<16xf32>
      %get3A_392 = arith.index_cast %scan3A_61 : i32 to index
      %get3A_393 = arith.constant 256 : index
      %get3A_394 = tpu.vector_load %arg14[%get3A_392, %get3A_393] {strides = array<i32>} : memref<40x512xf32, #tpu.memory_space<vmem>>, vector<1x16xf32>,
      %get3A_395 = vector.shape_cast %get3A_394 : vector<1x16xf32> to vector<16xf32>
      %add3A_396 = arith.addf %get3A_391, %get3A_395 : vector<16xf32>
      %mul3A_397 = arith.constant 2.000000e-01 : f32
      %mul3A_398 = vector.broadcast %mul3A_397 : f32 to vector<16xf32>
      %mul3A_399 = arith.mulf %mul3A_398, %add3A_396 : vector<16xf32>
      %max3A_400 = arith.maximumf %add3A_396, %mul3A_399 : vector<16xf32>
      %get3A_401 = arith.constant 16 : i32
      %get3A_402 = arith.index_cast %get3A_401 : i32 to index
      %get3A_403 = arith.constant 0 : index
      %get3A_404 = tpu.vector_load %arg17[%get3A_402, %get3A_403] {strides = array<i32>} : memref<32x16xf32, #tpu.memory_space<vmem>>, vector<1x16xf32>,
      %get3A_405 = vector.shape_cast %get3A_404 : vector<1x16xf32> to vector<16xf32>
      %mul3A_406 = arith.mulf %max3A_400, %get3A_405 : vector<16xf32>
      %add3A_407 = arith.addf %add3A_327, %mul3A_406 : vector<16xf32>
      %get3A_408 = arith.index_cast %scan3A_61 : i32 to index
      %get3A_409 = arith.constant 272 : index
      %get3A_410 = tpu.vector_load %arg12[%get3A_408, %get3A_409] {strides = array<i32>} : memref<40x512xf32, #tpu.memory_space<vmem>>, vector<1x16xf32>,
      %get3A_411 = vector.shape_cast %get3A_410 : vector<1x16xf32> to vector<16xf32>
      %get3A_412 = arith.index_cast %scan3A_61 : i32 to index
      %get3A_413 = arith.constant 272 : index
      %get3A_414 = tpu.vector_load %arg14[%get3A_412, %get3A_413] {strides = array<i32>} : memref<40x512xf32, #tpu.memory_space<vmem>>, vector<1x16xf32>,
      %get3A_415 = vector.shape_cast %get3A_414 : vector<1x16xf32> to vector<16xf32>
      %add3A_416 = arith.addf %get3A_411, %get3A_415 : vector<16xf32>
      %mul3A_417 = arith.constant 2.000000e-01 : f32
      %mul3A_418 = vector.broadcast %mul3A_417 : f32 to vector<16xf32>
      %mul3A_419 = arith.mulf %mul3A_418, %add3A_416 : vector<16xf32>
      %max3A_420 = arith.maximumf %add3A_416, %mul3A_419 : vector<16xf32>
      %get3A_421 = arith.constant 17 : i32
      %get3A_422 = arith.index_cast %get3A_421 : i32 to index
      %get3A_423 = arith.constant 0 : index
      %get3A_424 = tpu.vector_load %arg17[%get3A_422, %get3A_423] {strides = array<i32>} : memref<32x16xf32, #tpu.memory_space<vmem>>, vector<1x16xf32>,
      %get3A_425 = vector.shape_cast %get3A_424 : vector<1x16xf32> to vector<16xf32>
      %mul3A_426 = arith.mulf %max3A_420, %get3A_425 : vector<16xf32>
      %add3A_427 = arith.addf %add3A_347, %mul3A_426 : vector<16xf32>
      %get3A_428 = arith.index_cast %scan3A_61 : i32 to index
      %get3A_429 = arith.constant 288 : index
      %get3A_430 = tpu.vector_load %arg12[%get3A_428, %get3A_429] {strides = array<i32>} : memref<40x512xf32, #tpu.memory_space<vmem>>, vector<1x16xf32>,
      %get3A_431 = vector.shape_cast %get3A_430 : vector<1x16xf32> to vector<16xf32>
      %get3A_432 = arith.index_cast %scan3A_61 : i32 to index
      %get3A_433 = arith.constant 288 : index
      %get3A_434 = tpu.vector_load %arg14[%get3A_432, %get3A_433] {strides = array<i32>} : memref<40x512xf32, #tpu.memory_space<vmem>>, vector<1x16xf32>,
      %get3A_435 = vector.shape_cast %get3A_434 : vector<1x16xf32> to vector<16xf32>
      %add3A_436 = arith.addf %get3A_431, %get3A_435 : vector<16xf32>
      %mul3A_437 = arith.constant 2.000000e-01 : f32
      %mul3A_438 = vector.broadcast %mul3A_437 : f32 to vector<16xf32>
      %mul3A_439 = arith.mulf %mul3A_438, %add3A_436 : vector<16xf32>
      %max3A_440 = arith.maximumf %add3A_436, %mul3A_439 : vector<16xf32>
      %get3A_441 = arith.constant 18 : i32
      %get3A_442 = arith.index_cast %get3A_441 : i32 to index
      %get3A_443 = arith.constant 0 : index
      %get3A_444 = tpu.vector_load %arg17[%get3A_442, %get3A_443] {strides = array<i32>} : memref<32x16xf32, #tpu.memory_space<vmem>>, vector<1x16xf32>,
      %get3A_445 = vector.shape_cast %get3A_444 : vector<1x16xf32> to vector<16xf32>
      %mul3A_446 = arith.mulf %max3A_440, %get3A_445 : vector<16xf32>
      %add3A_447 = arith.addf %add3A_367, %mul3A_446 : vector<16xf32>
      %get3A_448 = arith.index_cast %scan3A_61 : i32 to index
      %get3A_449 = arith.constant 304 : index
      %get3A_450 = tpu.vector_load %arg12[%get3A_448, %get3A_449] {strides = array<i32>} : memref<40x512xf32, #tpu.memory_space<vmem>>, vector<1x16xf32>,
      %get3A_451 = vector.shape_cast %get3A_450 : vector<1x16xf32> to vector<16xf32>
      %get3A_452 = arith.index_cast %scan3A_61 : i32 to index
      %get3A_453 = arith.constant 304 : index
      %get3A_454 = tpu.vector_load %arg14[%get3A_452, %get3A_453] {strides = array<i32>} : memref<40x512xf32, #tpu.memory_space<vmem>>, vector<1x16xf32>,
      %get3A_455 = vector.shape_cast %get3A_454 : vector<1x16xf32> to vector<16xf32>
      %add3A_456 = arith.addf %get3A_451, %get3A_455 : vector<16xf32>
      %mul3A_457 = arith.constant 2.000000e-01 : f32
      %mul3A_458 = vector.broadcast %mul3A_457 : f32 to vector<16xf32>
      %mul3A_459 = arith.mulf %mul3A_458, %add3A_456 : vector<16xf32>
      %max3A_460 = arith.maximumf %add3A_456, %mul3A_459 : vector<16xf32>
      %get3A_461 = arith.constant 19 : i32
      %get3A_462 = arith.index_cast %get3A_461 : i32 to index
      %get3A_463 = arith.constant 0 : index
      %get3A_464 = tpu.vector_load %arg17[%get3A_462, %get3A_463] {strides = array<i32>} : memref<32x16xf32, #tpu.memory_space<vmem>>, vector<1x16xf32>,
      %get3A_465 = vector.shape_cast %get3A_464 : vector<1x16xf32> to vector<16xf32>
      %mul3A_466 = arith.mulf %max3A_460, %get3A_465 : vector<16xf32>
      %add3A_467 = arith.addf %add3A_387, %mul3A_466 : vector<16xf32>
      %get3A_468 = arith.index_cast %scan3A_61 : i32 to index
      %get3A_469 = arith.constant 320 : index
      %get3A_470 = tpu.vector_load %arg12[%get3A_468, %get3A_469] {strides = array<i32>} : memref<40x512xf32, #tpu.memory_space<vmem>>, vector<1x16xf32>,
      %get3A_471 = vector.shape_cast %get3A_470 : vector<1x16xf32> to vector<16xf32>
      %get3A_472 = arith.index_cast %scan3A_61 : i32 to index
      %get3A_473 = arith.constant 320 : index
      %get3A_474 = tpu.vector_load %arg14[%get3A_472, %get3A_473] {strides = array<i32>} : memref<40x512xf32, #tpu.memory_space<vmem>>, vector<1x16xf32>,
      %get3A_475 = vector.shape_cast %get3A_474 : vector<1x16xf32> to vector<16xf32>
      %add3A_476 = arith.addf %get3A_471, %get3A_475 : vector<16xf32>
      %mul3A_477 = arith.constant 2.000000e-01 : f32
      %mul3A_478 = vector.broadcast %mul3A_477 : f32 to vector<16xf32>
      %mul3A_479 = arith.mulf %mul3A_478, %add3A_476 : vector<16xf32>
      %max3A_480 = arith.maximumf %add3A_476, %mul3A_479 : vector<16xf32>
      %get3A_481 = arith.constant 20 : i32
      %get3A_482 = arith.index_cast %get3A_481 : i32 to index
      %get3A_483 = arith.constant 0 : index
      %get3A_484 = tpu.vector_load %arg17[%get3A_482, %get3A_483] {strides = array<i32>} : memref<32x16xf32, #tpu.memory_space<vmem>>, vector<1x16xf32>,
      %get3A_485 = vector.shape_cast %get3A_484 : vector<1x16xf32> to vector<16xf32>
      %mul3A_486 = arith.mulf %max3A_480, %get3A_485 : vector<16xf32>
      %add3A_487 = arith.addf %add3A_407, %mul3A_486 : vector<16xf32>
      %get3A_488 = arith.index_cast %scan3A_61 : i32 to index
      %get3A_489 = arith.constant 336 : index
      %get3A_490 = tpu.vector_load %arg12[%get3A_488, %get3A_489] {strides = array<i32>} : memref<40x512xf32, #tpu.memory_space<vmem>>, vector<1x16xf32>,
      %get3A_491 = vector.shape_cast %get3A_490 : vector<1x16xf32> to vector<16xf32>
      %get3A_492 = arith.index_cast %scan3A_61 : i32 to index
      %get3A_493 = arith.constant 336 : index
      %get3A_494 = tpu.vector_load %arg14[%get3A_492, %get3A_493] {strides = array<i32>} : memref<40x512xf32, #tpu.memory_space<vmem>>, vector<1x16xf32>,
      %get3A_495 = vector.shape_cast %get3A_494 : vector<1x16xf32> to vector<16xf32>
      %add3A_496 = arith.addf %get3A_491, %get3A_495 : vector<16xf32>
      %mul3A_497 = arith.constant 2.000000e-01 : f32
      %mul3A_498 = vector.broadcast %mul3A_497 : f32 to vector<16xf32>
      %mul3A_499 = arith.mulf %mul3A_498, %add3A_496 : vector<16xf32>
      %max3A_500 = arith.maximumf %add3A_496, %mul3A_499 : vector<16xf32>
      %get3A_501 = arith.constant 21 : i32
      %get3A_502 = arith.index_cast %get3A_501 : i32 to index
      %get3A_503 = arith.constant 0 : index
      %get3A_504 = tpu.vector_load %arg17[%get3A_502, %get3A_503] {strides = array<i32>} : memref<32x16xf32, #tpu.memory_space<vmem>>, vector<1x16xf32>,
      %get3A_505 = vector.shape_cast %get3A_504 : vector<1x16xf32> to vector<16xf32>
      %mul3A_506 = arith.mulf %max3A_500, %get3A_505 : vector<16xf32>
      %add3A_507 = arith.addf %add3A_427, %mul3A_506 : vector<16xf32>
      %get3A_508 = arith.index_cast %scan3A_61 : i32 to index
      %get3A_509 = arith.constant 352 : index
      %get3A_510 = tpu.vector_load %arg12[%get3A_508, %get3A_509] {strides = array<i32>} : memref<40x512xf32, #tpu.memory_space<vmem>>, vector<1x16xf32>,
      %get3A_511 = vector.shape_cast %get3A_510 : vector<1x16xf32> to vector<16xf32>
      %get3A_512 = arith.index_cast %scan3A_61 : i32 to index
      %get3A_513 = arith.constant 352 : index
      %get3A_514 = tpu.vector_load %arg14[%get3A_512, %get3A_513] {strides = array<i32>} : memref<40x512xf32, #tpu.memory_space<vmem>>, vector<1x16xf32>,
      %get3A_515 = vector.shape_cast %get3A_514 : vector<1x16xf32> to vector<16xf32>
      %add3A_516 = arith.addf %get3A_511, %get3A_515 : vector<16xf32>
      %mul3A_517 = arith.constant 2.000000e-01 : f32
      %mul3A_518 = vector.broadcast %mul3A_517 : f32 to vector<16xf32>
      %mul3A_519 = arith.mulf %mul3A_518, %add3A_516 : vector<16xf32>
      %max3A_520 = arith.maximumf %add3A_516, %mul3A_519 : vector<16xf32>
      %get3A_521 = arith.constant 22 : i32
      %get3A_522 = arith.index_cast %get3A_521 : i32 to index
      %get3A_523 = arith.constant 0 : index
      %get3A_524 = tpu.vector_load %arg17[%get3A_522, %get3A_523] {strides = array<i32>} : memref<32x16xf32, #tpu.memory_space<vmem>>, vector<1x16xf32>,
      %get3A_525 = vector.shape_cast %get3A_524 : vector<1x16xf32> to vector<16xf32>
      %mul3A_526 = arith.mulf %max3A_520, %get3A_525 : vector<16xf32>
      %add3A_527 = arith.addf %add3A_447, %mul3A_526 : vector<16xf32>
      %get3A_528 = arith.index_cast %scan3A_61 : i32 to index
      %get3A_529 = arith.constant 368 : index
      %get3A_530 = tpu.vector_load %arg12[%get3A_528, %get3A_529] {strides = array<i32>} : memref<40x512xf32, #tpu.memory_space<vmem>>, vector<1x16xf32>,
      %get3A_531 = vector.shape_cast %get3A_530 : vector<1x16xf32> to vector<16xf32>
      %get3A_532 = arith.index_cast %scan3A_61 : i32 to index
      %get3A_533 = arith.constant 368 : index
      %get3A_534 = tpu.vector_load %arg14[%get3A_532, %get3A_533] {strides = array<i32>} : memref<40x512xf32, #tpu.memory_space<vmem>>, vector<1x16xf32>,
      %get3A_535 = vector.shape_cast %get3A_534 : vector<1x16xf32> to vector<16xf32>
      %add3A_536 = arith.addf %get3A_531, %get3A_535 : vector<16xf32>
      %mul3A_537 = arith.constant 2.000000e-01 : f32
      %mul3A_538 = vector.broadcast %mul3A_537 : f32 to vector<16xf32>
      %mul3A_539 = arith.mulf %mul3A_538, %add3A_536 : vector<16xf32>
      %max3A_540 = arith.maximumf %add3A_536, %mul3A_539 : vector<16xf32>
      %get3A_541 = arith.constant 23 : i32
      %get3A_542 = arith.index_cast %get3A_541 : i32 to index
      %get3A_543 = arith.constant 0 : index
      %get3A_544 = tpu.vector_load %arg17[%get3A_542, %get3A_543] {strides = array<i32>} : memref<32x16xf32, #tpu.memory_space<vmem>>, vector<1x16xf32>,
      %get3A_545 = vector.shape_cast %get3A_544 : vector<1x16xf32> to vector<16xf32>
      %mul3A_546 = arith.mulf %max3A_540, %get3A_545 : vector<16xf32>
      %add3A_547 = arith.addf %add3A_467, %mul3A_546 : vector<16xf32>
      %get3A_548 = arith.index_cast %scan3A_61 : i32 to index
      %get3A_549 = arith.constant 384 : index
      %get3A_550 = tpu.vector_load %arg12[%get3A_548, %get3A_549] {strides = array<i32>} : memref<40x512xf32, #tpu.memory_space<vmem>>, vector<1x16xf32>,
      %get3A_551 = vector.shape_cast %get3A_550 : vector<1x16xf32> to vector<16xf32>
      %get3A_552 = arith.index_cast %scan3A_61 : i32 to index
      %get3A_553 = arith.constant 384 : index
      %get3A_554 = tpu.vector_load %arg14[%get3A_552, %get3A_553] {strides = array<i32>} : memref<40x512xf32, #tpu.memory_space<vmem>>, vector<1x16xf32>,
      %get3A_555 = vector.shape_cast %get3A_554 : vector<1x16xf32> to vector<16xf32>
      %add3A_556 = arith.addf %get3A_551, %get3A_555 : vector<16xf32>
      %mul3A_557 = arith.constant 2.000000e-01 : f32
      %mul3A_558 = vector.broadcast %mul3A_557 : f32 to vector<16xf32>
      %mul3A_559 = arith.mulf %mul3A_558, %add3A_556 : vector<16xf32>
      %max3A_560 = arith.maximumf %add3A_556, %mul3A_559 : vector<16xf32>
      %get3A_561 = arith.constant 24 : i32
      %get3A_562 = arith.index_cast %get3A_561 : i32 to index
      %get3A_563 = arith.constant 0 : index
      %get3A_564 = tpu.vector_load %arg17[%get3A_562, %get3A_563] {strides = array<i32>} : memref<32x16xf32, #tpu.memory_space<vmem>>, vector<1x16xf32>,
      %get3A_565 = vector.shape_cast %get3A_564 : vector<1x16xf32> to vector<16xf32>
      %mul3A_566 = arith.mulf %max3A_560, %get3A_565 : vector<16xf32>
      %add3A_567 = arith.addf %add3A_487, %mul3A_566 : vector<16xf32>
      %get3A_568 = arith.index_cast %scan3A_61 : i32 to index
      %get3A_569 = arith.constant 400 : index
      %get3A_570 = tpu.vector_load %arg12[%get3A_568, %get3A_569] {strides = array<i32>} : memref<40x512xf32, #tpu.memory_space<vmem>>, vector<1x16xf32>,
      %get3A_571 = vector.shape_cast %get3A_570 : vector<1x16xf32> to vector<16xf32>
      %get3A_572 = arith.index_cast %scan3A_61 : i32 to index
      %get3A_573 = arith.constant 400 : index
      %get3A_574 = tpu.vector_load %arg14[%get3A_572, %get3A_573] {strides = array<i32>} : memref<40x512xf32, #tpu.memory_space<vmem>>, vector<1x16xf32>,
      %get3A_575 = vector.shape_cast %get3A_574 : vector<1x16xf32> to vector<16xf32>
      %add3A_576 = arith.addf %get3A_571, %get3A_575 : vector<16xf32>
      %mul3A_577 = arith.constant 2.000000e-01 : f32
      %mul3A_578 = vector.broadcast %mul3A_577 : f32 to vector<16xf32>
      %mul3A_579 = arith.mulf %mul3A_578, %add3A_576 : vector<16xf32>
      %max3A_580 = arith.maximumf %add3A_576, %mul3A_579 : vector<16xf32>
      %get3A_581 = arith.constant 25 : i32
      %get3A_582 = arith.index_cast %get3A_581 : i32 to index
      %get3A_583 = arith.constant 0 : index
      %get3A_584 = tpu.vector_load %arg17[%get3A_582, %get3A_583] {strides = array<i32>} : memref<32x16xf32, #tpu.memory_space<vmem>>, vector<1x16xf32>,
      %get3A_585 = vector.shape_cast %get3A_584 : vector<1x16xf32> to vector<16xf32>
      %mul3A_586 = arith.mulf %max3A_580, %get3A_585 : vector<16xf32>
      %add3A_587 = arith.addf %add3A_507, %mul3A_586 : vector<16xf32>
      %get3A_588 = arith.index_cast %scan3A_61 : i32 to index
      %get3A_589 = arith.constant 416 : index
      %get3A_590 = tpu.vector_load %arg12[%get3A_588, %get3A_589] {strides = array<i32>} : memref<40x512xf32, #tpu.memory_space<vmem>>, vector<1x16xf32>,
      %get3A_591 = vector.shape_cast %get3A_590 : vector<1x16xf32> to vector<16xf32>
      %get3A_592 = arith.index_cast %scan3A_61 : i32 to index
      %get3A_593 = arith.constant 416 : index
      %get3A_594 = tpu.vector_load %arg14[%get3A_592, %get3A_593] {strides = array<i32>} : memref<40x512xf32, #tpu.memory_space<vmem>>, vector<1x16xf32>,
      %get3A_595 = vector.shape_cast %get3A_594 : vector<1x16xf32> to vector<16xf32>
      %add3A_596 = arith.addf %get3A_591, %get3A_595 : vector<16xf32>
      %mul3A_597 = arith.constant 2.000000e-01 : f32
      %mul3A_598 = vector.broadcast %mul3A_597 : f32 to vector<16xf32>
      %mul3A_599 = arith.mulf %mul3A_598, %add3A_596 : vector<16xf32>
      %max3A_600 = arith.maximumf %add3A_596, %mul3A_599 : vector<16xf32>
      %get3A_601 = arith.constant 26 : i32
      %get3A_602 = arith.index_cast %get3A_601 : i32 to index
      %get3A_603 = arith.constant 0 : index
      %get3A_604 = tpu.vector_load %arg17[%get3A_602, %get3A_603] {strides = array<i32>} : memref<32x16xf32, #tpu.memory_space<vmem>>, vector<1x16xf32>,
      %get3A_605 = vector.shape_cast %get3A_604 : vector<1x16xf32> to vector<16xf32>
      %mul3A_606 = arith.mulf %max3A_600, %get3A_605 : vector<16xf32>
      %add3A_607 = arith.addf %add3A_527, %mul3A_606 : vector<16xf32>
      %get3A_608 = arith.index_cast %scan3A_61 : i32 to index
      %get3A_609 = arith.constant 432 : index
      %get3A_610 = tpu.vector_load %arg12[%get3A_608, %get3A_609] {strides = array<i32>} : memref<40x512xf32, #tpu.memory_space<vmem>>, vector<1x16xf32>,
      %get3A_611 = vector.shape_cast %get3A_610 : vector<1x16xf32> to vector<16xf32>
      %get3A_612 = arith.index_cast %scan3A_61 : i32 to index
      %get3A_613 = arith.constant 432 : index
      %get3A_614 = tpu.vector_load %arg14[%get3A_612, %get3A_613] {strides = array<i32>} : memref<40x512xf32, #tpu.memory_space<vmem>>, vector<1x16xf32>,
      %get3A_615 = vector.shape_cast %get3A_614 : vector<1x16xf32> to vector<16xf32>
      %add3A_616 = arith.addf %get3A_611, %get3A_615 : vector<16xf32>
      %mul3A_617 = arith.constant 2.000000e-01 : f32
      %mul3A_618 = vector.broadcast %mul3A_617 : f32 to vector<16xf32>
      %mul3A_619 = arith.mulf %mul3A_618, %add3A_616 : vector<16xf32>
      %max3A_620 = arith.maximumf %add3A_616, %mul3A_619 : vector<16xf32>
      %get3A_621 = arith.constant 27 : i32
      %get3A_622 = arith.index_cast %get3A_621 : i32 to index
      %get3A_623 = arith.constant 0 : index
      %get3A_624 = tpu.vector_load %arg17[%get3A_622, %get3A_623] {strides = array<i32>} : memref<32x16xf32, #tpu.memory_space<vmem>>, vector<1x16xf32>,
      %get3A_625 = vector.shape_cast %get3A_624 : vector<1x16xf32> to vector<16xf32>
      %mul3A_626 = arith.mulf %max3A_620, %get3A_625 : vector<16xf32>
      %add3A_627 = arith.addf %add3A_547, %mul3A_626 : vector<16xf32>
      %get3A_628 = arith.index_cast %scan3A_61 : i32 to index
      %get3A_629 = arith.constant 448 : index
      %get3A_630 = tpu.vector_load %arg12[%get3A_628, %get3A_629] {strides = array<i32>} : memref<40x512xf32, #tpu.memory_space<vmem>>, vector<1x16xf32>,
      %get3A_631 = vector.shape_cast %get3A_630 : vector<1x16xf32> to vector<16xf32>
      %get3A_632 = arith.index_cast %scan3A_61 : i32 to index
      %get3A_633 = arith.constant 448 : index
      %get3A_634 = tpu.vector_load %arg14[%get3A_632, %get3A_633] {strides = array<i32>} : memref<40x512xf32, #tpu.memory_space<vmem>>, vector<1x16xf32>,
      %get3A_635 = vector.shape_cast %get3A_634 : vector<1x16xf32> to vector<16xf32>
      %add3A_636 = arith.addf %get3A_631, %get3A_635 : vector<16xf32>
      %mul3A_637 = arith.constant 2.000000e-01 : f32
      %mul3A_638 = vector.broadcast %mul3A_637 : f32 to vector<16xf32>
      %mul3A_639 = arith.mulf %mul3A_638, %add3A_636 : vector<16xf32>
      %max3A_640 = arith.maximumf %add3A_636, %mul3A_639 : vector<16xf32>
      %get3A_641 = arith.constant 28 : i32
      %get3A_642 = arith.index_cast %get3A_641 : i32 to index
      %get3A_643 = arith.constant 0 : index
      %get3A_644 = tpu.vector_load %arg17[%get3A_642, %get3A_643] {strides = array<i32>} : memref<32x16xf32, #tpu.memory_space<vmem>>, vector<1x16xf32>,
      %get3A_645 = vector.shape_cast %get3A_644 : vector<1x16xf32> to vector<16xf32>
      %mul3A_646 = arith.mulf %max3A_640, %get3A_645 : vector<16xf32>
      %add3A_647 = arith.addf %add3A_567, %mul3A_646 : vector<16xf32>
      %get3A_648 = arith.index_cast %scan3A_61 : i32 to index
      %get3A_649 = arith.constant 464 : index
      %get3A_650 = tpu.vector_load %arg12[%get3A_648, %get3A_649] {strides = array<i32>} : memref<40x512xf32, #tpu.memory_space<vmem>>, vector<1x16xf32>,
      %get3A_651 = vector.shape_cast %get3A_650 : vector<1x16xf32> to vector<16xf32>
      %get3A_652 = arith.index_cast %scan3A_61 : i32 to index
      %get3A_653 = arith.constant 464 : index
      %get3A_654 = tpu.vector_load %arg14[%get3A_652, %get3A_653] {strides = array<i32>} : memref<40x512xf32, #tpu.memory_space<vmem>>, vector<1x16xf32>,
      %get3A_655 = vector.shape_cast %get3A_654 : vector<1x16xf32> to vector<16xf32>
      %add3A_656 = arith.addf %get3A_651, %get3A_655 : vector<16xf32>
      %mul3A_657 = arith.constant 2.000000e-01 : f32
      %mul3A_658 = vector.broadcast %mul3A_657 : f32 to vector<16xf32>
      %mul3A_659 = arith.mulf %mul3A_658, %add3A_656 : vector<16xf32>
      %max3A_660 = arith.maximumf %add3A_656, %mul3A_659 : vector<16xf32>
      %get3A_661 = arith.constant 29 : i32
      %get3A_662 = arith.index_cast %get3A_661 : i32 to index
      %get3A_663 = arith.constant 0 : index
      %get3A_664 = tpu.vector_load %arg17[%get3A_662, %get3A_663] {strides = array<i32>} : memref<32x16xf32, #tpu.memory_space<vmem>>, vector<1x16xf32>,
      %get3A_665 = vector.shape_cast %get3A_664 : vector<1x16xf32> to vector<16xf32>
      %mul3A_666 = arith.mulf %max3A_660, %get3A_665 : vector<16xf32>
      %add3A_667 = arith.addf %add3A_587, %mul3A_666 : vector<16xf32>
      %get3A_668 = arith.index_cast %scan3A_61 : i32 to index
      %get3A_669 = arith.constant 480 : index
      %get3A_670 = tpu.vector_load %arg12[%get3A_668, %get3A_669] {strides = array<i32>} : memref<40x512xf32, #tpu.memory_space<vmem>>, vector<1x16xf32>,
      %get3A_671 = vector.shape_cast %get3A_670 : vector<1x16xf32> to vector<16xf32>
      %get3A_672 = arith.index_cast %scan3A_61 : i32 to index
      %get3A_673 = arith.constant 480 : index
      %get3A_674 = tpu.vector_load %arg14[%get3A_672, %get3A_673] {strides = array<i32>} : memref<40x512xf32, #tpu.memory_space<vmem>>, vector<1x16xf32>,
      %get3A_675 = vector.shape_cast %get3A_674 : vector<1x16xf32> to vector<16xf32>
      %add3A_676 = arith.addf %get3A_671, %get3A_675 : vector<16xf32>
      %mul3A_677 = arith.constant 2.000000e-01 : f32
      %mul3A_678 = vector.broadcast %mul3A_677 : f32 to vector<16xf32>
      %mul3A_679 = arith.mulf %mul3A_678, %add3A_676 : vector<16xf32>
      %max3A_680 = arith.maximumf %add3A_676, %mul3A_679 : vector<16xf32>
      %get3A_681 = arith.constant 30 : i32
      %get3A_682 = arith.index_cast %get3A_681 : i32 to index
      %get3A_683 = arith.constant 0 : index
      %get3A_684 = tpu.vector_load %arg17[%get3A_682, %get3A_683] {strides = array<i32>} : memref<32x16xf32, #tpu.memory_space<vmem>>, vector<1x16xf32>,
      %get3A_685 = vector.shape_cast %get3A_684 : vector<1x16xf32> to vector<16xf32>
      %mul3A_686 = arith.mulf %max3A_680, %get3A_685 : vector<16xf32>
      %add3A_687 = arith.addf %add3A_607, %mul3A_686 : vector<16xf32>
      %get3A_688 = arith.index_cast %scan3A_61 : i32 to index
      %get3A_689 = arith.constant 496 : index
      %get3A_690 = tpu.vector_load %arg12[%get3A_688, %get3A_689] {strides = array<i32>} : memref<40x512xf32, #tpu.memory_space<vmem>>, vector<1x16xf32>,
      %get3A_691 = vector.shape_cast %get3A_690 : vector<1x16xf32> to vector<16xf32>
      %get3A_692 = arith.index_cast %scan3A_61 : i32 to index
      %get3A_693 = arith.constant 496 : index
      %get3A_694 = tpu.vector_load %arg14[%get3A_692, %get3A_693] {strides = array<i32>} : memref<40x512xf32, #tpu.memory_space<vmem>>, vector<1x16xf32>,
      %get3A_695 = vector.shape_cast %get3A_694 : vector<1x16xf32> to vector<16xf32>
      %add3A_696 = arith.addf %get3A_691, %get3A_695 : vector<16xf32>
      %mul3A_697 = arith.constant 2.000000e-01 : f32
      %mul3A_698 = vector.broadcast %mul3A_697 : f32 to vector<16xf32>
      %mul3A_699 = arith.mulf %mul3A_698, %add3A_696 : vector<16xf32>
      %max3A_700 = arith.maximumf %add3A_696, %mul3A_699 : vector<16xf32>
      %get3A_701 = arith.constant 31 : i32
      %get3A_702 = arith.index_cast %get3A_701 : i32 to index
      %get3A_703 = arith.constant 0 : index
      %get3A_704 = tpu.vector_load %arg17[%get3A_702, %get3A_703] {strides = array<i32>} : memref<32x16xf32, #tpu.memory_space<vmem>>, vector<1x16xf32>,
      %get3A_705 = vector.shape_cast %get3A_704 : vector<1x16xf32> to vector<16xf32>
      %mul3A_706 = arith.mulf %max3A_700, %get3A_705 : vector<16xf32>
      %add3A_707 = arith.addf %add3A_627, %mul3A_706 : vector<16xf32>
      %add3A_708 = arith.addf %add3A_647, %add3A_667 : vector<16xf32>
      %add3A_709 = arith.addf %add3A_687, %add3A_707 : vector<16xf32>
      %add3A_710 = arith.addf %add3A_708, %add3A_709 : vector<16xf32>
      %exp3A = math.exp %add3A_710 : vector<16xf32>
      %swap3A = arith.index_cast %scan3A_61 : i32 to index
      %swap3A_711 = arith.constant 0 : index
      %swap3A_712 = tpu.vector_load %arg16[%swap3A, %swap3A_711] {strides = array<i32>} : memref<40x16xf32, #tpu.memory_space<vmem>>, vector<1x16xf32>,
      %swap3A_713 = vector.shape_cast %swap3A_712 : vector<1x16xf32> to vector<16xf32>
      %swap3A_714 = vector.shape_cast %exp3A : vector<16xf32> to vector<1x16xf32>
      tpu.vector_store %arg16[%swap3A, %swap3A_711], %swap3A_714 {strides = array<i32>} : memref<40x16xf32, #tpu.memory_space<vmem>>, vector<1x16xf32>,
    }
    %scan3A_50 = arith.constant 40 : i32
    "tpu.region"() ({
      %run_scoped3A_61 = tpu.sem_alloc : memref<!tpu.dma_semaphore, #tpu.memory_space<semaphore_mem>>
      %dma_start3A_62 = arith.constant 0 : i32
      %dma_start3A_63 = tpu.memref_slice %arg7[%add3A_44, %dma_start3A_62] : memref<160000x16xf32, #tpu.memory_space<hbm>> -> memref<40x16xf32, #tpu.memory_space<hbm>>
      %dma_start3A_64 = arith.constant 0 : i32
      %dma_start3A_65 = tpu.memref_slice %arg7[%add3A_44, %dma_start3A_64] : memref<160000x16xf32, #tpu.memory_space<hbm>> -> memref<40x16xf32, #tpu.memory_space<hbm>>
      tpu.enqueue_dma source(%arg16 : memref<40x16xf32, #tpu.memory_space<vmem>>) target(%dma_start3A_65 : memref<40x16xf32, #tpu.memory_space<hbm>>) target_semaphore(%run_scoped3A_61 : memref<!tpu.dma_semaphore, #tpu.memory_space<semaphore_mem>>)
      %dma_wait3A_66 = arith.constant 0 : i32
      %dma_wait3A_67 = tpu.memref_slice %arg7[%add3A_44, %dma_wait3A_66] : memref<160000x16xf32, #tpu.memory_space<hbm>> -> memref<40x16xf32, #tpu.memory_space<hbm>>
      %dma_wait3A_68 = arith.constant 0 : i32
      %dma_wait3A_69 = tpu.memref_slice %arg7[%add3A_44, %dma_wait3A_68] : memref<160000x16xf32, #tpu.memory_space<hbm>> -> memref<40x16xf32, #tpu.memory_space<hbm>>
      tpu.wait_dma2 semaphore(%run_scoped3A_61 : memref<!tpu.dma_semaphore, #tpu.memory_space<semaphore_mem>>) src(%arg16 : memref<40x16xf32, #tpu.memory_space<vmem>>) dst(%dma_wait3A_69 : memref<40x16xf32, #tpu.memory_space<hbm>>)
      tpu.yield
    }) : () -> ()
    %run_scoped3A = arith.constant 124 : i32
    "tpu.region"() ({
      %run_scoped3A_61 = tpu.sem_alloc : memref<!tpu.dma_semaphore, #tpu.memory_space<semaphore_mem>>
      %dma_start3A_62 = arith.constant 0 : i32
      %dma_start3A_63 = tpu.memref_slice %arg11[%run_scoped3A, %dma_start3A_62] : memref<125x40xi32, #tpu.memory_space<vmem>> -> memref<1x40xi32, #tpu.memory_space<vmem>>
      %dma_start3A_64 = tpu.memref_squeeze %dma_start3A_63 : memref<1x40xi32, #tpu.memory_space<vmem>> -> memref<40xi32, #tpu.memory_space<vmem>>
      %dma_start3A_65 = arith.constant 0 : i32
      %dma_start3A_66 = arith.constant 0 : i32
      %dma_start3A_67 = tpu.memref_slice %arg19[%dma_start3A_65, %dma_start3A_66] : memref<10112x16xf32, #tpu.memory_space<vmem_shared>> -> memref<10112x16xf32, #tpu.memory_space<vmem_shared>>
      tpu.enqueue_indirect_dma source(%arg16 : memref<40x16xf32, #tpu.memory_space<vmem>>) target(%dma_start3A_67 : memref<10112x16xf32, #tpu.memory_space<vmem_shared>>) offsets(%dma_start3A_64 : memref<40xi32, #tpu.memory_space<vmem>>) semaphore(%run_scoped3A_61 : memref<!tpu.dma_semaphore, #tpu.memory_space<semaphore_mem>>) {add = true}
      %dma_wait3A_68 = arith.constant 0 : i32
      %dma_wait3A_69 = tpu.memref_slice %arg11[%run_scoped3A, %dma_wait3A_68] : memref<125x40xi32, #tpu.memory_space<vmem>> -> memref<1x40xi32, #tpu.memory_space<vmem>>
      %dma_wait3A_70 = tpu.memref_squeeze %dma_wait3A_69 : memref<1x40xi32, #tpu.memory_space<vmem>> -> memref<40xi32, #tpu.memory_space<vmem>>
      %dma_wait3A_71 = arith.constant 0 : i32
      %dma_wait3A_72 = arith.constant 0 : i32
      %dma_wait3A_73 = tpu.memref_slice %arg19[%dma_wait3A_71, %dma_wait3A_72] : memref<10112x16xf32, #tpu.memory_space<vmem_shared>> -> memref<10112x16xf32, #tpu.memory_space<vmem_shared>>
      tpu.wait_indirect_dma semaphore(%run_scoped3A_61 : memref<!tpu.dma_semaphore, #tpu.memory_space<semaphore_mem>>) src(%arg16 : memref<40x16xf32, #tpu.memory_space<vmem>>) dst(%dma_wait3A_73 : memref<10112x16xf32, #tpu.memory_space<vmem_shared>>)
      tpu.yield
    }) : () -> ()
    %barrier3A_51 = arith.constant 0 : index
    tpu.barrier barrier_id(%barrier3A_51)
    %mul3A_52 = arith.constant 632 : i32
    %mul3A_53 = arith.muli %arg1, %mul3A_52 : i32
    %eq3A = arith.constant 0 : i32
    %eq3A_54 = arith.cmpi eq, %arg0, %eq3A : i32
    %convert_element_type3A = arith.extui %eq3A_54 : i1 to i32
    %cond3A = arith.constant 0 : i32
    %cond3A_55 = arith.cmpi ne, %convert_element_type3A, %cond3A : i32
    scf.if %cond3A_55 {
      "tpu.region"() ({
        %run_scoped3A_61 = tpu.sem_alloc : memref<!tpu.dma_semaphore, #tpu.memory_space<semaphore_mem>>
        %dma_start3A_62 = arith.constant 0 : i32
        %dma_start3A_63 = tpu.memref_slice %arg8[%mul3A_53, %dma_start3A_62] : memref<10112x16xf32, #tpu.memory_space<hbm>> -> memref<632x16xf32, #tpu.memory_space<hbm>>
        %dma_start3A_64 = arith.constant 0 : i32
        %dma_start3A_65 = tpu.memref_slice %arg19[%mul3A_53, %dma_start3A_64] : memref<10112x16xf32, #tpu.memory_space<vmem_shared>> -> memref<632x16xf32, #tpu.memory_space<vmem_shared>>
        tpu.enqueue_dma source(%dma_start3A_65 : memref<632x16xf32, #tpu.memory_space<vmem_shared>>) target(%dma_start3A_63 : memref<632x16xf32, #tpu.memory_space<hbm>>) target_semaphore(%run_scoped3A_61 : memref<!tpu.dma_semaphore, #tpu.memory_space<semaphore_mem>>)
        %dma_wait3A_66 = arith.constant 0 : i32
        %dma_wait3A_67 = tpu.memref_slice %arg8[%mul3A_53, %dma_wait3A_66] : memref<10112x16xf32, #tpu.memory_space<hbm>> -> memref<632x16xf32, #tpu.memory_space<hbm>>
        %dma_wait3A_68 = arith.constant 0 : i32
        %dma_wait3A_69 = tpu.memref_slice %arg19[%mul3A_53, %dma_wait3A_68] : memref<10112x16xf32, #tpu.memory_space<vmem_shared>> -> memref<632x16xf32, #tpu.memory_space<vmem_shared>>
        tpu.wait_dma2 semaphore(%run_scoped3A_61 : memref<!tpu.dma_semaphore, #tpu.memory_space<semaphore_mem>>) src(%dma_wait3A_69 : memref<632x16xf32, #tpu.memory_space<vmem_shared>>) dst(%dma_wait3A_67 : memref<632x16xf32, #tpu.memory_space<hbm>>)
        tpu.yield
      }) : () -> ()
    } else {
    }
    %eq3A_56 = arith.constant 1 : i32
    %eq3A_57 = arith.cmpi eq, %arg0, %eq3A_56 : i32
    %convert_element_type3A_58 = arith.extui %eq3A_57 : i1 to i32
    %cond3A_59 = arith.constant 0 : i32
    %cond3A_60 = arith.cmpi ne, %convert_element_type3A_58, %cond3A_59 : i32
    scf.if %cond3A_60 {
      "tpu.region"() ({
        %run_scoped3A_61 = tpu.sem_alloc : memref<!tpu.dma_semaphore, #tpu.memory_space<semaphore_mem>>
        %dma_start3A_62 = arith.constant 0 : i32
        %dma_start3A_63 = tpu.memref_slice %arg9[%mul3A_53, %dma_start3A_62] : memref<10112x16xf32, #tpu.memory_space<hbm>> -> memref<632x16xf32, #tpu.memory_space<hbm>>
        %dma_start3A_64 = arith.constant 0 : i32
        %dma_start3A_65 = tpu.memref_slice %arg19[%mul3A_53, %dma_start3A_64] : memref<10112x16xf32, #tpu.memory_space<vmem_shared>> -> memref<632x16xf32, #tpu.memory_space<vmem_shared>>
        tpu.enqueue_dma source(%dma_start3A_65 : memref<632x16xf32, #tpu.memory_space<vmem_shared>>) target(%dma_start3A_63 : memref<632x16xf32, #tpu.memory_space<hbm>>) target_semaphore(%run_scoped3A_61 : memref<!tpu.dma_semaphore, #tpu.memory_space<semaphore_mem>>)
        %dma_wait3A_66 = arith.constant 0 : i32
        %dma_wait3A_67 = tpu.memref_slice %arg9[%mul3A_53, %dma_wait3A_66] : memref<10112x16xf32, #tpu.memory_space<hbm>> -> memref<632x16xf32, #tpu.memory_space<hbm>>
        %dma_wait3A_68 = arith.constant 0 : i32
        %dma_wait3A_69 = tpu.memref_slice %arg19[%mul3A_53, %dma_wait3A_68] : memref<10112x16xf32, #tpu.memory_space<vmem_shared>> -> memref<632x16xf32, #tpu.memory_space<vmem_shared>>
        tpu.wait_dma2 semaphore(%run_scoped3A_61 : memref<!tpu.dma_semaphore, #tpu.memory_space<semaphore_mem>>) src(%dma_wait3A_69 : memref<632x16xf32, #tpu.memory_space<vmem_shared>>) dst(%dma_wait3A_67 : memref<632x16xf32, #tpu.memory_space<hbm>>)
        tpu.yield
      }) : () -> ()
    } else {
    }
    return
  }
}

module attributes {stable_mosaic.version = 14 : i64} {
  func.func @body(%arg0: i32, %arg1: memref<1000x128xf32, #tpu.memory_space<vmem>>, %arg2: memref<128x512xf32, #tpu.memory_space<vmem>>, %arg3: memref<128x512xf32, #tpu.memory_space<vmem>>, %arg4: memref<128x512xf32, #tpu.memory_space<vmem>>, %arg5: memref<128x32xf32, #tpu.memory_space<vmem>>, %arg6: memref<1000x512xf32, #tpu.memory_space<vmem>>, %arg7: memref<1000x512xf32, #tpu.memory_space<vmem>>, %arg8: memref<1000x512xf32, #tpu.memory_space<vmem>>, %arg9: memref<1000x32xf32, #tpu.memory_space<vmem>>) attributes {dimension_semantics = [#tpu.dimension_semantics<arbitrary>], iteration_bounds = array<i64: 10>, scalar_prefetch = 0 : i64, scratch_operands = 0 : i64, tpu.core_type = #tpu.core_type<tc>, window_params = [{transform_indices = @transform_0, window_bounds = array<i64: 1000, 128>}, {pipeline_mode = #tpu.pipeline_mode<synchronous>, transform_indices = @transform_1, window_bounds = array<i64: 128, 512>}, {pipeline_mode = #tpu.pipeline_mode<synchronous>, transform_indices = @transform_2, window_bounds = array<i64: 128, 512>}, {pipeline_mode = #tpu.pipeline_mode<synchronous>, transform_indices = @transform_3, window_bounds = array<i64: 128, 512>}, {pipeline_mode = #tpu.pipeline_mode<synchronous>, transform_indices = @transform_4, window_bounds = array<i64: 128, 32>}, {transform_indices = @transform_5, window_bounds = array<i64: 1000, 512>}, {transform_indices = @transform_6, window_bounds = array<i64: 1000, 512>}, {transform_indices = @transform_7, window_bounds = array<i64: 1000, 512>}, {transform_indices = @transform_8, window_bounds = array<i64: 1000, 32>}]} {
    %get3A = arith.constant 0 : index
    %get3A_0 = arith.constant 0 : index
    %get3A_1 = vector.load %arg1[%get3A, %get3A_0] : memref<1000x128xf32, #tpu.memory_space<vmem>>, vector<1000x128xf32>
    %get3A_2 = arith.constant 0 : index
    %get3A_3 = arith.constant 0 : index
    %get3A_4 = vector.load %arg2[%get3A_2, %get3A_3] : memref<128x512xf32, #tpu.memory_space<vmem>>, vector<128x512xf32>
    %dot_general3A = arith.constant dense<0.000000e+00> : vector<1000x512xf32>
    %dot_general3A_5 = tpu.matmul %get3A_1, %get3A_4, %dot_general3A {dimension_numbers = #tpu.dot_dimension_numbers<[1], [0], [0], [1], [0, 0, 1, 1], [], []>, transpose_lhs_hint = false} : vector<1000x128xf32>, vector<128x512xf32>, vector<1000x512xf32> -> vector<1000x512xf32>
    %swap3A = arith.constant 0 : index
    %swap3A_6 = arith.constant 0 : index
    %swap3A_7 = vector.load %arg6[%swap3A, %swap3A_6] : memref<1000x512xf32, #tpu.memory_space<vmem>>, vector<1000x512xf32>
    tpu.vector_store %arg6[%swap3A, %swap3A_6], %dot_general3A_5 {strides = array<i32>} : memref<1000x512xf32, #tpu.memory_space<vmem>>, vector<1000x512xf32>,
    %get3A_8 = arith.constant 0 : index
    %get3A_9 = arith.constant 0 : index
    %get3A_10 = vector.load %arg3[%get3A_8, %get3A_9] : memref<128x512xf32, #tpu.memory_space<vmem>>, vector<128x512xf32>
    %dot_general3A_11 = arith.constant dense<0.000000e+00> : vector<1000x512xf32>
    %dot_general3A_12 = tpu.matmul %get3A_1, %get3A_10, %dot_general3A_11 {dimension_numbers = #tpu.dot_dimension_numbers<[1], [0], [0], [1], [0, 0, 1, 1], [], []>, transpose_lhs_hint = false} : vector<1000x128xf32>, vector<128x512xf32>, vector<1000x512xf32> -> vector<1000x512xf32>
    %swap3A_13 = arith.constant 0 : index
    %swap3A_14 = arith.constant 0 : index
    %swap3A_15 = vector.load %arg7[%swap3A_13, %swap3A_14] : memref<1000x512xf32, #tpu.memory_space<vmem>>, vector<1000x512xf32>
    tpu.vector_store %arg7[%swap3A_13, %swap3A_14], %dot_general3A_12 {strides = array<i32>} : memref<1000x512xf32, #tpu.memory_space<vmem>>, vector<1000x512xf32>,
    %get3A_16 = arith.constant 0 : index
    %get3A_17 = arith.constant 0 : index
    %get3A_18 = vector.load %arg4[%get3A_16, %get3A_17] : memref<128x512xf32, #tpu.memory_space<vmem>>, vector<128x512xf32>
    %dot_general3A_19 = arith.constant dense<0.000000e+00> : vector<1000x512xf32>
    %dot_general3A_20 = tpu.matmul %get3A_1, %get3A_18, %dot_general3A_19 {dimension_numbers = #tpu.dot_dimension_numbers<[1], [0], [0], [1], [0, 0, 1, 1], [], []>, transpose_lhs_hint = false} : vector<1000x128xf32>, vector<128x512xf32>, vector<1000x512xf32> -> vector<1000x512xf32>
    %swap3A_21 = arith.constant 0 : index
    %swap3A_22 = arith.constant 0 : index
    %swap3A_23 = vector.load %arg8[%swap3A_21, %swap3A_22] : memref<1000x512xf32, #tpu.memory_space<vmem>>, vector<1000x512xf32>
    tpu.vector_store %arg8[%swap3A_21, %swap3A_22], %dot_general3A_20 {strides = array<i32>} : memref<1000x512xf32, #tpu.memory_space<vmem>>, vector<1000x512xf32>,
    %get3A_24 = arith.constant 0 : index
    %get3A_25 = arith.constant 0 : index
    %get3A_26 = vector.load %arg5[%get3A_24, %get3A_25] : memref<128x32xf32, #tpu.memory_space<vmem>>, vector<128x32xf32>
    %dot_general3A_27 = arith.constant dense<0.000000e+00> : vector<1000x32xf32>
    %dot_general3A_28 = tpu.matmul %get3A_1, %get3A_26, %dot_general3A_27 {dimension_numbers = #tpu.dot_dimension_numbers<[1], [0], [0], [1], [0, 0, 1, 1], [], []>, transpose_lhs_hint = false} : vector<1000x128xf32>, vector<128x32xf32>, vector<1000x32xf32> -> vector<1000x32xf32>
    %swap3A_29 = arith.constant 0 : index
    %swap3A_30 = arith.constant 0 : index
    %swap3A_31 = vector.load %arg9[%swap3A_29, %swap3A_30] : memref<1000x32xf32, #tpu.memory_space<vmem>>, vector<1000x32xf32>
    tpu.vector_store %arg9[%swap3A_29, %swap3A_30], %dot_general3A_28 {strides = array<i32>} : memref<1000x32xf32, #tpu.memory_space<vmem>>, vector<1000x32xf32>,
    return
  }
  func.func @transform_0(%arg0: i32) -> (i32, i32) {
    %c0_i32 = arith.constant 0 : i32
    %c0_i32_0 = arith.constant 0 : i32
    return %arg0, %c0_i32 : i32, i32
  }
  func.func @transform_1(%arg0: i32) -> (i32, i32) {
    %c0_i32 = arith.constant 0 : i32
    %c0_i32_0 = arith.constant 0 : i32
    %c0_i32_1 = arith.constant 0 : i32
    return %c0_i32, %c0_i32_0 : i32, i32
  }
  func.func @transform_2(%arg0: i32) -> (i32, i32) {
    %c0_i32 = arith.constant 0 : i32
    %c0_i32_0 = arith.constant 0 : i32
    %c0_i32_1 = arith.constant 0 : i32
    return %c0_i32, %c0_i32_0 : i32, i32
  }
  func.func @transform_3(%arg0: i32) -> (i32, i32) {
    %c0_i32 = arith.constant 0 : i32
    %c0_i32_0 = arith.constant 0 : i32
    %c0_i32_1 = arith.constant 0 : i32
    return %c0_i32, %c0_i32_0 : i32, i32
  }
  func.func @transform_4(%arg0: i32) -> (i32, i32) {
    %c0_i32 = arith.constant 0 : i32
    %c0_i32_0 = arith.constant 0 : i32
    %c0_i32_1 = arith.constant 0 : i32
    return %c0_i32, %c0_i32_0 : i32, i32
  }
  func.func @transform_5(%arg0: i32) -> (i32, i32) {
    %c0_i32 = arith.constant 0 : i32
    %c0_i32_0 = arith.constant 0 : i32
    return %arg0, %c0_i32 : i32, i32
  }
  func.func @transform_6(%arg0: i32) -> (i32, i32) {
    %c0_i32 = arith.constant 0 : i32
    %c0_i32_0 = arith.constant 0 : i32
    return %arg0, %c0_i32 : i32, i32
  }
  func.func @transform_7(%arg0: i32) -> (i32, i32) {
    %c0_i32 = arith.constant 0 : i32
    %c0_i32_0 = arith.constant 0 : i32
    return %arg0, %c0_i32 : i32, i32
  }
  func.func @transform_8(%arg0: i32) -> (i32, i32) {
    %c0_i32 = arith.constant 0 : i32
    %c0_i32_0 = arith.constant 0 : i32
    return %arg0, %c0_i32 : i32, i32
  }
}

module attributes {stable_mosaic.version = 14 : i64} {
  func.func @body(%arg0: i32, %arg1: memref<1000x32xf32, #tpu.memory_space<vmem>>, %arg2: memref<1000x32xf32, #tpu.memory_space<vmem>>, %arg3: memref<1000x32xf32, #tpu.memory_space<vmem>>, %arg4: memref<1x32xf32, #tpu.memory_space<vmem>>, %arg5: memref<1000x32xf32, #tpu.memory_space<vmem>>) attributes {dimension_semantics = [#tpu.dimension_semantics<arbitrary>], iteration_bounds = array<i64: 10>, scalar_prefetch = 0 : i64, scratch_operands = 0 : i64, tpu.core_type = #tpu.core_type<tc>, window_params = [{transform_indices = @transform_0, window_bounds = array<i64: 1000, 32>}, {transform_indices = @transform_1, window_bounds = array<i64: 1000, 32>}, {transform_indices = @transform_2, window_bounds = array<i64: 1000, 32>}, {pipeline_mode = #tpu.pipeline_mode<synchronous>, transform_indices = @transform_3, window_bounds = array<i64: 1, 32>}, {transform_indices = @transform_4, window_bounds = array<i64: 1000, 32>}]} {
    %get3A = arith.constant 0 : index
    %get3A_0 = arith.constant 0 : index
    %get3A_1 = vector.load %arg1[%get3A, %get3A_0] : memref<1000x32xf32, #tpu.memory_space<vmem>>, vector<1000x32xf32>
    %get3A_2 = arith.constant 0 : index
    %get3A_3 = arith.constant 0 : index
    %get3A_4 = vector.load %arg2[%get3A_2, %get3A_3] : memref<1000x32xf32, #tpu.memory_space<vmem>>, vector<1000x32xf32>
    %add3A = arith.addf %get3A_1, %get3A_4 : vector<1000x32xf32>
    %mul3A = arith.constant 6.250000e-02 : f32
    %mul3A_5 = vector.broadcast %mul3A : f32 to vector<1000x32xf32>
    %mul3A_6 = arith.mulf %add3A, %mul3A_5 : vector<1000x32xf32>
    %get3A_7 = arith.constant 0 : index
    %get3A_8 = arith.constant 0 : index
    %get3A_9 = vector.load %arg4[%get3A_7, %get3A_8] : memref<1x32xf32, #tpu.memory_space<vmem>>, vector<1x32xf32>
    %add3A_10 = vector.broadcast %get3A_9 : vector<1x32xf32> to vector<1000x32xf32>
    %add3A_11 = arith.addf %mul3A_6, %add3A_10 : vector<1000x32xf32>
    %max3A = arith.constant 0.000000e+00 : f32
    %max3A_12 = vector.broadcast %max3A : f32 to vector<1000x32xf32>
    %max3A_13 = arith.maximumf %add3A_11, %max3A_12 : vector<1000x32xf32>
    %get3A_14 = arith.constant 0 : index
    %get3A_15 = arith.constant 0 : index
    %get3A_16 = vector.load %arg3[%get3A_14, %get3A_15] : memref<1000x32xf32, #tpu.memory_space<vmem>>, vector<1000x32xf32>
    %add3A_17 = arith.addf %max3A_13, %get3A_16 : vector<1000x32xf32>
    %swap3A = arith.constant 0 : index
    %swap3A_18 = arith.constant 0 : index
    %swap3A_19 = vector.load %arg5[%swap3A, %swap3A_18] : memref<1000x32xf32, #tpu.memory_space<vmem>>, vector<1000x32xf32>
    tpu.vector_store %arg5[%swap3A, %swap3A_18], %add3A_17 {strides = array<i32>} : memref<1000x32xf32, #tpu.memory_space<vmem>>, vector<1000x32xf32>,
    return
  }
  func.func @transform_0(%arg0: i32) -> (i32, i32) {
    %c0_i32 = arith.constant 0 : i32
    %c0_i32_0 = arith.constant 0 : i32
    return %arg0, %c0_i32 : i32, i32
  }
  func.func @transform_1(%arg0: i32) -> (i32, i32) {
    %c0_i32 = arith.constant 0 : i32
    %c0_i32_0 = arith.constant 0 : i32
    return %arg0, %c0_i32 : i32, i32
  }
  func.func @transform_2(%arg0: i32) -> (i32, i32) {
    %c0_i32 = arith.constant 0 : i32
    %c0_i32_0 = arith.constant 0 : i32
    return %arg0, %c0_i32 : i32, i32
  }
  func.func @transform_3(%arg0: i32) -> (i32, i32) {
    %c0_i32 = arith.constant 0 : i32
    %c0_i32_0 = arith.constant 0 : i32
    %c0_i32_1 = arith.constant 0 : i32
    return %c0_i32, %c0_i32_0 : i32, i32
  }
  func.func @transform_4(%arg0: i32) -> (i32, i32) {
    %c0_i32 = arith.constant 0 : i32
    %c0_i32_0 = arith.constant 0 : i32
    return %arg0, %c0_i32 : i32, i32
  }
}

</mosaic_0001>

<sc_bundles>
// kernel: kernel.6.cloned.1.call-start
scs
__scs_entry_jumppad:
0x0: {  	(pc) =	sbr.rel $0x88, $3  }
0x1: {  	(tag) =	ssettag $0x0;
	lr =	simm.s32 $0x1  }
0x2: {  	[smem:$0x3F98] =	sst lr;
	_ =	strace $0xD0000000  }
0x3: {  	_ = 	snop  }
0x4: {  	_ = 	snop  }
0x5: {  	_ = 	snop  }
0x6: {  	_ = 	snop  }
0x7: {  	_ = 	snop  }
__scs_overlays_trampoline_lowered:
0x8: {  	[smem:$0x3FA7] =	sst s0  }
0x9: {  	[smem:$0x3FA8] =	sst s1  }
0xa: {  	[smem:$0x3FA9] =	sst s2  }
0xb: {  	[smem:$0x3FAA] =	sst s3  }
0xc: {  	[smem:$0x3FAB] =	sst s4  }
0xd: {  	[smem:$0x3FAC] =	sst s5  }
0xe: {  	[smem:$0x3FAD] =	sst s6  }
0xf: {  	[smem:$0x3FAE] =	sst s7  }
0x10: {  	[smem:$0x3FAF] =	sst s8  }
0x11: {  	[smem:$0x3FB0] =	sst s9;
	s0 =	simm.s32 @!p0 $0x0  }
0x12: {  	s1 =	sld [smem:$0x3F96];
	s0 =	simm.s32 @p0 $0x1  }
0x13: {  	[smem:$0x3FB1] =	sst s0;
	s0 =	simm.s32 @!p1 $0x0  }
0x14: {  	s2 =	sld [smem:$0x3F95];
	s0 =	simm.s32 @p1 $0x1  }
0x15: {  	[smem:$0x3FB2] =	sst s0;
	s0 =	simm.s32 @!p2 $0x0  }
0x16: {  	s3 =	sld [smem:$0x3FDB];
	s0 =	simm.s32 @p2 $0x1  }
0x17: {  	s4 =	simm.s32 $0x1BF5;
	[smem:$0x3FB4] =	sst s0  }
0x18: {  	s0 =	sld [smem:$0x3F97];
	_ =	swait.ge [sflag:s4], $0x0  }
0x19: {  	s7 =	sld [smem:$0x3F98]  }
0x1a: {  	s8 =	sadd.s32 $0xFFFFE003, lr  }
0x1b: {  	s9 =	sadd.s32 $0xFFFFFEF7, lr;
	s5 =	simm.s32 $0xFFFFFFFF;
	p2 =	slt.u32 s8, $0xFFFFF086  }
0x1c: {  	p1 =	slt.u32 s9, $0xF7A;
	s5 =	simm.s32 @!p2 $0x0  }
0x1d: {  	s5 =	simm.s32 @p1 $0x1;
	p0 =	seq.s32 s7, s2  }
0x1e: {  	s7 =	smul.u32 @!p0 $0xF7A, s2;
	p2 =	seq.s32 @!p0 s5, $0x0  }
0x1f: {  	s9 =	smul.u32 $0xF7A, s1;
	s8 =	simm.s32 @!p0 $0x1BF5;
	p2 =	por !p2, p0  }
0x20: {  	[sflag:s8] =	ssyncset.s32 @!p0 $0xFFFFF086;
	s6 =	sadd.s32 @!p0 s3, s7;
	s7 =	simm.s32 @!p0 $0x108  }
0x21: {  	s3 =	sadd.s32 s3, s9;
	s6 =	sadd.s32 @!p0 $0x88, s6;
	s7 =	simm.s32 @p2 $0x1082  }
0x22: {  	[simem:s7], [sflag:s8] =	dma.local @!p0 [hbm:s6], $0xF7A  }
0x23: {  	s9 =	sor.u32 $0xD0000000, s2;
	s6 =	simm.s32 $0x108;
	_ =	swait.ge @!p0 [sflag:s8], $0x0  }
0x24: {  	s3 =	sadd.s32 $0x88, s3;
	s6 =	simm.s32 @!p1 $0x1082;
	[sflag:s4] =	ssyncset.s32 $0xFFFFF086  }
0x25: {  	[simem:s6], [sflag:s4] =	dma.local [hbm:s3], $0xF7A  }
0x26: {  	[smem:$0x3F98] =	sst s1;
	(tag) =	ssettag s2;
	_ =	strace s9  }
0x27: {  	s1 =	sld [smem:$0x3FA8]  }
0x28: {  	s2 =	sld [smem:$0x3FA9]  }
0x29: {  	s4 =	sld [smem:$0x3FAB]  }
0x2a: {  	p0 =	seq.s32 s5, $0x0;
	s5 =	sld [smem:$0x3FAC]  }
0x2b: {  	s6 =	sld [smem:$0x3FAD]  }
0x2c: {  	s7 =	sld [smem:$0x3FAE]  }
0x2d: {  	s3 =	simm.s32 $0x108;
	s8 =	sld [smem:$0x3FAF]  }
0x2e: {  	s3 =	simm.s32 @!p0 $0x1082;
	s9 =	sld [smem:$0x3FB0]  }
0x2f: {  	lr =	sadd.s32 s0, s3;
	s0 =	sld [smem:$0x3FA7]  }
0x30: {  	s3 =	sld [smem:$0x3FAA]  }
0x31: {  	[smem:$0x3FB3] =	sst s10  }
0x32: {  	s10 =	sld [smem:$0x3FB1];
	_ =	sdelay $0x3  }
0x33: {  	p0 =	seq.s32 s10, $0x1;
	s10 =	sld [smem:$0x3FB3];
	_ =	sdelay $0x3  }
0x34: {  	[smem:$0x3FB3] =	sst s10  }
0x35: {  	s10 =	sld [smem:$0x3FB2];
	_ =	sdelay $0x3  }
0x36: {  	p1 =	seq.s32 s10, $0x1;
	s10 =	sld [smem:$0x3FB3];
	_ =	sdelay $0x3  }
0x37: {  	[smem:$0x3FB3] =	sst s10  }
0x38: {  	s10 =	sld [smem:$0x3FB4]  }
0x39: {  	_ = 	snop;
	(pc) =	sbr.ind lr, $3  }
0x3a: {  	_ = 	snop  }
0x3b: {  	_ = 	snop  }
0x3c: {  	p2 =	seq.s32 s10, $0x1;
	s10 =	sld [smem:$0x3FB3]  }
0x3d: {  	_ =	shalt  }
0x3e: {  	_ =	shalt  }
0x3f: {  	_ =	shalt  }
0x40: {  	_ =	shalt  }
0x41: {  	_ =	shalt  }
0x42: {  	_ =	shalt  }
0x43: {  	_ =	shalt  }
0x44: {  	_ =	shalt  }
0x45: {  	_ =	shalt  }
0x46: {  	_ =	shalt  }
0x47: {  	_ =	shalt  }
0x48: {  	_ =	shalt  }
0x49: {  	_ =	shalt  }
0x4a: {  	_ =	shalt  }
0x4b: {  	_ =	shalt  }
0x4c: {  	_ =	shalt  }
0x4d: {  	_ =	shalt  }
0x4e: {  	_ =	shalt  }
0x4f: {  	_ =	shalt  }
0x50: {  	_ =	shalt  }
0x51: {  	_ =	shalt  }
0x52: {  	_ =	shalt  }
0x53: {  	_ =	shalt  }
0x54: {  	_ =	shalt  }
0x55: {  	_ =	shalt  }
0x56: {  	_ =	shalt  }
0x57: {  	_ =	shalt  }
0x58: {  	_ =	shalt  }
0x59: {  	_ =	shalt  }
0x5a: {  	_ =	shalt  }
0x5b: {  	_ =	shalt  }
0x5c: {  	_ =	shalt  }
0x5d: {  	_ =	shalt  }
0x5e: {  	_ =	shalt  }
0x5f: {  	_ =	shalt  }
0x60: {  	_ =	shalt  }
0x61: {  	_ =	shalt  }
0x62: {  	_ =	shalt  }
0x63: {  	_ =	shalt  }
0x64: {  	_ =	shalt  }
0x65: {  	_ =	shalt  }
0x66: {  	_ =	shalt  }
0x67: {  	_ =	shalt  }
0x68: {  	_ =	shalt  }
0x69: {  	_ =	shalt  }
0x6a: {  	_ =	shalt  }
0x6b: {  	_ =	shalt  }
0x6c: {  	_ =	shalt  }
0x6d: {  	_ =	shalt  }
0x6e: {  	_ =	shalt  }
0x6f: {  	_ =	shalt  }
0x70: {  	_ =	shalt  }
0x71: {  	_ =	shalt  }
0x72: {  	_ =	shalt  }
0x73: {  	_ =	shalt  }
0x74: {  	_ =	shalt  }
0x75: {  	_ =	shalt  }
0x76: {  	_ =	shalt  }
0x77: {  	_ =	shalt  }
0x78: {  	_ =	shalt  }
0x79: {  	_ =	shalt  }
0x7a: {  	_ =	shalt  }
0x7b: {  	_ =	shalt  }
0x7c: {  	_ =	shalt  }
0x7d: {  	_ =	shalt  }
0x7e: {  	_ =	shalt  }
0x7f: {  	_ =	shalt  }
0x80: {  	_ =	shalt  }
0x81: {  	_ =	shalt  }
0x82: {  	_ =	shalt  }
0x83: {  	_ =	shalt  }
0x84: {  	_ =	shalt  }
0x85: {  	_ =	shalt  }
0x86: {  	_ =	shalt  }
0x87: {  	_ =	shalt  }
.Lfunc_end0:
.L_simem_size_0:
called_computation_lowered:
.L_overlay_start_0:
0x88: {  	s2 =	sld [smem:$0x3FD9]  }
0x89: {  	s3 =	sld [smem:$0x3FFE];
	_ =	sdelay $0x1  }
0x8a: {  	s1 =	srdreg.scid  }
0x8b: {  	s0 =	sand.u32 $0x1, s1  }
0x8c: {  	s14 =	sshll.u32 s0, $0xA;
	s2 =	sadd.s32 s3, s2  }
0x8d: {  	s2 =	sadd.s32 s2, s14  }
0x8e: {  	[smem:$0x3FBF] =	sst s2  }
0x8f: {  	_ = 	snop  }
0x90: {  	s2 =	sld [smem:$0x3FD0];
	_ =	sdelay $0x2  }
0x91: {  	s15 =	simm.s32 $0xA;
	s4 =	simm.s32 $0x10  }
0x92: {  	[smem:s4], [sflag:s15] =	dma.local [hbm:s2], $0x1  }
0x93: {  	_ =	swait.eq [sflag:s15], $0x1  }
0x94: {  	s16 =	sld [smem:$0x11];
	[sflag:s15] =	ssyncset.done $0x0  }
0x95: {  	s17 =	sld [smem:$0x12];
	[sflag:s15] =	ssyncadd.s32 $0xFFFFFFFF  }
0x96: {  	s18 =	sld [smem:$0x13];
	(tm) =	ssettm $0x1  }
0x97: {  	s5 =	sld [smem:$0x3FFB];
	_ =	sdelay $0x3  }
0x98: {  	_ =	strace s5  }
0x99: {  	s5 =	sld [smem:$0x3FFC];
	_ =	sdelay $0x3  }
0x9a: {  	_ =	strace s5  }
0x9b: {  	s5 =	sld [smem:$0x3FFD];
	_ =	sdelay $0x3  }
0x9c: {  	_ =	strace s5  }
0x9d: {  	_ =	strace $0x8FFFFFFF  }
0x9e: {  	s19 =	sld [smem:$0x3FDB];
	_ =	sdelay $0x1  }
0x9f: {  	s6 =	simm.s32 $_scs_section_size  }
0xa0: {  	s7 =	simm.s32 $_size__tile_overlayer_lowered;
	s8 =	simm.s32 $_tile_overlayer_lowered  }
0xa1: {  	s22 =	simm.s32 $0x1BFF;
	s21 =	sshll.u32 s8, $0x1;
	s5 =	sadd.s32 s6, s19  }
0xa2: {  	s9 =	simm.s32 $0x0;
	s20 =	sshll.u32 s7, $0x1;
	s7 =	sadd.s32 s21, s5  }
0xa3: {  	[timem:s9], [sflag:s22] =	dma.local [hbm:s7], s20  }
0xa4: {  	_ =	swait.ge [sflag:s22], s20  }
0xa5: {  	s6 =	ssub.s32 $0x0, s20;
	[sflag:s22] =	ssyncset.done $0x0  }
0xa6: {  	[sflag:s22] =	ssyncadd.s32 s6;
	_ =	sdelay $0x1  }
0xa7: {  	s23 =	simm.s32 $0x1B8B  }
0xa8: {  	_ =	swait.ge [sflag:s23], $0x1  }
0xa9: {  	[sflag:s23] =	ssyncset.done $0x0  }
0xaa: {  	s25 =	simm.s32 $0x1B8E;
	s24 =	sld [smem:$0x3FFE];
	[sflag:s23] =	ssyncadd.s32 $0xFFFFFFFF  }
0xab: {  	s26 =	simm.s32 $execute0_lowered;
	[smem:$0x3FD2] =	sst s25  }
0xac: {  	s7 =	sshll.u32 s26, $0x1;
	_ =	strace $0x80000046;
	[dreg:$0x1] =	wrdreg $0xFFFFFFFF  }
0xad: {  	s28 =	simm.s32 $_size_execute0_lowered;
	s5 =	sadd.s32 s5, s7;
	[dreg:$0x0] =	wrdreg $0x0  }
0xae: {  	s7 =	sshll.u32 s28, $0x1;
	[dreg:$0x2] =	wrdreg s5  }
0xaf: {  	[dreg:$0x3] =	wrdreg s7  }
0xb0: {  	[dreg:$0x4] =	wrdreg $0xC0  }
0xb1: {  	_ =	task [dreg:s9], $0x5FFFF  }
0xb2: {  	[dreg:$0x1] =	wrdreg $0xFFFFFFFF  }
0xb3: {  	[dreg:$0x0] =	wrdreg $0x60  }
0xb4: {  	[dreg:$0x2] =	wrdreg s24  }
0xb5: {  	[dreg:$0x3] =	wrdreg s18  }
0xb6: {  	[dreg:$0x4] =	wrdreg s17  }
0xb7: {  	[dreg:$0x5] =	wrdreg s16  }
0xb8: {  	[dreg:$0x6] =	wrdreg $0x193100  }
0xb9: {  	[dreg:$0x7] =	wrdreg $0x9  }
0xba: {  	_ =	task.clear_ibuf [dreg:s9], $0x8FFFF;
	_ =	strace $0x90000046  }
0xbb: {  	s29 =	simm.s32 $0x9;
	_ =	strace $0x80000048  }
0xbc: {  	_ =	swait.ge [sflag:s29], $0x1  }
0xbd: {  	[sflag:s29] =	ssyncadd.s32 $0xFFFFFFFF  }
0xbe: {  	_ =	strace $0x90000048  }
0xbf: {  	_ =	sfence  }
0xc0: {  	s30 =	sld [smem:$0x0];
	_ =	sdelay $0x2  }
0xc1: {  	s31 =	sshll.u32 s1, $0xD;
	s1 =	sshrl.u32 s1, $0x2  }
0xc2: {  	s3 =	sand.u32 $0x4000, s31;
	s1 =	sadd.s32 s1, s30  }
0xc3: {  	s0 =	sor.u32 s3, s0;
	s1 =	sshll.u32 s1, $0x11  }
0xc4: {  	s0 =	sor.u32 s1, s0  }
0xc5: {  	s0 =	sadd.s32 $0x8F2B, s0  }
0xc6: {  	[sflag:s0] =	ssyncadd.remote.s32 $0x1  }
0xc7: {  	_ =	sfence.sel $0xFFFF  }
0xc8: {  	[dreg:$0x0] =	wrdreg $0xFFFFFFFF;
	(pc) =	sbr.abs _section_cstart, $3  }
0xc9: {  	[dreg:$0x1] =	wrdreg $0xFFFFFFFF  }
0xca: {  	_ =	task.clear_ibuf [dreg:s9], $0x2FFFF;
	_ =	strace $0x9FFFFFFF  }
0xcb: {  	(tm) =	ssettm $0x7FFFFFFF  }
tec
execute0_lowered:
.L_overlay_start_1:
0x0: {  	(tag) =	ssettag $0x1  }
0x1: {  	s0 =	rddreg [dreg:$0x0]  }
0x2: {  	s1 =	rddreg [dreg:$0x2]  }
0x3: {  	s3 =	rddreg [dreg:$0x3]  }
0x4: {  	s2 =	srdreg.scid;
	s4 =	rddreg [dreg:$0x4]  }
0x5: {  	s15 =	stileid.u32;
	s5 =	simm.s32 $0x0;
	s16 =	simm.s32 $0x5  }
0x6: {  	s19 =	simm.s32 $0x28;
	s20 =	simm.s32 $0x2710;
	s21 =	simm.s32 $0xC710  }
0x7: {  	s22 =	simm.s32 $0x1;
	s23 =	simm.s32 $0x3;
	s24 =	simm.s32 $0x7710  }
0x8: {  	s25 =	simm.s32 $0x11710;
	s28 =	simm.s32 $0x4;
	s29 =	simm.s32 $0x16710  }
0x9: {  	s31 =	simm.s32 $0x0;
	s2 =	sand.u32 $0x1, s2;
	[smem:$0x7FF] =	sst s5  }
0xa: {  	s7 =	sadd.s32 $0x1D9800, s0;
	s8 =	sadd.s32 $0x4C00, s0;
	s6 =	sshll.u32 s2, $0x4  }
0xb: {  	s11 =	ssub.s32 $0x2, s2;
	s9 =	sor.u32 s15, s6;
	s15 =	smul.u32 $0x2780, s15  }
0xc: {  	_ =	strace $0x80000047;
	s12 =	sshrl.u32 s11, $0x1;
	s6 =	smul.u32 $0x1388, s9  }
0xd: {  	p0 =	seq.s32 s2, $0x1;
	s13 =	smul.u32 $0x13880, s9;
	s14 =	ssub.s32 s11, s12  }
0xe: {  	s11 =	sadd.s32 s15, s4;
	s30 =	sshrl.u32 s15, $0x3;
	s10 =	sshrl.u32 s6, $0x3  }
0xf: {  	s26 =	sshrl.u32 s13, $0x3;
	s13 =	smax.u32 s14, $0x1;
	s10 =	sadd.s32 s10, s0  }
0x10: {  	s0 =	sadd.s32 $0xAB000, s0;
	s12 =	sadd.s32 s1, s26;
	s26 =	simm.s32 $0x2  }
0x11: {  	s9 =	sadd.s32 $0xA6000, s10;
	s10 =	sadd.s32 $0xA1000, s10;
	s3 =	smov.u32 @p0 s0  }
0x12: {  	v0 =	vimm.f32 $0.0e+00;
	s12 =	sadd.s32 $0x26C0, s12;
	s14 =	sadd.s32 s3, s30;
	s3 =	simm.s32 $0x1388  }
.LBB2_1:
0x13: {  	s0 =	rddreg [dreg:$0x1];
	s2 =	simm.s32 $0x16990  }
0x14: {  	[tilespmem:s2], [sflag:$0x5] =	stream.linear.gather [hbm4b:s0+s5], $0x200, $0x38;
	[tilespmem:$0x1BA90] =	vst v63  }
0x15: {  	_ =	swait.ge [sflag:s16], $0x200  }
0x16: {  	[sflag:s16] =	ssyncset.done $0x0  }
0x17: {  	[sflag:s16] =	ssyncadd.s32 $0xFFFFFE00  }
0x18: {  	[tilespmem:s5], [sflag:$0x5] =	stream.linear.gather [hbm4b:s9+s5], $0x1388, $0x38;
	[tilespmem:$0x1BA90] =	vst v63  }
0x19: {  	_ =	swait.ge [sflag:s16], $0x1388  }
0x1a: {  	[sflag:s16] =	ssyncset.done $0x0  }
0x1b: {  	[sflag:s16] =	ssyncadd.s32 $0xFFFFEC78  }
0x1c: {  	[tilespmem:s3], [sflag:$0x5] =	stream.linear.gather [hbm4b:s10+s5], $0x1388, $0x38;
	[tilespmem:$0x1BA90] =	vst v63  }
0x1d: {  	_ =	swait.ge [sflag:s16], $0x1388  }
0x1e: {  	[sflag:s16] =	ssyncset.done $0x0  }
0x1f: {  	s0 =	simm.s32 $0x40;
	s2 =	simm.s32 $0x0;
	[sflag:s16] =	ssyncadd.s32 $0xFFFFEC78  }
.LBB2_2:
0x20: {  	p0 =	sne.s32 s0, $0x9DC0;
	[tilespmem:s2+$0x16B90] =	vst v0;
	s2 =	smov.u32 s0;
	s0 =	sadd.s32 $0x40, s0  }
.Ltmp0:
0x21: {  	(pc) =	sbr.rel @p0 .LBB2_2-.Ltmp0, $2  }
0x22: {  	_ =	sdelay $0x2  }
0x23: {  	s2 =	sshra.s32 s2, $0x2  }
0x24: {  	[tilespmem:s2+$0x16B90] =	vst v0;
	s0 =	simm.s32 $0x16B90  }
0x25: {  	[spmem:s11] =	stream.linear.scatter [tilespmem:s0], [sflag:$0x5], $0x2780, $0x38;
	[tilespmem:$0x1BA90] =	vst v63  }
0x26: {  	_ =	swait.ge [sflag:s16], $0x2780  }
0x27: {  	[sflag:s16] =	ssyncset.done $0x0  }
0x28: {  	[sflag:s16] =	ssyncadd.s32 $0xFFFFD880  }
0x29: {  	s2 =	simm.s32 $0x0;
	[bflag:$0x0] =	sbarrier.arrive $0xFFFF  }
0x2a: {  	[tilespmem:s20], [sflag:$0x1] =	stream.indirect.gather [hbm4b:s7+s19], $0x200, s2, s19, $0xb8;
	[tilespmem:$0x1BA90] =	vst v63  }
0x2b: {  	_ = 	snop  }
0x2c: {  	[tilespmem:s21], [sflag:$0x3] =	stream.indirect.gather [hbm4b:s8+s19], $0x200, s3, s19, $0xb8;
	[tilespmem:$0x1BA90] =	vst v63  }
.LBB2_4:
0x2d: {  	_ =	swait.ge [sflag:s22], $0x5000  }
0x2e: {  	[sflag:s22] =	ssyncset.done $0x0  }
0x2f: {  	[sflag:s22] =	ssyncadd.s32 $0xFFFFB000  }
0x30: {  	s18 =	smul.u32 $0x50, s2;
	_ =	swait.ge [sflag:s23], $0x5000  }
0x31: {  	[sflag:s23] =	ssyncset.done $0x0  }
0x32: {  	s15 =	sadd.s32 $0x28, s18;
	[sflag:s23] =	ssyncadd.s32 $0xFFFFB000  }
0x33: {  	[tilespmem:s24], [sflag:$0x2] =	stream.indirect.gather [hbm4b:s7+s19], $0x200, s15, s19, $0xb8;
	[tilespmem:$0x1BA90] =	vst v63  }
0x34: {  	s3 =	simm.s32 $0x16710;
	s30 =	simm.s32 $0x0;
	s0 =	sadd.s32 $0x13B0, s18  }
0x35: {  	[tilespmem:s25], [sflag:$0x4] =	stream.indirect.gather [hbm4b:s8+s19], $0x200, s0, s19, $0xb8;
	[tilespmem:$0x1BA90] =	vst v63  }
.LBB2_5:
0x36: {  	v3 =	vld [tilespmem:$0x16990]  }
0x37: {  	v6 =	vld [tilespmem:$0x169A0]  }
0x38: {  	v9 =	vld [tilespmem:$0x169B0]  }
0x39: {  	v12 =	vld [tilespmem:$0x169C0]  }
0x3a: {  	v15 =	vld [tilespmem:$0x169D0]  }
0x3b: {  	v18 =	vld [tilespmem:$0x169E0]  }
0x3c: {  	v21 =	vld [tilespmem:$0x169F0]  }
0x3d: {  	v24 =	vld [tilespmem:$0x16A00]  }
0x3e: {  	v27 =	vld [tilespmem:$0x16A10]  }
0x3f: {  	v30 =	vld [tilespmem:$0x16A20]  }
0x40: {  	v33 =	vld [tilespmem:$0x16A30]  }
0x41: {  	v36 =	vld [tilespmem:$0x16A40]  }
0x42: {  	v39 =	vld [tilespmem:$0x16A50]  }
0x43: {  	v42 =	vld [tilespmem:$0x16A60]  }
0x44: {  	s17 =	sshra.s32 s30, $0x2;
	v45 =	vld [tilespmem:$0x16A70]  }
0x45: {  	v1 =	vld [tilespmem:s17+$0x2710]  }
0x46: {  	v2 =	vld [tilespmem:s17+$0xC710]  }
0x47: {  	v4 =	vld [tilespmem:s17+$0x2720]  }
0x48: {  	v5 =	vld [tilespmem:s17+$0xC720]  }
0x49: {  	v7 =	vld [tilespmem:s17+$0x2730]  }
0x4a: {  	v8 =	vld [tilespmem:s17+$0xC730]  }
0x4b: {  	v10 =	vld [tilespmem:s17+$0x2740]  }
0x4c: {  	v11 =	vld [tilespmem:s17+$0xC740]  }
0x4d: {  	v13 =	vld [tilespmem:s17+$0x2750]  }
0x4e: {  	v14 =	vld [tilespmem:s17+$0xC750]  }
0x4f: {  	v16 =	vld [tilespmem:s17+$0x2760]  }
0x50: {  	v17 =	vld [tilespmem:s17+$0xC760]  }
0x51: {  	v19 =	vld [tilespmem:s17+$0x2770]  }
0x52: {  	v20 =	vld [tilespmem:s17+$0xC770]  }
0x53: {  	v22 =	vld [tilespmem:s17+$0x2780]  }
0x54: {  	v23 =	vld [tilespmem:s17+$0xC780]  }
0x55: {  	v25 =	vld [tilespmem:s17+$0x2790]  }
0x56: {  	v26 =	vld [tilespmem:s17+$0xC790]  }
0x57: {  	v28 =	vld [tilespmem:s17+$0x27A0]  }
0x58: {  	v29 =	vld [tilespmem:s17+$0xC7A0]  }
0x59: {  	v31 =	vld [tilespmem:s17+$0x27B0]  }
0x5a: {  	v32 =	vld [tilespmem:s17+$0xC7B0]  }
0x5b: {  	v34 =	vld [tilespmem:s17+$0x27C0]  }
0x5c: {  	v35 =	vld [tilespmem:s17+$0xC7C0]  }
0x5d: {  	v37 =	vld [tilespmem:s17+$0x27D0]  }
0x5e: {  	v38 =	vld [tilespmem:s17+$0xC7D0]  }
0x5f: {  	v40 =	vld [tilespmem:s17+$0x27E0]  }
0x60: {  	v41 =	vld [tilespmem:s17+$0xC7E0]  }
0x61: {  	v43 =	vld [tilespmem:s17+$0x27F0]  }
0x62: {  	v44 =	vld [tilespmem:s17+$0xC7F0]  }
0x63: {  	v46 =	vld [tilespmem:s17+$0xC800]  }
0x64: {  	v48 =	vld [tilespmem:s17+$0x2810]  }
0x65: {  	v1 =	vadd.f32 v2, v1;
	v2 =	vld [tilespmem:s17+$0x2800]  }
0x66: {  	v4 =	vadd.f32 v5, v4;
	v5 =	vld [tilespmem:$0x16A80];
	v7 =	vadd.f32 v8, v7  }
0x67: {  	v8 =	vld [tilespmem:s17+$0xC810];
	v13 =	vadd.f32 v14, v13;
	v16 =	vadd.f32 v17, v16  }
0x68: {  	v14 =	vld [tilespmem:s17+$0x2820];
	v58 =	vadd.f32 v20, v19;
	v61 =	vadd.f32 v23, v22;
	v47 =	vmul.f32 $2.000000030e-01, v1  }
0x69: {  	v17 =	vld [tilespmem:$0x16AA0];
	v63 =	vadd.f32 v26, v25;
	v54 =	vmul.f32 $2.000000030e-01, v4;
	v55 =	vmul.f32 $2.000000030e-01, v7  }
0x6a: {  	v20 =	vld [tilespmem:$0x16AB0];
	v49 =	vadd.f32 v29, v28;
	v57 =	vmul.f32 $2.000000030e-01, v13;
	v59 =	vmul.f32 $2.000000030e-01, v16  }
0x6b: {  	v22 =	vld [tilespmem:$0x16AC0];
	v60 =	vmul.f32 $2.000000030e-01, v58;
	v62 =	vmul.f32 $2.000000030e-01, v61  }
0x6c: {  	v23 =	vld [tilespmem:s17+$0x2850];
	v51 =	vmul.f32 $2.000000030e-01, v63;
	v52 =	vmul.f32 $2.000000030e-01, v49  }
0x6d: {  	v25 =	vld [tilespmem:s17+$0xC860];
	v1 =	vmax.f32 v1, v47;
	v4 =	vmax.f32 v4, v54;
	v7 =	vmax.f32 v7, v55  }
0x6e: {  	v28 =	vld [tilespmem:$0x16AE0];
	v53 =	vmax.f32 v63, v51;
	v54 =	vadd.f32 v32, v31;
	v55 =	vadd.f32 v35, v34  }
0x6f: {  	v26 =	vld [tilespmem:s17+$0xC870];
	v63 =	vadd.f32 v44, v43;
	v1 =	vmul.f32 v1, v3;
	v3 =	vadd.f32 v11, v10  }
0x70: {  	v47 =	vld [tilespmem:s17+$0xC820];
	v4 =	vmul.f32 v4, v6;
	v7 =	vmul.f32 v7, v9;
	v11 =	vmax.f32 v13, v57  }
0x71: {  	v31 =	vld [tilespmem:$0x16AF0];
	v6 =	vmax.f32 v58, v60;
	v57 =	vadd.f32 v38, v37;
	v2 =	vadd.f32 v46, v2  }
0x72: {  	v44 =	vld [tilespmem:s17+$0xC890];
	v8 =	vadd.f32 v8, v48;
	v11 =	vmul.f32 v11, v15;
	v6 =	vmul.f32 v6, v21  }
0x73: {  	v51 =	vld [tilespmem:s17+$0xC8A0];
	v15 =	vmax.f32 v61, v62;
	v58 =	vmul.f32 $2.000000030e-01, v55;
	v56 =	vmul.f32 $2.000000030e-01, v3  }
0x74: {  	v10 =	vld [tilespmem:$0x16A90];
	v1 =	vadd.f32 $0.0e+00, v1;
	v7 =	vadd.f32 $0.0e+00, v7;
	v50 =	vmul.f32 v15, v24  }
0x75: {  	v9 =	vld [tilespmem:s17+$0x2830];
	v4 =	vadd.f32 $0.0e+00, v4;
	v61 =	vmul.f32 $2.000000030e-01, v57;
	v48 =	vmul.f32 $2.000000030e-01, v8  }
0x76: {  	v13 =	vld [tilespmem:s17+$0xC830];
	v3 =	vmax.f32 v3, v56;
	v1 =	vadd.f32 v11, v1;
	v6 =	vadd.f32 v6, v7  }
0x77: {  	v21 =	vld [tilespmem:s17+$0x2860];
	v11 =	vmul.f32 v53, v27;
	v7 =	vmax.f32 v49, v52;
	v56 =	vmul.f32 $2.000000030e-01, v54  }
0x78: {  	v37 =	vld [tilespmem:s17+$0xC880];
	v15 =	vmax.f32 v57, v61;
	v46 =	vadd.f32 v47, v14;
	v3 =	vmul.f32 v3, v12  }
0x79: {  	v24 =	vld [tilespmem:s17+$0xC850];
	v12 =	vmax.f32 v16, v59;
	v7 =	vmul.f32 v7, v30;
	v15 =	vmul.f32 v15, v39  }
0x7a: {  	v49 =	vld [tilespmem:s17+$0x28A0];
	v59 =	vadd.f32 v41, v40;
	v39 =	vmul.f32 $2.000000030e-01, v63;
	v41 =	vmul.f32 $2.000000030e-01, v2  }
0x7b: {  	v57 =	vld [tilespmem:s17+$0xC8B0];
	v9 =	vadd.f32 v13, v9;
	v12 =	vmul.f32 v12, v18;
	v1 =	vadd.f32 v11, v1  }
0x7c: {  	v16 =	vld [tilespmem:s17+$0x2840];
	v60 =	vmax.f32 v54, v56;
	v11 =	vmax.f32 v55, v58;
	v58 =	vadd.f32 v25, v21  }
0x7d: {  	v30 =	vld [tilespmem:s17+$0x2870];
	v3 =	vadd.f32 $0.0e+00, v3;
	v62 =	vmul.f32 $2.000000030e-01, v59;
	v11 =	vmul.f32 v11, v36  }
0x7e: {  	v18 =	vld [tilespmem:s17+$0xC840];
	v43 =	vmax.f32 v63, v39;
	v2 =	vmax.f32 v2, v41;
	v56 =	vadd.f32 v24, v23  }
0x7f: {  	v55 =	vld [tilespmem:s17+$0x28B0];
	v52 =	vmul.f32 $2.000000030e-01, v9;
	v4 =	vadd.f32 v12, v4;
	v1 =	vadd.f32 v15, v1  }
0x80: {  	v61 =	vld [tilespmem:s17+$0x28C0];
	v2 =	vmul.f32 v2, v5;
	v3 =	vadd.f32 v50, v3;
	v19 =	vmax.f32 v59, v62  }
0x81: {  	v36 =	vld [tilespmem:s17+$0x2880];
	v50 =	vmul.f32 $2.000000030e-01, v46;
	v5 =	vmax.f32 v9, v52;
	v62 =	vmul.f32 $2.000000030e-01, v58  }
0x82: {  	v27 =	vld [tilespmem:s17+$0xC8D0];
	v13 =	vadd.f32 v51, v49;
	v4 =	vadd.f32 v7, v4;
	v7 =	vmul.f32 v60, v33  }
0x83: {  	v63 =	vld [tilespmem:s17+$0xC8C0];
	v38 =	vmul.f32 v19, v42;
	v24 =	vadd.f32 v26, v30;
	v3 =	vadd.f32 v11, v3  }
0x84: {  	v25 =	vld [tilespmem:s17+$0x28D0];
	v5 =	vmul.f32 v5, v20;
	v16 =	vadd.f32 v18, v16;
	v11 =	vadd.f32 v57, v55  }
0x85: {  	v32 =	vld [tilespmem:s17+$0xC8E0];
	v60 =	vmul.f32 $2.000000030e-01, v56;
	v6 =	vadd.f32 v7, v6;
	v4 =	vadd.f32 v38, v4  }
0x86: {  	v47 =	vld [tilespmem:$0x16B10];
	v7 =	vmul.f32 v43, v45;
	v26 =	vadd.f32 v37, v36;
	v29 =	vmul.f32 $2.000000030e-01, v24  }
0x87: {  	v12 =	vld [tilespmem:$0x16AD0];
	v2 =	vadd.f32 v2, v3;
	v3 =	vmax.f32 v8, v48;
	v54 =	vmul.f32 $2.000000030e-01, v16  }
0x88: {  	v42 =	vld [tilespmem:s17+$0x2890];
	v37 =	vmul.f32 $2.000000030e-01, v13;
	v45 =	vadd.f32 v63, v61;
	v3 =	vmul.f32 v3, v10  }
0x89: {  	v30 =	vld [tilespmem:s17+$0x28E0];
	v43 =	vmul.f32 $2.000000030e-01, v11;
	v48 =	vadd.f32 v27, v25;
	v10 =	vmax.f32 v16, v54  }
0x8a: {  	v53 =	vld [tilespmem:$0x16B20];
	v6 =	vadd.f32 v7, v6;
	v1 =	vadd.f32 v3, v1;
	v3 =	vmul.f32 v10, v22  }
0x8b: {  	v40 =	vld [tilespmem:$0x16B00];
	v7 =	vmax.f32 v46, v50;
	v34 =	vmax.f32 v24, v29;
	v41 =	vmax.f32 v13, v37  }
0x8c: {  	v39 =	vld [tilespmem:s17+$0x2900];
	v50 =	vmul.f32 $2.000000030e-01, v45;
	v2 =	vadd.f32 v3, v2;
	v3 =	vmax.f32 v56, v60  }
0x8d: {  	v36 =	vld [tilespmem:s17+$0x28F0];
	v7 =	vmul.f32 v7, v17;
	v15 =	vadd.f32 v44, v42;
	v3 =	vmul.f32 v3, v12  }
0x8e: {  	v46 =	vld [tilespmem:$0x16B50];
	v51 =	vadd.f32 v32, v30;
	v54 =	vmul.f32 $2.000000030e-01, v48;
	v5 =	vadd.f32 v5, v6  }
0x8f: {  	v42 =	vld [tilespmem:s17+$0xC900];
	v6 =	vmax.f32 v58, v62;
	v1 =	vadd.f32 v3, v1;
	v3 =	vmul.f32 $2.000000030e-01, v26  }
0x90: {  	v38 =	vld [tilespmem:s17+$0xC8F0];
	v4 =	vadd.f32 v7, v4;
	v6 =	vmul.f32 v6, v28;
	v35 =	vmul.f32 $2.000000030e-01, v15  }
0x91: {  	v59 =	vld [tilespmem:$0x16B30];
	v57 =	vmul.f32 $2.000000030e-01, v51;
	v8 =	vmax.f32 v48, v54;
	v3 =	vmax.f32 v26, v3  }
0x92: {  	v49 =	vld [tilespmem:$0x16B60];
	v56 =	vmax.f32 v45, v50;
	v4 =	vadd.f32 v6, v4;
	v3 =	vmul.f32 v3, v40  }
0x93: {  	v44 =	vld [tilespmem:$0x16B40];
	v6 =	vmul.f32 v34, v31;
	v9 =	vmax.f32 v15, v35;
	v7 =	vmul.f32 v8, v46  }
0x94: {  	v52 =	vld [tilespmem:$0x16B70];
	v12 =	vadd.f32 v42, v39;
	v2 =	vadd.f32 v3, v2;
	v3 =	vmul.f32 v41, v53  }
0x95: {  	v55 =	vld [tilespmem:$0x16B80];
	v40 =	vmul.f32 v9, v47;
	v47 =	vmax.f32 v11, v43;
	v53 =	vadd.f32 v38, v36  }
0x96: {  	v5 =	vadd.f32 v6, v5;
	v3 =	vadd.f32 v3, v4;
	v4 =	vmul.f32 v47, v59  }
0x97: {  	v6 =	vmax.f32 v51, v57;
	v58 =	vmul.f32 $2.000000030e-01, v53;
	v59 =	vmul.f32 $2.000000030e-01, v12  }
0x98: {  	v6 =	vmul.f32 v6, v49;
	v4 =	vadd.f32 v4, v5;
	v5 =	vmul.f32 v56, v44  }
0x99: {  	v1 =	vadd.f32 v40, v1;
	v60 =	vmax.f32 v53, v58;
	v61 =	vmax.f32 v12, v59  }
0x9a: {  	v62 =	vmul.f32 v60, v52;
	v63 =	vmul.f32 v61, v55;
	v2 =	vadd.f32 v5, v2  }
0x9b: {  	v1 =	vadd.f32 v7, v1;
	v3 =	vadd.f32 v6, v3  }
0x9c: {  	v4 =	vadd.f32 v62, v4;
	v2 =	vadd.f32 v63, v2;
	_ =	sdelay $0x1  }
0x9d: {  	v1 =	vadd.f32 v3, v1;
	v2 =	vadd.f32 v2, v4;
	_ =	sdelay $0x1  }
0x9e: {  	v1 =	vadd.f32 v2, v1;
	_ =	sdelay $0x1  }
0x9f: {  	v1 =	vmul.f32 $1.442695020e+00, v1;
	_ =	sdelay $0x1  }
0xa0: {  	(erf) = vpow2.f32 v1;
	_ =	sdelay $0x4  }
0xa1: {  	p0 =	sne.s32 s30, $0x13800  }
.Ltmp1:
0xa2: {  	_ = 	snop;
	(pc) =	sbr.rel @p0 .LBB2_5-.Ltmp1, $3  }
0xa3: {  	_ =	sdelay $0x1  }
0xa4: {  	v1 =	vpop (erf)  }
0xa5: {  	s30 =	sadd.s32 $0x800, s30;
	[tilespmem:s3+$0x0] =	vst v1;
	s3 =	sadd.s32 $0x10, s3  }
0xa6: {  	s3 =	sadd.s32 s6, s18  }
0xa7: {  	s3 =	sshll.u32 s3, $0x1  }
0xa8: {  	s30 =	simm.s32 $0x0;
	s17 =	sadd.s32 s1, s3;
	s3 =	simm.s32 $0x16710  }
0xa9: {  	[hbm4b:s17+s30] =	stream.linear.scatter [tilespmem:s3], [sflag:$0x5], $0x280, $0x38;
	[tilespmem:$0x1BA90] =	vst v63  }
0xaa: {  	s17 =	smul.u32 $0x140, s2  }
0xab: {  	_ =	swait.ge [sflag:s16], $0x280  }
0xac: {  	[sflag:s16] =	ssyncset.done $0x0;
	s17 =	sshra.s32 s17, $0x2  }
0xad: {  	[sflag:s16] =	ssyncadd.s32 $0xFFFFFD80;
	s17 =	sadd.s32 $0x1388, s17  }
0xae: {  	[spmem:s4] =	stream.indirect.scatter.add.f32 [tilespmem:s3], [sflag:$0x5], $0x10, s17, s19, $0xb8;
	[tilespmem:$0x1BA90] =	vst v63  }
0xaf: {  	_ =	swait.ge [sflag:s16], $0x280  }
0xb0: {  	[sflag:s16] =	ssyncset.done $0x0  }
0xb1: {  	[sflag:s16] =	ssyncadd.s32 $0xFFFFFD80  }
0xb2: {  	_ =	swait.ge [sflag:s26], $0x5000  }
0xb3: {  	[sflag:s26] =	ssyncset.done $0x0  }
0xb4: {  	[sflag:s26] =	ssyncadd.s32 $0xFFFFB000  }
0xb5: {  	_ =	swait.ge [sflag:s28], $0x5000  }
0xb6: {  	[sflag:s28] =	ssyncset.done $0x0  }
0xb7: {  	s17 =	sadd.s32 $0x50, s18;
	[sflag:s28] =	ssyncadd.s32 $0xFFFFB000  }
0xb8: {  	[tilespmem:s20], [sflag:$0x1] =	stream.indirect.gather [hbm4b:s7+s19], $0x200, s17, s19, $0xb8;
	[tilespmem:$0x1BA90] =	vst v63  }
0xb9: {  	s18 =	sadd.s32 $0x13D8, s18  }
0xba: {  	[tilespmem:s21], [sflag:$0x3] =	stream.indirect.gather [hbm4b:s8+s19], $0x200, s18, s19, $0xb8;
	[tilespmem:$0x1BA90] =	vst v63  }
.LBB2_7:
0xbb: {  	v3 =	vld [tilespmem:$0x16990]  }
0xbc: {  	v6 =	vld [tilespmem:$0x169A0]  }
0xbd: {  	v9 =	vld [tilespmem:$0x169B0]  }
0xbe: {  	v12 =	vld [tilespmem:$0x169C0]  }
0xbf: {  	v15 =	vld [tilespmem:$0x169D0]  }
0xc0: {  	v18 =	vld [tilespmem:$0x169E0]  }
0xc1: {  	v21 =	vld [tilespmem:$0x169F0]  }
0xc2: {  	v24 =	vld [tilespmem:$0x16A00]  }
0xc3: {  	v27 =	vld [tilespmem:$0x16A10]  }
0xc4: {  	v30 =	vld [tilespmem:$0x16A20]  }
0xc5: {  	v33 =	vld [tilespmem:$0x16A30]  }
0xc6: {  	v36 =	vld [tilespmem:$0x16A40]  }
0xc7: {  	v39 =	vld [tilespmem:$0x16A50]  }
0xc8: {  	v42 =	vld [tilespmem:$0x16A60]  }
0xc9: {  	s17 =	sshra.s32 s30, $0x2;
	v45 =	vld [tilespmem:$0x16A70]  }
0xca: {  	v1 =	vld [tilespmem:s17+$0x7710]  }
0xcb: {  	v2 =	vld [tilespmem:s17+$0x11710]  }
0xcc: {  	v4 =	vld [tilespmem:s17+$0x7720]  }
0xcd: {  	v5 =	vld [tilespmem:s17+$0x11720]  }
0xce: {  	v7 =	vld [tilespmem:s17+$0x7730]  }
0xcf: {  	v8 =	vld [tilespmem:s17+$0x11730]  }
0xd0: {  	v10 =	vld [tilespmem:s17+$0x7740]  }
0xd1: {  	v11 =	vld [tilespmem:s17+$0x11740]  }
0xd2: {  	v13 =	vld [tilespmem:s17+$0x7750]  }
0xd3: {  	v14 =	vld [tilespmem:s17+$0x11750]  }
0xd4: {  	v16 =	vld [tilespmem:s17+$0x7760]  }
0xd5: {  	v17 =	vld [tilespmem:s17+$0x11760]  }
0xd6: {  	v19 =	vld [tilespmem:s17+$0x7770]  }
0xd7: {  	v20 =	vld [tilespmem:s17+$0x11770]  }
0xd8: {  	v22 =	vld [tilespmem:s17+$0x7780]  }
0xd9: {  	v23 =	vld [tilespmem:s17+$0x11780]  }
0xda: {  	v25 =	vld [tilespmem:s17+$0x7790]  }
0xdb: {  	v26 =	vld [tilespmem:s17+$0x11790]  }
0xdc: {  	v28 =	vld [tilespmem:s17+$0x77A0]  }
0xdd: {  	v29 =	vld [tilespmem:s17+$0x117A0]  }
0xde: {  	v31 =	vld [tilespmem:s17+$0x77B0]  }
0xdf: {  	v32 =	vld [tilespmem:s17+$0x117B0]  }
0xe0: {  	v34 =	vld [tilespmem:s17+$0x77C0]  }
0xe1: {  	v35 =	vld [tilespmem:s17+$0x117C0]  }
0xe2: {  	v37 =	vld [tilespmem:s17+$0x77D0]  }
0xe3: {  	v38 =	vld [tilespmem:s17+$0x117D0]  }
0xe4: {  	v40 =	vld [tilespmem:s17+$0x77E0]  }
0xe5: {  	v41 =	vld [tilespmem:s17+$0x117E0]  }
0xe6: {  	v43 =	vld [tilespmem:s17+$0x77F0]  }
0xe7: {  	v44 =	vld [tilespmem:s17+$0x117F0]  }
0xe8: {  	v46 =	vld [tilespmem:s17+$0x11800]  }
0xe9: {  	v48 =	vld [tilespmem:s17+$0x7810]  }
0xea: {  	v1 =	vadd.f32 v2, v1;
	v2 =	vld [tilespmem:s17+$0x7800]  }
0xeb: {  	v4 =	vadd.f32 v5, v4;
	v5 =	vld [tilespmem:$0x16A80];
	v7 =	vadd.f32 v8, v7  }
0xec: {  	v8 =	vld [tilespmem:s17+$0x11810];
	v13 =	vadd.f32 v14, v13;
	v16 =	vadd.f32 v17, v16  }
0xed: {  	v14 =	vld [tilespmem:s17+$0x7820];
	v58 =	vadd.f32 v20, v19;
	v61 =	vadd.f32 v23, v22;
	v47 =	vmul.f32 $2.000000030e-01, v1  }
0xee: {  	v17 =	vld [tilespmem:$0x16AA0];
	v63 =	vadd.f32 v26, v25;
	v54 =	vmul.f32 $2.000000030e-01, v4;
	v55 =	vmul.f32 $2.000000030e-01, v7  }
0xef: {  	v20 =	vld [tilespmem:$0x16AB0];
	v49 =	vadd.f32 v29, v28;
	v57 =	vmul.f32 $2.000000030e-01, v13;
	v59 =	vmul.f32 $2.000000030e-01, v16  }
0xf0: {  	v22 =	vld [tilespmem:$0x16AC0];
	v60 =	vmul.f32 $2.000000030e-01, v58;
	v62 =	vmul.f32 $2.000000030e-01, v61  }
0xf1: {  	v23 =	vld [tilespmem:s17+$0x7850];
	v51 =	vmul.f32 $2.000000030e-01, v63;
	v52 =	vmul.f32 $2.000000030e-01, v49  }
0xf2: {  	v25 =	vld [tilespmem:s17+$0x11860];
	v1 =	vmax.f32 v1, v47;
	v4 =	vmax.f32 v4, v54;
	v7 =	vmax.f32 v7, v55  }
0xf3: {  	v28 =	vld [tilespmem:$0x16AE0];
	v53 =	vmax.f32 v63, v51;
	v54 =	vadd.f32 v32, v31;
	v55 =	vadd.f32 v35, v34  }
0xf4: {  	v26 =	vld [tilespmem:s17+$0x11870];
	v63 =	vadd.f32 v44, v43;
	v1 =	vmul.f32 v1, v3;
	v3 =	vadd.f32 v11, v10  }
0xf5: {  	v47 =	vld [tilespmem:s17+$0x11820];
	v4 =	vmul.f32 v4, v6;
	v7 =	vmul.f32 v7, v9;
	v11 =	vmax.f32 v13, v57  }
0xf6: {  	v31 =	vld [tilespmem:$0x16AF0];
	v6 =	vmax.f32 v58, v60;
	v57 =	vadd.f32 v38, v37;
	v2 =	vadd.f32 v46, v2  }
0xf7: {  	v44 =	vld [tilespmem:s17+$0x11890];
	v8 =	vadd.f32 v8, v48;
	v11 =	vmul.f32 v11, v15;
	v6 =	vmul.f32 v6, v21  }
0xf8: {  	v51 =	vld [tilespmem:s17+$0x118A0];
	v15 =	vmax.f32 v61, v62;
	v58 =	vmul.f32 $2.000000030e-01, v55;
	v56 =	vmul.f32 $2.000000030e-01, v3  }
0xf9: {  	v10 =	vld [tilespmem:$0x16A90];
	v1 =	vadd.f32 $0.0e+00, v1;
	v7 =	vadd.f32 $0.0e+00, v7;
	v50 =	vmul.f32 v15, v24  }
0xfa: {  	v9 =	vld [tilespmem:s17+$0x7830];
	v4 =	vadd.f32 $0.0e+00, v4;
	v61 =	vmul.f32 $2.000000030e-01, v57;
	v48 =	vmul.f32 $2.000000030e-01, v8  }
0xfb: {  	v13 =	vld [tilespmem:s17+$0x11830];
	v3 =	vmax.f32 v3, v56;
	v1 =	vadd.f32 v11, v1;
	v6 =	vadd.f32 v6, v7  }
0xfc: {  	v21 =	vld [tilespmem:s17+$0x7860];
	v11 =	vmul.f32 v53, v27;
	v7 =	vmax.f32 v49, v52;
	v56 =	vmul.f32 $2.000000030e-01, v54  }
0xfd: {  	v37 =	vld [tilespmem:s17+$0x11880];
	v15 =	vmax.f32 v57, v61;
	v46 =	vadd.f32 v47, v14;
	v3 =	vmul.f32 v3, v12  }
0xfe: {  	v24 =	vld [tilespmem:s17+$0x11850];
	v12 =	vmax.f32 v16, v59;
	v7 =	vmul.f32 v7, v30;
	v15 =	vmul.f32 v15, v39  }
0xff: {  	v49 =	vld [tilespmem:s17+$0x78A0];
	v59 =	vadd.f32 v41, v40;
	v39 =	vmul.f32 $2.000000030e-01, v63;
	v41 =	vmul.f32 $2.000000030e-01, v2  }
0x100: {  	v57 =	vld [tilespmem:s17+$0x118B0];
	v9 =	vadd.f32 v13, v9;
	v12 =	vmul.f32 v12, v18;
	v1 =	vadd.f32 v11, v1  }
0x101: {  	v16 =	vld [tilespmem:s17+$0x7840];
	v60 =	vmax.f32 v54, v56;
	v11 =	vmax.f32 v55, v58;
	v58 =	vadd.f32 v25, v21  }
0x102: {  	v30 =	vld [tilespmem:s17+$0x7870];
	v3 =	vadd.f32 $0.0e+00, v3;
	v62 =	vmul.f32 $2.000000030e-01, v59;
	v11 =	vmul.f32 v11, v36  }
0x103: {  	v18 =	vld [tilespmem:s17+$0x11840];
	v43 =	vmax.f32 v63, v39;
	v2 =	vmax.f32 v2, v41;
	v56 =	vadd.f32 v24, v23  }
0x104: {  	v55 =	vld [tilespmem:s17+$0x78B0];
	v52 =	vmul.f32 $2.000000030e-01, v9;
	v4 =	vadd.f32 v12, v4;
	v1 =	vadd.f32 v15, v1  }
0x105: {  	v61 =	vld [tilespmem:s17+$0x78C0];
	v2 =	vmul.f32 v2, v5;
	v3 =	vadd.f32 v50, v3;
	v19 =	vmax.f32 v59, v62  }
0x106: {  	v36 =	vld [tilespmem:s17+$0x7880];
	v50 =	vmul.f32 $2.000000030e-01, v46;
	v5 =	vmax.f32 v9, v52;
	v62 =	vmul.f32 $2.000000030e-01, v58  }
0x107: {  	v27 =	vld [tilespmem:s17+$0x118D0];
	v13 =	vadd.f32 v51, v49;
	v4 =	vadd.f32 v7, v4;
	v7 =	vmul.f32 v60, v33  }
0x108: {  	v63 =	vld [tilespmem:s17+$0x118C0];
	v38 =	vmul.f32 v19, v42;
	v24 =	vadd.f32 v26, v30;
	v3 =	vadd.f32 v11, v3  }
0x109: {  	v25 =	vld [tilespmem:s17+$0x78D0];
	v5 =	vmul.f32 v5, v20;
	v16 =	vadd.f32 v18, v16;
	v11 =	vadd.f32 v57, v55  }
0x10a: {  	v32 =	vld [tilespmem:s17+$0x118E0];
	v60 =	vmul.f32 $2.000000030e-01, v56;
	v6 =	vadd.f32 v7, v6;
	v4 =	vadd.f32 v38, v4  }
0x10b: {  	v47 =	vld [tilespmem:$0x16B10];
	v7 =	vmul.f32 v43, v45;
	v26 =	vadd.f32 v37, v36;
	v29 =	vmul.f32 $2.000000030e-01, v24  }
0x10c: {  	v12 =	vld [tilespmem:$0x16AD0];
	v2 =	vadd.f32 v2, v3;
	v3 =	vmax.f32 v8, v48;
	v54 =	vmul.f32 $2.000000030e-01, v16  }
0x10d: {  	v42 =	vld [tilespmem:s17+$0x7890];
	v37 =	vmul.f32 $2.000000030e-01, v13;
	v45 =	vadd.f32 v63, v61;
	v3 =	vmul.f32 v3, v10  }
0x10e: {  	v30 =	vld [tilespmem:s17+$0x78E0];
	v43 =	vmul.f32 $2.000000030e-01, v11;
	v48 =	vadd.f32 v27, v25;
	v10 =	vmax.f32 v16, v54  }
0x10f: {  	v53 =	vld [tilespmem:$0x16B20];
	v6 =	vadd.f32 v7, v6;
	v1 =	vadd.f32 v3, v1;
	v3 =	vmul.f32 v10, v22  }
0x110: {  	v40 =	vld [tilespmem:$0x16B00];
	v7 =	vmax.f32 v46, v50;
	v34 =	vmax.f32 v24, v29;
	v41 =	vmax.f32 v13, v37  }
0x111: {  	v39 =	vld [tilespmem:s17+$0x7900];
	v50 =	vmul.f32 $2.000000030e-01, v45;
	v2 =	vadd.f32 v3, v2;
	v3 =	vmax.f32 v56, v60  }
0x112: {  	v36 =	vld [tilespmem:s17+$0x78F0];
	v7 =	vmul.f32 v7, v17;
	v15 =	vadd.f32 v44, v42;
	v3 =	vmul.f32 v3, v12  }
0x113: {  	v46 =	vld [tilespmem:$0x16B50];
	v51 =	vadd.f32 v32, v30;
	v54 =	vmul.f32 $2.000000030e-01, v48;
	v5 =	vadd.f32 v5, v6  }
0x114: {  	v42 =	vld [tilespmem:s17+$0x11900];
	v6 =	vmax.f32 v58, v62;
	v1 =	vadd.f32 v3, v1;
	v3 =	vmul.f32 $2.000000030e-01, v26  }
0x115: {  	v38 =	vld [tilespmem:s17+$0x118F0];
	v4 =	vadd.f32 v7, v4;
	v6 =	vmul.f32 v6, v28;
	v35 =	vmul.f32 $2.000000030e-01, v15  }
0x116: {  	v59 =	vld [tilespmem:$0x16B30];
	v57 =	vmul.f32 $2.000000030e-01, v51;
	v8 =	vmax.f32 v48, v54;
	v3 =	vmax.f32 v26, v3  }
0x117: {  	v49 =	vld [tilespmem:$0x16B60];
	v56 =	vmax.f32 v45, v50;
	v4 =	vadd.f32 v6, v4;
	v3 =	vmul.f32 v3, v40  }
0x118: {  	v44 =	vld [tilespmem:$0x16B40];
	v6 =	vmul.f32 v34, v31;
	v9 =	vmax.f32 v15, v35;
	v7 =	vmul.f32 v8, v46  }
0x119: {  	v52 =	vld [tilespmem:$0x16B70];
	v12 =	vadd.f32 v42, v39;
	v2 =	vadd.f32 v3, v2;
	v3 =	vmul.f32 v41, v53  }
0x11a: {  	v55 =	vld [tilespmem:$0x16B80];
	v40 =	vmul.f32 v9, v47;
	v47 =	vmax.f32 v11, v43;
	v53 =	vadd.f32 v38, v36  }
0x11b: {  	v5 =	vadd.f32 v6, v5;
	v3 =	vadd.f32 v3, v4;
	v4 =	vmul.f32 v47, v59  }
0x11c: {  	v6 =	vmax.f32 v51, v57;
	v58 =	vmul.f32 $2.000000030e-01, v53;
	v59 =	vmul.f32 $2.000000030e-01, v12  }
0x11d: {  	v6 =	vmul.f32 v6, v49;
	v4 =	vadd.f32 v4, v5;
	v5 =	vmul.f32 v56, v44  }
0x11e: {  	v1 =	vadd.f32 v40, v1;
	v60 =	vmax.f32 v53, v58;
	v61 =	vmax.f32 v12, v59  }
0x11f: {  	v62 =	vmul.f32 v60, v52;
	v63 =	vmul.f32 v61, v55;
	v2 =	vadd.f32 v5, v2  }
0x120: {  	v1 =	vadd.f32 v7, v1;
	v3 =	vadd.f32 v6, v3  }
0x121: {  	v4 =	vadd.f32 v62, v4;
	v2 =	vadd.f32 v63, v2;
	_ =	sdelay $0x1  }
0x122: {  	v1 =	vadd.f32 v3, v1;
	v2 =	vadd.f32 v2, v4;
	_ =	sdelay $0x1  }
0x123: {  	v1 =	vadd.f32 v2, v1;
	_ =	sdelay $0x1  }
0x124: {  	v1 =	vmul.f32 $1.442695020e+00, v1;
	_ =	sdelay $0x1  }
0x125: {  	(erf) = vpow2.f32 v1;
	_ =	sdelay $0x4  }
0x126: {  	p0 =	sne.s32 s30, $0x13800  }
.Ltmp2:
0x127: {  	_ = 	snop;
	(pc) =	sbr.rel @p0 .LBB2_7-.Ltmp2, $3  }
0x128: {  	_ =	sdelay $0x1  }
0x129: {  	v1 =	vpop (erf)  }
0x12a: {  	s30 =	sadd.s32 $0x800, s30;
	[tilespmem:s3+$0x0] =	vst v1;
	s3 =	sadd.s32 $0x10, s3  }
0x12b: {  	s3 =	sadd.s32 s6, s15  }
0x12c: {  	s3 =	sshll.u32 s3, $0x1  }
0x12d: {  	s3 =	sand.u32 $0x1FFFFFF0, s3  }
0x12e: {  	s3 =	sadd.s32 s1, s3  }
0x12f: {  	[hbm4b:s3+s5] =	stream.linear.scatter [tilespmem:s29], [sflag:$0x5], $0x280, $0x38;
	[tilespmem:$0x1BA90] =	vst v63  }
0x130: {  	s2 =	sadd.s32 $0x1, s2;
	_ =	swait.ge [sflag:s16], $0x280  }
0x131: {  	p0 =	sne.s32 s2, $0x3E;
	[sflag:s16] =	ssyncset.done $0x0  }
.Ltmp3:
0x132: {  	[sflag:s16] =	ssyncadd.s32 $0xFFFFFD80;
	(pc) =	sbr.rel @p0 .LBB2_4-.Ltmp3, $4  }
0x133: {  	[spmem:s4] =	stream.indirect.scatter.add.f32 [tilespmem:s29], [sflag:$0x5], $0x10, s0, s19, $0xb8;
	[tilespmem:$0x1BA90] =	vst v63  }
0x134: {  	_ =	swait.ge [sflag:s16], $0x280  }
0x135: {  	[sflag:s16] =	ssyncset.done $0x0  }
0x136: {  	[sflag:s16] =	ssyncadd.s32 $0xFFFFFD80  }
0x137: {  	_ =	swait.ge [sflag:s22], $0x5000  }
0x138: {  	[sflag:s22] =	ssyncset.done $0x0  }
0x139: {  	[sflag:s22] =	ssyncadd.s32 $0xFFFFB000  }
0x13a: {  	_ =	swait.ge [sflag:s23], $0x5000  }
0x13b: {  	[sflag:s23] =	ssyncset.done $0x0  }
0x13c: {  	s0 =	simm.s32 $0x0;
	s2 =	simm.s32 $0x16710;
	[sflag:s23] =	ssyncadd.s32 $0xFFFFB000  }
.LBB2_10:
0x13d: {  	v3 =	vld [tilespmem:$0x16990]  }
0x13e: {  	v6 =	vld [tilespmem:$0x169A0]  }
0x13f: {  	v9 =	vld [tilespmem:$0x169B0]  }
0x140: {  	v12 =	vld [tilespmem:$0x169C0]  }
0x141: {  	v15 =	vld [tilespmem:$0x169D0]  }
0x142: {  	v18 =	vld [tilespmem:$0x169E0]  }
0x143: {  	v21 =	vld [tilespmem:$0x169F0]  }
0x144: {  	v24 =	vld [tilespmem:$0x16A00]  }
0x145: {  	v27 =	vld [tilespmem:$0x16A10]  }
0x146: {  	v30 =	vld [tilespmem:$0x16A20]  }
0x147: {  	v33 =	vld [tilespmem:$0x16A30]  }
0x148: {  	v36 =	vld [tilespmem:$0x16A40]  }
0x149: {  	v39 =	vld [tilespmem:$0x16A50]  }
0x14a: {  	v42 =	vld [tilespmem:$0x16A60]  }
0x14b: {  	s3 =	sshra.s32 s0, $0x2;
	v45 =	vld [tilespmem:$0x16A70]  }
0x14c: {  	v1 =	vld [tilespmem:s3+$0x2710]  }
0x14d: {  	v2 =	vld [tilespmem:s3+$0xC710]  }
0x14e: {  	v4 =	vld [tilespmem:s3+$0x2720]  }
0x14f: {  	v5 =	vld [tilespmem:s3+$0xC720]  }
0x150: {  	v7 =	vld [tilespmem:s3+$0x2730]  }
0x151: {  	v8 =	vld [tilespmem:s3+$0xC730]  }
0x152: {  	v10 =	vld [tilespmem:s3+$0x2740]  }
0x153: {  	v11 =	vld [tilespmem:s3+$0xC740]  }
0x154: {  	v13 =	vld [tilespmem:s3+$0x2750]  }
0x155: {  	v14 =	vld [tilespmem:s3+$0xC750]  }
0x156: {  	v16 =	vld [tilespmem:s3+$0x2760]  }
0x157: {  	v17 =	vld [tilespmem:s3+$0xC760]  }
0x158: {  	v19 =	vld [tilespmem:s3+$0x2770]  }
0x159: {  	v20 =	vld [tilespmem:s3+$0xC770]  }
0x15a: {  	v22 =	vld [tilespmem:s3+$0x2780]  }
0x15b: {  	v23 =	vld [tilespmem:s3+$0xC780]  }
0x15c: {  	v25 =	vld [tilespmem:s3+$0x2790]  }
0x15d: {  	v26 =	vld [tilespmem:s3+$0xC790]  }
0x15e: {  	v28 =	vld [tilespmem:s3+$0x27A0]  }
0x15f: {  	v29 =	vld [tilespmem:s3+$0xC7A0]  }
0x160: {  	v31 =	vld [tilespmem:s3+$0x27B0]  }
0x161: {  	v32 =	vld [tilespmem:s3+$0xC7B0]  }
0x162: {  	v34 =	vld [tilespmem:s3+$0x27C0]  }
0x163: {  	v35 =	vld [tilespmem:s3+$0xC7C0]  }
0x164: {  	v37 =	vld [tilespmem:s3+$0x27D0]  }
0x165: {  	v38 =	vld [tilespmem:s3+$0xC7D0]  }
0x166: {  	v40 =	vld [tilespmem:s3+$0x27E0]  }
0x167: {  	v41 =	vld [tilespmem:s3+$0xC7E0]  }
0x168: {  	v43 =	vld [tilespmem:s3+$0x27F0]  }
0x169: {  	v44 =	vld [tilespmem:s3+$0xC7F0]  }
0x16a: {  	v46 =	vld [tilespmem:s3+$0xC800]  }
0x16b: {  	v48 =	vld [tilespmem:s3+$0x2810]  }
0x16c: {  	v1 =	vadd.f32 v2, v1;
	v2 =	vld [tilespmem:s3+$0x2800]  }
0x16d: {  	v4 =	vadd.f32 v5, v4;
	v5 =	vld [tilespmem:$0x16A80];
	v7 =	vadd.f32 v8, v7  }
0x16e: {  	v8 =	vld [tilespmem:s3+$0xC810];
	v13 =	vadd.f32 v14, v13;
	v16 =	vadd.f32 v17, v16  }
0x16f: {  	v14 =	vld [tilespmem:s3+$0x2820];
	v58 =	vadd.f32 v20, v19;
	v61 =	vadd.f32 v23, v22;
	v47 =	vmul.f32 $2.000000030e-01, v1  }
0x170: {  	v17 =	vld [tilespmem:$0x16AA0];
	v63 =	vadd.f32 v26, v25;
	v54 =	vmul.f32 $2.000000030e-01, v4;
	v55 =	vmul.f32 $2.000000030e-01, v7  }
0x171: {  	v20 =	vld [tilespmem:$0x16AB0];
	v49 =	vadd.f32 v29, v28;
	v57 =	vmul.f32 $2.000000030e-01, v13;
	v59 =	vmul.f32 $2.000000030e-01, v16  }
0x172: {  	v22 =	vld [tilespmem:$0x16AC0];
	v60 =	vmul.f32 $2.000000030e-01, v58;
	v62 =	vmul.f32 $2.000000030e-01, v61  }
0x173: {  	v23 =	vld [tilespmem:s3+$0x2850];
	v51 =	vmul.f32 $2.000000030e-01, v63;
	v52 =	vmul.f32 $2.000000030e-01, v49  }
0x174: {  	v25 =	vld [tilespmem:s3+$0xC860];
	v1 =	vmax.f32 v1, v47;
	v4 =	vmax.f32 v4, v54;
	v7 =	vmax.f32 v7, v55  }
0x175: {  	v28 =	vld [tilespmem:$0x16AE0];
	v53 =	vmax.f32 v63, v51;
	v54 =	vadd.f32 v32, v31;
	v55 =	vadd.f32 v35, v34  }
0x176: {  	v26 =	vld [tilespmem:s3+$0xC870];
	v63 =	vadd.f32 v44, v43;
	v1 =	vmul.f32 v1, v3;
	v3 =	vadd.f32 v11, v10  }
0x177: {  	v47 =	vld [tilespmem:s3+$0xC820];
	v4 =	vmul.f32 v4, v6;
	v7 =	vmul.f32 v7, v9;
	v11 =	vmax.f32 v13, v57  }
0x178: {  	v31 =	vld [tilespmem:$0x16AF0];
	v6 =	vmax.f32 v58, v60;
	v57 =	vadd.f32 v38, v37;
	v2 =	vadd.f32 v46, v2  }
0x179: {  	v44 =	vld [tilespmem:s3+$0xC890];
	v8 =	vadd.f32 v8, v48;
	v11 =	vmul.f32 v11, v15;
	v6 =	vmul.f32 v6, v21  }
0x17a: {  	v51 =	vld [tilespmem:s3+$0xC8A0];
	v15 =	vmax.f32 v61, v62;
	v58 =	vmul.f32 $2.000000030e-01, v55;
	v56 =	vmul.f32 $2.000000030e-01, v3  }
0x17b: {  	v10 =	vld [tilespmem:$0x16A90];
	v1 =	vadd.f32 $0.0e+00, v1;
	v7 =	vadd.f32 $0.0e+00, v7;
	v50 =	vmul.f32 v15, v24  }
0x17c: {  	v9 =	vld [tilespmem:s3+$0x2830];
	v4 =	vadd.f32 $0.0e+00, v4;
	v61 =	vmul.f32 $2.000000030e-01, v57;
	v48 =	vmul.f32 $2.000000030e-01, v8  }
0x17d: {  	v13 =	vld [tilespmem:s3+$0xC830];
	v3 =	vmax.f32 v3, v56;
	v1 =	vadd.f32 v11, v1;
	v6 =	vadd.f32 v6, v7  }
0x17e: {  	v21 =	vld [tilespmem:s3+$0x2860];
	v11 =	vmul.f32 v53, v27;
	v7 =	vmax.f32 v49, v52;
	v56 =	vmul.f32 $2.000000030e-01, v54  }
0x17f: {  	v37 =	vld [tilespmem:s3+$0xC880];
	v15 =	vmax.f32 v57, v61;
	v46 =	vadd.f32 v47, v14;
	v3 =	vmul.f32 v3, v12  }
0x180: {  	v24 =	vld [tilespmem:s3+$0xC850];
	v12 =	vmax.f32 v16, v59;
	v7 =	vmul.f32 v7, v30;
	v15 =	vmul.f32 v15, v39  }
0x181: {  	v49 =	vld [tilespmem:s3+$0x28A0];
	v59 =	vadd.f32 v41, v40;
	v39 =	vmul.f32 $2.000000030e-01, v63;
	v41 =	vmul.f32 $2.000000030e-01, v2  }
0x182: {  	v57 =	vld [tilespmem:s3+$0xC8B0];
	v9 =	vadd.f32 v13, v9;
	v12 =	vmul.f32 v12, v18;
	v1 =	vadd.f32 v11, v1  }
0x183: {  	v16 =	vld [tilespmem:s3+$0x2840];
	v60 =	vmax.f32 v54, v56;
	v11 =	vmax.f32 v55, v58;
	v58 =	vadd.f32 v25, v21  }
0x184: {  	v30 =	vld [tilespmem:s3+$0x2870];
	v3 =	vadd.f32 $0.0e+00, v3;
	v62 =	vmul.f32 $2.000000030e-01, v59;
	v11 =	vmul.f32 v11, v36  }
0x185: {  	v18 =	vld [tilespmem:s3+$0xC840];
	v43 =	vmax.f32 v63, v39;
	v2 =	vmax.f32 v2, v41;
	v56 =	vadd.f32 v24, v23  }
0x186: {  	v55 =	vld [tilespmem:s3+$0x28B0];
	v52 =	vmul.f32 $2.000000030e-01, v9;
	v4 =	vadd.f32 v12, v4;
	v1 =	vadd.f32 v15, v1  }
0x187: {  	v61 =	vld [tilespmem:s3+$0x28C0];
	v2 =	vmul.f32 v2, v5;
	v3 =	vadd.f32 v50, v3;
	v19 =	vmax.f32 v59, v62  }
0x188: {  	v36 =	vld [tilespmem:s3+$0x2880];
	v50 =	vmul.f32 $2.000000030e-01, v46;
	v5 =	vmax.f32 v9, v52;
	v62 =	vmul.f32 $2.000000030e-01, v58  }
0x189: {  	v27 =	vld [tilespmem:s3+$0xC8D0];
	v13 =	vadd.f32 v51, v49;
	v4 =	vadd.f32 v7, v4;
	v7 =	vmul.f32 v60, v33  }
0x18a: {  	v63 =	vld [tilespmem:s3+$0xC8C0];
	v38 =	vmul.f32 v19, v42;
	v24 =	vadd.f32 v26, v30;
	v3 =	vadd.f32 v11, v3  }
0x18b: {  	v25 =	vld [tilespmem:s3+$0x28D0];
	v5 =	vmul.f32 v5, v20;
	v16 =	vadd.f32 v18, v16;
	v11 =	vadd.f32 v57, v55  }
0x18c: {  	v32 =	vld [tilespmem:s3+$0xC8E0];
	v60 =	vmul.f32 $2.000000030e-01, v56;
	v6 =	vadd.f32 v7, v6;
	v4 =	vadd.f32 v38, v4  }
0x18d: {  	v47 =	vld [tilespmem:$0x16B10];
	v7 =	vmul.f32 v43, v45;
	v26 =	vadd.f32 v37, v36;
	v29 =	vmul.f32 $2.000000030e-01, v24  }
0x18e: {  	v12 =	vld [tilespmem:$0x16AD0];
	v2 =	vadd.f32 v2, v3;
	v3 =	vmax.f32 v8, v48;
	v54 =	vmul.f32 $2.000000030e-01, v16  }
0x18f: {  	v42 =	vld [tilespmem:s3+$0x2890];
	v37 =	vmul.f32 $2.000000030e-01, v13;
	v45 =	vadd.f32 v63, v61;
	v3 =	vmul.f32 v3, v10  }
0x190: {  	v30 =	vld [tilespmem:s3+$0x28E0];
	v43 =	vmul.f32 $2.000000030e-01, v11;
	v48 =	vadd.f32 v27, v25;
	v10 =	vmax.f32 v16, v54  }
0x191: {  	v53 =	vld [tilespmem:$0x16B20];
	v6 =	vadd.f32 v7, v6;
	v1 =	vadd.f32 v3, v1;
	v3 =	vmul.f32 v10, v22  }
0x192: {  	v40 =	vld [tilespmem:$0x16B00];
	v7 =	vmax.f32 v46, v50;
	v34 =	vmax.f32 v24, v29;
	v41 =	vmax.f32 v13, v37  }
0x193: {  	v39 =	vld [tilespmem:s3+$0x2900];
	v50 =	vmul.f32 $2.000000030e-01, v45;
	v2 =	vadd.f32 v3, v2;
	v3 =	vmax.f32 v56, v60  }
0x194: {  	v36 =	vld [tilespmem:s3+$0x28F0];
	v7 =	vmul.f32 v7, v17;
	v15 =	vadd.f32 v44, v42;
	v3 =	vmul.f32 v3, v12  }
0x195: {  	v46 =	vld [tilespmem:$0x16B50];
	v51 =	vadd.f32 v32, v30;
	v54 =	vmul.f32 $2.000000030e-01, v48;
	v5 =	vadd.f32 v5, v6  }
0x196: {  	v42 =	vld [tilespmem:s3+$0xC900];
	v6 =	vmax.f32 v58, v62;
	v1 =	vadd.f32 v3, v1;
	v3 =	vmul.f32 $2.000000030e-01, v26  }
0x197: {  	v38 =	vld [tilespmem:s3+$0xC8F0];
	v4 =	vadd.f32 v7, v4;
	v6 =	vmul.f32 v6, v28;
	v35 =	vmul.f32 $2.000000030e-01, v15  }
0x198: {  	v59 =	vld [tilespmem:$0x16B30];
	v57 =	vmul.f32 $2.000000030e-01, v51;
	v8 =	vmax.f32 v48, v54;
	v3 =	vmax.f32 v26, v3  }
0x199: {  	v49 =	vld [tilespmem:$0x16B60];
	v56 =	vmax.f32 v45, v50;
	v4 =	vadd.f32 v6, v4;
	v3 =	vmul.f32 v3, v40  }
0x19a: {  	v44 =	vld [tilespmem:$0x16B40];
	v6 =	vmul.f32 v34, v31;
	v9 =	vmax.f32 v15, v35;
	v7 =	vmul.f32 v8, v46  }
0x19b: {  	v52 =	vld [tilespmem:$0x16B70];
	v12 =	vadd.f32 v42, v39;
	v2 =	vadd.f32 v3, v2;
	v3 =	vmul.f32 v41, v53  }
0x19c: {  	v55 =	vld [tilespmem:$0x16B80];
	v40 =	vmul.f32 v9, v47;
	v47 =	vmax.f32 v11, v43;
	v53 =	vadd.f32 v38, v36  }
0x19d: {  	v5 =	vadd.f32 v6, v5;
	v3 =	vadd.f32 v3, v4;
	v4 =	vmul.f32 v47, v59  }
0x19e: {  	v6 =	vmax.f32 v51, v57;
	v58 =	vmul.f32 $2.000000030e-01, v53;
	v59 =	vmul.f32 $2.000000030e-01, v12  }
0x19f: {  	v6 =	vmul.f32 v6, v49;
	v4 =	vadd.f32 v4, v5;
	v5 =	vmul.f32 v56, v44  }
0x1a0: {  	v1 =	vadd.f32 v40, v1;
	v60 =	vmax.f32 v53, v58;
	v61 =	vmax.f32 v12, v59  }
0x1a1: {  	v62 =	vmul.f32 v60, v52;
	v63 =	vmul.f32 v61, v55;
	v2 =	vadd.f32 v5, v2  }
0x1a2: {  	v1 =	vadd.f32 v7, v1;
	v3 =	vadd.f32 v6, v3  }
0x1a3: {  	v4 =	vadd.f32 v62, v4;
	v2 =	vadd.f32 v63, v2;
	_ =	sdelay $0x1  }
0x1a4: {  	v1 =	vadd.f32 v3, v1;
	v2 =	vadd.f32 v2, v4;
	_ =	sdelay $0x1  }
0x1a5: {  	v1 =	vadd.f32 v2, v1;
	_ =	sdelay $0x1  }
0x1a6: {  	v1 =	vmul.f32 $1.442695020e+00, v1;
	_ =	sdelay $0x1  }
0x1a7: {  	(erf) = vpow2.f32 v1;
	_ =	sdelay $0x4  }
0x1a8: {  	p0 =	sne.s32 s0, $0x13800  }
.Ltmp4:
0x1a9: {  	_ = 	snop;
	(pc) =	sbr.rel @p0 .LBB2_10-.Ltmp4, $3  }
0x1aa: {  	_ =	sdelay $0x1  }
0x1ab: {  	v1 =	vpop (erf)  }
0x1ac: {  	s0 =	sadd.s32 $0x800, s0;
	[tilespmem:s2+$0x0] =	vst v1;
	s2 =	sadd.s32 $0x10, s2  }
0x1ad: {  	[hbm4b:s12+s5] =	stream.linear.scatter [tilespmem:s29], [sflag:$0x5], $0x280, $0x38;
	[tilespmem:$0x1BA90] =	vst v63  }
0x1ae: {  	_ =	swait.ge [sflag:s16], $0x280  }
0x1af: {  	[sflag:s16] =	ssyncset.done $0x0  }
0x1b0: {  	s0 =	simm.s32 $0x26E8;
	[sflag:s16] =	ssyncadd.s32 $0xFFFFFD80  }
0x1b1: {  	[spmem:s4] =	stream.indirect.scatter.add.f32 [tilespmem:s29], [sflag:$0x5], $0x10, s0, s19, $0xb8;
	[tilespmem:$0x1BA90] =	vst v63  }
0x1b2: {  	s30 =	stileid.u32;
	_ =	swait.ge [sflag:s16], $0x280  }
0x1b3: {  	s2 =	sshrl.u32 s11, $0x3;
	s31 =	sadd.s32 $0x1, s31;
	[sflag:s16] =	ssyncset.done $0x0  }
0x1b4: {  	p0 =	sne.s32 s31, s13;
	s0 =	sshll.u32 s30, $0x6;
	[sflag:s16] =	ssyncadd.s32 $0xFFFFFD80  }
.Ltmp5:
0x1b5: {  	s0 =	sor.u32 $0x1C05, s0;
	[bflag:$0x0] =	sbarrier.arrive $0xFFFF;
	(pc) =	sbr.rel @p0 .LBB2_1-.Ltmp5, $4  }
0x1b6: {  	[hbm:s14], [sflag:s0] =	dma.local [spmem:s2], $0x4F0  }
0x1b7: {  	_ =	swait.ge [sflag:s16], $0x4F0  }
0x1b8: {  	[sflag:s16] =	ssyncset.done $0x0  }
0x1b9: {  	s3 =	simm.s32 $0x1388;
	[sflag:s16] =	ssyncadd.s32 $0xFFFFFB10  }
0x1ba: {  	_ =	sfence.sel $0x180000  }
0x1bb: {  	[bflag:$0x0] =	sbarrier.arrive $0xFFFF  }
0x1bc: {  	_ =	strace $0x90000047  }
0x1bd: {  	s0 =	stileid.u32;
	[bflag:$0x2] =	sbarrier.arrive $0xFFFF  }
0x1be: {  	p0 =	sne.s32 s0, $0x0;
	s0 =	rddreg [dreg:$0x5]  }
0x1bf: {  	s0 =	sadd.s32 @!p0 $0x100000, s0  }
0x1c0: {  	[sflag:s0] =	ssyncadd.tile.s32 @!p0 $0x1;
	_ =	shalt  }
.Lfunc_end2:
_tile_overlayer_lowered:
.L_overlay_start_2:
0x1c1: {  	(tag) =	ssettag $0x2  }
0x1c2: {  	s0 =	rddreg [dreg:$0x0];
	s2 =	stileid.u32  }
0x1c3: {  	s1 =	rddreg [dreg:$0x1];
	p0 =	sne.s32 s2, $0x0  }
0x1c4: {  	s3 =	rddreg [dreg:$0x2];
	[bflag:$0x3] =	sbarrier.arrive $0xFFFF;
	s2 =	simm.s32 @!p0 $0x1C05  }
0x1c5: {  	[timem:s3], [sflag:s2] =	dma.local @!p0 [hbm:s0], s1  }
0x1c6: {  	s0 =	simm.s32 @!p0 $0x5  }
0x1c7: {  	_ =	swait.ge @!p0 [sflag:s0], s1  }
0x1c8: {  	s1 =	ssub.s32 @!p0 $0x0, s1;
	[sflag:s0] =	ssyncset.done @!p0 $0x0  }
0x1c9: {  	[sflag:s0] =	ssyncadd.s32 @!p0 s1  }
0x1ca: {  	[bflag:$0x3] =	sbarrier.arrive $0xFFFF  }
0x1cb: {  	_ =	shalt  }

// kernel: kernel.9.cloned.1.call-start
scs
__scs_entry_jumppad:
0x0: {  	(pc) =	sbr.rel $0x88, $3  }
0x1: {  	(tag) =	ssettag $0x0;
	lr =	simm.s32 $0x1  }
0x2: {  	[smem:$0x3F98] =	sst lr;
	_ =	strace $0xD0000000  }
0x3: {  	_ = 	snop  }
0x4: {  	_ = 	snop  }
0x5: {  	_ = 	snop  }
0x6: {  	_ = 	snop  }
0x7: {  	_ = 	snop  }
__scs_overlays_trampoline_lowered:
0x8: {  	[smem:$0x3FA7] =	sst s0  }
0x9: {  	[smem:$0x3FA8] =	sst s1  }
0xa: {  	[smem:$0x3FA9] =	sst s2  }
0xb: {  	[smem:$0x3FAA] =	sst s3  }
0xc: {  	[smem:$0x3FAB] =	sst s4  }
0xd: {  	[smem:$0x3FAC] =	sst s5  }
0xe: {  	[smem:$0x3FAD] =	sst s6  }
0xf: {  	[smem:$0x3FAE] =	sst s7  }
0x10: {  	[smem:$0x3FAF] =	sst s8  }
0x11: {  	[smem:$0x3FB0] =	sst s9;
	s0 =	simm.s32 @!p0 $0x0  }
0x12: {  	s1 =	sld [smem:$0x3F96];
	s0 =	simm.s32 @p0 $0x1  }
0x13: {  	[smem:$0x3FB1] =	sst s0;
	s0 =	simm.s32 @!p1 $0x0  }
0x14: {  	s2 =	sld [smem:$0x3F95];
	s0 =	simm.s32 @p1 $0x1  }
0x15: {  	[smem:$0x3FB2] =	sst s0;
	s0 =	simm.s32 @!p2 $0x0  }
0x16: {  	s3 =	sld [smem:$0x3FDB];
	s0 =	simm.s32 @p2 $0x1  }
0x17: {  	s4 =	simm.s32 $0x1BF5;
	[smem:$0x3FB4] =	sst s0  }
0x18: {  	s0 =	sld [smem:$0x3F97];
	_ =	swait.ge [sflag:s4], $0x0  }
0x19: {  	s7 =	sld [smem:$0x3F98]  }
0x1a: {  	s8 =	sadd.s32 $0xFFFFE003, lr  }
0x1b: {  	s9 =	sadd.s32 $0xFFFFFEF7, lr;
	s5 =	simm.s32 $0xFFFFFFFF;
	p2 =	slt.u32 s8, $0xFFFFF086  }
0x1c: {  	p1 =	slt.u32 s9, $0xF7A;
	s5 =	simm.s32 @!p2 $0x0  }
0x1d: {  	s5 =	simm.s32 @p1 $0x1;
	p0 =	seq.s32 s7, s2  }
0x1e: {  	s7 =	smul.u32 @!p0 $0xF7A, s2;
	p2 =	seq.s32 @!p0 s5, $0x0  }
0x1f: {  	s9 =	smul.u32 $0xF7A, s1;
	s8 =	simm.s32 @!p0 $0x1BF5;
	p2 =	por !p2, p0  }
0x20: {  	[sflag:s8] =	ssyncset.s32 @!p0 $0xFFFFF086;
	s6 =	sadd.s32 @!p0 s3, s7;
	s7 =	simm.s32 @!p0 $0x108  }
0x21: {  	s3 =	sadd.s32 s3, s9;
	s6 =	sadd.s32 @!p0 $0x88, s6;
	s7 =	simm.s32 @p2 $0x1082  }
0x22: {  	[simem:s7], [sflag:s8] =	dma.local @!p0 [hbm:s6], $0xF7A  }
0x23: {  	s9 =	sor.u32 $0xD0000000, s2;
	s6 =	simm.s32 $0x108;
	_ =	swait.ge @!p0 [sflag:s8], $0x0  }
0x24: {  	s3 =	sadd.s32 $0x88, s3;
	s6 =	simm.s32 @!p1 $0x1082;
	[sflag:s4] =	ssyncset.s32 $0xFFFFF086  }
0x25: {  	[simem:s6], [sflag:s4] =	dma.local [hbm:s3], $0xF7A  }
0x26: {  	[smem:$0x3F98] =	sst s1;
	(tag) =	ssettag s2;
	_ =	strace s9  }
0x27: {  	s1 =	sld [smem:$0x3FA8]  }
0x28: {  	s2 =	sld [smem:$0x3FA9]  }
0x29: {  	s4 =	sld [smem:$0x3FAB]  }
0x2a: {  	p0 =	seq.s32 s5, $0x0;
	s5 =	sld [smem:$0x3FAC]  }
0x2b: {  	s6 =	sld [smem:$0x3FAD]  }
0x2c: {  	s7 =	sld [smem:$0x3FAE]  }
0x2d: {  	s3 =	simm.s32 $0x108;
	s8 =	sld [smem:$0x3FAF]  }
0x2e: {  	s3 =	simm.s32 @!p0 $0x1082;
	s9 =	sld [smem:$0x3FB0]  }
0x2f: {  	lr =	sadd.s32 s0, s3;
	s0 =	sld [smem:$0x3FA7]  }
0x30: {  	s3 =	sld [smem:$0x3FAA]  }
0x31: {  	[smem:$0x3FB3] =	sst s10  }
0x32: {  	s10 =	sld [smem:$0x3FB1];
	_ =	sdelay $0x3  }
0x33: {  	p0 =	seq.s32 s10, $0x1;
	s10 =	sld [smem:$0x3FB3];
	_ =	sdelay $0x3  }
0x34: {  	[smem:$0x3FB3] =	sst s10  }
0x35: {  	s10 =	sld [smem:$0x3FB2];
	_ =	sdelay $0x3  }
0x36: {  	p1 =	seq.s32 s10, $0x1;
	s10 =	sld [smem:$0x3FB3];
	_ =	sdelay $0x3  }
0x37: {  	[smem:$0x3FB3] =	sst s10  }
0x38: {  	s10 =	sld [smem:$0x3FB4]  }
0x39: {  	_ = 	snop;
	(pc) =	sbr.ind lr, $3  }
0x3a: {  	_ = 	snop  }
0x3b: {  	_ = 	snop  }
0x3c: {  	p2 =	seq.s32 s10, $0x1;
	s10 =	sld [smem:$0x3FB3]  }
0x3d: {  	_ =	shalt  }
0x3e: {  	_ =	shalt  }
0x3f: {  	_ =	shalt  }
0x40: {  	_ =	shalt  }
0x41: {  	_ =	shalt  }
0x42: {  	_ =	shalt  }
0x43: {  	_ =	shalt  }
0x44: {  	_ =	shalt  }
0x45: {  	_ =	shalt  }
0x46: {  	_ =	shalt  }
0x47: {  	_ =	shalt  }
0x48: {  	_ =	shalt  }
0x49: {  	_ =	shalt  }
0x4a: {  	_ =	shalt  }
0x4b: {  	_ =	shalt  }
0x4c: {  	_ =	shalt  }
0x4d: {  	_ =	shalt  }
0x4e: {  	_ =	shalt  }
0x4f: {  	_ =	shalt  }
0x50: {  	_ =	shalt  }
0x51: {  	_ =	shalt  }
0x52: {  	_ =	shalt  }
0x53: {  	_ =	shalt  }
0x54: {  	_ =	shalt  }
0x55: {  	_ =	shalt  }
0x56: {  	_ =	shalt  }
0x57: {  	_ =	shalt  }
0x58: {  	_ =	shalt  }
0x59: {  	_ =	shalt  }
0x5a: {  	_ =	shalt  }
0x5b: {  	_ =	shalt  }
0x5c: {  	_ =	shalt  }
0x5d: {  	_ =	shalt  }
0x5e: {  	_ =	shalt  }
0x5f: {  	_ =	shalt  }
0x60: {  	_ =	shalt  }
0x61: {  	_ =	shalt  }
0x62: {  	_ =	shalt  }
0x63: {  	_ =	shalt  }
0x64: {  	_ =	shalt  }
0x65: {  	_ =	shalt  }
0x66: {  	_ =	shalt  }
0x67: {  	_ =	shalt  }
0x68: {  	_ =	shalt  }
0x69: {  	_ =	shalt  }
0x6a: {  	_ =	shalt  }
0x6b: {  	_ =	shalt  }
0x6c: {  	_ =	shalt  }
0x6d: {  	_ =	shalt  }
0x6e: {  	_ =	shalt  }
0x6f: {  	_ =	shalt  }
0x70: {  	_ =	shalt  }
0x71: {  	_ =	shalt  }
0x72: {  	_ =	shalt  }
0x73: {  	_ =	shalt  }
0x74: {  	_ =	shalt  }
0x75: {  	_ =	shalt  }
0x76: {  	_ =	shalt  }
0x77: {  	_ =	shalt  }
0x78: {  	_ =	shalt  }
0x79: {  	_ =	shalt  }
0x7a: {  	_ =	shalt  }
0x7b: {  	_ =	shalt  }
0x7c: {  	_ =	shalt  }
0x7d: {  	_ =	shalt  }
0x7e: {  	_ =	shalt  }
0x7f: {  	_ =	shalt  }
0x80: {  	_ =	shalt  }
0x81: {  	_ =	shalt  }
0x82: {  	_ =	shalt  }
0x83: {  	_ =	shalt  }
0x84: {  	_ =	shalt  }
0x85: {  	_ =	shalt  }
0x86: {  	_ =	shalt  }
0x87: {  	_ =	shalt  }
.Lfunc_end0:
.L_simem_size_0:
called_computation.1_lowered:
.L_overlay_start_0:
0x88: {  	s2 =	sld [smem:$0x3FD9]  }
0x89: {  	s3 =	sld [smem:$0x3FFE];
	_ =	sdelay $0x1  }
0x8a: {  	s1 =	srdreg.scid  }
0x8b: {  	s0 =	sand.u32 $0x1, s1  }
0x8c: {  	s14 =	sshll.u32 s0, $0xA;
	s2 =	sadd.s32 s3, s2  }
0x8d: {  	s2 =	sadd.s32 s2, s14  }
0x8e: {  	[smem:$0x3FBF] =	sst s2  }
0x8f: {  	_ = 	snop  }
0x90: {  	s2 =	sld [smem:$0x3FD0];
	_ =	sdelay $0x2  }
0x91: {  	s15 =	simm.s32 $0xA;
	s4 =	simm.s32 $0x10  }
0x92: {  	[smem:s4], [sflag:s15] =	dma.local [hbm:s2], $0x1  }
0x93: {  	_ =	swait.eq [sflag:s15], $0x1  }
0x94: {  	s16 =	sld [smem:$0x10]  }
0x95: {  	s17 =	sld [smem:$0x11];
	[sflag:s15] =	ssyncset.done $0x0  }
0x96: {  	s5 =	sld [smem:$0x12];
	[sflag:s15] =	ssyncadd.s32 $0xFFFFFFFF  }
0x97: {  	s18 =	sld [smem:$0x14];
	(tm) =	ssettm $0x1  }
0x98: {  	s6 =	sld [smem:$0x3FFB];
	_ =	sdelay $0x3  }
0x99: {  	_ =	strace s6  }
0x9a: {  	s6 =	sld [smem:$0x3FFC];
	_ =	sdelay $0x3  }
0x9b: {  	_ =	strace s6  }
0x9c: {  	s6 =	sld [smem:$0x3FFD];
	_ =	sdelay $0x3  }
0x9d: {  	_ =	strace s6  }
0x9e: {  	_ =	strace $0x8FFFFFFF  }
0x9f: {  	s19 =	sld [smem:$0x3FDB];
	_ =	sdelay $0x1  }
0xa0: {  	s7 =	simm.s32 $_scs_section_size  }
0xa1: {  	s8 =	simm.s32 $_size__tile_overlayer_lowered;
	s9 =	simm.s32 $_tile_overlayer_lowered  }
0xa2: {  	s22 =	simm.s32 $0x1BFF;
	s21 =	sshll.u32 s9, $0x1;
	s6 =	sadd.s32 s7, s19  }
0xa3: {  	s10 =	simm.s32 $0x0;
	s20 =	sshll.u32 s8, $0x1;
	s8 =	sadd.s32 s21, s6  }
0xa4: {  	[timem:s10], [sflag:s22] =	dma.local [hbm:s8], s20  }
0xa5: {  	_ =	swait.ge [sflag:s22], s20  }
0xa6: {  	s7 =	ssub.s32 $0x0, s20;
	[sflag:s22] =	ssyncset.done $0x0  }
0xa7: {  	[sflag:s22] =	ssyncadd.s32 s7;
	_ =	sdelay $0x1  }
0xa8: {  	s23 =	simm.s32 $0x1B8B  }
0xa9: {  	_ =	swait.ge [sflag:s23], $0x1  }
0xaa: {  	[sflag:s23] =	ssyncset.done $0x0  }
0xab: {  	s25 =	simm.s32 $0x1B8E;
	s24 =	sld [smem:$0x3FFE];
	[sflag:s23] =	ssyncadd.s32 $0xFFFFFFFF  }
0xac: {  	s26 =	simm.s32 $execute0_lowered;
	[smem:$0x3FD2] =	sst s25  }
0xad: {  	s8 =	sshll.u32 s26, $0x1;
	_ =	strace $0x80000049;
	[dreg:$0x1] =	wrdreg $0xFFFFFFFF  }
0xae: {  	s28 =	simm.s32 $_size_execute0_lowered;
	s6 =	sadd.s32 s6, s8;
	[dreg:$0x0] =	wrdreg $0x0  }
0xaf: {  	s8 =	sshll.u32 s28, $0x1;
	[dreg:$0x2] =	wrdreg s6  }
0xb0: {  	[dreg:$0x3] =	wrdreg s8  }
0xb1: {  	[dreg:$0x4] =	wrdreg $0xC0  }
0xb2: {  	_ =	task [dreg:s10], $0x5FFFF  }
0xb3: {  	[dreg:$0x1] =	wrdreg $0xFFFFFFFF  }
0xb4: {  	[dreg:$0x0] =	wrdreg $0x60  }
0xb5: {  	[dreg:$0x2] =	wrdreg s24  }
0xb6: {  	[dreg:$0x3] =	wrdreg s5  }
0xb7: {  	[dreg:$0x4] =	wrdreg s17  }
0xb8: {  	[dreg:$0x5] =	wrdreg s18  }
0xb9: {  	[dreg:$0x6] =	wrdreg s16  }
0xba: {  	[dreg:$0x7] =	wrdreg $0x12C900  }
0xbb: {  	[dreg:$0x8] =	wrdreg $0x9  }
0xbc: {  	_ =	task.clear_ibuf [dreg:s10], $0x9FFFF;
	_ =	strace $0x90000049  }
0xbd: {  	s29 =	simm.s32 $0x9;
	_ =	strace $0x8000004B  }
0xbe: {  	_ =	swait.ge [sflag:s29], $0x1  }
0xbf: {  	[sflag:s29] =	ssyncadd.s32 $0xFFFFFFFF  }
0xc0: {  	_ =	strace $0x9000004B  }
0xc1: {  	_ =	sfence  }
0xc2: {  	s30 =	sld [smem:$0x0];
	_ =	sdelay $0x2  }
0xc3: {  	s31 =	sshll.u32 s1, $0xD;
	s1 =	sshrl.u32 s1, $0x2  }
0xc4: {  	s3 =	sand.u32 $0x4000, s31;
	s1 =	sadd.s32 s1, s30  }
0xc5: {  	s0 =	sor.u32 s3, s0;
	s1 =	sshll.u32 s1, $0x11  }
0xc6: {  	s0 =	sor.u32 s1, s0  }
0xc7: {  	s0 =	sadd.s32 $0x8F2B, s0  }
0xc8: {  	[sflag:s0] =	ssyncadd.remote.s32 $0x1  }
0xc9: {  	_ =	sfence.sel $0xFFFF  }
0xca: {  	[dreg:$0x0] =	wrdreg $0xFFFFFFFF;
	(pc) =	sbr.abs _section_cstart, $3  }
0xcb: {  	[dreg:$0x1] =	wrdreg $0xFFFFFFFF  }
0xcc: {  	_ =	task.clear_ibuf [dreg:s10], $0x2FFFF;
	_ =	strace $0x9FFFFFFF  }
0xcd: {  	(tm) =	ssettm $0x7FFFFFFF  }
tec
execute0_lowered:
.L_overlay_start_1:
0x0: {  	(tag) =	ssettag $0x1  }
0x1: {  	s2 =	rddreg [dreg:$0x0]  }
0x2: {  	s0 =	rddreg [dreg:$0x1]  }
0x3: {  	s1 =	rddreg [dreg:$0x2]  }
0x4: {  	s3 =	rddreg [dreg:$0x3]  }
0x5: {  	s4 =	srdreg.scid;
	s10 =	rddreg [dreg:$0x4]  }
0x6: {  	s16 =	stileid.u32;
	s5 =	rddreg [dreg:$0x5]  }
0x7: {  	s17 =	simm.s32 $0x5;
	s20 =	simm.s32 $0x28;
	s21 =	simm.s32 $0x2710  }
0x8: {  	s22 =	simm.s32 $0xC710;
	s23 =	simm.s32 $0xCC10;
	s24 =	simm.s32 $0xD110  }
0x9: {  	s19 =	simm.s32 $0xD890;
	s4 =	sand.u32 $0x1, s4;
	s8 =	sadd.s32 $0xB0000, s2  }
0xa: {  	s25 =	smul.u32 $0x4F00, s16;
	s6 =	sshll.u32 s4, $0x4;
	s13 =	ssub.s32 $0x2, s4  }
0xb: {  	p0 =	seq.s32 s4, $0x1;
	s4 =	simm.s32 $0xD610;
	s11 =	sor.u32 s16, s6  }
0xc: {  	s6 =	simm.s32 $0x0;
	s14 =	sshrl.u32 s13, $0x1;
	s16 =	sadd.s32 s25, s5  }
0xd: {  	s30 =	sshrl.u32 s25, $0x3;
	s25 =	simm.s32 $0x1;
	s7 =	smul.u32 $0x1388, s11  }
0xe: {  	[smem:$0x7FF] =	sst s6;
	s15 =	smul.u32 $0x13880, s11;
	s13 =	ssub.s32 s13, s14  }
0xf: {  	s11 =	smul.u32 $0x2710, s11;
	_ =	strace $0x8000004A;
	s31 =	smax.u32 s13, $0x1  }
0x10: {  	[dreg:$0x9] =	wrdreg s16;
	s9 =	sshrl.u32 s7, $0x3;
	s15 =	sshrl.u32 s15, $0x3  }
0x11: {  	s11 =	sadd.s32 s0, s11;
	[dreg:$0xc] =	wrdreg s31;
	s12 =	sadd.s32 s9, s2  }
0x12: {  	s9 =	sadd.s32 $0xAB000, s2;
	[dreg:$0xa] =	wrdreg s11;
	s26 =	sadd.s32 $0xA6000, s12  }
0x13: {  	s28 =	sadd.s32 s3, s15;
	s12 =	sadd.s32 $0xA1000, s12;
	[dreg:$0x7] =	wrdreg s26  }
0x14: {  	s2 =	sadd.s32 $0x4C00, s2;
	s29 =	sadd.s32 $0x26C0, s28;
	[dreg:$0x8] =	wrdreg s12  }
0x15: {  	s14 =	simm.s32 $0x1388;
	s10 =	smov.u32 @p0 s2;
	[dreg:$0xb] =	wrdreg s29  }
0x16: {  	s2 =	sadd.s32 s10, s30;
	s26 =	simm.s32 $0x3;
	s10 =	simm.s32 $0x4  }
0x17: {  	v0 =	vimm.f32 $0.0e+00;
	s12 =	simm.s32 $0x0;
	[dreg:$0xd] =	wrdreg s2;
	s2 =	simm.s32 $0x2  }
.LBB2_1:
0x18: {  	[dreg:$0xe] =	wrdreg s12  }
0x19: {  	s11 =	rddreg [dreg:$0x7]  }
0x1a: {  	[tilespmem:s6], [sflag:$0x5] =	stream.linear.gather [hbm4b:s11+s6], $0x1388, $0x38;
	[tilespmem:$0x17B90] =	vst v63  }
0x1b: {  	_ =	swait.ge [sflag:s17], $0x1388  }
0x1c: {  	[sflag:s17] =	ssyncset.done $0x0  }
0x1d: {  	s31 =	rddreg [dreg:$0x8];
	[sflag:s17] =	ssyncadd.s32 $0xFFFFEC78  }
0x1e: {  	[tilespmem:s14], [sflag:$0x5] =	stream.linear.gather [hbm4b:s31+s6], $0x1388, $0x38;
	[tilespmem:$0x17B90] =	vst v63  }
0x1f: {  	_ =	swait.ge [sflag:s17], $0x1388  }
0x20: {  	[sflag:s17] =	ssyncset.done $0x0  }
0x21: {  	s12 =	simm.s32 $0x0;
	s11 =	simm.s32 $0x80;
	[sflag:s17] =	ssyncadd.s32 $0xFFFFEC78  }
.LBB2_2:
0x22: {  	p0 =	sne.s32 s11, $0x13B80;
	[tilespmem:s12+$0xDD90] =	vst v0;
	s13 =	smov.u32 s11;
	s11 =	sadd.s32 $0x80, s11  }
.Ltmp0:
0x23: {  	[tilespmem:s12+$0xDDA0] =	vst v0;
	(pc) =	sbr.rel @p0 .LBB2_2-.Ltmp0, $2  }
0x24: {  	_ =	sdelay $0x2  }
0x25: {  	s12 =	sshra.s32 s13, $0x2  }
0x26: {  	[tilespmem:s12+$0xDD90] =	vst v0  }
0x27: {  	[tilespmem:s12+$0xDDA0] =	vst v0;
	s11 =	simm.s32 $0xDD90  }
0x28: {  	[spmem:s16] =	stream.linear.scatter [tilespmem:s11], [sflag:$0x5], $0x4F00, $0x38;
	[tilespmem:$0x17B90] =	vst v63  }
0x29: {  	_ =	swait.ge [sflag:s17], $0x4F00  }
0x2a: {  	[sflag:s17] =	ssyncset.done $0x0  }
0x2b: {  	[sflag:s17] =	ssyncadd.s32 $0xFFFFB100  }
0x2c: {  	s13 =	simm.s32 $0x0;
	[bflag:$0x0] =	sbarrier.arrive $0xFFFF  }
0x2d: {  	[tilespmem:s21], [sflag:$0x1] =	stream.indirect.gather [hbm4b:s8+s20], $0x200, s13, s20, $0xb8;
	[tilespmem:$0x17B90] =	vst v63  }
0x2e: {  	s31 =	rddreg [dreg:$0xa]  }
0x2f: {  	[tilespmem:s22], [sflag:$0x3] =	stream.linear.gather [hbm4b:s31+s13], $0x280, $0x38;
	[tilespmem:$0x17B90] =	vst v63  }
0x30: {  	_ = 	snop  }
0x31: {  	[tilespmem:s23], [sflag:$0x3] =	stream.indirect.gather [hbm4b:s1+s20], $0x10, s14, s20, $0xb8;
	[tilespmem:$0x17B90] =	vst v63  }
0x32: {  	_ = 	snop  }
0x33: {  	[tilespmem:s24], [sflag:$0x3] =	stream.indirect.gather [hbm4b:s9+s20], $0x10, s14, s20, $0xb8;
	[tilespmem:$0x17B90] =	vst v63  }
0x34: {  	s14 =	simm.s32 $0x0  }
.LBB2_4:
0x35: {  	_ =	swait.ge [sflag:s25], $0x5000  }
0x36: {  	[sflag:s25] =	ssyncset.done $0x0  }
0x37: {  	[sflag:s25] =	ssyncadd.s32 $0xFFFFB000  }
0x38: {  	_ =	swait.ge [sflag:s26], $0x280  }
0x39: {  	[sflag:s26] =	ssyncset.done $0x0  }
0x3a: {  	[sflag:s26] =	ssyncadd.s32 $0xFFFFFD80  }
0x3b: {  	_ =	swait.ge [sflag:s26], $0x280  }
0x3c: {  	[sflag:s26] =	ssyncset.done $0x0  }
0x3d: {  	[sflag:s26] =	ssyncadd.s32 $0xFFFFFD80  }
0x3e: {  	s18 =	smul.u32 $0x50, s14;
	_ =	swait.ge [sflag:s26], $0x280  }
0x3f: {  	[sflag:s26] =	ssyncset.done $0x0  }
0x40: {  	s12 =	simm.s32 $0x7710;
	s11 =	sadd.s32 $0x28, s18;
	[sflag:s26] =	ssyncadd.s32 $0xFFFFFD80  }
0x41: {  	[tilespmem:s12], [sflag:$0x2] =	stream.indirect.gather [hbm4b:s8+s20], $0x200, s11, s20, $0xb8;
	[tilespmem:$0x17B90] =	vst v63  }
0x42: {  	s11 =	sadd.s32 s7, s11  }
0x43: {  	s11 =	sshll.u32 s11, $0x1  }
0x44: {  	s16 =	sand.u32 $0x1FFFFFF0, s11  }
0x45: {  	s15 =	simm.s32 $0xC990;
	s11 =	sadd.s32 s0, s16  }
0x46: {  	[tilespmem:s15], [sflag:$0x4] =	stream.linear.gather [hbm4b:s11+s13], $0x280, $0x38;
	[tilespmem:$0x17B90] =	vst v63  }
0x47: {  	s31 =	simm.s32 $0xCE90;
	s15 =	sadd.s32 $0x13B0, s18  }
0x48: {  	[tilespmem:s31], [sflag:$0x4] =	stream.indirect.gather [hbm4b:s1+s20], $0x10, s15, s20, $0xb8;
	[tilespmem:$0x17B90] =	vst v63  }
0x49: {  	s12 =	simm.s32 $0xD390;
	s31 =	simm.s32 $0x0  }
0x4a: {  	[tilespmem:s12], [sflag:$0x4] =	stream.indirect.gather [hbm4b:s9+s20], $0x10, s15, s20, $0xb8;
	[tilespmem:$0x17B90] =	vst v63  }
0x4b: {  	v1 =	vld [tilespmem:s31+$0xCC10]  }
0x4c: {  	v2 =	vld [tilespmem:s31+$0xD110];
	_ =	sdelay $0x4  }
0x4d: {  	v1 =	vadd.f32 v2, v1;
	_ =	sdelay $0x1  }
0x4e: {  	v1 =	vadd.f32 $1.000000020e-16, v1;
	_ =	sdelay $0x1  }
0x4f: {  	(erf) = vrcp.f32 v1;
	_ =	sdelay $0x4  }
0x50: {  	v1 =	vld [tilespmem:s31+$0xC710];
	_ =	sdelay $0x3  }
0x51: {  	v2 =	vpop (erf)  }
0x52: {  	v10 =	vmul.f32 v2, v1;
	_ =	sdelay $0x1  }
0x53: {  	s12 =	simm.s32 $0x2810;
	[tilespmem:s31+$0xD610] =	vst v10  }
0x54: {  	v5 =	vld [tilespmem:s12+$0xFFFFFF80]  }
0x55: {  	v7 =	vld [tilespmem:s12+$0xFFFFFF20]  }
0x56: {  	v11 =	vld [tilespmem:s12+$0xFFFFFF40]  }
0x57: {  	v12 =	vld [tilespmem:s12+$0xFFFFFFA0]  }
0x58: {  	v3 =	vbroadcast v10, $0x0;
	v13 =	vld [tilespmem:s12+$0xFFFFFFC0]  }
0x59: {  	v8 =	vbroadcast v10, $0x6;
	v6 =	vbroadcast v10, $0x1;
	v14 =	vld [tilespmem:s12+$0x20]  }
0x5a: {  	v1 =	vbroadcast v10, $0x8;
	v9 =	vbroadcast v10, $0x2;
	v20 =	vld [tilespmem:s12+$0xFFFFFF00]  }
0x5b: {  	v2 =	vbroadcast v10, $0x4;
	v4 =	vbroadcast v10, $0x5;
	v25 =	vld [tilespmem:s12+$0x0]  }
0x5c: {  	v16 =	vld [tilespmem:s12+$0xFFFFFF60];
	v7 =	vmul.f32 v6, v7;
	v11 =	vmul.f32 v11, v9  }
0x5d: {  	v18 =	vmul.f32 v5, v2;
	v19 =	vmul.f32 v12, v4  }
0x5e: {  	v15 =	vld [tilespmem:s12+$0x40];
	v5 =	vbroadcast v10, $0x9;
	v21 =	vmul.f32 v13, v8  }
0x5f: {  	v22 =	vld [tilespmem:s12+$0xFFFFFFE0];
	v12 =	vbroadcast v10, $0xA;
	v13 =	vbroadcast v10, $0x3  }
0x60: {  	v17 =	vld [tilespmem:s12+$0xA0];
	v20 =	vmul.f32 v3, v20;
	v60 =	vmul.f32 v25, v1;
	v11 =	vadd.f32 $0.0e+00, v11  }
0x61: {  	v23 =	vld [tilespmem:s12+$0xE0];
	v7 =	vadd.f32 $0.0e+00, v7;
	v14 =	vmul.f32 v14, v5;
	v16 =	vmul.f32 v16, v13  }
0x62: {  	v24 =	vld [tilespmem:s12+$0x60];
	v20 =	vadd.f32 $0.0e+00, v20;
	v21 =	vadd.f32 v21, v11;
	v11 =	vbroadcast v10, $0x7  }
0x63: {  	v26 =	vld [tilespmem:s12+$0xC0];
	v15 =	vmul.f32 v15, v12;
	v19 =	vadd.f32 v19, v7;
	v7 =	vbroadcast v10, $0xD  }
0x64: {  	v27 =	vld [tilespmem:s12+$0x80];
	v16 =	vadd.f32 $0.0e+00, v16;
	v18 =	vadd.f32 v18, v20;
	v22 =	vmul.f32 v22, v11  }
0x65: {  	v19 =	vadd.f32 v14, v19;
	v14 =	vbroadcast v10, $0xB;
	v21 =	vadd.f32 v15, v21  }
0x66: {  	v15 =	vbroadcast v10, $0xF;
	v22 =	vadd.f32 v22, v16;
	v16 =	vbroadcast v10, $0xE  }
0x67: {  	v24 =	vmul.f32 v24, v14;
	v10 =	vbroadcast v10, $0xC  }
0x68: {  	v17 =	vmul.f32 v17, v7;
	v18 =	vadd.f32 v60, v18;
	v61 =	vmul.f32 v26, v16  }
0x69: {  	v23 =	vmul.f32 v23, v15;
	v22 =	vadd.f32 v24, v22;
	v62 =	vmul.f32 v27, v10  }
0x6a: {  	v17 =	vadd.f32 v17, v19;
	v19 =	vadd.f32 v61, v21  }
0x6b: {  	v63 =	vadd.f32 v23, v22;
	v18 =	vadd.f32 v62, v18;
	_ =	sdelay $0x1  }
0x6c: {  	v19 =	vadd.f32 v63, v19;
	v17 =	vadd.f32 v17, v18;
	_ =	sdelay $0x1  }
0x6d: {  	v17 =	vadd.f32 v19, v17  }
0x6e: {  	s28 =	simm.s32 $0xD8A0  }
0x6f: {  	s29 =	simm.s32 $0x40;
	s30 =	simm.s32 $0x2810;
	s11 =	simm.s32 $0xD8A0;
	[tilespmem:s28+$0xFFFFFFF0] =	vst v17  }
.LBB2_5:
0x70: {  	p0 =	sne.s32 s29, $0x9C0;
	v17 =	vld [tilespmem:s12+$0xD0];
	s28 =	sadd.s32 $0x20, s28;
	s30 =	sadd.s32 $0x200, s30  }
0x71: {  	s31 =	smov.u32 s29;
	s29 =	sadd.s32 $0x40, s29;
	v18 =	vld [tilespmem:s12+$0xF0]  }
0x72: {  	v19 =	vld [tilespmem:s12+$0x70]  }
0x73: {  	v20 =	vld [tilespmem:s12+$0x50]  }
0x74: {  	v21 =	vld [tilespmem:s12+$0xFFFFFFD0]  }
0x75: {  	v22 =	vld [tilespmem:s12+$0xFFFFFFF0]  }
0x76: {  	v23 =	vld [tilespmem:s12+$0xFFFFFF70]  }
0x77: {  	v24 =	vld [tilespmem:s12+$0xFFFFFF50]  }
0x78: {  	v25 =	vld [tilespmem:s12+$0xFFFFFF30];
	v12 =	vmul.f32 v20, v12  }
0x79: {  	v20 =	vld [tilespmem:s12+$0xFFFFFF10];
	v8 =	vmul.f32 v21, v8  }
0x7a: {  	v21 =	vld [tilespmem:s12+$0xFFFFFFB0]  }
0x7b: {  	v16 =	vmul.f32 v17, v16;
	v13 =	vmul.f32 v23, v13;
	v23 =	vld [tilespmem:s12+$0xFFFFFF90]  }
0x7c: {  	v15 =	vmul.f32 v18, v15;
	v9 =	vmul.f32 v24, v9;
	v17 =	vld [tilespmem:s12+$0x30]  }
0x7d: {  	v11 =	vmul.f32 v22, v11;
	v6 =	vmul.f32 v25, v6;
	v13 =	vadd.f32 $0.0e+00, v13;
	v18 =	vld [tilespmem:s12+$0x10]  }
0x7e: {  	v14 =	vmul.f32 v19, v14;
	v3 =	vmul.f32 v20, v3;
	v9 =	vadd.f32 $0.0e+00, v9;
	v19 =	vld [tilespmem:s12+$0xB0]  }
0x7f: {  	v6 =	vadd.f32 $0.0e+00, v6;
	v4 =	vmul.f32 v21, v4;
	v11 =	vadd.f32 v11, v13;
	v13 =	vld [tilespmem:s12+$0x90];
	s12 =	smov.u32 s30  }
0x80: {  	v3 =	vadd.f32 $0.0e+00, v3;
	v2 =	vmul.f32 v23, v2;
	v8 =	vadd.f32 v8, v9  }
0x81: {  	v4 =	vadd.f32 v4, v6;
	v5 =	vmul.f32 v17, v5;
	v6 =	vadd.f32 v14, v11  }
0x82: {  	v2 =	vadd.f32 v2, v3;
	v1 =	vmul.f32 v18, v1;
	v3 =	vadd.f32 v12, v8  }
0x83: {  	s31 =	sshra.s32 s31, $0x2;
	v4 =	vadd.f32 v5, v4;
	v5 =	vmul.f32 v19, v7;
	v6 =	vadd.f32 v15, v6  }
0x84: {  	v1 =	vadd.f32 v1, v2;
	v2 =	vmul.f32 v13, v10;
	v3 =	vadd.f32 v16, v3  }
0x85: {  	v4 =	vadd.f32 v5, v4  }
0x86: {  	v1 =	vadd.f32 v2, v1;
	v2 =	vadd.f32 v6, v3;
	_ =	sdelay $0x1  }
0x87: {  	v1 =	vadd.f32 v4, v1;
	_ =	sdelay $0x1  }
0x88: {  	v1 =	vadd.f32 v2, v1;
	_ =	sdelay $0x1  }
0x89: {  	[tilespmem:s11+$0x0] =	vst v1;
	s11 =	smov.u32 s28  }
0x8a: {  	v1 =	vld [tilespmem:s31+$0xCC10]  }
0x8b: {  	v2 =	vld [tilespmem:s31+$0xD110];
	_ =	sdelay $0x4  }
0x8c: {  	v1 =	vadd.f32 v2, v1;
	_ =	sdelay $0x1  }
0x8d: {  	v1 =	vadd.f32 $1.000000020e-16, v1;
	_ =	sdelay $0x1  }
0x8e: {  	(erf) = vrcp.f32 v1;
	_ =	sdelay $0x4  }
0x8f: {  	v1 =	vld [tilespmem:s31+$0xC710];
	_ =	sdelay $0x3  }
0x90: {  	v2 =	vpop (erf)  }
0x91: {  	v10 =	vmul.f32 v2, v1;
	_ =	sdelay $0x1  }
0x92: {  	[tilespmem:s31+$0xD610] =	vst v10  }
0x93: {  	v5 =	vld [tilespmem:s30+$0xFFFFFF80]  }
0x94: {  	v4 =	vld [tilespmem:s30+$0xFFFFFF20]  }
0x95: {  	v7 =	vld [tilespmem:s30+$0xFFFFFF40]  }
0x96: {  	v3 =	vbroadcast v10, $0x0;
	v8 =	vbroadcast v10, $0x6;
	v11 =	vld [tilespmem:s30+$0xFFFFFFA0]  }
0x97: {  	v6 =	vbroadcast v10, $0x1;
	v1 =	vbroadcast v10, $0x8;
	v12 =	vld [tilespmem:s30+$0xFFFFFFC0]  }
0x98: {  	v9 =	vbroadcast v10, $0x2;
	v2 =	vbroadcast v10, $0x4;
	v13 =	vld [tilespmem:s30+$0x20]  }
0x99: {  	v14 =	vmul.f32 v6, v4;
	v4 =	vbroadcast v10, $0x5;
	v15 =	vld [tilespmem:s30+$0x40]  }
0x9a: {  	v17 =	vmul.f32 v5, v2;
	v7 =	vmul.f32 v7, v9;
	v16 =	vld [tilespmem:s30+$0xA0]  }
0x9b: {  	v5 =	vbroadcast v10, $0x9;
	v14 =	vadd.f32 $0.0e+00, v14;
	v18 =	vld [tilespmem:s30+$0xFFFFFF60];
	v11 =	vmul.f32 v11, v4  }
0x9c: {  	v19 =	vld [tilespmem:s30+$0xFFFFFF00];
	v20 =	vadd.f32 $0.0e+00, v7;
	v21 =	vmul.f32 v12, v8;
	v12 =	vbroadcast v10, $0xA  }
0x9d: {  	v7 =	vbroadcast v10, $0xD;
	v11 =	vadd.f32 v11, v14;
	v14 =	vld [tilespmem:s30+$0xFFFFFFE0];
	v22 =	vmul.f32 v13, v5  }
0x9e: {  	v13 =	vbroadcast v10, $0x3;
	v20 =	vadd.f32 v21, v20;
	v15 =	vmul.f32 v15, v12;
	v21 =	vld [tilespmem:s30+$0xE0]  }
0x9f: {  	v22 =	vadd.f32 v22, v11;
	v23 =	vld [tilespmem:s30+$0x60];
	v16 =	vmul.f32 v16, v7  }
0xa0: {  	v11 =	vbroadcast v10, $0x7;
	v18 =	vmul.f32 v18, v13;
	v24 =	vld [tilespmem:s30+$0x0];
	v20 =	vadd.f32 v15, v20  }
0xa1: {  	v15 =	vmul.f32 v3, v19;
	v19 =	vadd.f32 v16, v22;
	v22 =	vld [tilespmem:s30+$0xC0]  }
0xa2: {  	v16 =	vadd.f32 $0.0e+00, v18;
	v18 =	vmul.f32 v14, v11;
	v14 =	vbroadcast v10, $0xB;
	v25 =	vld [tilespmem:s30+$0x80]  }
0xa3: {  	v26 =	vadd.f32 $0.0e+00, v15;
	v15 =	vbroadcast v10, $0xF  }
0xa4: {  	v18 =	vadd.f32 v18, v16;
	v23 =	vmul.f32 v23, v14;
	v16 =	vbroadcast v10, $0xE  }
0xa5: {  	v10 =	vbroadcast v10, $0xC;
	v17 =	vadd.f32 v17, v26;
	v24 =	vmul.f32 v24, v1  }
0xa6: {  	v21 =	vmul.f32 v21, v15;
	v18 =	vadd.f32 v23, v18;
	v22 =	vmul.f32 v22, v16  }
0xa7: {  	v17 =	vadd.f32 v24, v17;
	v23 =	vmul.f32 v25, v10  }
0xa8: {  	v20 =	vadd.f32 v22, v20;
	v18 =	vadd.f32 v21, v18  }
0xa9: {  	v17 =	vadd.f32 v23, v17  }
0xaa: {  	v18 =	vadd.f32 v18, v20  }
.Ltmp1:
0xab: {  	v17 =	vadd.f32 v19, v17;
	(pc) =	sbr.rel @p0 .LBB2_5-.Ltmp1, $3  }
0xac: {  	_ = 	snop  }
0xad: {  	v17 =	vadd.f32 v18, v17;
	_ =	sdelay $0x1  }
0xae: {  	[tilespmem:s28+$0xFFFFFFF0] =	vst v17  }
0xaf: {  	v17 =	vld [tilespmem:s12+$0xD0]  }
0xb0: {  	v18 =	vld [tilespmem:s12+$0xF0]  }
0xb1: {  	v19 =	vld [tilespmem:s12+$0x70]  }
0xb2: {  	v20 =	vld [tilespmem:s12+$0x50]  }
0xb3: {  	v21 =	vld [tilespmem:s12+$0xFFFFFFD0]  }
0xb4: {  	v22 =	vld [tilespmem:s12+$0xFFFFFFF0]  }
0xb5: {  	v23 =	vld [tilespmem:s12+$0xFFFFFF70]  }
0xb6: {  	v24 =	vld [tilespmem:s12+$0xFFFFFF50]  }
0xb7: {  	v25 =	vld [tilespmem:s12+$0xFFFFFF30]  }
0xb8: {  	v26 =	vld [tilespmem:s12+$0xFFFFFF10]  }
0xb9: {  	v27 =	vld [tilespmem:s12+$0xFFFFFFB0];
	v12 =	vmul.f32 v20, v12  }
0xba: {  	v49 =	vld [tilespmem:s12+$0xFFFFFF90];
	v13 =	vmul.f32 v23, v13;
	v8 =	vmul.f32 v21, v8  }
0xbb: {  	v50 =	vld [tilespmem:s12+$0x30];
	v9 =	vmul.f32 v24, v9;
	v16 =	vmul.f32 v17, v16  }
0xbc: {  	v6 =	vmul.f32 v25, v6;
	v17 =	vld [tilespmem:s12+$0x10];
	v11 =	vmul.f32 v22, v11  }
0xbd: {  	v51 =	vld [tilespmem:s12+$0xB0];
	v3 =	vmul.f32 v26, v3;
	v14 =	vmul.f32 v19, v14;
	v13 =	vadd.f32 $0.0e+00, v13  }
0xbe: {  	v4 =	vmul.f32 v27, v4;
	v19 =	vld [tilespmem:s12+$0x90];
	v9 =	vadd.f32 $0.0e+00, v9;
	v6 =	vadd.f32 $0.0e+00, v6  }
0xbf: {  	v2 =	vmul.f32 v49, v2;
	v3 =	vadd.f32 $0.0e+00, v3;
	v11 =	vadd.f32 v11, v13  }
0xc0: {  	v5 =	vmul.f32 v50, v5;
	v8 =	vadd.f32 v8, v9;
	v4 =	vadd.f32 v4, v6  }
0xc1: {  	v2 =	vadd.f32 v2, v3;
	v1 =	vmul.f32 v17, v1;
	v6 =	vadd.f32 v14, v11  }
0xc2: {  	v3 =	vmul.f32 v18, v15;
	v8 =	vadd.f32 v12, v8;
	v4 =	vadd.f32 v5, v4  }
0xc3: {  	v5 =	vmul.f32 v51, v7;
	v1 =	vadd.f32 v1, v2;
	v2 =	vmul.f32 v19, v10  }
0xc4: {  	v3 =	vadd.f32 v3, v6;
	v6 =	vadd.f32 v16, v8  }
0xc5: {  	v4 =	vadd.f32 v5, v4;
	v1 =	vadd.f32 v2, v1;
	_ =	sdelay $0x1  }
0xc6: {  	v2 =	vadd.f32 v3, v6;
	v1 =	vadd.f32 v4, v1;
	_ =	sdelay $0x1  }
0xc7: {  	s30 =	sadd.s32 s7, s18;
	v1 =	vadd.f32 v2, v1  }
0xc8: {  	s12 =	sshll.u32 s30, $0x1  }
0xc9: {  	s30 =	smul.u32 $0x140, s14;
	s31 =	sadd.s32 s3, s12;
	s12 =	simm.s32 $0x0;
	[tilespmem:s11+$0x0] =	vst v1  }
0xca: {  	[hbm4b:s31+s12] =	stream.linear.scatter [tilespmem:s4], [sflag:$0x5], $0x280, $0x38;
	[tilespmem:$0x17B90] =	vst v63  }
0xcb: {  	_ =	swait.ge [sflag:s17], $0x280  }
0xcc: {  	s11 =	sshra.s32 s30, $0x2;
	[sflag:s17] =	ssyncset.done $0x0  }
0xcd: {  	s11 =	sadd.s32 $0x1388, s11;
	[sflag:s17] =	ssyncadd.s32 $0xFFFFFD80  }
0xce: {  	[spmem:s5] =	stream.indirect.scatter.add.f32 [tilespmem:s19], [sflag:$0x5], $0x20, s11, s20, $0xb8;
	[tilespmem:$0x17B90] =	vst v63  }
0xcf: {  	_ =	swait.ge [sflag:s17], $0x500  }
0xd0: {  	[sflag:s17] =	ssyncset.done $0x0  }
0xd1: {  	[sflag:s17] =	ssyncadd.s32 $0xFFFFFB00  }
0xd2: {  	_ =	swait.ge [sflag:s2], $0x5000  }
0xd3: {  	[sflag:s2] =	ssyncset.done $0x0  }
0xd4: {  	[sflag:s2] =	ssyncadd.s32 $0xFFFFB000  }
0xd5: {  	_ =	swait.ge [sflag:s10], $0x280  }
0xd6: {  	[sflag:s10] =	ssyncset.done $0x0  }
0xd7: {  	[sflag:s10] =	ssyncadd.s32 $0xFFFFFD80  }
0xd8: {  	_ =	swait.ge [sflag:s10], $0x280  }
0xd9: {  	[sflag:s10] =	ssyncset.done $0x0  }
0xda: {  	s31 =	sadd.s32 $0x50, s18;
	[sflag:s10] =	ssyncadd.s32 $0xFFFFFD80  }
0xdb: {  	s11 =	sadd.s32 s7, s31;
	_ =	swait.ge [sflag:s10], $0x280  }
0xdc: {  	s11 =	sshll.u32 s11, $0x1;
	[sflag:s10] =	ssyncset.done $0x0  }
0xdd: {  	s11 =	sand.u32 $0x1FFFFFF0, s11;
	[sflag:s10] =	ssyncadd.s32 $0xFFFFFD80  }
0xde: {  	[tilespmem:s21], [sflag:$0x1] =	stream.indirect.gather [hbm4b:s8+s20], $0x200, s31, s20, $0xb8;
	[tilespmem:$0x17B90] =	vst v63  }
0xdf: {  	s11 =	sadd.s32 s0, s11  }
0xe0: {  	[tilespmem:s22], [sflag:$0x3] =	stream.linear.gather [hbm4b:s11+s12], $0x280, $0x38;
	[tilespmem:$0x17B90] =	vst v63  }
0xe1: {  	s30 =	sadd.s32 $0x13D8, s18  }
0xe2: {  	[tilespmem:s23], [sflag:$0x3] =	stream.indirect.gather [hbm4b:s1+s20], $0x10, s30, s20, $0xb8;
	[tilespmem:$0x17B90] =	vst v63  }
0xe3: {  	s31 =	simm.s32 $0x0  }
0xe4: {  	[tilespmem:s24], [sflag:$0x3] =	stream.indirect.gather [hbm4b:s9+s20], $0x10, s30, s20, $0xb8;
	[tilespmem:$0x17B90] =	vst v63  }
0xe5: {  	v1 =	vld [tilespmem:s31+$0xCE90]  }
0xe6: {  	v2 =	vld [tilespmem:s31+$0xD390];
	_ =	sdelay $0x4  }
0xe7: {  	v1 =	vadd.f32 v2, v1;
	_ =	sdelay $0x1  }
0xe8: {  	v1 =	vadd.f32 $1.000000020e-16, v1;
	_ =	sdelay $0x1  }
0xe9: {  	(erf) = vrcp.f32 v1;
	_ =	sdelay $0x4  }
0xea: {  	v1 =	vld [tilespmem:s31+$0xC990];
	_ =	sdelay $0x3  }
0xeb: {  	v2 =	vpop (erf)  }
0xec: {  	v10 =	vmul.f32 v2, v1;
	_ =	sdelay $0x1  }
0xed: {  	s12 =	simm.s32 $0x7810;
	[tilespmem:s31+$0xD610] =	vst v10  }
0xee: {  	v5 =	vld [tilespmem:s12+$0xFFFFFF80]  }
0xef: {  	v7 =	vld [tilespmem:s12+$0xFFFFFF20]  }
0xf0: {  	v11 =	vld [tilespmem:s12+$0xFFFFFF40]  }
0xf1: {  	v12 =	vld [tilespmem:s12+$0xFFFFFFA0]  }
0xf2: {  	v3 =	vbroadcast v10, $0x0;
	v13 =	vld [tilespmem:s12+$0xFFFFFFC0]  }
0xf3: {  	v8 =	vbroadcast v10, $0x6;
	v6 =	vbroadcast v10, $0x1;
	v14 =	vld [tilespmem:s12+$0x20]  }
0xf4: {  	v1 =	vbroadcast v10, $0x8;
	v9 =	vbroadcast v10, $0x2;
	v52 =	vld [tilespmem:s12+$0xFFFFFF00]  }
0xf5: {  	v2 =	vbroadcast v10, $0x4;
	v4 =	vbroadcast v10, $0x5;
	v57 =	vld [tilespmem:s12+$0x0]  }
0xf6: {  	v16 =	vld [tilespmem:s12+$0xFFFFFF60];
	v7 =	vmul.f32 v6, v7;
	v11 =	vmul.f32 v11, v9  }
0xf7: {  	v18 =	vmul.f32 v5, v2;
	v19 =	vmul.f32 v12, v4  }
0xf8: {  	v15 =	vld [tilespmem:s12+$0x40];
	v5 =	vbroadcast v10, $0x9;
	v53 =	vmul.f32 v13, v8  }
0xf9: {  	v54 =	vld [tilespmem:s12+$0xFFFFFFE0];
	v12 =	vbroadcast v10, $0xA;
	v13 =	vbroadcast v10, $0x3  }
0xfa: {  	v17 =	vld [tilespmem:s12+$0xA0];
	v20 =	vmul.f32 v3, v52;
	v60 =	vmul.f32 v57, v1;
	v11 =	vadd.f32 $0.0e+00, v11  }
0xfb: {  	v55 =	vld [tilespmem:s12+$0xE0];
	v7 =	vadd.f32 $0.0e+00, v7;
	v14 =	vmul.f32 v14, v5;
	v16 =	vmul.f32 v16, v13  }
0xfc: {  	v56 =	vld [tilespmem:s12+$0x60];
	v20 =	vadd.f32 $0.0e+00, v20;
	v21 =	vadd.f32 v53, v11;
	v11 =	vbroadcast v10, $0x7  }
0xfd: {  	v58 =	vld [tilespmem:s12+$0xC0];
	v15 =	vmul.f32 v15, v12;
	v19 =	vadd.f32 v19, v7;
	v7 =	vbroadcast v10, $0xD  }
0xfe: {  	v59 =	vld [tilespmem:s12+$0x80];
	v16 =	vadd.f32 $0.0e+00, v16;
	v18 =	vadd.f32 v18, v20;
	v22 =	vmul.f32 v54, v11  }
0xff: {  	v19 =	vadd.f32 v14, v19;
	v14 =	vbroadcast v10, $0xB;
	v21 =	vadd.f32 v15, v21  }
0x100: {  	v15 =	vbroadcast v10, $0xF;
	v22 =	vadd.f32 v22, v16;
	v16 =	vbroadcast v10, $0xE  }
0x101: {  	v24 =	vmul.f32 v56, v14;
	v10 =	vbroadcast v10, $0xC  }
0x102: {  	v17 =	vmul.f32 v17, v7;
	v18 =	vadd.f32 v60, v18;
	v61 =	vmul.f32 v58, v16  }
0x103: {  	v23 =	vmul.f32 v55, v15;
	v22 =	vadd.f32 v24, v22;
	v62 =	vmul.f32 v59, v10  }
0x104: {  	v17 =	vadd.f32 v17, v19;
	v19 =	vadd.f32 v61, v21  }
0x105: {  	v63 =	vadd.f32 v23, v22;
	v18 =	vadd.f32 v62, v18;
	_ =	sdelay $0x1  }
0x106: {  	v19 =	vadd.f32 v63, v19;
	v17 =	vadd.f32 v17, v18;
	_ =	sdelay $0x1  }
0x107: {  	v17 =	vadd.f32 v19, v17  }
0x108: {  	s18 =	simm.s32 $0xD8A0  }
0x109: {  	s28 =	simm.s32 $0x40;
	s29 =	simm.s32 $0x7810;
	s11 =	simm.s32 $0xD8A0;
	[tilespmem:s18+$0xFFFFFFF0] =	vst v17  }
.LBB2_7:
0x10a: {  	p0 =	sne.s32 s28, $0x9C0;
	v17 =	vld [tilespmem:s12+$0xD0];
	s18 =	sadd.s32 $0x20, s18;
	s29 =	sadd.s32 $0x200, s29  }
0x10b: {  	s30 =	smov.u32 s28;
	s28 =	sadd.s32 $0x40, s28;
	v18 =	vld [tilespmem:s12+$0xF0]  }
0x10c: {  	v19 =	vld [tilespmem:s12+$0x70]  }
0x10d: {  	v20 =	vld [tilespmem:s12+$0x50]  }
0x10e: {  	v21 =	vld [tilespmem:s12+$0xFFFFFFD0]  }
0x10f: {  	v22 =	vld [tilespmem:s12+$0xFFFFFFF0]  }
0x110: {  	v23 =	vld [tilespmem:s12+$0xFFFFFF70]  }
0x111: {  	v24 =	vld [tilespmem:s12+$0xFFFFFF50]  }
0x112: {  	v25 =	vld [tilespmem:s12+$0xFFFFFF30];
	v12 =	vmul.f32 v20, v12  }
0x113: {  	v20 =	vld [tilespmem:s12+$0xFFFFFF10];
	v8 =	vmul.f32 v21, v8  }
0x114: {  	v21 =	vld [tilespmem:s12+$0xFFFFFFB0]  }
0x115: {  	v16 =	vmul.f32 v17, v16;
	v13 =	vmul.f32 v23, v13;
	v23 =	vld [tilespmem:s12+$0xFFFFFF90]  }
0x116: {  	v15 =	vmul.f32 v18, v15;
	v9 =	vmul.f32 v24, v9;
	v17 =	vld [tilespmem:s12+$0x30]  }
0x117: {  	v11 =	vmul.f32 v22, v11;
	v6 =	vmul.f32 v25, v6;
	v13 =	vadd.f32 $0.0e+00, v13;
	v18 =	vld [tilespmem:s12+$0x10]  }
0x118: {  	v14 =	vmul.f32 v19, v14;
	v3 =	vmul.f32 v20, v3;
	v9 =	vadd.f32 $0.0e+00, v9;
	v19 =	vld [tilespmem:s12+$0xB0]  }
0x119: {  	v6 =	vadd.f32 $0.0e+00, v6;
	v4 =	vmul.f32 v21, v4;
	v11 =	vadd.f32 v11, v13;
	v13 =	vld [tilespmem:s12+$0x90];
	s12 =	smov.u32 s29  }
0x11a: {  	v3 =	vadd.f32 $0.0e+00, v3;
	v2 =	vmul.f32 v23, v2;
	v8 =	vadd.f32 v8, v9  }
0x11b: {  	v4 =	vadd.f32 v4, v6;
	v5 =	vmul.f32 v17, v5;
	v6 =	vadd.f32 v14, v11  }
0x11c: {  	v2 =	vadd.f32 v2, v3;
	v1 =	vmul.f32 v18, v1;
	v3 =	vadd.f32 v12, v8  }
0x11d: {  	s30 =	sshra.s32 s30, $0x2;
	v4 =	vadd.f32 v5, v4;
	v5 =	vmul.f32 v19, v7;
	v6 =	vadd.f32 v15, v6  }
0x11e: {  	v1 =	vadd.f32 v1, v2;
	v2 =	vmul.f32 v13, v10;
	v3 =	vadd.f32 v16, v3  }
0x11f: {  	v4 =	vadd.f32 v5, v4  }
0x120: {  	v1 =	vadd.f32 v2, v1;
	v2 =	vadd.f32 v6, v3;
	_ =	sdelay $0x1  }
0x121: {  	v1 =	vadd.f32 v4, v1;
	_ =	sdelay $0x1  }
0x122: {  	v1 =	vadd.f32 v2, v1;
	_ =	sdelay $0x1  }
0x123: {  	[tilespmem:s11+$0x0] =	vst v1;
	s11 =	smov.u32 s18  }
0x124: {  	v1 =	vld [tilespmem:s30+$0xCE90]  }
0x125: {  	v2 =	vld [tilespmem:s30+$0xD390];
	_ =	sdelay $0x4  }
0x126: {  	v1 =	vadd.f32 v2, v1;
	_ =	sdelay $0x1  }
0x127: {  	v1 =	vadd.f32 $1.000000020e-16, v1;
	_ =	sdelay $0x1  }
0x128: {  	(erf) = vrcp.f32 v1;
	_ =	sdelay $0x4  }
0x129: {  	v1 =	vld [tilespmem:s30+$0xC990];
	_ =	sdelay $0x3  }
0x12a: {  	v2 =	vpop (erf)  }
0x12b: {  	v10 =	vmul.f32 v2, v1;
	_ =	sdelay $0x1  }
0x12c: {  	[tilespmem:s30+$0xD610] =	vst v10  }
0x12d: {  	v5 =	vld [tilespmem:s29+$0xFFFFFF80]  }
0x12e: {  	v4 =	vld [tilespmem:s29+$0xFFFFFF20]  }
0x12f: {  	v7 =	vld [tilespmem:s29+$0xFFFFFF40]  }
0x130: {  	v3 =	vbroadcast v10, $0x0;
	v8 =	vbroadcast v10, $0x6;
	v11 =	vld [tilespmem:s29+$0xFFFFFFA0]  }
0x131: {  	v6 =	vbroadcast v10, $0x1;
	v1 =	vbroadcast v10, $0x8;
	v12 =	vld [tilespmem:s29+$0xFFFFFFC0]  }
0x132: {  	v9 =	vbroadcast v10, $0x2;
	v2 =	vbroadcast v10, $0x4;
	v13 =	vld [tilespmem:s29+$0x20]  }
0x133: {  	v14 =	vmul.f32 v6, v4;
	v4 =	vbroadcast v10, $0x5;
	v15 =	vld [tilespmem:s29+$0x40]  }
0x134: {  	v17 =	vmul.f32 v5, v2;
	v7 =	vmul.f32 v7, v9;
	v16 =	vld [tilespmem:s29+$0xA0]  }
0x135: {  	v5 =	vbroadcast v10, $0x9;
	v14 =	vadd.f32 $0.0e+00, v14;
	v18 =	vld [tilespmem:s29+$0xFFFFFF60];
	v11 =	vmul.f32 v11, v4  }
0x136: {  	v19 =	vld [tilespmem:s29+$0xFFFFFF00];
	v20 =	vadd.f32 $0.0e+00, v7;
	v21 =	vmul.f32 v12, v8;
	v12 =	vbroadcast v10, $0xA  }
0x137: {  	v7 =	vbroadcast v10, $0xD;
	v11 =	vadd.f32 v11, v14;
	v14 =	vld [tilespmem:s29+$0xFFFFFFE0];
	v22 =	vmul.f32 v13, v5  }
0x138: {  	v13 =	vbroadcast v10, $0x3;
	v20 =	vadd.f32 v21, v20;
	v15 =	vmul.f32 v15, v12;
	v21 =	vld [tilespmem:s29+$0xE0]  }
0x139: {  	v22 =	vadd.f32 v22, v11;
	v23 =	vld [tilespmem:s29+$0x60];
	v16 =	vmul.f32 v16, v7  }
0x13a: {  	v11 =	vbroadcast v10, $0x7;
	v18 =	vmul.f32 v18, v13;
	v24 =	vld [tilespmem:s29+$0x0];
	v20 =	vadd.f32 v15, v20  }
0x13b: {  	v15 =	vmul.f32 v3, v19;
	v19 =	vadd.f32 v16, v22;
	v22 =	vld [tilespmem:s29+$0xC0]  }
0x13c: {  	v16 =	vadd.f32 $0.0e+00, v18;
	v18 =	vmul.f32 v14, v11;
	v14 =	vbroadcast v10, $0xB;
	v25 =	vld [tilespmem:s29+$0x80]  }
0x13d: {  	v26 =	vadd.f32 $0.0e+00, v15;
	v15 =	vbroadcast v10, $0xF  }
0x13e: {  	v18 =	vadd.f32 v18, v16;
	v23 =	vmul.f32 v23, v14;
	v16 =	vbroadcast v10, $0xE  }
0x13f: {  	v10 =	vbroadcast v10, $0xC;
	v17 =	vadd.f32 v17, v26;
	v24 =	vmul.f32 v24, v1  }
0x140: {  	v21 =	vmul.f32 v21, v15;
	v18 =	vadd.f32 v23, v18;
	v22 =	vmul.f32 v22, v16  }
0x141: {  	v17 =	vadd.f32 v24, v17;
	v23 =	vmul.f32 v25, v10  }
0x142: {  	v20 =	vadd.f32 v22, v20;
	v18 =	vadd.f32 v21, v18  }
0x143: {  	v17 =	vadd.f32 v23, v17  }
0x144: {  	v18 =	vadd.f32 v18, v20  }
.Ltmp2:
0x145: {  	v17 =	vadd.f32 v19, v17;
	(pc) =	sbr.rel @p0 .LBB2_7-.Ltmp2, $3  }
0x146: {  	_ = 	snop  }
0x147: {  	v17 =	vadd.f32 v18, v17;
	_ =	sdelay $0x1  }
0x148: {  	[tilespmem:s18+$0xFFFFFFF0] =	vst v17  }
0x149: {  	v17 =	vld [tilespmem:s12+$0xD0]  }
0x14a: {  	v19 =	vld [tilespmem:s12+$0x70]  }
0x14b: {  	v20 =	vld [tilespmem:s12+$0x50]  }
0x14c: {  	v21 =	vld [tilespmem:s12+$0xFFFFFFD0]  }
0x14d: {  	v22 =	vld [tilespmem:s12+$0xFFFFFFF0]  }
0x14e: {  	v23 =	vld [tilespmem:s12+$0xFFFFFF70]  }
0x14f: {  	v24 =	vld [tilespmem:s12+$0xFFFFFF50]  }
0x150: {  	v25 =	vld [tilespmem:s12+$0xFFFFFF30]  }
0x151: {  	v26 =	vld [tilespmem:s12+$0xFFFFFF10]  }
0x152: {  	v27 =	vld [tilespmem:s12+$0xFFFFFFB0]  }
0x153: {  	v56 =	vld [tilespmem:s12+$0xFFFFFF90];
	v12 =	vmul.f32 v20, v12;
	v13 =	vmul.f32 v23, v13  }
0x154: {  	v57 =	vld [tilespmem:s12+$0x30];
	v8 =	vmul.f32 v21, v8;
	v9 =	vmul.f32 v24, v9  }
0x155: {  	v58 =	vld [tilespmem:s12+$0x10];
	v16 =	vmul.f32 v17, v16;
	v6 =	vmul.f32 v25, v6  }
0x156: {  	v59 =	vld [tilespmem:s12+$0xB0];
	v11 =	vmul.f32 v22, v11;
	v3 =	vmul.f32 v26, v3  }
0x157: {  	v18 =	vld [tilespmem:s12+$0xF0];
	v14 =	vmul.f32 v19, v14;
	v4 =	vmul.f32 v27, v4  }
0x158: {  	v60 =	vld [tilespmem:s12+$0x90];
	v2 =	vmul.f32 v56, v2;
	v13 =	vadd.f32 $0.0e+00, v13;
	v9 =	vadd.f32 $0.0e+00, v9  }
0x159: {  	v5 =	vmul.f32 v57, v5;
	v6 =	vadd.f32 $0.0e+00, v6;
	v3 =	vadd.f32 $0.0e+00, v3  }
0x15a: {  	v1 =	vmul.f32 v58, v1;
	v11 =	vadd.f32 v11, v13;
	v8 =	vadd.f32 v8, v9  }
0x15b: {  	v62 =	vmul.f32 v59, v7;
	v4 =	vadd.f32 v4, v6;
	v2 =	vadd.f32 v2, v3  }
0x15c: {  	v3 =	vmul.f32 v18, v15;
	v61 =	vadd.f32 v14, v11;
	v8 =	vadd.f32 v12, v8  }
0x15d: {  	v4 =	vadd.f32 v5, v4;
	v1 =	vadd.f32 v1, v2;
	v2 =	vmul.f32 v60, v10  }
0x15e: {  	v3 =	vadd.f32 v3, v61;
	v63 =	vadd.f32 v16, v8  }
0x15f: {  	v4 =	vadd.f32 v62, v4;
	v1 =	vadd.f32 v2, v1;
	_ =	sdelay $0x1  }
0x160: {  	v2 =	vadd.f32 v3, v63;
	v1 =	vadd.f32 v4, v1;
	_ =	sdelay $0x1  }
0x161: {  	v1 =	vadd.f32 v2, v1;
	_ =	sdelay $0x1  }
0x162: {  	s31 =	sadd.s32 s3, s16;
	[tilespmem:s11+$0x0] =	vst v1  }
0x163: {  	[hbm4b:s31+s6] =	stream.linear.scatter [tilespmem:s4], [sflag:$0x5], $0x280, $0x38;
	[tilespmem:$0x17B90] =	vst v63  }
0x164: {  	s14 =	sadd.s32 $0x1, s14;
	_ =	swait.ge [sflag:s17], $0x280  }
0x165: {  	p0 =	sne.s32 s14, $0x3E;
	[sflag:s17] =	ssyncset.done $0x0  }
.Ltmp3:
0x166: {  	[sflag:s17] =	ssyncadd.s32 $0xFFFFFD80;
	(pc) =	sbr.rel @p0 .LBB2_4-.Ltmp3, $4  }
0x167: {  	[spmem:s5] =	stream.indirect.scatter.add.f32 [tilespmem:s19], [sflag:$0x5], $0x20, s15, s20, $0xb8;
	[tilespmem:$0x17B90] =	vst v63  }
0x168: {  	_ =	swait.ge [sflag:s17], $0x500  }
0x169: {  	[sflag:s17] =	ssyncset.done $0x0  }
0x16a: {  	[sflag:s17] =	ssyncadd.s32 $0xFFFFFB00  }
0x16b: {  	_ =	swait.ge [sflag:s25], $0x5000  }
0x16c: {  	[sflag:s25] =	ssyncset.done $0x0  }
0x16d: {  	[sflag:s25] =	ssyncadd.s32 $0xFFFFB000  }
0x16e: {  	_ =	swait.ge [sflag:s26], $0x280  }
0x16f: {  	[sflag:s26] =	ssyncset.done $0x0  }
0x170: {  	[sflag:s26] =	ssyncadd.s32 $0xFFFFFD80  }
0x171: {  	_ =	swait.ge [sflag:s26], $0x280  }
0x172: {  	[sflag:s26] =	ssyncset.done $0x0  }
0x173: {  	[sflag:s26] =	ssyncadd.s32 $0xFFFFFD80  }
0x174: {  	_ =	swait.ge [sflag:s26], $0x280  }
0x175: {  	[sflag:s26] =	ssyncset.done $0x0  }
0x176: {  	s11 =	simm.s32 $0x0;
	[sflag:s26] =	ssyncadd.s32 $0xFFFFFD80  }
0x177: {  	v1 =	vld [tilespmem:s11+$0xCC10]  }
0x178: {  	v2 =	vld [tilespmem:s11+$0xD110];
	_ =	sdelay $0x4  }
0x179: {  	v1 =	vadd.f32 v2, v1;
	_ =	sdelay $0x1  }
0x17a: {  	v1 =	vadd.f32 $1.000000020e-16, v1;
	_ =	sdelay $0x1  }
0x17b: {  	(erf) = vrcp.f32 v1;
	_ =	sdelay $0x4  }
0x17c: {  	v1 =	vld [tilespmem:s11+$0xC710];
	_ =	sdelay $0x3  }
0x17d: {  	v2 =	vpop (erf)  }
0x17e: {  	v10 =	vmul.f32 v2, v1;
	_ =	sdelay $0x1  }
0x17f: {  	s12 =	simm.s32 $0x2810;
	[tilespmem:s11+$0xD610] =	vst v10  }
0x180: {  	v5 =	vld [tilespmem:s12+$0xFFFFFF80]  }
0x181: {  	v7 =	vld [tilespmem:s12+$0xFFFFFF20]  }
0x182: {  	v11 =	vld [tilespmem:s12+$0xFFFFFF40]  }
0x183: {  	v12 =	vld [tilespmem:s12+$0xFFFFFFA0]  }
0x184: {  	v3 =	vbroadcast v10, $0x0;
	v13 =	vld [tilespmem:s12+$0xFFFFFFC0]  }
0x185: {  	v8 =	vbroadcast v10, $0x6;
	v6 =	vbroadcast v10, $0x1;
	v14 =	vld [tilespmem:s12+$0x20]  }
0x186: {  	v1 =	vbroadcast v10, $0x8;
	v9 =	vbroadcast v10, $0x2;
	v20 =	vld [tilespmem:s12+$0xFFFFFF00]  }
0x187: {  	v2 =	vbroadcast v10, $0x4;
	v4 =	vbroadcast v10, $0x5;
	v25 =	vld [tilespmem:s12+$0x0]  }
0x188: {  	v16 =	vld [tilespmem:s12+$0xFFFFFF60];
	v7 =	vmul.f32 v6, v7;
	v11 =	vmul.f32 v11, v9  }
0x189: {  	v18 =	vmul.f32 v5, v2;
	v19 =	vmul.f32 v12, v4  }
0x18a: {  	v15 =	vld [tilespmem:s12+$0x40];
	v5 =	vbroadcast v10, $0x9;
	v21 =	vmul.f32 v13, v8  }
0x18b: {  	v22 =	vld [tilespmem:s12+$0xFFFFFFE0];
	v12 =	vbroadcast v10, $0xA;
	v13 =	vbroadcast v10, $0x3  }
0x18c: {  	v17 =	vld [tilespmem:s12+$0xA0];
	v20 =	vmul.f32 v3, v20;
	v60 =	vmul.f32 v25, v1;
	v11 =	vadd.f32 $0.0e+00, v11  }
0x18d: {  	v23 =	vld [tilespmem:s12+$0xE0];
	v7 =	vadd.f32 $0.0e+00, v7;
	v14 =	vmul.f32 v14, v5;
	v16 =	vmul.f32 v16, v13  }
0x18e: {  	v24 =	vld [tilespmem:s12+$0x60];
	v20 =	vadd.f32 $0.0e+00, v20;
	v21 =	vadd.f32 v21, v11;
	v11 =	vbroadcast v10, $0x7  }
0x18f: {  	v26 =	vld [tilespmem:s12+$0xC0];
	v15 =	vmul.f32 v15, v12;
	v19 =	vadd.f32 v19, v7;
	v7 =	vbroadcast v10, $0xD  }
0x190: {  	v27 =	vld [tilespmem:s12+$0x80];
	v16 =	vadd.f32 $0.0e+00, v16;
	v18 =	vadd.f32 v18, v20;
	v22 =	vmul.f32 v22, v11  }
0x191: {  	v19 =	vadd.f32 v14, v19;
	v14 =	vbroadcast v10, $0xB;
	v21 =	vadd.f32 v15, v21  }
0x192: {  	v15 =	vbroadcast v10, $0xF;
	v22 =	vadd.f32 v22, v16;
	v16 =	vbroadcast v10, $0xE  }
0x193: {  	v24 =	vmul.f32 v24, v14;
	v10 =	vbroadcast v10, $0xC  }
0x194: {  	v17 =	vmul.f32 v17, v7;
	v18 =	vadd.f32 v60, v18;
	v61 =	vmul.f32 v26, v16  }
0x195: {  	v23 =	vmul.f32 v23, v15;
	v22 =	vadd.f32 v24, v22;
	v62 =	vmul.f32 v27, v10  }
0x196: {  	v17 =	vadd.f32 v17, v19;
	v19 =	vadd.f32 v61, v21  }
0x197: {  	v63 =	vadd.f32 v23, v22;
	v18 =	vadd.f32 v62, v18;
	_ =	sdelay $0x1  }
0x198: {  	v19 =	vadd.f32 v63, v19;
	v17 =	vadd.f32 v17, v18;
	_ =	sdelay $0x1  }
0x199: {  	v17 =	vadd.f32 v19, v17  }
0x19a: {  	s13 =	simm.s32 $0xD8A0  }
0x19b: {  	s14 =	simm.s32 $0x40;
	s15 =	simm.s32 $0x2810;
	s11 =	simm.s32 $0xD8A0;
	[tilespmem:s13+$0xFFFFFFF0] =	vst v17  }
.LBB2_10:
0x19c: {  	p0 =	sne.s32 s14, $0x9C0;
	v17 =	vld [tilespmem:s12+$0xD0];
	s13 =	sadd.s32 $0x20, s13;
	s15 =	sadd.s32 $0x200, s15  }
0x19d: {  	s16 =	smov.u32 s14;
	s14 =	sadd.s32 $0x40, s14;
	v18 =	vld [tilespmem:s12+$0xF0]  }
0x19e: {  	v19 =	vld [tilespmem:s12+$0x70]  }
0x19f: {  	v20 =	vld [tilespmem:s12+$0x50]  }
0x1a0: {  	v21 =	vld [tilespmem:s12+$0xFFFFFFD0]  }
0x1a1: {  	v22 =	vld [tilespmem:s12+$0xFFFFFFF0]  }
0x1a2: {  	v23 =	vld [tilespmem:s12+$0xFFFFFF70]  }
0x1a3: {  	v24 =	vld [tilespmem:s12+$0xFFFFFF50]  }
0x1a4: {  	v25 =	vld [tilespmem:s12+$0xFFFFFF30];
	v12 =	vmul.f32 v20, v12  }
0x1a5: {  	v20 =	vld [tilespmem:s12+$0xFFFFFF10];
	v8 =	vmul.f32 v21, v8  }
0x1a6: {  	v21 =	vld [tilespmem:s12+$0xFFFFFFB0]  }
0x1a7: {  	v16 =	vmul.f32 v17, v16;
	v13 =	vmul.f32 v23, v13;
	v23 =	vld [tilespmem:s12+$0xFFFFFF90]  }
0x1a8: {  	v15 =	vmul.f32 v18, v15;
	v9 =	vmul.f32 v24, v9;
	v17 =	vld [tilespmem:s12+$0x30]  }
0x1a9: {  	v11 =	vmul.f32 v22, v11;
	v6 =	vmul.f32 v25, v6;
	v13 =	vadd.f32 $0.0e+00, v13;
	v18 =	vld [tilespmem:s12+$0x10]  }
0x1aa: {  	v14 =	vmul.f32 v19, v14;
	v3 =	vmul.f32 v20, v3;
	v9 =	vadd.f32 $0.0e+00, v9;
	v19 =	vld [tilespmem:s12+$0xB0]  }
0x1ab: {  	v6 =	vadd.f32 $0.0e+00, v6;
	v4 =	vmul.f32 v21, v4;
	v11 =	vadd.f32 v11, v13;
	v13 =	vld [tilespmem:s12+$0x90];
	s12 =	smov.u32 s15  }
0x1ac: {  	v3 =	vadd.f32 $0.0e+00, v3;
	v2 =	vmul.f32 v23, v2;
	v8 =	vadd.f32 v8, v9  }
0x1ad: {  	v4 =	vadd.f32 v4, v6;
	v5 =	vmul.f32 v17, v5;
	v6 =	vadd.f32 v14, v11  }
0x1ae: {  	v2 =	vadd.f32 v2, v3;
	v1 =	vmul.f32 v18, v1;
	v3 =	vadd.f32 v12, v8  }
0x1af: {  	s16 =	sshra.s32 s16, $0x2;
	v4 =	vadd.f32 v5, v4;
	v5 =	vmul.f32 v19, v7;
	v6 =	vadd.f32 v15, v6  }
0x1b0: {  	v1 =	vadd.f32 v1, v2;
	v2 =	vmul.f32 v13, v10;
	v3 =	vadd.f32 v16, v3  }
0x1b1: {  	v4 =	vadd.f32 v5, v4  }
0x1b2: {  	v1 =	vadd.f32 v2, v1;
	v2 =	vadd.f32 v6, v3;
	_ =	sdelay $0x1  }
0x1b3: {  	v1 =	vadd.f32 v4, v1;
	_ =	sdelay $0x1  }
0x1b4: {  	v1 =	vadd.f32 v2, v1;
	_ =	sdelay $0x1  }
0x1b5: {  	[tilespmem:s11+$0x0] =	vst v1;
	s11 =	smov.u32 s13  }
0x1b6: {  	v1 =	vld [tilespmem:s16+$0xCC10]  }
0x1b7: {  	v2 =	vld [tilespmem:s16+$0xD110];
	_ =	sdelay $0x4  }
0x1b8: {  	v1 =	vadd.f32 v2, v1;
	_ =	sdelay $0x1  }
0x1b9: {  	v1 =	vadd.f32 $1.000000020e-16, v1;
	_ =	sdelay $0x1  }
0x1ba: {  	(erf) = vrcp.f32 v1;
	_ =	sdelay $0x4  }
0x1bb: {  	v1 =	vld [tilespmem:s16+$0xC710];
	_ =	sdelay $0x3  }
0x1bc: {  	v2 =	vpop (erf)  }
0x1bd: {  	v10 =	vmul.f32 v2, v1;
	_ =	sdelay $0x1  }
0x1be: {  	[tilespmem:s16+$0xD610] =	vst v10  }
0x1bf: {  	v5 =	vld [tilespmem:s15+$0xFFFFFF80]  }
0x1c0: {  	v4 =	vld [tilespmem:s15+$0xFFFFFF20]  }
0x1c1: {  	v7 =	vld [tilespmem:s15+$0xFFFFFF40]  }
0x1c2: {  	v3 =	vbroadcast v10, $0x0;
	v8 =	vbroadcast v10, $0x6;
	v11 =	vld [tilespmem:s15+$0xFFFFFFA0]  }
0x1c3: {  	v6 =	vbroadcast v10, $0x1;
	v1 =	vbroadcast v10, $0x8;
	v12 =	vld [tilespmem:s15+$0xFFFFFFC0]  }
0x1c4: {  	v9 =	vbroadcast v10, $0x2;
	v2 =	vbroadcast v10, $0x4;
	v13 =	vld [tilespmem:s15+$0x20]  }
0x1c5: {  	v14 =	vmul.f32 v6, v4;
	v4 =	vbroadcast v10, $0x5;
	v15 =	vld [tilespmem:s15+$0x40]  }
0x1c6: {  	v17 =	vmul.f32 v5, v2;
	v7 =	vmul.f32 v7, v9;
	v16 =	vld [tilespmem:s15+$0xA0]  }
0x1c7: {  	v5 =	vbroadcast v10, $0x9;
	v14 =	vadd.f32 $0.0e+00, v14;
	v18 =	vld [tilespmem:s15+$0xFFFFFF60];
	v11 =	vmul.f32 v11, v4  }
0x1c8: {  	v19 =	vld [tilespmem:s15+$0xFFFFFF00];
	v20 =	vadd.f32 $0.0e+00, v7;
	v21 =	vmul.f32 v12, v8;
	v12 =	vbroadcast v10, $0xA  }
0x1c9: {  	v7 =	vbroadcast v10, $0xD;
	v11 =	vadd.f32 v11, v14;
	v14 =	vld [tilespmem:s15+$0xFFFFFFE0];
	v22 =	vmul.f32 v13, v5  }
0x1ca: {  	v13 =	vbroadcast v10, $0x3;
	v20 =	vadd.f32 v21, v20;
	v15 =	vmul.f32 v15, v12;
	v21 =	vld [tilespmem:s15+$0xE0]  }
0x1cb: {  	v22 =	vadd.f32 v22, v11;
	v23 =	vld [tilespmem:s15+$0x60];
	v16 =	vmul.f32 v16, v7  }
0x1cc: {  	v11 =	vbroadcast v10, $0x7;
	v18 =	vmul.f32 v18, v13;
	v24 =	vld [tilespmem:s15+$0x0];
	v20 =	vadd.f32 v15, v20  }
0x1cd: {  	v15 =	vmul.f32 v3, v19;
	v19 =	vadd.f32 v16, v22;
	v22 =	vld [tilespmem:s15+$0xC0]  }
0x1ce: {  	v16 =	vadd.f32 $0.0e+00, v18;
	v18 =	vmul.f32 v14, v11;
	v14 =	vbroadcast v10, $0xB;
	v25 =	vld [tilespmem:s15+$0x80]  }
0x1cf: {  	v26 =	vadd.f32 $0.0e+00, v15;
	v15 =	vbroadcast v10, $0xF  }
0x1d0: {  	v18 =	vadd.f32 v18, v16;
	v23 =	vmul.f32 v23, v14;
	v16 =	vbroadcast v10, $0xE  }
0x1d1: {  	v10 =	vbroadcast v10, $0xC;
	v17 =	vadd.f32 v17, v26;
	v24 =	vmul.f32 v24, v1  }
0x1d2: {  	v21 =	vmul.f32 v21, v15;
	v18 =	vadd.f32 v23, v18;
	v22 =	vmul.f32 v22, v16  }
0x1d3: {  	v17 =	vadd.f32 v24, v17;
	v23 =	vmul.f32 v25, v10  }
0x1d4: {  	v20 =	vadd.f32 v22, v20;
	v18 =	vadd.f32 v21, v18  }
0x1d5: {  	v17 =	vadd.f32 v23, v17  }
0x1d6: {  	v18 =	vadd.f32 v18, v20  }
.Ltmp4:
0x1d7: {  	v17 =	vadd.f32 v19, v17;
	(pc) =	sbr.rel @p0 .LBB2_10-.Ltmp4, $3  }
0x1d8: {  	_ = 	snop  }
0x1d9: {  	v17 =	vadd.f32 v18, v17;
	_ =	sdelay $0x1  }
0x1da: {  	[tilespmem:s13+$0xFFFFFFF0] =	vst v17  }
0x1db: {  	v17 =	vld [tilespmem:s12+$0xD0]  }
0x1dc: {  	v19 =	vld [tilespmem:s12+$0x70]  }
0x1dd: {  	v20 =	vld [tilespmem:s12+$0x50]  }
0x1de: {  	v21 =	vld [tilespmem:s12+$0xFFFFFFD0]  }
0x1df: {  	v22 =	vld [tilespmem:s12+$0xFFFFFFF0]  }
0x1e0: {  	v23 =	vld [tilespmem:s12+$0xFFFFFF70]  }
0x1e1: {  	v24 =	vld [tilespmem:s12+$0xFFFFFF50]  }
0x1e2: {  	v25 =	vld [tilespmem:s12+$0xFFFFFF30]  }
0x1e3: {  	v26 =	vld [tilespmem:s12+$0xFFFFFF10]  }
0x1e4: {  	v27 =	vld [tilespmem:s12+$0xFFFFFFB0]  }
0x1e5: {  	v56 =	vld [tilespmem:s12+$0xFFFFFF90];
	v12 =	vmul.f32 v20, v12;
	v13 =	vmul.f32 v23, v13  }
0x1e6: {  	v57 =	vld [tilespmem:s12+$0x30];
	v8 =	vmul.f32 v21, v8;
	v9 =	vmul.f32 v24, v9  }
0x1e7: {  	v58 =	vld [tilespmem:s12+$0x10];
	v16 =	vmul.f32 v17, v16;
	v6 =	vmul.f32 v25, v6  }
0x1e8: {  	v59 =	vld [tilespmem:s12+$0xB0];
	v11 =	vmul.f32 v22, v11;
	v3 =	vmul.f32 v26, v3  }
0x1e9: {  	v18 =	vld [tilespmem:s12+$0xF0];
	v14 =	vmul.f32 v19, v14;
	v4 =	vmul.f32 v27, v4  }
0x1ea: {  	v60 =	vld [tilespmem:s12+$0x90];
	v2 =	vmul.f32 v56, v2;
	v13 =	vadd.f32 $0.0e+00, v13;
	v9 =	vadd.f32 $0.0e+00, v9  }
0x1eb: {  	v5 =	vmul.f32 v57, v5;
	v6 =	vadd.f32 $0.0e+00, v6;
	v3 =	vadd.f32 $0.0e+00, v3  }
0x1ec: {  	v1 =	vmul.f32 v58, v1;
	v11 =	vadd.f32 v11, v13;
	v8 =	vadd.f32 v8, v9  }
0x1ed: {  	v62 =	vmul.f32 v59, v7;
	v4 =	vadd.f32 v4, v6;
	v2 =	vadd.f32 v2, v3  }
0x1ee: {  	v3 =	vmul.f32 v18, v15;
	v61 =	vadd.f32 v14, v11;
	v8 =	vadd.f32 v12, v8  }
0x1ef: {  	v4 =	vadd.f32 v5, v4;
	v1 =	vadd.f32 v1, v2;
	v2 =	vmul.f32 v60, v10  }
0x1f0: {  	v3 =	vadd.f32 v3, v61;
	v63 =	vadd.f32 v16, v8  }
0x1f1: {  	v4 =	vadd.f32 v62, v4;
	v1 =	vadd.f32 v2, v1;
	_ =	sdelay $0x1  }
0x1f2: {  	v2 =	vadd.f32 v3, v63;
	v1 =	vadd.f32 v4, v1;
	_ =	sdelay $0x1  }
0x1f3: {  	v1 =	vadd.f32 v2, v1;
	_ =	sdelay $0x1  }
0x1f4: {  	s16 =	rddreg [dreg:$0xb];
	[tilespmem:s11+$0x0] =	vst v1  }
0x1f5: {  	[hbm4b:s16+s6] =	stream.linear.scatter [tilespmem:s4], [sflag:$0x5], $0x280, $0x38;
	[tilespmem:$0x17B90] =	vst v63  }
0x1f6: {  	_ =	swait.ge [sflag:s17], $0x280  }
0x1f7: {  	[sflag:s17] =	ssyncset.done $0x0  }
0x1f8: {  	s18 =	simm.s32 $0x26E8;
	[sflag:s17] =	ssyncadd.s32 $0xFFFFFD80  }
0x1f9: {  	[spmem:s5] =	stream.indirect.scatter.add.f32 [tilespmem:s19], [sflag:$0x5], $0x20, s18, s20, $0xb8;
	[tilespmem:$0x17B90] =	vst v63  }
0x1fa: {  	_ =	swait.ge [sflag:s17], $0x500  }
0x1fb: {  	[sflag:s17] =	ssyncset.done $0x0  }
0x1fc: {  	[sflag:s17] =	ssyncadd.s32 $0xFFFFFB00  }
0x1fd: {  	s28 =	stileid.u32;
	[bflag:$0x0] =	sbarrier.arrive $0xFFFF  }
0x1fe: {  	s11 =	sshll.u32 s28, $0x6;
	s16 =	rddreg [dreg:$0x9]  }
0x1ff: {  	s11 =	sor.u32 $0x1C05, s11;
	s13 =	rddreg [dreg:$0xd];
	s29 =	sshrl.u32 s16, $0x3  }
0x200: {  	[hbm:s13], [sflag:s11] =	dma.local [spmem:s29], $0x9E0  }
0x201: {  	_ =	swait.ge [sflag:s17], $0x9E0  }
0x202: {  	s30 =	rddreg [dreg:$0xe]  }
0x203: {  	s31 =	rddreg [dreg:$0xc];
	s12 =	sadd.s32 $0x1, s30  }
0x204: {  	p0 =	sne.s32 s12, s31  }
.Ltmp5:
0x205: {  	_ = 	snop;
	(pc) =	sbr.rel @p0 .LBB2_1-.Ltmp5, $3  }
0x206: {  	_ =	sdelay $0x1  }
0x207: {  	[sflag:s17] =	ssyncset.done $0x0  }
0x208: {  	s14 =	simm.s32 $0x1388;
	[sflag:s17] =	ssyncadd.s32 $0xFFFFF620  }
0x209: {  	_ =	sfence.sel $0x180000  }
0x20a: {  	[bflag:$0x0] =	sbarrier.arrive $0xFFFF  }
0x20b: {  	_ =	strace $0x9000004A  }
0x20c: {  	s0 =	stileid.u32;
	[bflag:$0x2] =	sbarrier.arrive $0xFFFF  }
0x20d: {  	p0 =	sne.s32 s0, $0x0;
	s0 =	rddreg [dreg:$0x6]  }
0x20e: {  	s0 =	sadd.s32 @!p0 $0x100000, s0  }
0x20f: {  	[sflag:s0] =	ssyncadd.tile.s32 @!p0 $0x1;
	_ =	shalt  }
.Lfunc_end2:
_tile_overlayer_lowered:
.L_overlay_start_2:
0x210: {  	(tag) =	ssettag $0x2  }
0x211: {  	s0 =	rddreg [dreg:$0x0];
	s2 =	stileid.u32  }
0x212: {  	s1 =	rddreg [dreg:$0x1];
	p0 =	sne.s32 s2, $0x0  }
0x213: {  	s3 =	rddreg [dreg:$0x2];
	[bflag:$0x3] =	sbarrier.arrive $0xFFFF;
	s2 =	simm.s32 @!p0 $0x1C05  }
0x214: {  	[timem:s3], [sflag:s2] =	dma.local @!p0 [hbm:s0], s1  }
0x215: {  	s0 =	simm.s32 @!p0 $0x5  }
0x216: {  	_ =	swait.ge @!p0 [sflag:s0], s1  }
0x217: {  	s1 =	ssub.s32 @!p0 $0x0, s1;
	[sflag:s0] =	ssyncset.done @!p0 $0x0  }
0x218: {  	[sflag:s0] =	ssyncadd.s32 @!p0 s1  }
0x219: {  	[bflag:$0x3] =	sbarrier.arrive $0xFFFF  }
0x21a: {  	_ =	shalt  }

</sc_bundles>
